<compile_context>
chip_gen: v7x
topology: tpu7x:2x2x1
jax: 0.10.2.dev20260603
libtpu: 0.0.44.dev20260713+nightly
codegen_flags: <defaults>
</compile_context>

<pallas_src>
import jax
import jax.numpy as jnp
from jax import lax
from jax.experimental import pallas as pl
from jax.experimental.pallas import tpu as pltpu
from jax.experimental.pallas import tpu_sc as plsc

D_MODEL = 64
SCALE = 8.0
NC, NS, L = 2, 16, 16
NW = NC * NS
B_ROWS, S_LEN = 4096, 200
B = B_ROWS * S_LEN
BPW = B // NW
CHUNK = 128
NCHUNK = BPW // CHUNK
NBUF = 8
LOOKAHEAD = 6
OUTER = NCHUNK // NBUF


def _embed_body(x_hbm, table_hbm, out_hbm, idx_v, rows_v, *sems):
    gsems, ssems = sems[:NBUF], sems[NBUF:]
    wid = lax.axis_index("s") * NC + lax.axis_index("c")
    base = wid * BPW
    pltpu.sync_copy(x_hbm.at[pl.ds(base, BPW)], idx_v)

    def gather_pair(c, b):
        return (table_hbm.at[idx_v.at[pl.ds(c * CHUNK, CHUNK)]],
                rows_v.at[b], gsems[b])

    def scatter_pair(c, b):
        return (rows_v.at[b], out_hbm.at[pl.ds(base + c * CHUNK, CHUNK)],
                ssems[b])

    def scale(b):
        def row_body(r, carry):
            for s in range(D_MODEL // L):
                sl = pl.ds(s * L, L)
                rows_v[b, r, sl] = rows_v[b, r, sl] * SCALE
            return carry

        lax.fori_loop(0, CHUNK, row_body, 0)

    def step(c, b, do_wait_ssem, do_fire):
        pltpu.make_async_copy(*gather_pair(c, b)).wait()
        scale(b)
        pltpu.async_copy(*scatter_pair(c, b))
        f = c + LOOKAHEAD
        bf = (b + LOOKAHEAD) % NBUF
        if do_wait_ssem:
            pltpu.make_async_copy(*scatter_pair(f - NBUF, bf)).wait()
        if do_fire:
            pltpu.async_copy(*gather_pair(f, bf))

    for c in range(LOOKAHEAD):
        pltpu.async_copy(*gather_pair(c, c))

    for b in range(NBUF):
        step(b, b, do_wait_ssem=(b + LOOKAHEAD >= NBUF), do_fire=True)

    def outer(h, carry):
        c0 = h * NBUF
        for b in range(NBUF):
            step(c0 + b, b, do_wait_ssem=True, do_fire=True)
        return carry

    lax.fori_loop(1, OUTER - 1, outer, 0)

    for b in range(NBUF):
        c = NCHUNK - NBUF + b
        step(c, b, do_wait_ssem=True, do_fire=(c + LOOKAHEAD < NCHUNK))

    for c in range(NCHUNK - (NBUF - LOOKAHEAD), NCHUNK):
        pltpu.make_async_copy(*scatter_pair(c, c % NBUF)).wait()


@jax.jit
def kernel(x, table):
    xf = x.reshape(B)
    out = pl.kernel(
        _embed_body,
        out_type=jax.ShapeDtypeStruct((B, D_MODEL), jnp.float32),
        mesh=plsc.VectorSubcoreMesh(
            core_axis_name="c", subcore_axis_name="s",
            num_cores=NC, num_subcores=NS,
        ),
        scratch_types=(
            [pltpu.VMEM((BPW,), jnp.int32),
             pltpu.VMEM((NBUF, CHUNK, D_MODEL), jnp.float32)]
            + [pltpu.SemaphoreType.DMA] * (2 * NBUF)
        ),
        compiler_params=pltpu.CompilerParams(use_tc_tiling_on_sc=False),
    )(xf, table)
    return out.reshape(B_ROWS, S_LEN, D_MODEL)

# --- scband reference (transcript-rebuilt; emitter-appended) ---
"""Pipeline reference for scband-embed-32418413150904 (READ-ONLY COPY).

The authoritative reference and input builder live on the scoring server;
editing this copy changes nothing except your own understanding.
"""

import jax, jax.numpy as jnp
import numpy as np
import math

D_MODEL = 64
VOCAB_SIZE = 1000000

def setup_inputs(seed: int = 0) -> dict:
    key = jax.random.key(seed)
    k1, k2 = jax.random.split(key)
    x = jax.random.randint(k1, (4096, 200), 0, VOCAB_SIZE, dtype=jnp.int64 if jax.config.jax_enable_x64 else jnp.int32)
    table = jax.random.normal(k2, (VOCAB_SIZE, D_MODEL), dtype=jnp.float32)
    return {"x": x, "table": table}

def reference(x, table):
    # nn.Embedding lookup followed by sqrt(d_model) scaling
    emb = jnp.take(table, x, axis=0)
    return emb * math.sqrt(D_MODEL)

if __name__ == "__main__":
    import jax
    _d = setup_inputs()
    print(jax.jit(kernel)(*tuple(_d.values())))

</pallas_src>

<mosaic_0001>
#map = affine_map<(d0, d1) -> (0)>
#map1 = affine_map<(d0, d1) -> (0, 0)>
module attributes {stable_mosaic.version = 14 : i64} {
  func.func @_embed_body(%arg0: i32, %arg1: i32, %arg2: memref<819200xi32, #tpu.memory_space<hbm>>, %arg3: memref<1000000x64xf32, #tpu.memory_space<hbm>>, %arg4: memref<819200x64xf32, #tpu.memory_space<hbm>>, %arg5: memref<25600xi32, #tpu.memory_space<vmem>>, %arg6: memref<8x128x64xf32, #tpu.memory_space<vmem>>, %arg7: memref<!tpu.dma_semaphore, #tpu.memory_space<semaphore_mem>>, %arg8: memref<!tpu.dma_semaphore, #tpu.memory_space<semaphore_mem>>, %arg9: memref<!tpu.dma_semaphore, #tpu.memory_space<semaphore_mem>>, %arg10: memref<!tpu.dma_semaphore, #tpu.memory_space<semaphore_mem>>, %arg11: memref<!tpu.dma_semaphore, #tpu.memory_space<semaphore_mem>>, %arg12: memref<!tpu.dma_semaphore, #tpu.memory_space<semaphore_mem>>, %arg13: memref<!tpu.dma_semaphore, #tpu.memory_space<semaphore_mem>>, %arg14: memref<!tpu.dma_semaphore, #tpu.memory_space<semaphore_mem>>, %arg15: memref<!tpu.dma_semaphore, #tpu.memory_space<semaphore_mem>>, %arg16: memref<!tpu.dma_semaphore, #tpu.memory_space<semaphore_mem>>, %arg17: memref<!tpu.dma_semaphore, #tpu.memory_space<semaphore_mem>>, %arg18: memref<!tpu.dma_semaphore, #tpu.memory_space<semaphore_mem>>, %arg19: memref<!tpu.dma_semaphore, #tpu.memory_space<semaphore_mem>>, %arg20: memref<!tpu.dma_semaphore, #tpu.memory_space<semaphore_mem>>, %arg21: memref<!tpu.dma_semaphore, #tpu.memory_space<semaphore_mem>>, %arg22: memref<!tpu.dma_semaphore, #tpu.memory_space<semaphore_mem>>) attributes {dimension_semantics = [#tpu.dimension_semantics<core_parallel>, #tpu.dimension_semantics<subcore_parallel>], iteration_bounds = array<i64: 2, 16>, scalar_prefetch = 0 : i64, scratch_operands = 18 : i64, tpu.core_type = #tpu.core_type<sc_vector_subcore>, window_params = [{transform_indices = #map}, {transform_indices = #map1}, {transform_indices = #map1}]} {
    %mul3A = arith.constant 2 : i32
    %mul3A_0 = arith.muli %arg1, %mul3A : i32
    %add3A = arith.addi %mul3A_0, %arg0 : i32
    %mul3A_1 = arith.constant 25600 : i32
    %mul3A_2 = arith.muli %add3A, %mul3A_1 : i32
    "tpu.region"() ({
      %run_scoped3A = tpu.sem_alloc : memref<!tpu.dma_semaphore, #tpu.memory_space<semaphore_mem>>
      %dma_start3A_902 = tpu.memref_slice %arg2[%mul3A_2] : memref<819200xi32, #tpu.memory_space<hbm>> -> memref<25600xi32, #tpu.memory_space<hbm>>
      %dma_start3A_903 = tpu.memref_slice %arg2[%mul3A_2] : memref<819200xi32, #tpu.memory_space<hbm>> -> memref<25600xi32, #tpu.memory_space<hbm>>
      tpu.enqueue_dma source(%dma_start3A_903 : memref<25600xi32, #tpu.memory_space<hbm>>) target(%arg5 : memref<25600xi32, #tpu.memory_space<vmem>>) target_semaphore(%run_scoped3A : memref<!tpu.dma_semaphore, #tpu.memory_space<semaphore_mem>>)
      %dma_wait3A_904 = tpu.memref_slice %arg2[%mul3A_2] : memref<819200xi32, #tpu.memory_space<hbm>> -> memref<25600xi32, #tpu.memory_space<hbm>>
      %dma_wait3A_905 = tpu.memref_slice %arg2[%mul3A_2] : memref<819200xi32, #tpu.memory_space<hbm>> -> memref<25600xi32, #tpu.memory_space<hbm>>
      tpu.wait_dma2 semaphore(%run_scoped3A : memref<!tpu.dma_semaphore, #tpu.memory_space<semaphore_mem>>) src(%dma_wait3A_905 : memref<25600xi32, #tpu.memory_space<hbm>>) dst(%arg5 : memref<25600xi32, #tpu.memory_space<vmem>>)
      tpu.yield
    }) : () -> ()
    %dma_start3A = arith.constant 0 : i32
    %dma_start3A_3 = arith.constant 0 : i32
    %dma_start3A_4 = arith.constant 0 : i32
    %dma_start3A_5 = tpu.memref_slice %arg6[%dma_start3A, %dma_start3A_3, %dma_start3A_4] : memref<8x128x64xf32, #tpu.memory_space<vmem>> -> memref<1x128x64xf32, #tpu.memory_space<vmem>>
    %dma_start3A_6 = tpu.memref_squeeze %dma_start3A_5 : memref<1x128x64xf32, #tpu.memory_space<vmem>> -> memref<128x64xf32, #tpu.memory_space<vmem>>
    %dma_start3A_7 = arith.constant 0 : i32
    %dma_start3A_8 = tpu.memref_slice %arg5[%dma_start3A_7] : memref<25600xi32, #tpu.memory_space<vmem>> -> memref<128xi32, #tpu.memory_space<vmem>>
    %dma_start3A_9 = arith.constant 0 : i32
    %dma_start3A_10 = arith.constant 0 : i32
    %dma_start3A_11 = tpu.memref_slice %arg3[%dma_start3A_9, %dma_start3A_10] : memref<1000000x64xf32, #tpu.memory_space<hbm>> -> memref<1000000x64xf32, #tpu.memory_space<hbm>>
    tpu.enqueue_indirect_dma source(%dma_start3A_11 : memref<1000000x64xf32, #tpu.memory_space<hbm>>) target(%dma_start3A_6 : memref<128x64xf32, #tpu.memory_space<vmem>>) offsets(%dma_start3A_8 : memref<128xi32, #tpu.memory_space<vmem>>) semaphore(%arg7 : memref<!tpu.dma_semaphore, #tpu.memory_space<semaphore_mem>>)
    %dma_start3A_12 = arith.constant 1 : i32
    %dma_start3A_13 = arith.constant 0 : i32
    %dma_start3A_14 = arith.constant 0 : i32
    %dma_start3A_15 = tpu.memref_slice %arg6[%dma_start3A_12, %dma_start3A_13, %dma_start3A_14] : memref<8x128x64xf32, #tpu.memory_space<vmem>> -> memref<1x128x64xf32, #tpu.memory_space<vmem>>
    %dma_start3A_16 = tpu.memref_squeeze %dma_start3A_15 : memref<1x128x64xf32, #tpu.memory_space<vmem>> -> memref<128x64xf32, #tpu.memory_space<vmem>>
    %dma_start3A_17 = arith.constant 128 : i32
    %dma_start3A_18 = tpu.memref_slice %arg5[%dma_start3A_17] : memref<25600xi32, #tpu.memory_space<vmem>> -> memref<128xi32, #tpu.memory_space<vmem>>
    %dma_start3A_19 = arith.constant 0 : i32
    %dma_start3A_20 = arith.constant 0 : i32
    %dma_start3A_21 = tpu.memref_slice %arg3[%dma_start3A_19, %dma_start3A_20] : memref<1000000x64xf32, #tpu.memory_space<hbm>> -> memref<1000000x64xf32, #tpu.memory_space<hbm>>
    tpu.enqueue_indirect_dma source(%dma_start3A_21 : memref<1000000x64xf32, #tpu.memory_space<hbm>>) target(%dma_start3A_16 : memref<128x64xf32, #tpu.memory_space<vmem>>) offsets(%dma_start3A_18 : memref<128xi32, #tpu.memory_space<vmem>>) semaphore(%arg8 : memref<!tpu.dma_semaphore, #tpu.memory_space<semaphore_mem>>)
    %dma_start3A_22 = arith.constant 2 : i32
    %dma_start3A_23 = arith.constant 0 : i32
    %dma_start3A_24 = arith.constant 0 : i32
    %dma_start3A_25 = tpu.memref_slice %arg6[%dma_start3A_22, %dma_start3A_23, %dma_start3A_24] : memref<8x128x64xf32, #tpu.memory_space<vmem>> -> memref<1x128x64xf32, #tpu.memory_space<vmem>>
    %dma_start3A_26 = tpu.memref_squeeze %dma_start3A_25 : memref<1x128x64xf32, #tpu.memory_space<vmem>> -> memref<128x64xf32, #tpu.memory_space<vmem>>
    %dma_start3A_27 = arith.constant 256 : i32
    %dma_start3A_28 = tpu.memref_slice %arg5[%dma_start3A_27] : memref<25600xi32, #tpu.memory_space<vmem>> -> memref<128xi32, #tpu.memory_space<vmem>>
    %dma_start3A_29 = arith.constant 0 : i32
    %dma_start3A_30 = arith.constant 0 : i32
    %dma_start3A_31 = tpu.memref_slice %arg3[%dma_start3A_29, %dma_start3A_30] : memref<1000000x64xf32, #tpu.memory_space<hbm>> -> memref<1000000x64xf32, #tpu.memory_space<hbm>>
    tpu.enqueue_indirect_dma source(%dma_start3A_31 : memref<1000000x64xf32, #tpu.memory_space<hbm>>) target(%dma_start3A_26 : memref<128x64xf32, #tpu.memory_space<vmem>>) offsets(%dma_start3A_28 : memref<128xi32, #tpu.memory_space<vmem>>) semaphore(%arg9 : memref<!tpu.dma_semaphore, #tpu.memory_space<semaphore_mem>>)
    %dma_start3A_32 = arith.constant 3 : i32
    %dma_start3A_33 = arith.constant 0 : i32
    %dma_start3A_34 = arith.constant 0 : i32
    %dma_start3A_35 = tpu.memref_slice %arg6[%dma_start3A_32, %dma_start3A_33, %dma_start3A_34] : memref<8x128x64xf32, #tpu.memory_space<vmem>> -> memref<1x128x64xf32, #tpu.memory_space<vmem>>
    %dma_start3A_36 = tpu.memref_squeeze %dma_start3A_35 : memref<1x128x64xf32, #tpu.memory_space<vmem>> -> memref<128x64xf32, #tpu.memory_space<vmem>>
    %dma_start3A_37 = arith.constant 384 : i32
    %dma_start3A_38 = tpu.memref_slice %arg5[%dma_start3A_37] : memref<25600xi32, #tpu.memory_space<vmem>> -> memref<128xi32, #tpu.memory_space<vmem>>
    %dma_start3A_39 = arith.constant 0 : i32
    %dma_start3A_40 = arith.constant 0 : i32
    %dma_start3A_41 = tpu.memref_slice %arg3[%dma_start3A_39, %dma_start3A_40] : memref<1000000x64xf32, #tpu.memory_space<hbm>> -> memref<1000000x64xf32, #tpu.memory_space<hbm>>
    tpu.enqueue_indirect_dma source(%dma_start3A_41 : memref<1000000x64xf32, #tpu.memory_space<hbm>>) target(%dma_start3A_36 : memref<128x64xf32, #tpu.memory_space<vmem>>) offsets(%dma_start3A_38 : memref<128xi32, #tpu.memory_space<vmem>>) semaphore(%arg10 : memref<!tpu.dma_semaphore, #tpu.memory_space<semaphore_mem>>)
    %dma_start3A_42 = arith.constant 4 : i32
    %dma_start3A_43 = arith.constant 0 : i32
    %dma_start3A_44 = arith.constant 0 : i32
    %dma_start3A_45 = tpu.memref_slice %arg6[%dma_start3A_42, %dma_start3A_43, %dma_start3A_44] : memref<8x128x64xf32, #tpu.memory_space<vmem>> -> memref<1x128x64xf32, #tpu.memory_space<vmem>>
    %dma_start3A_46 = tpu.memref_squeeze %dma_start3A_45 : memref<1x128x64xf32, #tpu.memory_space<vmem>> -> memref<128x64xf32, #tpu.memory_space<vmem>>
    %dma_start3A_47 = arith.constant 512 : i32
    %dma_start3A_48 = tpu.memref_slice %arg5[%dma_start3A_47] : memref<25600xi32, #tpu.memory_space<vmem>> -> memref<128xi32, #tpu.memory_space<vmem>>
    %dma_start3A_49 = arith.constant 0 : i32
    %dma_start3A_50 = arith.constant 0 : i32
    %dma_start3A_51 = tpu.memref_slice %arg3[%dma_start3A_49, %dma_start3A_50] : memref<1000000x64xf32, #tpu.memory_space<hbm>> -> memref<1000000x64xf32, #tpu.memory_space<hbm>>
    tpu.enqueue_indirect_dma source(%dma_start3A_51 : memref<1000000x64xf32, #tpu.memory_space<hbm>>) target(%dma_start3A_46 : memref<128x64xf32, #tpu.memory_space<vmem>>) offsets(%dma_start3A_48 : memref<128xi32, #tpu.memory_space<vmem>>) semaphore(%arg11 : memref<!tpu.dma_semaphore, #tpu.memory_space<semaphore_mem>>)
    %dma_start3A_52 = arith.constant 5 : i32
    %dma_start3A_53 = arith.constant 0 : i32
    %dma_start3A_54 = arith.constant 0 : i32
    %dma_start3A_55 = tpu.memref_slice %arg6[%dma_start3A_52, %dma_start3A_53, %dma_start3A_54] : memref<8x128x64xf32, #tpu.memory_space<vmem>> -> memref<1x128x64xf32, #tpu.memory_space<vmem>>
    %dma_start3A_56 = tpu.memref_squeeze %dma_start3A_55 : memref<1x128x64xf32, #tpu.memory_space<vmem>> -> memref<128x64xf32, #tpu.memory_space<vmem>>
    %dma_start3A_57 = arith.constant 640 : i32
    %dma_start3A_58 = tpu.memref_slice %arg5[%dma_start3A_57] : memref<25600xi32, #tpu.memory_space<vmem>> -> memref<128xi32, #tpu.memory_space<vmem>>
    %dma_start3A_59 = arith.constant 0 : i32
    %dma_start3A_60 = arith.constant 0 : i32
    %dma_start3A_61 = tpu.memref_slice %arg3[%dma_start3A_59, %dma_start3A_60] : memref<1000000x64xf32, #tpu.memory_space<hbm>> -> memref<1000000x64xf32, #tpu.memory_space<hbm>>
    tpu.enqueue_indirect_dma source(%dma_start3A_61 : memref<1000000x64xf32, #tpu.memory_space<hbm>>) target(%dma_start3A_56 : memref<128x64xf32, #tpu.memory_space<vmem>>) offsets(%dma_start3A_58 : memref<128xi32, #tpu.memory_space<vmem>>) semaphore(%arg12 : memref<!tpu.dma_semaphore, #tpu.memory_space<semaphore_mem>>)
    %dma_wait3A = arith.constant 0 : i32
    %dma_wait3A_62 = arith.constant 0 : i32
    %dma_wait3A_63 = arith.constant 0 : i32
    %dma_wait3A_64 = tpu.memref_slice %arg6[%dma_wait3A, %dma_wait3A_62, %dma_wait3A_63] : memref<8x128x64xf32, #tpu.memory_space<vmem>> -> memref<1x128x64xf32, #tpu.memory_space<vmem>>
    %dma_wait3A_65 = tpu.memref_squeeze %dma_wait3A_64 : memref<1x128x64xf32, #tpu.memory_space<vmem>> -> memref<128x64xf32, #tpu.memory_space<vmem>>
    %dma_wait3A_66 = arith.constant 0 : i32
    %dma_wait3A_67 = tpu.memref_slice %arg5[%dma_wait3A_66] : memref<25600xi32, #tpu.memory_space<vmem>> -> memref<128xi32, #tpu.memory_space<vmem>>
    %dma_wait3A_68 = arith.constant 0 : i32
    %dma_wait3A_69 = arith.constant 0 : i32
    %dma_wait3A_70 = tpu.memref_slice %arg3[%dma_wait3A_68, %dma_wait3A_69] : memref<1000000x64xf32, #tpu.memory_space<hbm>> -> memref<1000000x64xf32, #tpu.memory_space<hbm>>
    tpu.wait_indirect_dma semaphore(%arg7 : memref<!tpu.dma_semaphore, #tpu.memory_space<semaphore_mem>>) src(%dma_wait3A_70 : memref<1000000x64xf32, #tpu.memory_space<hbm>>) dst(%dma_wait3A_65 : memref<128x64xf32, #tpu.memory_space<vmem>>)
    %scan3A = arith.constant 0 : i32
    %scan3A_71 = arith.constant 0 : i32
    %scan3A_72 = arith.constant 128 : i32
    %scan3A_73 = arith.addi %scan3A_71, %scan3A_72 : i32
    %scan3A_74 = arith.constant 1 : i32
    scf.for %scan3A_902 = %scan3A_71 to %scan3A_73 step %scan3A_74  : i32 {
      %get3A = arith.constant 0 : i32
      %get3A_903 = arith.index_cast %get3A : i32 to index
      %get3A_904 = arith.index_cast %scan3A_902 : i32 to index
      %get3A_905 = arith.constant 0 : index
      %get3A_906 = tpu.vector_load %arg6[%get3A_903, %get3A_904, %get3A_905] {strides = array<i32>} : memref<8x128x64xf32, #tpu.memory_space<vmem>>, vector<1x1x16xf32>,
      %get3A_907 = vector.shape_cast %get3A_906 : vector<1x1x16xf32> to vector<16xf32>
      %mul3A_908 = arith.constant 8.000000e+00 : f32
      %mul3A_909 = vector.broadcast %mul3A_908 : f32 to vector<16xf32>
      %mul3A_910 = arith.mulf %get3A_907, %mul3A_909 : vector<16xf32>
      %swap3A = arith.constant 0 : i32
      %swap3A_911 = arith.index_cast %swap3A : i32 to index
      %swap3A_912 = arith.index_cast %scan3A_902 : i32 to index
      %swap3A_913 = arith.constant 0 : index
      %swap3A_914 = tpu.vector_load %arg6[%swap3A_911, %swap3A_912, %swap3A_913] {strides = array<i32>} : memref<8x128x64xf32, #tpu.memory_space<vmem>>, vector<1x1x16xf32>,
      %swap3A_915 = vector.shape_cast %swap3A_914 : vector<1x1x16xf32> to vector<16xf32>
      %swap3A_916 = vector.shape_cast %mul3A_910 : vector<16xf32> to vector<1x1x16xf32>
      tpu.vector_store %arg6[%swap3A_911, %swap3A_912, %swap3A_913], %swap3A_916 {strides = array<i32>} : memref<8x128x64xf32, #tpu.memory_space<vmem>>, vector<1x1x16xf32>,
      %get3A_917 = arith.constant 0 : i32
      %get3A_918 = arith.index_cast %get3A_917 : i32 to index
      %get3A_919 = arith.index_cast %scan3A_902 : i32 to index
      %get3A_920 = arith.constant 16 : index
      %get3A_921 = tpu.vector_load %arg6[%get3A_918, %get3A_919, %get3A_920] {strides = array<i32>} : memref<8x128x64xf32, #tpu.memory_space<vmem>>, vector<1x1x16xf32>,
      %get3A_922 = vector.shape_cast %get3A_921 : vector<1x1x16xf32> to vector<16xf32>
      %mul3A_923 = arith.constant 8.000000e+00 : f32
      %mul3A_924 = vector.broadcast %mul3A_923 : f32 to vector<16xf32>
      %mul3A_925 = arith.mulf %get3A_922, %mul3A_924 : vector<16xf32>
      %swap3A_926 = arith.constant 0 : i32
      %swap3A_927 = arith.index_cast %swap3A_926 : i32 to index
      %swap3A_928 = arith.index_cast %scan3A_902 : i32 to index
      %swap3A_929 = arith.constant 16 : index
      %swap3A_930 = tpu.vector_load %arg6[%swap3A_927, %swap3A_928, %swap3A_929] {strides = array<i32>} : memref<8x128x64xf32, #tpu.memory_space<vmem>>, vector<1x1x16xf32>,
      %swap3A_931 = vector.shape_cast %swap3A_930 : vector<1x1x16xf32> to vector<16xf32>
      %swap3A_932 = vector.shape_cast %mul3A_925 : vector<16xf32> to vector<1x1x16xf32>
      tpu.vector_store %arg6[%swap3A_927, %swap3A_928, %swap3A_929], %swap3A_932 {strides = array<i32>} : memref<8x128x64xf32, #tpu.memory_space<vmem>>, vector<1x1x16xf32>,
      %get3A_933 = arith.constant 0 : i32
      %get3A_934 = arith.index_cast %get3A_933 : i32 to index
      %get3A_935 = arith.index_cast %scan3A_902 : i32 to index
      %get3A_936 = arith.constant 32 : index
      %get3A_937 = tpu.vector_load %arg6[%get3A_934, %get3A_935, %get3A_936] {strides = array<i32>} : memref<8x128x64xf32, #tpu.memory_space<vmem>>, vector<1x1x16xf32>,
      %get3A_938 = vector.shape_cast %get3A_937 : vector<1x1x16xf32> to vector<16xf32>
      %mul3A_939 = arith.constant 8.000000e+00 : f32
      %mul3A_940 = vector.broadcast %mul3A_939 : f32 to vector<16xf32>
      %mul3A_941 = arith.mulf %get3A_938, %mul3A_940 : vector<16xf32>
      %swap3A_942 = arith.constant 0 : i32
      %swap3A_943 = arith.index_cast %swap3A_942 : i32 to index
      %swap3A_944 = arith.index_cast %scan3A_902 : i32 to index
      %swap3A_945 = arith.constant 32 : index
      %swap3A_946 = tpu.vector_load %arg6[%swap3A_943, %swap3A_944, %swap3A_945] {strides = array<i32>} : memref<8x128x64xf32, #tpu.memory_space<vmem>>, vector<1x1x16xf32>,
      %swap3A_947 = vector.shape_cast %swap3A_946 : vector<1x1x16xf32> to vector<16xf32>
      %swap3A_948 = vector.shape_cast %mul3A_941 : vector<16xf32> to vector<1x1x16xf32>
      tpu.vector_store %arg6[%swap3A_943, %swap3A_944, %swap3A_945], %swap3A_948 {strides = array<i32>} : memref<8x128x64xf32, #tpu.memory_space<vmem>>, vector<1x1x16xf32>,
      %get3A_949 = arith.constant 0 : i32
      %get3A_950 = arith.index_cast %get3A_949 : i32 to index
      %get3A_951 = arith.index_cast %scan3A_902 : i32 to index
      %get3A_952 = arith.constant 48 : index
      %get3A_953 = tpu.vector_load %arg6[%get3A_950, %get3A_951, %get3A_952] {strides = array<i32>} : memref<8x128x64xf32, #tpu.memory_space<vmem>>, vector<1x1x16xf32>,
      %get3A_954 = vector.shape_cast %get3A_953 : vector<1x1x16xf32> to vector<16xf32>
      %mul3A_955 = arith.constant 8.000000e+00 : f32
      %mul3A_956 = vector.broadcast %mul3A_955 : f32 to vector<16xf32>
      %mul3A_957 = arith.mulf %get3A_954, %mul3A_956 : vector<16xf32>
      %swap3A_958 = arith.constant 0 : i32
      %swap3A_959 = arith.index_cast %swap3A_958 : i32 to index
      %swap3A_960 = arith.index_cast %scan3A_902 : i32 to index
      %swap3A_961 = arith.constant 48 : index
      %swap3A_962 = tpu.vector_load %arg6[%swap3A_959, %swap3A_960, %swap3A_961] {strides = array<i32>} : memref<8x128x64xf32, #tpu.memory_space<vmem>>, vector<1x1x16xf32>,
      %swap3A_963 = vector.shape_cast %swap3A_962 : vector<1x1x16xf32> to vector<16xf32>
      %swap3A_964 = vector.shape_cast %mul3A_957 : vector<16xf32> to vector<1x1x16xf32>
      tpu.vector_store %arg6[%swap3A_959, %swap3A_960, %swap3A_961], %swap3A_964 {strides = array<i32>} : memref<8x128x64xf32, #tpu.memory_space<vmem>>, vector<1x1x16xf32>,
    }
    %scan3A_75 = arith.constant 128 : i32
    %add3A_76 = arith.constant 0 : i32
    %add3A_77 = arith.addi %mul3A_2, %add3A_76 : i32
    %dma_start3A_78 = arith.constant 0 : i32
    %dma_start3A_79 = arith.constant 0 : i32
    %dma_start3A_80 = arith.constant 0 : i32
    %dma_start3A_81 = tpu.memref_slice %arg6[%dma_start3A_78, %dma_start3A_79, %dma_start3A_80] : memref<8x128x64xf32, #tpu.memory_space<vmem>> -> memref<1x128x64xf32, #tpu.memory_space<vmem>>
    %dma_start3A_82 = tpu.memref_squeeze %dma_start3A_81 : memref<1x128x64xf32, #tpu.memory_space<vmem>> -> memref<128x64xf32, #tpu.memory_space<vmem>>
    %dma_start3A_83 = arith.constant 0 : i32
    %dma_start3A_84 = tpu.memref_slice %arg4[%add3A_77, %dma_start3A_83] : memref<819200x64xf32, #tpu.memory_space<hbm>> -> memref<128x64xf32, #tpu.memory_space<hbm>>
    %dma_start3A_85 = arith.constant 0 : i32
    %dma_start3A_86 = tpu.memref_slice %arg4[%add3A_77, %dma_start3A_85] : memref<819200x64xf32, #tpu.memory_space<hbm>> -> memref<128x64xf32, #tpu.memory_space<hbm>>
    %dma_start3A_87 = arith.constant 0 : i32
    %dma_start3A_88 = arith.constant 0 : i32
    %dma_start3A_89 = tpu.memref_slice %arg6[%dma_start3A_78, %dma_start3A_87, %dma_start3A_88] : memref<8x128x64xf32, #tpu.memory_space<vmem>> -> memref<1x128x64xf32, #tpu.memory_space<vmem>>
    %dma_start3A_90 = tpu.memref_squeeze %dma_start3A_89 : memref<1x128x64xf32, #tpu.memory_space<vmem>> -> memref<128x64xf32, #tpu.memory_space<vmem>>
    tpu.enqueue_dma source(%dma_start3A_90 : memref<128x64xf32, #tpu.memory_space<vmem>>) target(%dma_start3A_86 : memref<128x64xf32, #tpu.memory_space<hbm>>) target_semaphore(%arg15 : memref<!tpu.dma_semaphore, #tpu.memory_space<semaphore_mem>>)
    %dma_start3A_91 = arith.constant 6 : i32
    %dma_start3A_92 = arith.constant 0 : i32
    %dma_start3A_93 = arith.constant 0 : i32
    %dma_start3A_94 = tpu.memref_slice %arg6[%dma_start3A_91, %dma_start3A_92, %dma_start3A_93] : memref<8x128x64xf32, #tpu.memory_space<vmem>> -> memref<1x128x64xf32, #tpu.memory_space<vmem>>
    %dma_start3A_95 = tpu.memref_squeeze %dma_start3A_94 : memref<1x128x64xf32, #tpu.memory_space<vmem>> -> memref<128x64xf32, #tpu.memory_space<vmem>>
    %dma_start3A_96 = arith.constant 768 : i32
    %dma_start3A_97 = tpu.memref_slice %arg5[%dma_start3A_96] : memref<25600xi32, #tpu.memory_space<vmem>> -> memref<128xi32, #tpu.memory_space<vmem>>
    %dma_start3A_98 = arith.constant 0 : i32
    %dma_start3A_99 = arith.constant 0 : i32
    %dma_start3A_100 = tpu.memref_slice %arg3[%dma_start3A_98, %dma_start3A_99] : memref<1000000x64xf32, #tpu.memory_space<hbm>> -> memref<1000000x64xf32, #tpu.memory_space<hbm>>
    tpu.enqueue_indirect_dma source(%dma_start3A_100 : memref<1000000x64xf32, #tpu.memory_space<hbm>>) target(%dma_start3A_95 : memref<128x64xf32, #tpu.memory_space<vmem>>) offsets(%dma_start3A_97 : memref<128xi32, #tpu.memory_space<vmem>>) semaphore(%arg13 : memref<!tpu.dma_semaphore, #tpu.memory_space<semaphore_mem>>)
    %dma_wait3A_101 = arith.constant 1 : i32
    %dma_wait3A_102 = arith.constant 0 : i32
    %dma_wait3A_103 = arith.constant 0 : i32
    %dma_wait3A_104 = tpu.memref_slice %arg6[%dma_wait3A_101, %dma_wait3A_102, %dma_wait3A_103] : memref<8x128x64xf32, #tpu.memory_space<vmem>> -> memref<1x128x64xf32, #tpu.memory_space<vmem>>
    %dma_wait3A_105 = tpu.memref_squeeze %dma_wait3A_104 : memref<1x128x64xf32, #tpu.memory_space<vmem>> -> memref<128x64xf32, #tpu.memory_space<vmem>>
    %dma_wait3A_106 = arith.constant 128 : i32
    %dma_wait3A_107 = tpu.memref_slice %arg5[%dma_wait3A_106] : memref<25600xi32, #tpu.memory_space<vmem>> -> memref<128xi32, #tpu.memory_space<vmem>>
    %dma_wait3A_108 = arith.constant 0 : i32
    %dma_wait3A_109 = arith.constant 0 : i32
    %dma_wait3A_110 = tpu.memref_slice %arg3[%dma_wait3A_108, %dma_wait3A_109] : memref<1000000x64xf32, #tpu.memory_space<hbm>> -> memref<1000000x64xf32, #tpu.memory_space<hbm>>
    tpu.wait_indirect_dma semaphore(%arg8 : memref<!tpu.dma_semaphore, #tpu.memory_space<semaphore_mem>>) src(%dma_wait3A_110 : memref<1000000x64xf32, #tpu.memory_space<hbm>>) dst(%dma_wait3A_105 : memref<128x64xf32, #tpu.memory_space<vmem>>)
    %scan3A_111 = arith.constant 0 : i32
    %scan3A_112 = arith.constant 0 : i32
    %scan3A_113 = arith.constant 128 : i32
    %scan3A_114 = arith.addi %scan3A_112, %scan3A_113 : i32
    %scan3A_115 = arith.constant 1 : i32
    scf.for %scan3A_902 = %scan3A_112 to %scan3A_114 step %scan3A_115  : i32 {
      %get3A = arith.constant 1 : i32
      %get3A_903 = arith.index_cast %get3A : i32 to index
      %get3A_904 = arith.index_cast %scan3A_902 : i32 to index
      %get3A_905 = arith.constant 0 : index
      %get3A_906 = tpu.vector_load %arg6[%get3A_903, %get3A_904, %get3A_905] {strides = array<i32>} : memref<8x128x64xf32, #tpu.memory_space<vmem>>, vector<1x1x16xf32>,
      %get3A_907 = vector.shape_cast %get3A_906 : vector<1x1x16xf32> to vector<16xf32>
      %mul3A_908 = arith.constant 8.000000e+00 : f32
      %mul3A_909 = vector.broadcast %mul3A_908 : f32 to vector<16xf32>
      %mul3A_910 = arith.mulf %get3A_907, %mul3A_909 : vector<16xf32>
      %swap3A = arith.constant 1 : i32
      %swap3A_911 = arith.index_cast %swap3A : i32 to index
      %swap3A_912 = arith.index_cast %scan3A_902 : i32 to index
      %swap3A_913 = arith.constant 0 : index
      %swap3A_914 = tpu.vector_load %arg6[%swap3A_911, %swap3A_912, %swap3A_913] {strides = array<i32>} : memref<8x128x64xf32, #tpu.memory_space<vmem>>, vector<1x1x16xf32>,
      %swap3A_915 = vector.shape_cast %swap3A_914 : vector<1x1x16xf32> to vector<16xf32>
      %swap3A_916 = vector.shape_cast %mul3A_910 : vector<16xf32> to vector<1x1x16xf32>
      tpu.vector_store %arg6[%swap3A_911, %swap3A_912, %swap3A_913], %swap3A_916 {strides = array<i32>} : memref<8x128x64xf32, #tpu.memory_space<vmem>>, vector<1x1x16xf32>,
      %get3A_917 = arith.constant 1 : i32
      %get3A_918 = arith.index_cast %get3A_917 : i32 to index
      %get3A_919 = arith.index_cast %scan3A_902 : i32 to index
      %get3A_920 = arith.constant 16 : index
      %get3A_921 = tpu.vector_load %arg6[%get3A_918, %get3A_919, %get3A_920] {strides = array<i32>} : memref<8x128x64xf32, #tpu.memory_space<vmem>>, vector<1x1x16xf32>,
      %get3A_922 = vector.shape_cast %get3A_921 : vector<1x1x16xf32> to vector<16xf32>
      %mul3A_923 = arith.constant 8.000000e+00 : f32
      %mul3A_924 = vector.broadcast %mul3A_923 : f32 to vector<16xf32>
      %mul3A_925 = arith.mulf %get3A_922, %mul3A_924 : vector<16xf32>
      %swap3A_926 = arith.constant 1 : i32
      %swap3A_927 = arith.index_cast %swap3A_926 : i32 to index
      %swap3A_928 = arith.index_cast %scan3A_902 : i32 to index
      %swap3A_929 = arith.constant 16 : index
      %swap3A_930 = tpu.vector_load %arg6[%swap3A_927, %swap3A_928, %swap3A_929] {strides = array<i32>} : memref<8x128x64xf32, #tpu.memory_space<vmem>>, vector<1x1x16xf32>,
      %swap3A_931 = vector.shape_cast %swap3A_930 : vector<1x1x16xf32> to vector<16xf32>
      %swap3A_932 = vector.shape_cast %mul3A_925 : vector<16xf32> to vector<1x1x16xf32>
      tpu.vector_store %arg6[%swap3A_927, %swap3A_928, %swap3A_929], %swap3A_932 {strides = array<i32>} : memref<8x128x64xf32, #tpu.memory_space<vmem>>, vector<1x1x16xf32>,
      %get3A_933 = arith.constant 1 : i32
      %get3A_934 = arith.index_cast %get3A_933 : i32 to index
      %get3A_935 = arith.index_cast %scan3A_902 : i32 to index
      %get3A_936 = arith.constant 32 : index
      %get3A_937 = tpu.vector_load %arg6[%get3A_934, %get3A_935, %get3A_936] {strides = array<i32>} : memref<8x128x64xf32, #tpu.memory_space<vmem>>, vector<1x1x16xf32>,
      %get3A_938 = vector.shape_cast %get3A_937 : vector<1x1x16xf32> to vector<16xf32>
      %mul3A_939 = arith.constant 8.000000e+00 : f32
      %mul3A_940 = vector.broadcast %mul3A_939 : f32 to vector<16xf32>
      %mul3A_941 = arith.mulf %get3A_938, %mul3A_940 : vector<16xf32>
      %swap3A_942 = arith.constant 1 : i32
      %swap3A_943 = arith.index_cast %swap3A_942 : i32 to index
      %swap3A_944 = arith.index_cast %scan3A_902 : i32 to index
      %swap3A_945 = arith.constant 32 : index
      %swap3A_946 = tpu.vector_load %arg6[%swap3A_943, %swap3A_944, %swap3A_945] {strides = array<i32>} : memref<8x128x64xf32, #tpu.memory_space<vmem>>, vector<1x1x16xf32>,
      %swap3A_947 = vector.shape_cast %swap3A_946 : vector<1x1x16xf32> to vector<16xf32>
      %swap3A_948 = vector.shape_cast %mul3A_941 : vector<16xf32> to vector<1x1x16xf32>
      tpu.vector_store %arg6[%swap3A_943, %swap3A_944, %swap3A_945], %swap3A_948 {strides = array<i32>} : memref<8x128x64xf32, #tpu.memory_space<vmem>>, vector<1x1x16xf32>,
      %get3A_949 = arith.constant 1 : i32
      %get3A_950 = arith.index_cast %get3A_949 : i32 to index
      %get3A_951 = arith.index_cast %scan3A_902 : i32 to index
      %get3A_952 = arith.constant 48 : index
      %get3A_953 = tpu.vector_load %arg6[%get3A_950, %get3A_951, %get3A_952] {strides = array<i32>} : memref<8x128x64xf32, #tpu.memory_space<vmem>>, vector<1x1x16xf32>,
      %get3A_954 = vector.shape_cast %get3A_953 : vector<1x1x16xf32> to vector<16xf32>
      %mul3A_955 = arith.constant 8.000000e+00 : f32
      %mul3A_956 = vector.broadcast %mul3A_955 : f32 to vector<16xf32>
      %mul3A_957 = arith.mulf %get3A_954, %mul3A_956 : vector<16xf32>
      %swap3A_958 = arith.constant 1 : i32
      %swap3A_959 = arith.index_cast %swap3A_958 : i32 to index
      %swap3A_960 = arith.index_cast %scan3A_902 : i32 to index
      %swap3A_961 = arith.constant 48 : index
      %swap3A_962 = tpu.vector_load %arg6[%swap3A_959, %swap3A_960, %swap3A_961] {strides = array<i32>} : memref<8x128x64xf32, #tpu.memory_space<vmem>>, vector<1x1x16xf32>,
      %swap3A_963 = vector.shape_cast %swap3A_962 : vector<1x1x16xf32> to vector<16xf32>
      %swap3A_964 = vector.shape_cast %mul3A_957 : vector<16xf32> to vector<1x1x16xf32>
      tpu.vector_store %arg6[%swap3A_959, %swap3A_960, %swap3A_961], %swap3A_964 {strides = array<i32>} : memref<8x128x64xf32, #tpu.memory_space<vmem>>, vector<1x1x16xf32>,
    }
    %scan3A_116 = arith.constant 128 : i32
    %add3A_117 = arith.constant 128 : i32
    %add3A_118 = arith.addi %mul3A_2, %add3A_117 : i32
    %dma_start3A_119 = arith.constant 1 : i32
    %dma_start3A_120 = arith.constant 0 : i32
    %dma_start3A_121 = arith.constant 0 : i32
    %dma_start3A_122 = tpu.memref_slice %arg6[%dma_start3A_119, %dma_start3A_120, %dma_start3A_121] : memref<8x128x64xf32, #tpu.memory_space<vmem>> -> memref<1x128x64xf32, #tpu.memory_space<vmem>>
    %dma_start3A_123 = tpu.memref_squeeze %dma_start3A_122 : memref<1x128x64xf32, #tpu.memory_space<vmem>> -> memref<128x64xf32, #tpu.memory_space<vmem>>
    %dma_start3A_124 = arith.constant 0 : i32
    %dma_start3A_125 = tpu.memref_slice %arg4[%add3A_118, %dma_start3A_124] : memref<819200x64xf32, #tpu.memory_space<hbm>> -> memref<128x64xf32, #tpu.memory_space<hbm>>
    %dma_start3A_126 = arith.constant 0 : i32
    %dma_start3A_127 = tpu.memref_slice %arg4[%add3A_118, %dma_start3A_126] : memref<819200x64xf32, #tpu.memory_space<hbm>> -> memref<128x64xf32, #tpu.memory_space<hbm>>
    %dma_start3A_128 = arith.constant 0 : i32
    %dma_start3A_129 = arith.constant 0 : i32
    %dma_start3A_130 = tpu.memref_slice %arg6[%dma_start3A_119, %dma_start3A_128, %dma_start3A_129] : memref<8x128x64xf32, #tpu.memory_space<vmem>> -> memref<1x128x64xf32, #tpu.memory_space<vmem>>
    %dma_start3A_131 = tpu.memref_squeeze %dma_start3A_130 : memref<1x128x64xf32, #tpu.memory_space<vmem>> -> memref<128x64xf32, #tpu.memory_space<vmem>>
    tpu.enqueue_dma source(%dma_start3A_131 : memref<128x64xf32, #tpu.memory_space<vmem>>) target(%dma_start3A_127 : memref<128x64xf32, #tpu.memory_space<hbm>>) target_semaphore(%arg16 : memref<!tpu.dma_semaphore, #tpu.memory_space<semaphore_mem>>)
    %dma_start3A_132 = arith.constant 7 : i32
    %dma_start3A_133 = arith.constant 0 : i32
    %dma_start3A_134 = arith.constant 0 : i32
    %dma_start3A_135 = tpu.memref_slice %arg6[%dma_start3A_132, %dma_start3A_133, %dma_start3A_134] : memref<8x128x64xf32, #tpu.memory_space<vmem>> -> memref<1x128x64xf32, #tpu.memory_space<vmem>>
    %dma_start3A_136 = tpu.memref_squeeze %dma_start3A_135 : memref<1x128x64xf32, #tpu.memory_space<vmem>> -> memref<128x64xf32, #tpu.memory_space<vmem>>
    %dma_start3A_137 = arith.constant 896 : i32
    %dma_start3A_138 = tpu.memref_slice %arg5[%dma_start3A_137] : memref<25600xi32, #tpu.memory_space<vmem>> -> memref<128xi32, #tpu.memory_space<vmem>>
    %dma_start3A_139 = arith.constant 0 : i32
    %dma_start3A_140 = arith.constant 0 : i32
    %dma_start3A_141 = tpu.memref_slice %arg3[%dma_start3A_139, %dma_start3A_140] : memref<1000000x64xf32, #tpu.memory_space<hbm>> -> memref<1000000x64xf32, #tpu.memory_space<hbm>>
    tpu.enqueue_indirect_dma source(%dma_start3A_141 : memref<1000000x64xf32, #tpu.memory_space<hbm>>) target(%dma_start3A_136 : memref<128x64xf32, #tpu.memory_space<vmem>>) offsets(%dma_start3A_138 : memref<128xi32, #tpu.memory_space<vmem>>) semaphore(%arg14 : memref<!tpu.dma_semaphore, #tpu.memory_space<semaphore_mem>>)
    %dma_wait3A_142 = arith.constant 2 : i32
    %dma_wait3A_143 = arith.constant 0 : i32
    %dma_wait3A_144 = arith.constant 0 : i32
    %dma_wait3A_145 = tpu.memref_slice %arg6[%dma_wait3A_142, %dma_wait3A_143, %dma_wait3A_144] : memref<8x128x64xf32, #tpu.memory_space<vmem>> -> memref<1x128x64xf32, #tpu.memory_space<vmem>>
    %dma_wait3A_146 = tpu.memref_squeeze %dma_wait3A_145 : memref<1x128x64xf32, #tpu.memory_space<vmem>> -> memref<128x64xf32, #tpu.memory_space<vmem>>
    %dma_wait3A_147 = arith.constant 256 : i32
    %dma_wait3A_148 = tpu.memref_slice %arg5[%dma_wait3A_147] : memref<25600xi32, #tpu.memory_space<vmem>> -> memref<128xi32, #tpu.memory_space<vmem>>
    %dma_wait3A_149 = arith.constant 0 : i32
    %dma_wait3A_150 = arith.constant 0 : i32
    %dma_wait3A_151 = tpu.memref_slice %arg3[%dma_wait3A_149, %dma_wait3A_150] : memref<1000000x64xf32, #tpu.memory_space<hbm>> -> memref<1000000x64xf32, #tpu.memory_space<hbm>>
    tpu.wait_indirect_dma semaphore(%arg9 : memref<!tpu.dma_semaphore, #tpu.memory_space<semaphore_mem>>) src(%dma_wait3A_151 : memref<1000000x64xf32, #tpu.memory_space<hbm>>) dst(%dma_wait3A_146 : memref<128x64xf32, #tpu.memory_space<vmem>>)
    %scan3A_152 = arith.constant 0 : i32
    %scan3A_153 = arith.constant 0 : i32
    %scan3A_154 = arith.constant 128 : i32
    %scan3A_155 = arith.addi %scan3A_153, %scan3A_154 : i32
    %scan3A_156 = arith.constant 1 : i32
    scf.for %scan3A_902 = %scan3A_153 to %scan3A_155 step %scan3A_156  : i32 {
      %get3A = arith.constant 2 : i32
      %get3A_903 = arith.index_cast %get3A : i32 to index
      %get3A_904 = arith.index_cast %scan3A_902 : i32 to index
      %get3A_905 = arith.constant 0 : index
      %get3A_906 = tpu.vector_load %arg6[%get3A_903, %get3A_904, %get3A_905] {strides = array<i32>} : memref<8x128x64xf32, #tpu.memory_space<vmem>>, vector<1x1x16xf32>,
      %get3A_907 = vector.shape_cast %get3A_906 : vector<1x1x16xf32> to vector<16xf32>
      %mul3A_908 = arith.constant 8.000000e+00 : f32
      %mul3A_909 = vector.broadcast %mul3A_908 : f32 to vector<16xf32>
      %mul3A_910 = arith.mulf %get3A_907, %mul3A_909 : vector<16xf32>
      %swap3A = arith.constant 2 : i32
      %swap3A_911 = arith.index_cast %swap3A : i32 to index
      %swap3A_912 = arith.index_cast %scan3A_902 : i32 to index
      %swap3A_913 = arith.constant 0 : index
      %swap3A_914 = tpu.vector_load %arg6[%swap3A_911, %swap3A_912, %swap3A_913] {strides = array<i32>} : memref<8x128x64xf32, #tpu.memory_space<vmem>>, vector<1x1x16xf32>,
      %swap3A_915 = vector.shape_cast %swap3A_914 : vector<1x1x16xf32> to vector<16xf32>
      %swap3A_916 = vector.shape_cast %mul3A_910 : vector<16xf32> to vector<1x1x16xf32>
      tpu.vector_store %arg6[%swap3A_911, %swap3A_912, %swap3A_913], %swap3A_916 {strides = array<i32>} : memref<8x128x64xf32, #tpu.memory_space<vmem>>, vector<1x1x16xf32>,
      %get3A_917 = arith.constant 2 : i32
      %get3A_918 = arith.index_cast %get3A_917 : i32 to index
      %get3A_919 = arith.index_cast %scan3A_902 : i32 to index
      %get3A_920 = arith.constant 16 : index
      %get3A_921 = tpu.vector_load %arg6[%get3A_918, %get3A_919, %get3A_920] {strides = array<i32>} : memref<8x128x64xf32, #tpu.memory_space<vmem>>, vector<1x1x16xf32>,
      %get3A_922 = vector.shape_cast %get3A_921 : vector<1x1x16xf32> to vector<16xf32>
      %mul3A_923 = arith.constant 8.000000e+00 : f32
      %mul3A_924 = vector.broadcast %mul3A_923 : f32 to vector<16xf32>
      %mul3A_925 = arith.mulf %get3A_922, %mul3A_924 : vector<16xf32>
      %swap3A_926 = arith.constant 2 : i32
      %swap3A_927 = arith.index_cast %swap3A_926 : i32 to index
      %swap3A_928 = arith.index_cast %scan3A_902 : i32 to index
      %swap3A_929 = arith.constant 16 : index
      %swap3A_930 = tpu.vector_load %arg6[%swap3A_927, %swap3A_928, %swap3A_929] {strides = array<i32>} : memref<8x128x64xf32, #tpu.memory_space<vmem>>, vector<1x1x16xf32>,
      %swap3A_931 = vector.shape_cast %swap3A_930 : vector<1x1x16xf32> to vector<16xf32>
      %swap3A_932 = vector.shape_cast %mul3A_925 : vector<16xf32> to vector<1x1x16xf32>
      tpu.vector_store %arg6[%swap3A_927, %swap3A_928, %swap3A_929], %swap3A_932 {strides = array<i32>} : memref<8x128x64xf32, #tpu.memory_space<vmem>>, vector<1x1x16xf32>,
      %get3A_933 = arith.constant 2 : i32
      %get3A_934 = arith.index_cast %get3A_933 : i32 to index
      %get3A_935 = arith.index_cast %scan3A_902 : i32 to index
      %get3A_936 = arith.constant 32 : index
      %get3A_937 = tpu.vector_load %arg6[%get3A_934, %get3A_935, %get3A_936] {strides = array<i32>} : memref<8x128x64xf32, #tpu.memory_space<vmem>>, vector<1x1x16xf32>,
      %get3A_938 = vector.shape_cast %get3A_937 : vector<1x1x16xf32> to vector<16xf32>
      %mul3A_939 = arith.constant 8.000000e+00 : f32
      %mul3A_940 = vector.broadcast %mul3A_939 : f32 to vector<16xf32>
      %mul3A_941 = arith.mulf %get3A_938, %mul3A_940 : vector<16xf32>
      %swap3A_942 = arith.constant 2 : i32
      %swap3A_943 = arith.index_cast %swap3A_942 : i32 to index
      %swap3A_944 = arith.index_cast %scan3A_902 : i32 to index
      %swap3A_945 = arith.constant 32 : index
      %swap3A_946 = tpu.vector_load %arg6[%swap3A_943, %swap3A_944, %swap3A_945] {strides = array<i32>} : memref<8x128x64xf32, #tpu.memory_space<vmem>>, vector<1x1x16xf32>,
      %swap3A_947 = vector.shape_cast %swap3A_946 : vector<1x1x16xf32> to vector<16xf32>
      %swap3A_948 = vector.shape_cast %mul3A_941 : vector<16xf32> to vector<1x1x16xf32>
      tpu.vector_store %arg6[%swap3A_943, %swap3A_944, %swap3A_945], %swap3A_948 {strides = array<i32>} : memref<8x128x64xf32, #tpu.memory_space<vmem>>, vector<1x1x16xf32>,
      %get3A_949 = arith.constant 2 : i32
      %get3A_950 = arith.index_cast %get3A_949 : i32 to index
      %get3A_951 = arith.index_cast %scan3A_902 : i32 to index
      %get3A_952 = arith.constant 48 : index
      %get3A_953 = tpu.vector_load %arg6[%get3A_950, %get3A_951, %get3A_952] {strides = array<i32>} : memref<8x128x64xf32, #tpu.memory_space<vmem>>, vector<1x1x16xf32>,
      %get3A_954 = vector.shape_cast %get3A_953 : vector<1x1x16xf32> to vector<16xf32>
      %mul3A_955 = arith.constant 8.000000e+00 : f32
      %mul3A_956 = vector.broadcast %mul3A_955 : f32 to vector<16xf32>
      %mul3A_957 = arith.mulf %get3A_954, %mul3A_956 : vector<16xf32>
      %swap3A_958 = arith.constant 2 : i32
      %swap3A_959 = arith.index_cast %swap3A_958 : i32 to index
      %swap3A_960 = arith.index_cast %scan3A_902 : i32 to index
      %swap3A_961 = arith.constant 48 : index
      %swap3A_962 = tpu.vector_load %arg6[%swap3A_959, %swap3A_960, %swap3A_961] {strides = array<i32>} : memref<8x128x64xf32, #tpu.memory_space<vmem>>, vector<1x1x16xf32>,
      %swap3A_963 = vector.shape_cast %swap3A_962 : vector<1x1x16xf32> to vector<16xf32>
      %swap3A_964 = vector.shape_cast %mul3A_957 : vector<16xf32> to vector<1x1x16xf32>
      tpu.vector_store %arg6[%swap3A_959, %swap3A_960, %swap3A_961], %swap3A_964 {strides = array<i32>} : memref<8x128x64xf32, #tpu.memory_space<vmem>>, vector<1x1x16xf32>,
    }
    %scan3A_157 = arith.constant 128 : i32
    %add3A_158 = arith.constant 256 : i32
    %add3A_159 = arith.addi %mul3A_2, %add3A_158 : i32
    %dma_start3A_160 = arith.constant 2 : i32
    %dma_start3A_161 = arith.constant 0 : i32
    %dma_start3A_162 = arith.constant 0 : i32
    %dma_start3A_163 = tpu.memref_slice %arg6[%dma_start3A_160, %dma_start3A_161, %dma_start3A_162] : memref<8x128x64xf32, #tpu.memory_space<vmem>> -> memref<1x128x64xf32, #tpu.memory_space<vmem>>
    %dma_start3A_164 = tpu.memref_squeeze %dma_start3A_163 : memref<1x128x64xf32, #tpu.memory_space<vmem>> -> memref<128x64xf32, #tpu.memory_space<vmem>>
    %dma_start3A_165 = arith.constant 0 : i32
    %dma_start3A_166 = tpu.memref_slice %arg4[%add3A_159, %dma_start3A_165] : memref<819200x64xf32, #tpu.memory_space<hbm>> -> memref<128x64xf32, #tpu.memory_space<hbm>>
    %dma_start3A_167 = arith.constant 0 : i32
    %dma_start3A_168 = tpu.memref_slice %arg4[%add3A_159, %dma_start3A_167] : memref<819200x64xf32, #tpu.memory_space<hbm>> -> memref<128x64xf32, #tpu.memory_space<hbm>>
    %dma_start3A_169 = arith.constant 0 : i32
    %dma_start3A_170 = arith.constant 0 : i32
    %dma_start3A_171 = tpu.memref_slice %arg6[%dma_start3A_160, %dma_start3A_169, %dma_start3A_170] : memref<8x128x64xf32, #tpu.memory_space<vmem>> -> memref<1x128x64xf32, #tpu.memory_space<vmem>>
    %dma_start3A_172 = tpu.memref_squeeze %dma_start3A_171 : memref<1x128x64xf32, #tpu.memory_space<vmem>> -> memref<128x64xf32, #tpu.memory_space<vmem>>
    tpu.enqueue_dma source(%dma_start3A_172 : memref<128x64xf32, #tpu.memory_space<vmem>>) target(%dma_start3A_168 : memref<128x64xf32, #tpu.memory_space<hbm>>) target_semaphore(%arg17 : memref<!tpu.dma_semaphore, #tpu.memory_space<semaphore_mem>>)
    %add3A_173 = arith.constant 0 : i32
    %add3A_174 = arith.addi %mul3A_2, %add3A_173 : i32
    %dma_wait3A_175 = arith.constant 0 : i32
    %dma_wait3A_176 = arith.constant 0 : i32
    %dma_wait3A_177 = arith.constant 0 : i32
    %dma_wait3A_178 = tpu.memref_slice %arg6[%dma_wait3A_175, %dma_wait3A_176, %dma_wait3A_177] : memref<8x128x64xf32, #tpu.memory_space<vmem>> -> memref<1x128x64xf32, #tpu.memory_space<vmem>>
    %dma_wait3A_179 = tpu.memref_squeeze %dma_wait3A_178 : memref<1x128x64xf32, #tpu.memory_space<vmem>> -> memref<128x64xf32, #tpu.memory_space<vmem>>
    %dma_wait3A_180 = arith.constant 0 : i32
    %dma_wait3A_181 = tpu.memref_slice %arg4[%add3A_174, %dma_wait3A_180] : memref<819200x64xf32, #tpu.memory_space<hbm>> -> memref<128x64xf32, #tpu.memory_space<hbm>>
    %dma_wait3A_182 = arith.constant 0 : i32
    %dma_wait3A_183 = tpu.memref_slice %arg4[%add3A_174, %dma_wait3A_182] : memref<819200x64xf32, #tpu.memory_space<hbm>> -> memref<128x64xf32, #tpu.memory_space<hbm>>
    %dma_wait3A_184 = arith.constant 0 : i32
    %dma_wait3A_185 = arith.constant 0 : i32
    %dma_wait3A_186 = tpu.memref_slice %arg6[%dma_wait3A_175, %dma_wait3A_184, %dma_wait3A_185] : memref<8x128x64xf32, #tpu.memory_space<vmem>> -> memref<1x128x64xf32, #tpu.memory_space<vmem>>
    %dma_wait3A_187 = tpu.memref_squeeze %dma_wait3A_186 : memref<1x128x64xf32, #tpu.memory_space<vmem>> -> memref<128x64xf32, #tpu.memory_space<vmem>>
    tpu.wait_dma2 semaphore(%arg15 : memref<!tpu.dma_semaphore, #tpu.memory_space<semaphore_mem>>) src(%dma_wait3A_187 : memref<128x64xf32, #tpu.memory_space<vmem>>) dst(%dma_wait3A_183 : memref<128x64xf32, #tpu.memory_space<hbm>>)
    %dma_start3A_188 = arith.constant 0 : i32
    %dma_start3A_189 = arith.constant 0 : i32
    %dma_start3A_190 = arith.constant 0 : i32
    %dma_start3A_191 = tpu.memref_slice %arg6[%dma_start3A_188, %dma_start3A_189, %dma_start3A_190] : memref<8x128x64xf32, #tpu.memory_space<vmem>> -> memref<1x128x64xf32, #tpu.memory_space<vmem>>
    %dma_start3A_192 = tpu.memref_squeeze %dma_start3A_191 : memref<1x128x64xf32, #tpu.memory_space<vmem>> -> memref<128x64xf32, #tpu.memory_space<vmem>>
    %dma_start3A_193 = arith.constant 1024 : i32
    %dma_start3A_194 = tpu.memref_slice %arg5[%dma_start3A_193] : memref<25600xi32, #tpu.memory_space<vmem>> -> memref<128xi32, #tpu.memory_space<vmem>>
    %dma_start3A_195 = arith.constant 0 : i32
    %dma_start3A_196 = arith.constant 0 : i32
    %dma_start3A_197 = tpu.memref_slice %arg3[%dma_start3A_195, %dma_start3A_196] : memref<1000000x64xf32, #tpu.memory_space<hbm>> -> memref<1000000x64xf32, #tpu.memory_space<hbm>>
    tpu.enqueue_indirect_dma source(%dma_start3A_197 : memref<1000000x64xf32, #tpu.memory_space<hbm>>) target(%dma_start3A_192 : memref<128x64xf32, #tpu.memory_space<vmem>>) offsets(%dma_start3A_194 : memref<128xi32, #tpu.memory_space<vmem>>) semaphore(%arg7 : memref<!tpu.dma_semaphore, #tpu.memory_space<semaphore_mem>>)
    %dma_wait3A_198 = arith.constant 3 : i32
    %dma_wait3A_199 = arith.constant 0 : i32
    %dma_wait3A_200 = arith.constant 0 : i32
    %dma_wait3A_201 = tpu.memref_slice %arg6[%dma_wait3A_198, %dma_wait3A_199, %dma_wait3A_200] : memref<8x128x64xf32, #tpu.memory_space<vmem>> -> memref<1x128x64xf32, #tpu.memory_space<vmem>>
    %dma_wait3A_202 = tpu.memref_squeeze %dma_wait3A_201 : memref<1x128x64xf32, #tpu.memory_space<vmem>> -> memref<128x64xf32, #tpu.memory_space<vmem>>
    %dma_wait3A_203 = arith.constant 384 : i32
    %dma_wait3A_204 = tpu.memref_slice %arg5[%dma_wait3A_203] : memref<25600xi32, #tpu.memory_space<vmem>> -> memref<128xi32, #tpu.memory_space<vmem>>
    %dma_wait3A_205 = arith.constant 0 : i32
    %dma_wait3A_206 = arith.constant 0 : i32
    %dma_wait3A_207 = tpu.memref_slice %arg3[%dma_wait3A_205, %dma_wait3A_206] : memref<1000000x64xf32, #tpu.memory_space<hbm>> -> memref<1000000x64xf32, #tpu.memory_space<hbm>>
    tpu.wait_indirect_dma semaphore(%arg10 : memref<!tpu.dma_semaphore, #tpu.memory_space<semaphore_mem>>) src(%dma_wait3A_207 : memref<1000000x64xf32, #tpu.memory_space<hbm>>) dst(%dma_wait3A_202 : memref<128x64xf32, #tpu.memory_space<vmem>>)
    %scan3A_208 = arith.constant 0 : i32
    %scan3A_209 = arith.constant 0 : i32
    %scan3A_210 = arith.constant 128 : i32
    %scan3A_211 = arith.addi %scan3A_209, %scan3A_210 : i32
    %scan3A_212 = arith.constant 1 : i32
    scf.for %scan3A_902 = %scan3A_209 to %scan3A_211 step %scan3A_212  : i32 {
      %get3A = arith.constant 3 : i32
      %get3A_903 = arith.index_cast %get3A : i32 to index
      %get3A_904 = arith.index_cast %scan3A_902 : i32 to index
      %get3A_905 = arith.constant 0 : index
      %get3A_906 = tpu.vector_load %arg6[%get3A_903, %get3A_904, %get3A_905] {strides = array<i32>} : memref<8x128x64xf32, #tpu.memory_space<vmem>>, vector<1x1x16xf32>,
      %get3A_907 = vector.shape_cast %get3A_906 : vector<1x1x16xf32> to vector<16xf32>
      %mul3A_908 = arith.constant 8.000000e+00 : f32
      %mul3A_909 = vector.broadcast %mul3A_908 : f32 to vector<16xf32>
      %mul3A_910 = arith.mulf %get3A_907, %mul3A_909 : vector<16xf32>
      %swap3A = arith.constant 3 : i32
      %swap3A_911 = arith.index_cast %swap3A : i32 to index
      %swap3A_912 = arith.index_cast %scan3A_902 : i32 to index
      %swap3A_913 = arith.constant 0 : index
      %swap3A_914 = tpu.vector_load %arg6[%swap3A_911, %swap3A_912, %swap3A_913] {strides = array<i32>} : memref<8x128x64xf32, #tpu.memory_space<vmem>>, vector<1x1x16xf32>,
      %swap3A_915 = vector.shape_cast %swap3A_914 : vector<1x1x16xf32> to vector<16xf32>
      %swap3A_916 = vector.shape_cast %mul3A_910 : vector<16xf32> to vector<1x1x16xf32>
      tpu.vector_store %arg6[%swap3A_911, %swap3A_912, %swap3A_913], %swap3A_916 {strides = array<i32>} : memref<8x128x64xf32, #tpu.memory_space<vmem>>, vector<1x1x16xf32>,
      %get3A_917 = arith.constant 3 : i32
      %get3A_918 = arith.index_cast %get3A_917 : i32 to index
      %get3A_919 = arith.index_cast %scan3A_902 : i32 to index
      %get3A_920 = arith.constant 16 : index
      %get3A_921 = tpu.vector_load %arg6[%get3A_918, %get3A_919, %get3A_920] {strides = array<i32>} : memref<8x128x64xf32, #tpu.memory_space<vmem>>, vector<1x1x16xf32>,
      %get3A_922 = vector.shape_cast %get3A_921 : vector<1x1x16xf32> to vector<16xf32>
      %mul3A_923 = arith.constant 8.000000e+00 : f32
      %mul3A_924 = vector.broadcast %mul3A_923 : f32 to vector<16xf32>
      %mul3A_925 = arith.mulf %get3A_922, %mul3A_924 : vector<16xf32>
      %swap3A_926 = arith.constant 3 : i32
      %swap3A_927 = arith.index_cast %swap3A_926 : i32 to index
      %swap3A_928 = arith.index_cast %scan3A_902 : i32 to index
      %swap3A_929 = arith.constant 16 : index
      %swap3A_930 = tpu.vector_load %arg6[%swap3A_927, %swap3A_928, %swap3A_929] {strides = array<i32>} : memref<8x128x64xf32, #tpu.memory_space<vmem>>, vector<1x1x16xf32>,
      %swap3A_931 = vector.shape_cast %swap3A_930 : vector<1x1x16xf32> to vector<16xf32>
      %swap3A_932 = vector.shape_cast %mul3A_925 : vector<16xf32> to vector<1x1x16xf32>
      tpu.vector_store %arg6[%swap3A_927, %swap3A_928, %swap3A_929], %swap3A_932 {strides = array<i32>} : memref<8x128x64xf32, #tpu.memory_space<vmem>>, vector<1x1x16xf32>,
      %get3A_933 = arith.constant 3 : i32
      %get3A_934 = arith.index_cast %get3A_933 : i32 to index
      %get3A_935 = arith.index_cast %scan3A_902 : i32 to index
      %get3A_936 = arith.constant 32 : index
      %get3A_937 = tpu.vector_load %arg6[%get3A_934, %get3A_935, %get3A_936] {strides = array<i32>} : memref<8x128x64xf32, #tpu.memory_space<vmem>>, vector<1x1x16xf32>,
      %get3A_938 = vector.shape_cast %get3A_937 : vector<1x1x16xf32> to vector<16xf32>
      %mul3A_939 = arith.constant 8.000000e+00 : f32
      %mul3A_940 = vector.broadcast %mul3A_939 : f32 to vector<16xf32>
      %mul3A_941 = arith.mulf %get3A_938, %mul3A_940 : vector<16xf32>
      %swap3A_942 = arith.constant 3 : i32
      %swap3A_943 = arith.index_cast %swap3A_942 : i32 to index
      %swap3A_944 = arith.index_cast %scan3A_902 : i32 to index
      %swap3A_945 = arith.constant 32 : index
      %swap3A_946 = tpu.vector_load %arg6[%swap3A_943, %swap3A_944, %swap3A_945] {strides = array<i32>} : memref<8x128x64xf32, #tpu.memory_space<vmem>>, vector<1x1x16xf32>,
      %swap3A_947 = vector.shape_cast %swap3A_946 : vector<1x1x16xf32> to vector<16xf32>
      %swap3A_948 = vector.shape_cast %mul3A_941 : vector<16xf32> to vector<1x1x16xf32>
      tpu.vector_store %arg6[%swap3A_943, %swap3A_944, %swap3A_945], %swap3A_948 {strides = array<i32>} : memref<8x128x64xf32, #tpu.memory_space<vmem>>, vector<1x1x16xf32>,
      %get3A_949 = arith.constant 3 : i32
      %get3A_950 = arith.index_cast %get3A_949 : i32 to index
      %get3A_951 = arith.index_cast %scan3A_902 : i32 to index
      %get3A_952 = arith.constant 48 : index
      %get3A_953 = tpu.vector_load %arg6[%get3A_950, %get3A_951, %get3A_952] {strides = array<i32>} : memref<8x128x64xf32, #tpu.memory_space<vmem>>, vector<1x1x16xf32>,
      %get3A_954 = vector.shape_cast %get3A_953 : vector<1x1x16xf32> to vector<16xf32>
      %mul3A_955 = arith.constant 8.000000e+00 : f32
      %mul3A_956 = vector.broadcast %mul3A_955 : f32 to vector<16xf32>
      %mul3A_957 = arith.mulf %get3A_954, %mul3A_956 : vector<16xf32>
      %swap3A_958 = arith.constant 3 : i32
      %swap3A_959 = arith.index_cast %swap3A_958 : i32 to index
      %swap3A_960 = arith.index_cast %scan3A_902 : i32 to index
      %swap3A_961 = arith.constant 48 : index
      %swap3A_962 = tpu.vector_load %arg6[%swap3A_959, %swap3A_960, %swap3A_961] {strides = array<i32>} : memref<8x128x64xf32, #tpu.memory_space<vmem>>, vector<1x1x16xf32>,
      %swap3A_963 = vector.shape_cast %swap3A_962 : vector<1x1x16xf32> to vector<16xf32>
      %swap3A_964 = vector.shape_cast %mul3A_957 : vector<16xf32> to vector<1x1x16xf32>
      tpu.vector_store %arg6[%swap3A_959, %swap3A_960, %swap3A_961], %swap3A_964 {strides = array<i32>} : memref<8x128x64xf32, #tpu.memory_space<vmem>>, vector<1x1x16xf32>,
    }
    %scan3A_213 = arith.constant 128 : i32
    %add3A_214 = arith.constant 384 : i32
    %add3A_215 = arith.addi %mul3A_2, %add3A_214 : i32
    %dma_start3A_216 = arith.constant 3 : i32
    %dma_start3A_217 = arith.constant 0 : i32
    %dma_start3A_218 = arith.constant 0 : i32
    %dma_start3A_219 = tpu.memref_slice %arg6[%dma_start3A_216, %dma_start3A_217, %dma_start3A_218] : memref<8x128x64xf32, #tpu.memory_space<vmem>> -> memref<1x128x64xf32, #tpu.memory_space<vmem>>
    %dma_start3A_220 = tpu.memref_squeeze %dma_start3A_219 : memref<1x128x64xf32, #tpu.memory_space<vmem>> -> memref<128x64xf32, #tpu.memory_space<vmem>>
    %dma_start3A_221 = arith.constant 0 : i32
    %dma_start3A_222 = tpu.memref_slice %arg4[%add3A_215, %dma_start3A_221] : memref<819200x64xf32, #tpu.memory_space<hbm>> -> memref<128x64xf32, #tpu.memory_space<hbm>>
    %dma_start3A_223 = arith.constant 0 : i32
    %dma_start3A_224 = tpu.memref_slice %arg4[%add3A_215, %dma_start3A_223] : memref<819200x64xf32, #tpu.memory_space<hbm>> -> memref<128x64xf32, #tpu.memory_space<hbm>>
    %dma_start3A_225 = arith.constant 0 : i32
    %dma_start3A_226 = arith.constant 0 : i32
    %dma_start3A_227 = tpu.memref_slice %arg6[%dma_start3A_216, %dma_start3A_225, %dma_start3A_226] : memref<8x128x64xf32, #tpu.memory_space<vmem>> -> memref<1x128x64xf32, #tpu.memory_space<vmem>>
    %dma_start3A_228 = tpu.memref_squeeze %dma_start3A_227 : memref<1x128x64xf32, #tpu.memory_space<vmem>> -> memref<128x64xf32, #tpu.memory_space<vmem>>
    tpu.enqueue_dma source(%dma_start3A_228 : memref<128x64xf32, #tpu.memory_space<vmem>>) target(%dma_start3A_224 : memref<128x64xf32, #tpu.memory_space<hbm>>) target_semaphore(%arg18 : memref<!tpu.dma_semaphore, #tpu.memory_space<semaphore_mem>>)
    %add3A_229 = arith.constant 128 : i32
    %add3A_230 = arith.addi %mul3A_2, %add3A_229 : i32
    %dma_wait3A_231 = arith.constant 1 : i32
    %dma_wait3A_232 = arith.constant 0 : i32
    %dma_wait3A_233 = arith.constant 0 : i32
    %dma_wait3A_234 = tpu.memref_slice %arg6[%dma_wait3A_231, %dma_wait3A_232, %dma_wait3A_233] : memref<8x128x64xf32, #tpu.memory_space<vmem>> -> memref<1x128x64xf32, #tpu.memory_space<vmem>>
    %dma_wait3A_235 = tpu.memref_squeeze %dma_wait3A_234 : memref<1x128x64xf32, #tpu.memory_space<vmem>> -> memref<128x64xf32, #tpu.memory_space<vmem>>
    %dma_wait3A_236 = arith.constant 0 : i32
    %dma_wait3A_237 = tpu.memref_slice %arg4[%add3A_230, %dma_wait3A_236] : memref<819200x64xf32, #tpu.memory_space<hbm>> -> memref<128x64xf32, #tpu.memory_space<hbm>>
    %dma_wait3A_238 = arith.constant 0 : i32
    %dma_wait3A_239 = tpu.memref_slice %arg4[%add3A_230, %dma_wait3A_238] : memref<819200x64xf32, #tpu.memory_space<hbm>> -> memref<128x64xf32, #tpu.memory_space<hbm>>
    %dma_wait3A_240 = arith.constant 0 : i32
    %dma_wait3A_241 = arith.constant 0 : i32
    %dma_wait3A_242 = tpu.memref_slice %arg6[%dma_wait3A_231, %dma_wait3A_240, %dma_wait3A_241] : memref<8x128x64xf32, #tpu.memory_space<vmem>> -> memref<1x128x64xf32, #tpu.memory_space<vmem>>
    %dma_wait3A_243 = tpu.memref_squeeze %dma_wait3A_242 : memref<1x128x64xf32, #tpu.memory_space<vmem>> -> memref<128x64xf32, #tpu.memory_space<vmem>>
    tpu.wait_dma2 semaphore(%arg16 : memref<!tpu.dma_semaphore, #tpu.memory_space<semaphore_mem>>) src(%dma_wait3A_243 : memref<128x64xf32, #tpu.memory_space<vmem>>) dst(%dma_wait3A_239 : memref<128x64xf32, #tpu.memory_space<hbm>>)
    %dma_start3A_244 = arith.constant 1 : i32
    %dma_start3A_245 = arith.constant 0 : i32
    %dma_start3A_246 = arith.constant 0 : i32
    %dma_start3A_247 = tpu.memref_slice %arg6[%dma_start3A_244, %dma_start3A_245, %dma_start3A_246] : memref<8x128x64xf32, #tpu.memory_space<vmem>> -> memref<1x128x64xf32, #tpu.memory_space<vmem>>
    %dma_start3A_248 = tpu.memref_squeeze %dma_start3A_247 : memref<1x128x64xf32, #tpu.memory_space<vmem>> -> memref<128x64xf32, #tpu.memory_space<vmem>>
    %dma_start3A_249 = arith.constant 1152 : i32
    %dma_start3A_250 = tpu.memref_slice %arg5[%dma_start3A_249] : memref<25600xi32, #tpu.memory_space<vmem>> -> memref<128xi32, #tpu.memory_space<vmem>>
    %dma_start3A_251 = arith.constant 0 : i32
    %dma_start3A_252 = arith.constant 0 : i32
    %dma_start3A_253 = tpu.memref_slice %arg3[%dma_start3A_251, %dma_start3A_252] : memref<1000000x64xf32, #tpu.memory_space<hbm>> -> memref<1000000x64xf32, #tpu.memory_space<hbm>>
    tpu.enqueue_indirect_dma source(%dma_start3A_253 : memref<1000000x64xf32, #tpu.memory_space<hbm>>) target(%dma_start3A_248 : memref<128x64xf32, #tpu.memory_space<vmem>>) offsets(%dma_start3A_250 : memref<128xi32, #tpu.memory_space<vmem>>) semaphore(%arg8 : memref<!tpu.dma_semaphore, #tpu.memory_space<semaphore_mem>>)
    %dma_wait3A_254 = arith.constant 4 : i32
    %dma_wait3A_255 = arith.constant 0 : i32
    %dma_wait3A_256 = arith.constant 0 : i32
    %dma_wait3A_257 = tpu.memref_slice %arg6[%dma_wait3A_254, %dma_wait3A_255, %dma_wait3A_256] : memref<8x128x64xf32, #tpu.memory_space<vmem>> -> memref<1x128x64xf32, #tpu.memory_space<vmem>>
    %dma_wait3A_258 = tpu.memref_squeeze %dma_wait3A_257 : memref<1x128x64xf32, #tpu.memory_space<vmem>> -> memref<128x64xf32, #tpu.memory_space<vmem>>
    %dma_wait3A_259 = arith.constant 512 : i32
    %dma_wait3A_260 = tpu.memref_slice %arg5[%dma_wait3A_259] : memref<25600xi32, #tpu.memory_space<vmem>> -> memref<128xi32, #tpu.memory_space<vmem>>
    %dma_wait3A_261 = arith.constant 0 : i32
    %dma_wait3A_262 = arith.constant 0 : i32
    %dma_wait3A_263 = tpu.memref_slice %arg3[%dma_wait3A_261, %dma_wait3A_262] : memref<1000000x64xf32, #tpu.memory_space<hbm>> -> memref<1000000x64xf32, #tpu.memory_space<hbm>>
    tpu.wait_indirect_dma semaphore(%arg11 : memref<!tpu.dma_semaphore, #tpu.memory_space<semaphore_mem>>) src(%dma_wait3A_263 : memref<1000000x64xf32, #tpu.memory_space<hbm>>) dst(%dma_wait3A_258 : memref<128x64xf32, #tpu.memory_space<vmem>>)
    %scan3A_264 = arith.constant 0 : i32
    %scan3A_265 = arith.constant 0 : i32
    %scan3A_266 = arith.constant 128 : i32
    %scan3A_267 = arith.addi %scan3A_265, %scan3A_266 : i32
    %scan3A_268 = arith.constant 1 : i32
    scf.for %scan3A_902 = %scan3A_265 to %scan3A_267 step %scan3A_268  : i32 {
      %get3A = arith.constant 4 : i32
      %get3A_903 = arith.index_cast %get3A : i32 to index
      %get3A_904 = arith.index_cast %scan3A_902 : i32 to index
      %get3A_905 = arith.constant 0 : index
      %get3A_906 = tpu.vector_load %arg6[%get3A_903, %get3A_904, %get3A_905] {strides = array<i32>} : memref<8x128x64xf32, #tpu.memory_space<vmem>>, vector<1x1x16xf32>,
      %get3A_907 = vector.shape_cast %get3A_906 : vector<1x1x16xf32> to vector<16xf32>
      %mul3A_908 = arith.constant 8.000000e+00 : f32
      %mul3A_909 = vector.broadcast %mul3A_908 : f32 to vector<16xf32>
      %mul3A_910 = arith.mulf %get3A_907, %mul3A_909 : vector<16xf32>
      %swap3A = arith.constant 4 : i32
      %swap3A_911 = arith.index_cast %swap3A : i32 to index
      %swap3A_912 = arith.index_cast %scan3A_902 : i32 to index
      %swap3A_913 = arith.constant 0 : index
      %swap3A_914 = tpu.vector_load %arg6[%swap3A_911, %swap3A_912, %swap3A_913] {strides = array<i32>} : memref<8x128x64xf32, #tpu.memory_space<vmem>>, vector<1x1x16xf32>,
      %swap3A_915 = vector.shape_cast %swap3A_914 : vector<1x1x16xf32> to vector<16xf32>
      %swap3A_916 = vector.shape_cast %mul3A_910 : vector<16xf32> to vector<1x1x16xf32>
      tpu.vector_store %arg6[%swap3A_911, %swap3A_912, %swap3A_913], %swap3A_916 {strides = array<i32>} : memref<8x128x64xf32, #tpu.memory_space<vmem>>, vector<1x1x16xf32>,
      %get3A_917 = arith.constant 4 : i32
      %get3A_918 = arith.index_cast %get3A_917 : i32 to index
      %get3A_919 = arith.index_cast %scan3A_902 : i32 to index
      %get3A_920 = arith.constant 16 : index
      %get3A_921 = tpu.vector_load %arg6[%get3A_918, %get3A_919, %get3A_920] {strides = array<i32>} : memref<8x128x64xf32, #tpu.memory_space<vmem>>, vector<1x1x16xf32>,
      %get3A_922 = vector.shape_cast %get3A_921 : vector<1x1x16xf32> to vector<16xf32>
      %mul3A_923 = arith.constant 8.000000e+00 : f32
      %mul3A_924 = vector.broadcast %mul3A_923 : f32 to vector<16xf32>
      %mul3A_925 = arith.mulf %get3A_922, %mul3A_924 : vector<16xf32>
      %swap3A_926 = arith.constant 4 : i32
      %swap3A_927 = arith.index_cast %swap3A_926 : i32 to index
      %swap3A_928 = arith.index_cast %scan3A_902 : i32 to index
      %swap3A_929 = arith.constant 16 : index
      %swap3A_930 = tpu.vector_load %arg6[%swap3A_927, %swap3A_928, %swap3A_929] {strides = array<i32>} : memref<8x128x64xf32, #tpu.memory_space<vmem>>, vector<1x1x16xf32>,
      %swap3A_931 = vector.shape_cast %swap3A_930 : vector<1x1x16xf32> to vector<16xf32>
      %swap3A_932 = vector.shape_cast %mul3A_925 : vector<16xf32> to vector<1x1x16xf32>
      tpu.vector_store %arg6[%swap3A_927, %swap3A_928, %swap3A_929], %swap3A_932 {strides = array<i32>} : memref<8x128x64xf32, #tpu.memory_space<vmem>>, vector<1x1x16xf32>,
      %get3A_933 = arith.constant 4 : i32
      %get3A_934 = arith.index_cast %get3A_933 : i32 to index
      %get3A_935 = arith.index_cast %scan3A_902 : i32 to index
      %get3A_936 = arith.constant 32 : index
      %get3A_937 = tpu.vector_load %arg6[%get3A_934, %get3A_935, %get3A_936] {strides = array<i32>} : memref<8x128x64xf32, #tpu.memory_space<vmem>>, vector<1x1x16xf32>,
      %get3A_938 = vector.shape_cast %get3A_937 : vector<1x1x16xf32> to vector<16xf32>
      %mul3A_939 = arith.constant 8.000000e+00 : f32
      %mul3A_940 = vector.broadcast %mul3A_939 : f32 to vector<16xf32>
      %mul3A_941 = arith.mulf %get3A_938, %mul3A_940 : vector<16xf32>
      %swap3A_942 = arith.constant 4 : i32
      %swap3A_943 = arith.index_cast %swap3A_942 : i32 to index
      %swap3A_944 = arith.index_cast %scan3A_902 : i32 to index
      %swap3A_945 = arith.constant 32 : index
      %swap3A_946 = tpu.vector_load %arg6[%swap3A_943, %swap3A_944, %swap3A_945] {strides = array<i32>} : memref<8x128x64xf32, #tpu.memory_space<vmem>>, vector<1x1x16xf32>,
      %swap3A_947 = vector.shape_cast %swap3A_946 : vector<1x1x16xf32> to vector<16xf32>
      %swap3A_948 = vector.shape_cast %mul3A_941 : vector<16xf32> to vector<1x1x16xf32>
      tpu.vector_store %arg6[%swap3A_943, %swap3A_944, %swap3A_945], %swap3A_948 {strides = array<i32>} : memref<8x128x64xf32, #tpu.memory_space<vmem>>, vector<1x1x16xf32>,
      %get3A_949 = arith.constant 4 : i32
      %get3A_950 = arith.index_cast %get3A_949 : i32 to index
      %get3A_951 = arith.index_cast %scan3A_902 : i32 to index
      %get3A_952 = arith.constant 48 : index
      %get3A_953 = tpu.vector_load %arg6[%get3A_950, %get3A_951, %get3A_952] {strides = array<i32>} : memref<8x128x64xf32, #tpu.memory_space<vmem>>, vector<1x1x16xf32>,
      %get3A_954 = vector.shape_cast %get3A_953 : vector<1x1x16xf32> to vector<16xf32>
      %mul3A_955 = arith.constant 8.000000e+00 : f32
      %mul3A_956 = vector.broadcast %mul3A_955 : f32 to vector<16xf32>
      %mul3A_957 = arith.mulf %get3A_954, %mul3A_956 : vector<16xf32>
      %swap3A_958 = arith.constant 4 : i32
      %swap3A_959 = arith.index_cast %swap3A_958 : i32 to index
      %swap3A_960 = arith.index_cast %scan3A_902 : i32 to index
      %swap3A_961 = arith.constant 48 : index
      %swap3A_962 = tpu.vector_load %arg6[%swap3A_959, %swap3A_960, %swap3A_961] {strides = array<i32>} : memref<8x128x64xf32, #tpu.memory_space<vmem>>, vector<1x1x16xf32>,
      %swap3A_963 = vector.shape_cast %swap3A_962 : vector<1x1x16xf32> to vector<16xf32>
      %swap3A_964 = vector.shape_cast %mul3A_957 : vector<16xf32> to vector<1x1x16xf32>
      tpu.vector_store %arg6[%swap3A_959, %swap3A_960, %swap3A_961], %swap3A_964 {strides = array<i32>} : memref<8x128x64xf32, #tpu.memory_space<vmem>>, vector<1x1x16xf32>,
    }
    %scan3A_269 = arith.constant 128 : i32
    %add3A_270 = arith.constant 512 : i32
    %add3A_271 = arith.addi %mul3A_2, %add3A_270 : i32
    %dma_start3A_272 = arith.constant 4 : i32
    %dma_start3A_273 = arith.constant 0 : i32
    %dma_start3A_274 = arith.constant 0 : i32
    %dma_start3A_275 = tpu.memref_slice %arg6[%dma_start3A_272, %dma_start3A_273, %dma_start3A_274] : memref<8x128x64xf32, #tpu.memory_space<vmem>> -> memref<1x128x64xf32, #tpu.memory_space<vmem>>
    %dma_start3A_276 = tpu.memref_squeeze %dma_start3A_275 : memref<1x128x64xf32, #tpu.memory_space<vmem>> -> memref<128x64xf32, #tpu.memory_space<vmem>>
    %dma_start3A_277 = arith.constant 0 : i32
    %dma_start3A_278 = tpu.memref_slice %arg4[%add3A_271, %dma_start3A_277] : memref<819200x64xf32, #tpu.memory_space<hbm>> -> memref<128x64xf32, #tpu.memory_space<hbm>>
    %dma_start3A_279 = arith.constant 0 : i32
    %dma_start3A_280 = tpu.memref_slice %arg4[%add3A_271, %dma_start3A_279] : memref<819200x64xf32, #tpu.memory_space<hbm>> -> memref<128x64xf32, #tpu.memory_space<hbm>>
    %dma_start3A_281 = arith.constant 0 : i32
    %dma_start3A_282 = arith.constant 0 : i32
    %dma_start3A_283 = tpu.memref_slice %arg6[%dma_start3A_272, %dma_start3A_281, %dma_start3A_282] : memref<8x128x64xf32, #tpu.memory_space<vmem>> -> memref<1x128x64xf32, #tpu.memory_space<vmem>>
    %dma_start3A_284 = tpu.memref_squeeze %dma_start3A_283 : memref<1x128x64xf32, #tpu.memory_space<vmem>> -> memref<128x64xf32, #tpu.memory_space<vmem>>
    tpu.enqueue_dma source(%dma_start3A_284 : memref<128x64xf32, #tpu.memory_space<vmem>>) target(%dma_start3A_280 : memref<128x64xf32, #tpu.memory_space<hbm>>) target_semaphore(%arg19 : memref<!tpu.dma_semaphore, #tpu.memory_space<semaphore_mem>>)
    %add3A_285 = arith.constant 256 : i32
    %add3A_286 = arith.addi %mul3A_2, %add3A_285 : i32
    %dma_wait3A_287 = arith.constant 2 : i32
    %dma_wait3A_288 = arith.constant 0 : i32
    %dma_wait3A_289 = arith.constant 0 : i32
    %dma_wait3A_290 = tpu.memref_slice %arg6[%dma_wait3A_287, %dma_wait3A_288, %dma_wait3A_289] : memref<8x128x64xf32, #tpu.memory_space<vmem>> -> memref<1x128x64xf32, #tpu.memory_space<vmem>>
    %dma_wait3A_291 = tpu.memref_squeeze %dma_wait3A_290 : memref<1x128x64xf32, #tpu.memory_space<vmem>> -> memref<128x64xf32, #tpu.memory_space<vmem>>
    %dma_wait3A_292 = arith.constant 0 : i32
    %dma_wait3A_293 = tpu.memref_slice %arg4[%add3A_286, %dma_wait3A_292] : memref<819200x64xf32, #tpu.memory_space<hbm>> -> memref<128x64xf32, #tpu.memory_space<hbm>>
    %dma_wait3A_294 = arith.constant 0 : i32
    %dma_wait3A_295 = tpu.memref_slice %arg4[%add3A_286, %dma_wait3A_294] : memref<819200x64xf32, #tpu.memory_space<hbm>> -> memref<128x64xf32, #tpu.memory_space<hbm>>
    %dma_wait3A_296 = arith.constant 0 : i32
    %dma_wait3A_297 = arith.constant 0 : i32
    %dma_wait3A_298 = tpu.memref_slice %arg6[%dma_wait3A_287, %dma_wait3A_296, %dma_wait3A_297] : memref<8x128x64xf32, #tpu.memory_space<vmem>> -> memref<1x128x64xf32, #tpu.memory_space<vmem>>
    %dma_wait3A_299 = tpu.memref_squeeze %dma_wait3A_298 : memref<1x128x64xf32, #tpu.memory_space<vmem>> -> memref<128x64xf32, #tpu.memory_space<vmem>>
    tpu.wait_dma2 semaphore(%arg17 : memref<!tpu.dma_semaphore, #tpu.memory_space<semaphore_mem>>) src(%dma_wait3A_299 : memref<128x64xf32, #tpu.memory_space<vmem>>) dst(%dma_wait3A_295 : memref<128x64xf32, #tpu.memory_space<hbm>>)
    %dma_start3A_300 = arith.constant 2 : i32
    %dma_start3A_301 = arith.constant 0 : i32
    %dma_start3A_302 = arith.constant 0 : i32
    %dma_start3A_303 = tpu.memref_slice %arg6[%dma_start3A_300, %dma_start3A_301, %dma_start3A_302] : memref<8x128x64xf32, #tpu.memory_space<vmem>> -> memref<1x128x64xf32, #tpu.memory_space<vmem>>
    %dma_start3A_304 = tpu.memref_squeeze %dma_start3A_303 : memref<1x128x64xf32, #tpu.memory_space<vmem>> -> memref<128x64xf32, #tpu.memory_space<vmem>>
    %dma_start3A_305 = arith.constant 1280 : i32
    %dma_start3A_306 = tpu.memref_slice %arg5[%dma_start3A_305] : memref<25600xi32, #tpu.memory_space<vmem>> -> memref<128xi32, #tpu.memory_space<vmem>>
    %dma_start3A_307 = arith.constant 0 : i32
    %dma_start3A_308 = arith.constant 0 : i32
    %dma_start3A_309 = tpu.memref_slice %arg3[%dma_start3A_307, %dma_start3A_308] : memref<1000000x64xf32, #tpu.memory_space<hbm>> -> memref<1000000x64xf32, #tpu.memory_space<hbm>>
    tpu.enqueue_indirect_dma source(%dma_start3A_309 : memref<1000000x64xf32, #tpu.memory_space<hbm>>) target(%dma_start3A_304 : memref<128x64xf32, #tpu.memory_space<vmem>>) offsets(%dma_start3A_306 : memref<128xi32, #tpu.memory_space<vmem>>) semaphore(%arg9 : memref<!tpu.dma_semaphore, #tpu.memory_space<semaphore_mem>>)
    %dma_wait3A_310 = arith.constant 5 : i32
    %dma_wait3A_311 = arith.constant 0 : i32
    %dma_wait3A_312 = arith.constant 0 : i32
    %dma_wait3A_313 = tpu.memref_slice %arg6[%dma_wait3A_310, %dma_wait3A_311, %dma_wait3A_312] : memref<8x128x64xf32, #tpu.memory_space<vmem>> -> memref<1x128x64xf32, #tpu.memory_space<vmem>>
    %dma_wait3A_314 = tpu.memref_squeeze %dma_wait3A_313 : memref<1x128x64xf32, #tpu.memory_space<vmem>> -> memref<128x64xf32, #tpu.memory_space<vmem>>
    %dma_wait3A_315 = arith.constant 640 : i32
    %dma_wait3A_316 = tpu.memref_slice %arg5[%dma_wait3A_315] : memref<25600xi32, #tpu.memory_space<vmem>> -> memref<128xi32, #tpu.memory_space<vmem>>
    %dma_wait3A_317 = arith.constant 0 : i32
    %dma_wait3A_318 = arith.constant 0 : i32
    %dma_wait3A_319 = tpu.memref_slice %arg3[%dma_wait3A_317, %dma_wait3A_318] : memref<1000000x64xf32, #tpu.memory_space<hbm>> -> memref<1000000x64xf32, #tpu.memory_space<hbm>>
    tpu.wait_indirect_dma semaphore(%arg12 : memref<!tpu.dma_semaphore, #tpu.memory_space<semaphore_mem>>) src(%dma_wait3A_319 : memref<1000000x64xf32, #tpu.memory_space<hbm>>) dst(%dma_wait3A_314 : memref<128x64xf32, #tpu.memory_space<vmem>>)
    %scan3A_320 = arith.constant 0 : i32
    %scan3A_321 = arith.constant 0 : i32
    %scan3A_322 = arith.constant 128 : i32
    %scan3A_323 = arith.addi %scan3A_321, %scan3A_322 : i32
    %scan3A_324 = arith.constant 1 : i32
    scf.for %scan3A_902 = %scan3A_321 to %scan3A_323 step %scan3A_324  : i32 {
      %get3A = arith.constant 5 : i32
      %get3A_903 = arith.index_cast %get3A : i32 to index
      %get3A_904 = arith.index_cast %scan3A_902 : i32 to index
      %get3A_905 = arith.constant 0 : index
      %get3A_906 = tpu.vector_load %arg6[%get3A_903, %get3A_904, %get3A_905] {strides = array<i32>} : memref<8x128x64xf32, #tpu.memory_space<vmem>>, vector<1x1x16xf32>,
      %get3A_907 = vector.shape_cast %get3A_906 : vector<1x1x16xf32> to vector<16xf32>
      %mul3A_908 = arith.constant 8.000000e+00 : f32
      %mul3A_909 = vector.broadcast %mul3A_908 : f32 to vector<16xf32>
      %mul3A_910 = arith.mulf %get3A_907, %mul3A_909 : vector<16xf32>
      %swap3A = arith.constant 5 : i32
      %swap3A_911 = arith.index_cast %swap3A : i32 to index
      %swap3A_912 = arith.index_cast %scan3A_902 : i32 to index
      %swap3A_913 = arith.constant 0 : index
      %swap3A_914 = tpu.vector_load %arg6[%swap3A_911, %swap3A_912, %swap3A_913] {strides = array<i32>} : memref<8x128x64xf32, #tpu.memory_space<vmem>>, vector<1x1x16xf32>,
      %swap3A_915 = vector.shape_cast %swap3A_914 : vector<1x1x16xf32> to vector<16xf32>
      %swap3A_916 = vector.shape_cast %mul3A_910 : vector<16xf32> to vector<1x1x16xf32>
      tpu.vector_store %arg6[%swap3A_911, %swap3A_912, %swap3A_913], %swap3A_916 {strides = array<i32>} : memref<8x128x64xf32, #tpu.memory_space<vmem>>, vector<1x1x16xf32>,
      %get3A_917 = arith.constant 5 : i32
      %get3A_918 = arith.index_cast %get3A_917 : i32 to index
      %get3A_919 = arith.index_cast %scan3A_902 : i32 to index
      %get3A_920 = arith.constant 16 : index
      %get3A_921 = tpu.vector_load %arg6[%get3A_918, %get3A_919, %get3A_920] {strides = array<i32>} : memref<8x128x64xf32, #tpu.memory_space<vmem>>, vector<1x1x16xf32>,
      %get3A_922 = vector.shape_cast %get3A_921 : vector<1x1x16xf32> to vector<16xf32>
      %mul3A_923 = arith.constant 8.000000e+00 : f32
      %mul3A_924 = vector.broadcast %mul3A_923 : f32 to vector<16xf32>
      %mul3A_925 = arith.mulf %get3A_922, %mul3A_924 : vector<16xf32>
      %swap3A_926 = arith.constant 5 : i32
      %swap3A_927 = arith.index_cast %swap3A_926 : i32 to index
      %swap3A_928 = arith.index_cast %scan3A_902 : i32 to index
      %swap3A_929 = arith.constant 16 : index
      %swap3A_930 = tpu.vector_load %arg6[%swap3A_927, %swap3A_928, %swap3A_929] {strides = array<i32>} : memref<8x128x64xf32, #tpu.memory_space<vmem>>, vector<1x1x16xf32>,
      %swap3A_931 = vector.shape_cast %swap3A_930 : vector<1x1x16xf32> to vector<16xf32>
      %swap3A_932 = vector.shape_cast %mul3A_925 : vector<16xf32> to vector<1x1x16xf32>
      tpu.vector_store %arg6[%swap3A_927, %swap3A_928, %swap3A_929], %swap3A_932 {strides = array<i32>} : memref<8x128x64xf32, #tpu.memory_space<vmem>>, vector<1x1x16xf32>,
      %get3A_933 = arith.constant 5 : i32
      %get3A_934 = arith.index_cast %get3A_933 : i32 to index
      %get3A_935 = arith.index_cast %scan3A_902 : i32 to index
      %get3A_936 = arith.constant 32 : index
      %get3A_937 = tpu.vector_load %arg6[%get3A_934, %get3A_935, %get3A_936] {strides = array<i32>} : memref<8x128x64xf32, #tpu.memory_space<vmem>>, vector<1x1x16xf32>,
      %get3A_938 = vector.shape_cast %get3A_937 : vector<1x1x16xf32> to vector<16xf32>
      %mul3A_939 = arith.constant 8.000000e+00 : f32
      %mul3A_940 = vector.broadcast %mul3A_939 : f32 to vector<16xf32>
      %mul3A_941 = arith.mulf %get3A_938, %mul3A_940 : vector<16xf32>
      %swap3A_942 = arith.constant 5 : i32
      %swap3A_943 = arith.index_cast %swap3A_942 : i32 to index
      %swap3A_944 = arith.index_cast %scan3A_902 : i32 to index
      %swap3A_945 = arith.constant 32 : index
      %swap3A_946 = tpu.vector_load %arg6[%swap3A_943, %swap3A_944, %swap3A_945] {strides = array<i32>} : memref<8x128x64xf32, #tpu.memory_space<vmem>>, vector<1x1x16xf32>,
      %swap3A_947 = vector.shape_cast %swap3A_946 : vector<1x1x16xf32> to vector<16xf32>
      %swap3A_948 = vector.shape_cast %mul3A_941 : vector<16xf32> to vector<1x1x16xf32>
      tpu.vector_store %arg6[%swap3A_943, %swap3A_944, %swap3A_945], %swap3A_948 {strides = array<i32>} : memref<8x128x64xf32, #tpu.memory_space<vmem>>, vector<1x1x16xf32>,
      %get3A_949 = arith.constant 5 : i32
      %get3A_950 = arith.index_cast %get3A_949 : i32 to index
      %get3A_951 = arith.index_cast %scan3A_902 : i32 to index
      %get3A_952 = arith.constant 48 : index
      %get3A_953 = tpu.vector_load %arg6[%get3A_950, %get3A_951, %get3A_952] {strides = array<i32>} : memref<8x128x64xf32, #tpu.memory_space<vmem>>, vector<1x1x16xf32>,
      %get3A_954 = vector.shape_cast %get3A_953 : vector<1x1x16xf32> to vector<16xf32>
      %mul3A_955 = arith.constant 8.000000e+00 : f32
      %mul3A_956 = vector.broadcast %mul3A_955 : f32 to vector<16xf32>
      %mul3A_957 = arith.mulf %get3A_954, %mul3A_956 : vector<16xf32>
      %swap3A_958 = arith.constant 5 : i32
      %swap3A_959 = arith.index_cast %swap3A_958 : i32 to index
      %swap3A_960 = arith.index_cast %scan3A_902 : i32 to index
      %swap3A_961 = arith.constant 48 : index
      %swap3A_962 = tpu.vector_load %arg6[%swap3A_959, %swap3A_960, %swap3A_961] {strides = array<i32>} : memref<8x128x64xf32, #tpu.memory_space<vmem>>, vector<1x1x16xf32>,
      %swap3A_963 = vector.shape_cast %swap3A_962 : vector<1x1x16xf32> to vector<16xf32>
      %swap3A_964 = vector.shape_cast %mul3A_957 : vector<16xf32> to vector<1x1x16xf32>
      tpu.vector_store %arg6[%swap3A_959, %swap3A_960, %swap3A_961], %swap3A_964 {strides = array<i32>} : memref<8x128x64xf32, #tpu.memory_space<vmem>>, vector<1x1x16xf32>,
    }
    %scan3A_325 = arith.constant 128 : i32
    %add3A_326 = arith.constant 640 : i32
    %add3A_327 = arith.addi %mul3A_2, %add3A_326 : i32
    %dma_start3A_328 = arith.constant 5 : i32
    %dma_start3A_329 = arith.constant 0 : i32
    %dma_start3A_330 = arith.constant 0 : i32
    %dma_start3A_331 = tpu.memref_slice %arg6[%dma_start3A_328, %dma_start3A_329, %dma_start3A_330] : memref<8x128x64xf32, #tpu.memory_space<vmem>> -> memref<1x128x64xf32, #tpu.memory_space<vmem>>
    %dma_start3A_332 = tpu.memref_squeeze %dma_start3A_331 : memref<1x128x64xf32, #tpu.memory_space<vmem>> -> memref<128x64xf32, #tpu.memory_space<vmem>>
    %dma_start3A_333 = arith.constant 0 : i32
    %dma_start3A_334 = tpu.memref_slice %arg4[%add3A_327, %dma_start3A_333] : memref<819200x64xf32, #tpu.memory_space<hbm>> -> memref<128x64xf32, #tpu.memory_space<hbm>>
    %dma_start3A_335 = arith.constant 0 : i32
    %dma_start3A_336 = tpu.memref_slice %arg4[%add3A_327, %dma_start3A_335] : memref<819200x64xf32, #tpu.memory_space<hbm>> -> memref<128x64xf32, #tpu.memory_space<hbm>>
    %dma_start3A_337 = arith.constant 0 : i32
    %dma_start3A_338 = arith.constant 0 : i32
    %dma_start3A_339 = tpu.memref_slice %arg6[%dma_start3A_328, %dma_start3A_337, %dma_start3A_338] : memref<8x128x64xf32, #tpu.memory_space<vmem>> -> memref<1x128x64xf32, #tpu.memory_space<vmem>>
    %dma_start3A_340 = tpu.memref_squeeze %dma_start3A_339 : memref<1x128x64xf32, #tpu.memory_space<vmem>> -> memref<128x64xf32, #tpu.memory_space<vmem>>
    tpu.enqueue_dma source(%dma_start3A_340 : memref<128x64xf32, #tpu.memory_space<vmem>>) target(%dma_start3A_336 : memref<128x64xf32, #tpu.memory_space<hbm>>) target_semaphore(%arg20 : memref<!tpu.dma_semaphore, #tpu.memory_space<semaphore_mem>>)
    %add3A_341 = arith.constant 384 : i32
    %add3A_342 = arith.addi %mul3A_2, %add3A_341 : i32
    %dma_wait3A_343 = arith.constant 3 : i32
    %dma_wait3A_344 = arith.constant 0 : i32
    %dma_wait3A_345 = arith.constant 0 : i32
    %dma_wait3A_346 = tpu.memref_slice %arg6[%dma_wait3A_343, %dma_wait3A_344, %dma_wait3A_345] : memref<8x128x64xf32, #tpu.memory_space<vmem>> -> memref<1x128x64xf32, #tpu.memory_space<vmem>>
    %dma_wait3A_347 = tpu.memref_squeeze %dma_wait3A_346 : memref<1x128x64xf32, #tpu.memory_space<vmem>> -> memref<128x64xf32, #tpu.memory_space<vmem>>
    %dma_wait3A_348 = arith.constant 0 : i32
    %dma_wait3A_349 = tpu.memref_slice %arg4[%add3A_342, %dma_wait3A_348] : memref<819200x64xf32, #tpu.memory_space<hbm>> -> memref<128x64xf32, #tpu.memory_space<hbm>>
    %dma_wait3A_350 = arith.constant 0 : i32
    %dma_wait3A_351 = tpu.memref_slice %arg4[%add3A_342, %dma_wait3A_350] : memref<819200x64xf32, #tpu.memory_space<hbm>> -> memref<128x64xf32, #tpu.memory_space<hbm>>
    %dma_wait3A_352 = arith.constant 0 : i32
    %dma_wait3A_353 = arith.constant 0 : i32
    %dma_wait3A_354 = tpu.memref_slice %arg6[%dma_wait3A_343, %dma_wait3A_352, %dma_wait3A_353] : memref<8x128x64xf32, #tpu.memory_space<vmem>> -> memref<1x128x64xf32, #tpu.memory_space<vmem>>
    %dma_wait3A_355 = tpu.memref_squeeze %dma_wait3A_354 : memref<1x128x64xf32, #tpu.memory_space<vmem>> -> memref<128x64xf32, #tpu.memory_space<vmem>>
    tpu.wait_dma2 semaphore(%arg18 : memref<!tpu.dma_semaphore, #tpu.memory_space<semaphore_mem>>) src(%dma_wait3A_355 : memref<128x64xf32, #tpu.memory_space<vmem>>) dst(%dma_wait3A_351 : memref<128x64xf32, #tpu.memory_space<hbm>>)
    %dma_start3A_356 = arith.constant 3 : i32
    %dma_start3A_357 = arith.constant 0 : i32
    %dma_start3A_358 = arith.constant 0 : i32
    %dma_start3A_359 = tpu.memref_slice %arg6[%dma_start3A_356, %dma_start3A_357, %dma_start3A_358] : memref<8x128x64xf32, #tpu.memory_space<vmem>> -> memref<1x128x64xf32, #tpu.memory_space<vmem>>
    %dma_start3A_360 = tpu.memref_squeeze %dma_start3A_359 : memref<1x128x64xf32, #tpu.memory_space<vmem>> -> memref<128x64xf32, #tpu.memory_space<vmem>>
    %dma_start3A_361 = arith.constant 1408 : i32
    %dma_start3A_362 = tpu.memref_slice %arg5[%dma_start3A_361] : memref<25600xi32, #tpu.memory_space<vmem>> -> memref<128xi32, #tpu.memory_space<vmem>>
    %dma_start3A_363 = arith.constant 0 : i32
    %dma_start3A_364 = arith.constant 0 : i32
    %dma_start3A_365 = tpu.memref_slice %arg3[%dma_start3A_363, %dma_start3A_364] : memref<1000000x64xf32, #tpu.memory_space<hbm>> -> memref<1000000x64xf32, #tpu.memory_space<hbm>>
    tpu.enqueue_indirect_dma source(%dma_start3A_365 : memref<1000000x64xf32, #tpu.memory_space<hbm>>) target(%dma_start3A_360 : memref<128x64xf32, #tpu.memory_space<vmem>>) offsets(%dma_start3A_362 : memref<128xi32, #tpu.memory_space<vmem>>) semaphore(%arg10 : memref<!tpu.dma_semaphore, #tpu.memory_space<semaphore_mem>>)
    %dma_wait3A_366 = arith.constant 6 : i32
    %dma_wait3A_367 = arith.constant 0 : i32
    %dma_wait3A_368 = arith.constant 0 : i32
    %dma_wait3A_369 = tpu.memref_slice %arg6[%dma_wait3A_366, %dma_wait3A_367, %dma_wait3A_368] : memref<8x128x64xf32, #tpu.memory_space<vmem>> -> memref<1x128x64xf32, #tpu.memory_space<vmem>>
    %dma_wait3A_370 = tpu.memref_squeeze %dma_wait3A_369 : memref<1x128x64xf32, #tpu.memory_space<vmem>> -> memref<128x64xf32, #tpu.memory_space<vmem>>
    %dma_wait3A_371 = arith.constant 768 : i32
    %dma_wait3A_372 = tpu.memref_slice %arg5[%dma_wait3A_371] : memref<25600xi32, #tpu.memory_space<vmem>> -> memref<128xi32, #tpu.memory_space<vmem>>
    %dma_wait3A_373 = arith.constant 0 : i32
    %dma_wait3A_374 = arith.constant 0 : i32
    %dma_wait3A_375 = tpu.memref_slice %arg3[%dma_wait3A_373, %dma_wait3A_374] : memref<1000000x64xf32, #tpu.memory_space<hbm>> -> memref<1000000x64xf32, #tpu.memory_space<hbm>>
    tpu.wait_indirect_dma semaphore(%arg13 : memref<!tpu.dma_semaphore, #tpu.memory_space<semaphore_mem>>) src(%dma_wait3A_375 : memref<1000000x64xf32, #tpu.memory_space<hbm>>) dst(%dma_wait3A_370 : memref<128x64xf32, #tpu.memory_space<vmem>>)
    %scan3A_376 = arith.constant 0 : i32
    %scan3A_377 = arith.constant 0 : i32
    %scan3A_378 = arith.constant 128 : i32
    %scan3A_379 = arith.addi %scan3A_377, %scan3A_378 : i32
    %scan3A_380 = arith.constant 1 : i32
    scf.for %scan3A_902 = %scan3A_377 to %scan3A_379 step %scan3A_380  : i32 {
      %get3A = arith.constant 6 : i32
      %get3A_903 = arith.index_cast %get3A : i32 to index
      %get3A_904 = arith.index_cast %scan3A_902 : i32 to index
      %get3A_905 = arith.constant 0 : index
      %get3A_906 = tpu.vector_load %arg6[%get3A_903, %get3A_904, %get3A_905] {strides = array<i32>} : memref<8x128x64xf32, #tpu.memory_space<vmem>>, vector<1x1x16xf32>,
      %get3A_907 = vector.shape_cast %get3A_906 : vector<1x1x16xf32> to vector<16xf32>
      %mul3A_908 = arith.constant 8.000000e+00 : f32
      %mul3A_909 = vector.broadcast %mul3A_908 : f32 to vector<16xf32>
      %mul3A_910 = arith.mulf %get3A_907, %mul3A_909 : vector<16xf32>
      %swap3A = arith.constant 6 : i32
      %swap3A_911 = arith.index_cast %swap3A : i32 to index
      %swap3A_912 = arith.index_cast %scan3A_902 : i32 to index
      %swap3A_913 = arith.constant 0 : index
      %swap3A_914 = tpu.vector_load %arg6[%swap3A_911, %swap3A_912, %swap3A_913] {strides = array<i32>} : memref<8x128x64xf32, #tpu.memory_space<vmem>>, vector<1x1x16xf32>,
      %swap3A_915 = vector.shape_cast %swap3A_914 : vector<1x1x16xf32> to vector<16xf32>
      %swap3A_916 = vector.shape_cast %mul3A_910 : vector<16xf32> to vector<1x1x16xf32>
      tpu.vector_store %arg6[%swap3A_911, %swap3A_912, %swap3A_913], %swap3A_916 {strides = array<i32>} : memref<8x128x64xf32, #tpu.memory_space<vmem>>, vector<1x1x16xf32>,
      %get3A_917 = arith.constant 6 : i32
      %get3A_918 = arith.index_cast %get3A_917 : i32 to index
      %get3A_919 = arith.index_cast %scan3A_902 : i32 to index
      %get3A_920 = arith.constant 16 : index
      %get3A_921 = tpu.vector_load %arg6[%get3A_918, %get3A_919, %get3A_920] {strides = array<i32>} : memref<8x128x64xf32, #tpu.memory_space<vmem>>, vector<1x1x16xf32>,
      %get3A_922 = vector.shape_cast %get3A_921 : vector<1x1x16xf32> to vector<16xf32>
      %mul3A_923 = arith.constant 8.000000e+00 : f32
      %mul3A_924 = vector.broadcast %mul3A_923 : f32 to vector<16xf32>
      %mul3A_925 = arith.mulf %get3A_922, %mul3A_924 : vector<16xf32>
      %swap3A_926 = arith.constant 6 : i32
      %swap3A_927 = arith.index_cast %swap3A_926 : i32 to index
      %swap3A_928 = arith.index_cast %scan3A_902 : i32 to index
      %swap3A_929 = arith.constant 16 : index
      %swap3A_930 = tpu.vector_load %arg6[%swap3A_927, %swap3A_928, %swap3A_929] {strides = array<i32>} : memref<8x128x64xf32, #tpu.memory_space<vmem>>, vector<1x1x16xf32>,
      %swap3A_931 = vector.shape_cast %swap3A_930 : vector<1x1x16xf32> to vector<16xf32>
      %swap3A_932 = vector.shape_cast %mul3A_925 : vector<16xf32> to vector<1x1x16xf32>
      tpu.vector_store %arg6[%swap3A_927, %swap3A_928, %swap3A_929], %swap3A_932 {strides = array<i32>} : memref<8x128x64xf32, #tpu.memory_space<vmem>>, vector<1x1x16xf32>,
      %get3A_933 = arith.constant 6 : i32
      %get3A_934 = arith.index_cast %get3A_933 : i32 to index
      %get3A_935 = arith.index_cast %scan3A_902 : i32 to index
      %get3A_936 = arith.constant 32 : index
      %get3A_937 = tpu.vector_load %arg6[%get3A_934, %get3A_935, %get3A_936] {strides = array<i32>} : memref<8x128x64xf32, #tpu.memory_space<vmem>>, vector<1x1x16xf32>,
      %get3A_938 = vector.shape_cast %get3A_937 : vector<1x1x16xf32> to vector<16xf32>
      %mul3A_939 = arith.constant 8.000000e+00 : f32
      %mul3A_940 = vector.broadcast %mul3A_939 : f32 to vector<16xf32>
      %mul3A_941 = arith.mulf %get3A_938, %mul3A_940 : vector<16xf32>
      %swap3A_942 = arith.constant 6 : i32
      %swap3A_943 = arith.index_cast %swap3A_942 : i32 to index
      %swap3A_944 = arith.index_cast %scan3A_902 : i32 to index
      %swap3A_945 = arith.constant 32 : index
      %swap3A_946 = tpu.vector_load %arg6[%swap3A_943, %swap3A_944, %swap3A_945] {strides = array<i32>} : memref<8x128x64xf32, #tpu.memory_space<vmem>>, vector<1x1x16xf32>,
      %swap3A_947 = vector.shape_cast %swap3A_946 : vector<1x1x16xf32> to vector<16xf32>
      %swap3A_948 = vector.shape_cast %mul3A_941 : vector<16xf32> to vector<1x1x16xf32>
      tpu.vector_store %arg6[%swap3A_943, %swap3A_944, %swap3A_945], %swap3A_948 {strides = array<i32>} : memref<8x128x64xf32, #tpu.memory_space<vmem>>, vector<1x1x16xf32>,
      %get3A_949 = arith.constant 6 : i32
      %get3A_950 = arith.index_cast %get3A_949 : i32 to index
      %get3A_951 = arith.index_cast %scan3A_902 : i32 to index
      %get3A_952 = arith.constant 48 : index
      %get3A_953 = tpu.vector_load %arg6[%get3A_950, %get3A_951, %get3A_952] {strides = array<i32>} : memref<8x128x64xf32, #tpu.memory_space<vmem>>, vector<1x1x16xf32>,
      %get3A_954 = vector.shape_cast %get3A_953 : vector<1x1x16xf32> to vector<16xf32>
      %mul3A_955 = arith.constant 8.000000e+00 : f32
      %mul3A_956 = vector.broadcast %mul3A_955 : f32 to vector<16xf32>
      %mul3A_957 = arith.mulf %get3A_954, %mul3A_956 : vector<16xf32>
      %swap3A_958 = arith.constant 6 : i32
      %swap3A_959 = arith.index_cast %swap3A_958 : i32 to index
      %swap3A_960 = arith.index_cast %scan3A_902 : i32 to index
      %swap3A_961 = arith.constant 48 : index
      %swap3A_962 = tpu.vector_load %arg6[%swap3A_959, %swap3A_960, %swap3A_961] {strides = array<i32>} : memref<8x128x64xf32, #tpu.memory_space<vmem>>, vector<1x1x16xf32>,
      %swap3A_963 = vector.shape_cast %swap3A_962 : vector<1x1x16xf32> to vector<16xf32>
      %swap3A_964 = vector.shape_cast %mul3A_957 : vector<16xf32> to vector<1x1x16xf32>
      tpu.vector_store %arg6[%swap3A_959, %swap3A_960, %swap3A_961], %swap3A_964 {strides = array<i32>} : memref<8x128x64xf32, #tpu.memory_space<vmem>>, vector<1x1x16xf32>,
    }
    %scan3A_381 = arith.constant 128 : i32
    %add3A_382 = arith.constant 768 : i32
    %add3A_383 = arith.addi %mul3A_2, %add3A_382 : i32
    %dma_start3A_384 = arith.constant 6 : i32
    %dma_start3A_385 = arith.constant 0 : i32
    %dma_start3A_386 = arith.constant 0 : i32
    %dma_start3A_387 = tpu.memref_slice %arg6[%dma_start3A_384, %dma_start3A_385, %dma_start3A_386] : memref<8x128x64xf32, #tpu.memory_space<vmem>> -> memref<1x128x64xf32, #tpu.memory_space<vmem>>
    %dma_start3A_388 = tpu.memref_squeeze %dma_start3A_387 : memref<1x128x64xf32, #tpu.memory_space<vmem>> -> memref<128x64xf32, #tpu.memory_space<vmem>>
    %dma_start3A_389 = arith.constant 0 : i32
    %dma_start3A_390 = tpu.memref_slice %arg4[%add3A_383, %dma_start3A_389] : memref<819200x64xf32, #tpu.memory_space<hbm>> -> memref<128x64xf32, #tpu.memory_space<hbm>>
    %dma_start3A_391 = arith.constant 0 : i32
    %dma_start3A_392 = tpu.memref_slice %arg4[%add3A_383, %dma_start3A_391] : memref<819200x64xf32, #tpu.memory_space<hbm>> -> memref<128x64xf32, #tpu.memory_space<hbm>>
    %dma_start3A_393 = arith.constant 0 : i32
    %dma_start3A_394 = arith.constant 0 : i32
    %dma_start3A_395 = tpu.memref_slice %arg6[%dma_start3A_384, %dma_start3A_393, %dma_start3A_394] : memref<8x128x64xf32, #tpu.memory_space<vmem>> -> memref<1x128x64xf32, #tpu.memory_space<vmem>>
    %dma_start3A_396 = tpu.memref_squeeze %dma_start3A_395 : memref<1x128x64xf32, #tpu.memory_space<vmem>> -> memref<128x64xf32, #tpu.memory_space<vmem>>
    tpu.enqueue_dma source(%dma_start3A_396 : memref<128x64xf32, #tpu.memory_space<vmem>>) target(%dma_start3A_392 : memref<128x64xf32, #tpu.memory_space<hbm>>) target_semaphore(%arg21 : memref<!tpu.dma_semaphore, #tpu.memory_space<semaphore_mem>>)
    %add3A_397 = arith.constant 512 : i32
    %add3A_398 = arith.addi %mul3A_2, %add3A_397 : i32
    %dma_wait3A_399 = arith.constant 4 : i32
    %dma_wait3A_400 = arith.constant 0 : i32
    %dma_wait3A_401 = arith.constant 0 : i32
    %dma_wait3A_402 = tpu.memref_slice %arg6[%dma_wait3A_399, %dma_wait3A_400, %dma_wait3A_401] : memref<8x128x64xf32, #tpu.memory_space<vmem>> -> memref<1x128x64xf32, #tpu.memory_space<vmem>>
    %dma_wait3A_403 = tpu.memref_squeeze %dma_wait3A_402 : memref<1x128x64xf32, #tpu.memory_space<vmem>> -> memref<128x64xf32, #tpu.memory_space<vmem>>
    %dma_wait3A_404 = arith.constant 0 : i32
    %dma_wait3A_405 = tpu.memref_slice %arg4[%add3A_398, %dma_wait3A_404] : memref<819200x64xf32, #tpu.memory_space<hbm>> -> memref<128x64xf32, #tpu.memory_space<hbm>>
    %dma_wait3A_406 = arith.constant 0 : i32
    %dma_wait3A_407 = tpu.memref_slice %arg4[%add3A_398, %dma_wait3A_406] : memref<819200x64xf32, #tpu.memory_space<hbm>> -> memref<128x64xf32, #tpu.memory_space<hbm>>
    %dma_wait3A_408 = arith.constant 0 : i32
    %dma_wait3A_409 = arith.constant 0 : i32
    %dma_wait3A_410 = tpu.memref_slice %arg6[%dma_wait3A_399, %dma_wait3A_408, %dma_wait3A_409] : memref<8x128x64xf32, #tpu.memory_space<vmem>> -> memref<1x128x64xf32, #tpu.memory_space<vmem>>
    %dma_wait3A_411 = tpu.memref_squeeze %dma_wait3A_410 : memref<1x128x64xf32, #tpu.memory_space<vmem>> -> memref<128x64xf32, #tpu.memory_space<vmem>>
    tpu.wait_dma2 semaphore(%arg19 : memref<!tpu.dma_semaphore, #tpu.memory_space<semaphore_mem>>) src(%dma_wait3A_411 : memref<128x64xf32, #tpu.memory_space<vmem>>) dst(%dma_wait3A_407 : memref<128x64xf32, #tpu.memory_space<hbm>>)
    %dma_start3A_412 = arith.constant 4 : i32
    %dma_start3A_413 = arith.constant 0 : i32
    %dma_start3A_414 = arith.constant 0 : i32
    %dma_start3A_415 = tpu.memref_slice %arg6[%dma_start3A_412, %dma_start3A_413, %dma_start3A_414] : memref<8x128x64xf32, #tpu.memory_space<vmem>> -> memref<1x128x64xf32, #tpu.memory_space<vmem>>
    %dma_start3A_416 = tpu.memref_squeeze %dma_start3A_415 : memref<1x128x64xf32, #tpu.memory_space<vmem>> -> memref<128x64xf32, #tpu.memory_space<vmem>>
    %dma_start3A_417 = arith.constant 1536 : i32
    %dma_start3A_418 = tpu.memref_slice %arg5[%dma_start3A_417] : memref<25600xi32, #tpu.memory_space<vmem>> -> memref<128xi32, #tpu.memory_space<vmem>>
    %dma_start3A_419 = arith.constant 0 : i32
    %dma_start3A_420 = arith.constant 0 : i32
    %dma_start3A_421 = tpu.memref_slice %arg3[%dma_start3A_419, %dma_start3A_420] : memref<1000000x64xf32, #tpu.memory_space<hbm>> -> memref<1000000x64xf32, #tpu.memory_space<hbm>>
    tpu.enqueue_indirect_dma source(%dma_start3A_421 : memref<1000000x64xf32, #tpu.memory_space<hbm>>) target(%dma_start3A_416 : memref<128x64xf32, #tpu.memory_space<vmem>>) offsets(%dma_start3A_418 : memref<128xi32, #tpu.memory_space<vmem>>) semaphore(%arg11 : memref<!tpu.dma_semaphore, #tpu.memory_space<semaphore_mem>>)
    %dma_wait3A_422 = arith.constant 7 : i32
    %dma_wait3A_423 = arith.constant 0 : i32
    %dma_wait3A_424 = arith.constant 0 : i32
    %dma_wait3A_425 = tpu.memref_slice %arg6[%dma_wait3A_422, %dma_wait3A_423, %dma_wait3A_424] : memref<8x128x64xf32, #tpu.memory_space<vmem>> -> memref<1x128x64xf32, #tpu.memory_space<vmem>>
    %dma_wait3A_426 = tpu.memref_squeeze %dma_wait3A_425 : memref<1x128x64xf32, #tpu.memory_space<vmem>> -> memref<128x64xf32, #tpu.memory_space<vmem>>
    %dma_wait3A_427 = arith.constant 896 : i32
    %dma_wait3A_428 = tpu.memref_slice %arg5[%dma_wait3A_427] : memref<25600xi32, #tpu.memory_space<vmem>> -> memref<128xi32, #tpu.memory_space<vmem>>
    %dma_wait3A_429 = arith.constant 0 : i32
    %dma_wait3A_430 = arith.constant 0 : i32
    %dma_wait3A_431 = tpu.memref_slice %arg3[%dma_wait3A_429, %dma_wait3A_430] : memref<1000000x64xf32, #tpu.memory_space<hbm>> -> memref<1000000x64xf32, #tpu.memory_space<hbm>>
    tpu.wait_indirect_dma semaphore(%arg14 : memref<!tpu.dma_semaphore, #tpu.memory_space<semaphore_mem>>) src(%dma_wait3A_431 : memref<1000000x64xf32, #tpu.memory_space<hbm>>) dst(%dma_wait3A_426 : memref<128x64xf32, #tpu.memory_space<vmem>>)
    %scan3A_432 = arith.constant 0 : i32
    %scan3A_433 = arith.constant 0 : i32
    %scan3A_434 = arith.constant 128 : i32
    %scan3A_435 = arith.addi %scan3A_433, %scan3A_434 : i32
    %scan3A_436 = arith.constant 1 : i32
    scf.for %scan3A_902 = %scan3A_433 to %scan3A_435 step %scan3A_436  : i32 {
      %get3A = arith.constant 7 : i32
      %get3A_903 = arith.index_cast %get3A : i32 to index
      %get3A_904 = arith.index_cast %scan3A_902 : i32 to index
      %get3A_905 = arith.constant 0 : index
      %get3A_906 = tpu.vector_load %arg6[%get3A_903, %get3A_904, %get3A_905] {strides = array<i32>} : memref<8x128x64xf32, #tpu.memory_space<vmem>>, vector<1x1x16xf32>,
      %get3A_907 = vector.shape_cast %get3A_906 : vector<1x1x16xf32> to vector<16xf32>
      %mul3A_908 = arith.constant 8.000000e+00 : f32
      %mul3A_909 = vector.broadcast %mul3A_908 : f32 to vector<16xf32>
      %mul3A_910 = arith.mulf %get3A_907, %mul3A_909 : vector<16xf32>
      %swap3A = arith.constant 7 : i32
      %swap3A_911 = arith.index_cast %swap3A : i32 to index
      %swap3A_912 = arith.index_cast %scan3A_902 : i32 to index
      %swap3A_913 = arith.constant 0 : index
      %swap3A_914 = tpu.vector_load %arg6[%swap3A_911, %swap3A_912, %swap3A_913] {strides = array<i32>} : memref<8x128x64xf32, #tpu.memory_space<vmem>>, vector<1x1x16xf32>,
      %swap3A_915 = vector.shape_cast %swap3A_914 : vector<1x1x16xf32> to vector<16xf32>
      %swap3A_916 = vector.shape_cast %mul3A_910 : vector<16xf32> to vector<1x1x16xf32>
      tpu.vector_store %arg6[%swap3A_911, %swap3A_912, %swap3A_913], %swap3A_916 {strides = array<i32>} : memref<8x128x64xf32, #tpu.memory_space<vmem>>, vector<1x1x16xf32>,
      %get3A_917 = arith.constant 7 : i32
      %get3A_918 = arith.index_cast %get3A_917 : i32 to index
      %get3A_919 = arith.index_cast %scan3A_902 : i32 to index
      %get3A_920 = arith.constant 16 : index
      %get3A_921 = tpu.vector_load %arg6[%get3A_918, %get3A_919, %get3A_920] {strides = array<i32>} : memref<8x128x64xf32, #tpu.memory_space<vmem>>, vector<1x1x16xf32>,
      %get3A_922 = vector.shape_cast %get3A_921 : vector<1x1x16xf32> to vector<16xf32>
      %mul3A_923 = arith.constant 8.000000e+00 : f32
      %mul3A_924 = vector.broadcast %mul3A_923 : f32 to vector<16xf32>
      %mul3A_925 = arith.mulf %get3A_922, %mul3A_924 : vector<16xf32>
      %swap3A_926 = arith.constant 7 : i32
      %swap3A_927 = arith.index_cast %swap3A_926 : i32 to index
      %swap3A_928 = arith.index_cast %scan3A_902 : i32 to index
      %swap3A_929 = arith.constant 16 : index
      %swap3A_930 = tpu.vector_load %arg6[%swap3A_927, %swap3A_928, %swap3A_929] {strides = array<i32>} : memref<8x128x64xf32, #tpu.memory_space<vmem>>, vector<1x1x16xf32>,
      %swap3A_931 = vector.shape_cast %swap3A_930 : vector<1x1x16xf32> to vector<16xf32>
      %swap3A_932 = vector.shape_cast %mul3A_925 : vector<16xf32> to vector<1x1x16xf32>
      tpu.vector_store %arg6[%swap3A_927, %swap3A_928, %swap3A_929], %swap3A_932 {strides = array<i32>} : memref<8x128x64xf32, #tpu.memory_space<vmem>>, vector<1x1x16xf32>,
      %get3A_933 = arith.constant 7 : i32
      %get3A_934 = arith.index_cast %get3A_933 : i32 to index
      %get3A_935 = arith.index_cast %scan3A_902 : i32 to index
      %get3A_936 = arith.constant 32 : index
      %get3A_937 = tpu.vector_load %arg6[%get3A_934, %get3A_935, %get3A_936] {strides = array<i32>} : memref<8x128x64xf32, #tpu.memory_space<vmem>>, vector<1x1x16xf32>,
      %get3A_938 = vector.shape_cast %get3A_937 : vector<1x1x16xf32> to vector<16xf32>
      %mul3A_939 = arith.constant 8.000000e+00 : f32
      %mul3A_940 = vector.broadcast %mul3A_939 : f32 to vector<16xf32>
      %mul3A_941 = arith.mulf %get3A_938, %mul3A_940 : vector<16xf32>
      %swap3A_942 = arith.constant 7 : i32
      %swap3A_943 = arith.index_cast %swap3A_942 : i32 to index
      %swap3A_944 = arith.index_cast %scan3A_902 : i32 to index
      %swap3A_945 = arith.constant 32 : index
      %swap3A_946 = tpu.vector_load %arg6[%swap3A_943, %swap3A_944, %swap3A_945] {strides = array<i32>} : memref<8x128x64xf32, #tpu.memory_space<vmem>>, vector<1x1x16xf32>,
      %swap3A_947 = vector.shape_cast %swap3A_946 : vector<1x1x16xf32> to vector<16xf32>
      %swap3A_948 = vector.shape_cast %mul3A_941 : vector<16xf32> to vector<1x1x16xf32>
      tpu.vector_store %arg6[%swap3A_943, %swap3A_944, %swap3A_945], %swap3A_948 {strides = array<i32>} : memref<8x128x64xf32, #tpu.memory_space<vmem>>, vector<1x1x16xf32>,
      %get3A_949 = arith.constant 7 : i32
      %get3A_950 = arith.index_cast %get3A_949 : i32 to index
      %get3A_951 = arith.index_cast %scan3A_902 : i32 to index
      %get3A_952 = arith.constant 48 : index
      %get3A_953 = tpu.vector_load %arg6[%get3A_950, %get3A_951, %get3A_952] {strides = array<i32>} : memref<8x128x64xf32, #tpu.memory_space<vmem>>, vector<1x1x16xf32>,
      %get3A_954 = vector.shape_cast %get3A_953 : vector<1x1x16xf32> to vector<16xf32>
      %mul3A_955 = arith.constant 8.000000e+00 : f32
      %mul3A_956 = vector.broadcast %mul3A_955 : f32 to vector<16xf32>
      %mul3A_957 = arith.mulf %get3A_954, %mul3A_956 : vector<16xf32>
      %swap3A_958 = arith.constant 7 : i32
      %swap3A_959 = arith.index_cast %swap3A_958 : i32 to index
      %swap3A_960 = arith.index_cast %scan3A_902 : i32 to index
      %swap3A_961 = arith.constant 48 : index
      %swap3A_962 = tpu.vector_load %arg6[%swap3A_959, %swap3A_960, %swap3A_961] {strides = array<i32>} : memref<8x128x64xf32, #tpu.memory_space<vmem>>, vector<1x1x16xf32>,
      %swap3A_963 = vector.shape_cast %swap3A_962 : vector<1x1x16xf32> to vector<16xf32>
      %swap3A_964 = vector.shape_cast %mul3A_957 : vector<16xf32> to vector<1x1x16xf32>
      tpu.vector_store %arg6[%swap3A_959, %swap3A_960, %swap3A_961], %swap3A_964 {strides = array<i32>} : memref<8x128x64xf32, #tpu.memory_space<vmem>>, vector<1x1x16xf32>,
    }
    %scan3A_437 = arith.constant 128 : i32
    %add3A_438 = arith.constant 896 : i32
    %add3A_439 = arith.addi %mul3A_2, %add3A_438 : i32
    %dma_start3A_440 = arith.constant 7 : i32
    %dma_start3A_441 = arith.constant 0 : i32
    %dma_start3A_442 = arith.constant 0 : i32
    %dma_start3A_443 = tpu.memref_slice %arg6[%dma_start3A_440, %dma_start3A_441, %dma_start3A_442] : memref<8x128x64xf32, #tpu.memory_space<vmem>> -> memref<1x128x64xf32, #tpu.memory_space<vmem>>
    %dma_start3A_444 = tpu.memref_squeeze %dma_start3A_443 : memref<1x128x64xf32, #tpu.memory_space<vmem>> -> memref<128x64xf32, #tpu.memory_space<vmem>>
    %dma_start3A_445 = arith.constant 0 : i32
    %dma_start3A_446 = tpu.memref_slice %arg4[%add3A_439, %dma_start3A_445] : memref<819200x64xf32, #tpu.memory_space<hbm>> -> memref<128x64xf32, #tpu.memory_space<hbm>>
    %dma_start3A_447 = arith.constant 0 : i32
    %dma_start3A_448 = tpu.memref_slice %arg4[%add3A_439, %dma_start3A_447] : memref<819200x64xf32, #tpu.memory_space<hbm>> -> memref<128x64xf32, #tpu.memory_space<hbm>>
    %dma_start3A_449 = arith.constant 0 : i32
    %dma_start3A_450 = arith.constant 0 : i32
    %dma_start3A_451 = tpu.memref_slice %arg6[%dma_start3A_440, %dma_start3A_449, %dma_start3A_450] : memref<8x128x64xf32, #tpu.memory_space<vmem>> -> memref<1x128x64xf32, #tpu.memory_space<vmem>>
    %dma_start3A_452 = tpu.memref_squeeze %dma_start3A_451 : memref<1x128x64xf32, #tpu.memory_space<vmem>> -> memref<128x64xf32, #tpu.memory_space<vmem>>
    tpu.enqueue_dma source(%dma_start3A_452 : memref<128x64xf32, #tpu.memory_space<vmem>>) target(%dma_start3A_448 : memref<128x64xf32, #tpu.memory_space<hbm>>) target_semaphore(%arg22 : memref<!tpu.dma_semaphore, #tpu.memory_space<semaphore_mem>>)
    %add3A_453 = arith.constant 640 : i32
    %add3A_454 = arith.addi %mul3A_2, %add3A_453 : i32
    %dma_wait3A_455 = arith.constant 5 : i32
    %dma_wait3A_456 = arith.constant 0 : i32
    %dma_wait3A_457 = arith.constant 0 : i32
    %dma_wait3A_458 = tpu.memref_slice %arg6[%dma_wait3A_455, %dma_wait3A_456, %dma_wait3A_457] : memref<8x128x64xf32, #tpu.memory_space<vmem>> -> memref<1x128x64xf32, #tpu.memory_space<vmem>>
    %dma_wait3A_459 = tpu.memref_squeeze %dma_wait3A_458 : memref<1x128x64xf32, #tpu.memory_space<vmem>> -> memref<128x64xf32, #tpu.memory_space<vmem>>
    %dma_wait3A_460 = arith.constant 0 : i32
    %dma_wait3A_461 = tpu.memref_slice %arg4[%add3A_454, %dma_wait3A_460] : memref<819200x64xf32, #tpu.memory_space<hbm>> -> memref<128x64xf32, #tpu.memory_space<hbm>>
    %dma_wait3A_462 = arith.constant 0 : i32
    %dma_wait3A_463 = tpu.memref_slice %arg4[%add3A_454, %dma_wait3A_462] : memref<819200x64xf32, #tpu.memory_space<hbm>> -> memref<128x64xf32, #tpu.memory_space<hbm>>
    %dma_wait3A_464 = arith.constant 0 : i32
    %dma_wait3A_465 = arith.constant 0 : i32
    %dma_wait3A_466 = tpu.memref_slice %arg6[%dma_wait3A_455, %dma_wait3A_464, %dma_wait3A_465] : memref<8x128x64xf32, #tpu.memory_space<vmem>> -> memref<1x128x64xf32, #tpu.memory_space<vmem>>
    %dma_wait3A_467 = tpu.memref_squeeze %dma_wait3A_466 : memref<1x128x64xf32, #tpu.memory_space<vmem>> -> memref<128x64xf32, #tpu.memory_space<vmem>>
    tpu.wait_dma2 semaphore(%arg20 : memref<!tpu.dma_semaphore, #tpu.memory_space<semaphore_mem>>) src(%dma_wait3A_467 : memref<128x64xf32, #tpu.memory_space<vmem>>) dst(%dma_wait3A_463 : memref<128x64xf32, #tpu.memory_space<hbm>>)
    %dma_start3A_468 = arith.constant 5 : i32
    %dma_start3A_469 = arith.constant 0 : i32
    %dma_start3A_470 = arith.constant 0 : i32
    %dma_start3A_471 = tpu.memref_slice %arg6[%dma_start3A_468, %dma_start3A_469, %dma_start3A_470] : memref<8x128x64xf32, #tpu.memory_space<vmem>> -> memref<1x128x64xf32, #tpu.memory_space<vmem>>
    %dma_start3A_472 = tpu.memref_squeeze %dma_start3A_471 : memref<1x128x64xf32, #tpu.memory_space<vmem>> -> memref<128x64xf32, #tpu.memory_space<vmem>>
    %dma_start3A_473 = arith.constant 1664 : i32
    %dma_start3A_474 = tpu.memref_slice %arg5[%dma_start3A_473] : memref<25600xi32, #tpu.memory_space<vmem>> -> memref<128xi32, #tpu.memory_space<vmem>>
    %dma_start3A_475 = arith.constant 0 : i32
    %dma_start3A_476 = arith.constant 0 : i32
    %dma_start3A_477 = tpu.memref_slice %arg3[%dma_start3A_475, %dma_start3A_476] : memref<1000000x64xf32, #tpu.memory_space<hbm>> -> memref<1000000x64xf32, #tpu.memory_space<hbm>>
    tpu.enqueue_indirect_dma source(%dma_start3A_477 : memref<1000000x64xf32, #tpu.memory_space<hbm>>) target(%dma_start3A_472 : memref<128x64xf32, #tpu.memory_space<vmem>>) offsets(%dma_start3A_474 : memref<128xi32, #tpu.memory_space<vmem>>) semaphore(%arg12 : memref<!tpu.dma_semaphore, #tpu.memory_space<semaphore_mem>>)
    %scan3A_478 = arith.constant 0 : i32
    %scan3A_479 = arith.constant 1 : i32
    %scan3A_480 = arith.constant 23 : i32
    %scan3A_481 = arith.addi %scan3A_479, %scan3A_480 : i32
    %scan3A_482 = arith.constant 1 : i32
    scf.for %scan3A_902 = %scan3A_479 to %scan3A_481 step %scan3A_482  : i32 {
      %mul3A_903 = arith.constant 8 : i32
      %mul3A_904 = arith.muli %scan3A_902, %mul3A_903 : i32
      %add3A_905 = arith.constant 0 : i32
      %add3A_906 = arith.addi %mul3A_904, %add3A_905 : i32
      %mul3A_907 = arith.constant 128 : i32
      %mul3A_908 = arith.muli %add3A_906, %mul3A_907 : i32
      %dma_wait3A_909 = arith.constant 0 : i32
      %dma_wait3A_910 = arith.constant 0 : i32
      %dma_wait3A_911 = arith.constant 0 : i32
      %dma_wait3A_912 = tpu.memref_slice %arg6[%dma_wait3A_909, %dma_wait3A_910, %dma_wait3A_911] : memref<8x128x64xf32, #tpu.memory_space<vmem>> -> memref<1x128x64xf32, #tpu.memory_space<vmem>>
      %dma_wait3A_913 = tpu.memref_squeeze %dma_wait3A_912 : memref<1x128x64xf32, #tpu.memory_space<vmem>> -> memref<128x64xf32, #tpu.memory_space<vmem>>
      %dma_wait3A_914 = tpu.memref_slice %arg5[%mul3A_908] : memref<25600xi32, #tpu.memory_space<vmem>> -> memref<128xi32, #tpu.memory_space<vmem>>
      %dma_wait3A_915 = arith.constant 0 : i32
      %dma_wait3A_916 = arith.constant 0 : i32
      %dma_wait3A_917 = tpu.memref_slice %arg3[%dma_wait3A_915, %dma_wait3A_916] : memref<1000000x64xf32, #tpu.memory_space<hbm>> -> memref<1000000x64xf32, #tpu.memory_space<hbm>>
      tpu.wait_indirect_dma semaphore(%arg7 : memref<!tpu.dma_semaphore, #tpu.memory_space<semaphore_mem>>) src(%dma_wait3A_917 : memref<1000000x64xf32, #tpu.memory_space<hbm>>) dst(%dma_wait3A_913 : memref<128x64xf32, #tpu.memory_space<vmem>>)
      %scan3A_918 = arith.constant 0 : i32
      %scan3A_919 = arith.constant 0 : i32
      %scan3A_920 = arith.constant 128 : i32
      %scan3A_921 = arith.addi %scan3A_919, %scan3A_920 : i32
      %scan3A_922 = arith.constant 1 : i32
      scf.for %scan3A_1432 = %scan3A_919 to %scan3A_921 step %scan3A_922  : i32 {
        %get3A = arith.constant 0 : i32
        %get3A_1433 = arith.index_cast %get3A : i32 to index
        %get3A_1434 = arith.index_cast %scan3A_1432 : i32 to index
        %get3A_1435 = arith.constant 0 : index
        %get3A_1436 = tpu.vector_load %arg6[%get3A_1433, %get3A_1434, %get3A_1435] {strides = array<i32>} : memref<8x128x64xf32, #tpu.memory_space<vmem>>, vector<1x1x16xf32>,
        %get3A_1437 = vector.shape_cast %get3A_1436 : vector<1x1x16xf32> to vector<16xf32>
        %mul3A_1438 = arith.constant 8.000000e+00 : f32
        %mul3A_1439 = vector.broadcast %mul3A_1438 : f32 to vector<16xf32>
        %mul3A_1440 = arith.mulf %get3A_1437, %mul3A_1439 : vector<16xf32>
        %swap3A = arith.constant 0 : i32
        %swap3A_1441 = arith.index_cast %swap3A : i32 to index
        %swap3A_1442 = arith.index_cast %scan3A_1432 : i32 to index
        %swap3A_1443 = arith.constant 0 : index
        %swap3A_1444 = tpu.vector_load %arg6[%swap3A_1441, %swap3A_1442, %swap3A_1443] {strides = array<i32>} : memref<8x128x64xf32, #tpu.memory_space<vmem>>, vector<1x1x16xf32>,
        %swap3A_1445 = vector.shape_cast %swap3A_1444 : vector<1x1x16xf32> to vector<16xf32>
        %swap3A_1446 = vector.shape_cast %mul3A_1440 : vector<16xf32> to vector<1x1x16xf32>
        tpu.vector_store %arg6[%swap3A_1441, %swap3A_1442, %swap3A_1443], %swap3A_1446 {strides = array<i32>} : memref<8x128x64xf32, #tpu.memory_space<vmem>>, vector<1x1x16xf32>,
        %get3A_1447 = arith.constant 0 : i32
        %get3A_1448 = arith.index_cast %get3A_1447 : i32 to index
        %get3A_1449 = arith.index_cast %scan3A_1432 : i32 to index
        %get3A_1450 = arith.constant 16 : index
        %get3A_1451 = tpu.vector_load %arg6[%get3A_1448, %get3A_1449, %get3A_1450] {strides = array<i32>} : memref<8x128x64xf32, #tpu.memory_space<vmem>>, vector<1x1x16xf32>,
        %get3A_1452 = vector.shape_cast %get3A_1451 : vector<1x1x16xf32> to vector<16xf32>
        %mul3A_1453 = arith.constant 8.000000e+00 : f32
        %mul3A_1454 = vector.broadcast %mul3A_1453 : f32 to vector<16xf32>
        %mul3A_1455 = arith.mulf %get3A_1452, %mul3A_1454 : vector<16xf32>
        %swap3A_1456 = arith.constant 0 : i32
        %swap3A_1457 = arith.index_cast %swap3A_1456 : i32 to index
        %swap3A_1458 = arith.index_cast %scan3A_1432 : i32 to index
        %swap3A_1459 = arith.constant 16 : index
        %swap3A_1460 = tpu.vector_load %arg6[%swap3A_1457, %swap3A_1458, %swap3A_1459] {strides = array<i32>} : memref<8x128x64xf32, #tpu.memory_space<vmem>>, vector<1x1x16xf32>,
        %swap3A_1461 = vector.shape_cast %swap3A_1460 : vector<1x1x16xf32> to vector<16xf32>
        %swap3A_1462 = vector.shape_cast %mul3A_1455 : vector<16xf32> to vector<1x1x16xf32>
        tpu.vector_store %arg6[%swap3A_1457, %swap3A_1458, %swap3A_1459], %swap3A_1462 {strides = array<i32>} : memref<8x128x64xf32, #tpu.memory_space<vmem>>, vector<1x1x16xf32>,
        %get3A_1463 = arith.constant 0 : i32
        %get3A_1464 = arith.index_cast %get3A_1463 : i32 to index
        %get3A_1465 = arith.index_cast %scan3A_1432 : i32 to index
        %get3A_1466 = arith.constant 32 : index
        %get3A_1467 = tpu.vector_load %arg6[%get3A_1464, %get3A_1465, %get3A_1466] {strides = array<i32>} : memref<8x128x64xf32, #tpu.memory_space<vmem>>, vector<1x1x16xf32>,
        %get3A_1468 = vector.shape_cast %get3A_1467 : vector<1x1x16xf32> to vector<16xf32>
        %mul3A_1469 = arith.constant 8.000000e+00 : f32
        %mul3A_1470 = vector.broadcast %mul3A_1469 : f32 to vector<16xf32>
        %mul3A_1471 = arith.mulf %get3A_1468, %mul3A_1470 : vector<16xf32>
        %swap3A_1472 = arith.constant 0 : i32
        %swap3A_1473 = arith.index_cast %swap3A_1472 : i32 to index
        %swap3A_1474 = arith.index_cast %scan3A_1432 : i32 to index
        %swap3A_1475 = arith.constant 32 : index
        %swap3A_1476 = tpu.vector_load %arg6[%swap3A_1473, %swap3A_1474, %swap3A_1475] {strides = array<i32>} : memref<8x128x64xf32, #tpu.memory_space<vmem>>, vector<1x1x16xf32>,
        %swap3A_1477 = vector.shape_cast %swap3A_1476 : vector<1x1x16xf32> to vector<16xf32>
        %swap3A_1478 = vector.shape_cast %mul3A_1471 : vector<16xf32> to vector<1x1x16xf32>
        tpu.vector_store %arg6[%swap3A_1473, %swap3A_1474, %swap3A_1475], %swap3A_1478 {strides = array<i32>} : memref<8x128x64xf32, #tpu.memory_space<vmem>>, vector<1x1x16xf32>,
        %get3A_1479 = arith.constant 0 : i32
        %get3A_1480 = arith.index_cast %get3A_1479 : i32 to index
        %get3A_1481 = arith.index_cast %scan3A_1432 : i32 to index
        %get3A_1482 = arith.constant 48 : index
        %get3A_1483 = tpu.vector_load %arg6[%get3A_1480, %get3A_1481, %get3A_1482] {strides = array<i32>} : memref<8x128x64xf32, #tpu.memory_space<vmem>>, vector<1x1x16xf32>,
        %get3A_1484 = vector.shape_cast %get3A_1483 : vector<1x1x16xf32> to vector<16xf32>
        %mul3A_1485 = arith.constant 8.000000e+00 : f32
        %mul3A_1486 = vector.broadcast %mul3A_1485 : f32 to vector<16xf32>
        %mul3A_1487 = arith.mulf %get3A_1484, %mul3A_1486 : vector<16xf32>
        %swap3A_1488 = arith.constant 0 : i32
        %swap3A_1489 = arith.index_cast %swap3A_1488 : i32 to index
        %swap3A_1490 = arith.index_cast %scan3A_1432 : i32 to index
        %swap3A_1491 = arith.constant 48 : index
        %swap3A_1492 = tpu.vector_load %arg6[%swap3A_1489, %swap3A_1490, %swap3A_1491] {strides = array<i32>} : memref<8x128x64xf32, #tpu.memory_space<vmem>>, vector<1x1x16xf32>,
        %swap3A_1493 = vector.shape_cast %swap3A_1492 : vector<1x1x16xf32> to vector<16xf32>
        %swap3A_1494 = vector.shape_cast %mul3A_1487 : vector<16xf32> to vector<1x1x16xf32>
        tpu.vector_store %arg6[%swap3A_1489, %swap3A_1490, %swap3A_1491], %swap3A_1494 {strides = array<i32>} : memref<8x128x64xf32, #tpu.memory_space<vmem>>, vector<1x1x16xf32>,
      }
      %scan3A_923 = arith.constant 128 : i32
      %mul3A_924 = arith.constant 128 : i32
      %mul3A_925 = arith.muli %add3A_906, %mul3A_924 : i32
      %add3A_926 = arith.addi %mul3A_2, %mul3A_925 : i32
      %dma_start3A_927 = arith.constant 0 : i32
      %dma_start3A_928 = arith.constant 0 : i32
      %dma_start3A_929 = arith.constant 0 : i32
      %dma_start3A_930 = tpu.memref_slice %arg6[%dma_start3A_927, %dma_start3A_928, %dma_start3A_929] : memref<8x128x64xf32, #tpu.memory_space<vmem>> -> memref<1x128x64xf32, #tpu.memory_space<vmem>>
      %dma_start3A_931 = tpu.memref_squeeze %dma_start3A_930 : memref<1x128x64xf32, #tpu.memory_space<vmem>> -> memref<128x64xf32, #tpu.memory_space<vmem>>
      %dma_start3A_932 = arith.constant 0 : i32
      %dma_start3A_933 = tpu.memref_slice %arg4[%add3A_926, %dma_start3A_932] : memref<819200x64xf32, #tpu.memory_space<hbm>> -> memref<128x64xf32, #tpu.memory_space<hbm>>
      %dma_start3A_934 = arith.constant 0 : i32
      %dma_start3A_935 = tpu.memref_slice %arg4[%add3A_926, %dma_start3A_934] : memref<819200x64xf32, #tpu.memory_space<hbm>> -> memref<128x64xf32, #tpu.memory_space<hbm>>
      %dma_start3A_936 = arith.constant 0 : i32
      %dma_start3A_937 = arith.constant 0 : i32
      %dma_start3A_938 = tpu.memref_slice %arg6[%dma_start3A_927, %dma_start3A_936, %dma_start3A_937] : memref<8x128x64xf32, #tpu.memory_space<vmem>> -> memref<1x128x64xf32, #tpu.memory_space<vmem>>
      %dma_start3A_939 = tpu.memref_squeeze %dma_start3A_938 : memref<1x128x64xf32, #tpu.memory_space<vmem>> -> memref<128x64xf32, #tpu.memory_space<vmem>>
      tpu.enqueue_dma source(%dma_start3A_939 : memref<128x64xf32, #tpu.memory_space<vmem>>) target(%dma_start3A_935 : memref<128x64xf32, #tpu.memory_space<hbm>>) target_semaphore(%arg15 : memref<!tpu.dma_semaphore, #tpu.memory_space<semaphore_mem>>)
      %add3A_940 = arith.constant 6 : i32
      %add3A_941 = arith.addi %add3A_906, %add3A_940 : i32
      %sub3A = arith.constant 8 : i32
      %sub3A_942 = arith.subi %add3A_941, %sub3A : i32
      %mul3A_943 = arith.constant 128 : i32
      %mul3A_944 = arith.muli %sub3A_942, %mul3A_943 : i32
      %add3A_945 = arith.addi %mul3A_2, %mul3A_944 : i32
      %dma_wait3A_946 = arith.constant 6 : i32
      %dma_wait3A_947 = arith.constant 0 : i32
      %dma_wait3A_948 = arith.constant 0 : i32
      %dma_wait3A_949 = tpu.memref_slice %arg6[%dma_wait3A_946, %dma_wait3A_947, %dma_wait3A_948] : memref<8x128x64xf32, #tpu.memory_space<vmem>> -> memref<1x128x64xf32, #tpu.memory_space<vmem>>
      %dma_wait3A_950 = tpu.memref_squeeze %dma_wait3A_949 : memref<1x128x64xf32, #tpu.memory_space<vmem>> -> memref<128x64xf32, #tpu.memory_space<vmem>>
      %dma_wait3A_951 = arith.constant 0 : i32
      %dma_wait3A_952 = tpu.memref_slice %arg4[%add3A_945, %dma_wait3A_951] : memref<819200x64xf32, #tpu.memory_space<hbm>> -> memref<128x64xf32, #tpu.memory_space<hbm>>
      %dma_wait3A_953 = arith.constant 0 : i32
      %dma_wait3A_954 = tpu.memref_slice %arg4[%add3A_945, %dma_wait3A_953] : memref<819200x64xf32, #tpu.memory_space<hbm>> -> memref<128x64xf32, #tpu.memory_space<hbm>>
      %dma_wait3A_955 = arith.constant 0 : i32
      %dma_wait3A_956 = arith.constant 0 : i32
      %dma_wait3A_957 = tpu.memref_slice %arg6[%dma_wait3A_946, %dma_wait3A_955, %dma_wait3A_956] : memref<8x128x64xf32, #tpu.memory_space<vmem>> -> memref<1x128x64xf32, #tpu.memory_space<vmem>>
      %dma_wait3A_958 = tpu.memref_squeeze %dma_wait3A_957 : memref<1x128x64xf32, #tpu.memory_space<vmem>> -> memref<128x64xf32, #tpu.memory_space<vmem>>
      tpu.wait_dma2 semaphore(%arg21 : memref<!tpu.dma_semaphore, #tpu.memory_space<semaphore_mem>>) src(%dma_wait3A_958 : memref<128x64xf32, #tpu.memory_space<vmem>>) dst(%dma_wait3A_954 : memref<128x64xf32, #tpu.memory_space<hbm>>)
      %mul3A_959 = arith.constant 128 : i32
      %mul3A_960 = arith.muli %add3A_941, %mul3A_959 : i32
      %dma_start3A_961 = arith.constant 6 : i32
      %dma_start3A_962 = arith.constant 0 : i32
      %dma_start3A_963 = arith.constant 0 : i32
      %dma_start3A_964 = tpu.memref_slice %arg6[%dma_start3A_961, %dma_start3A_962, %dma_start3A_963] : memref<8x128x64xf32, #tpu.memory_space<vmem>> -> memref<1x128x64xf32, #tpu.memory_space<vmem>>
      %dma_start3A_965 = tpu.memref_squeeze %dma_start3A_964 : memref<1x128x64xf32, #tpu.memory_space<vmem>> -> memref<128x64xf32, #tpu.memory_space<vmem>>
      %dma_start3A_966 = tpu.memref_slice %arg5[%mul3A_960] : memref<25600xi32, #tpu.memory_space<vmem>> -> memref<128xi32, #tpu.memory_space<vmem>>
      %dma_start3A_967 = arith.constant 0 : i32
      %dma_start3A_968 = arith.constant 0 : i32
      %dma_start3A_969 = tpu.memref_slice %arg3[%dma_start3A_967, %dma_start3A_968] : memref<1000000x64xf32, #tpu.memory_space<hbm>> -> memref<1000000x64xf32, #tpu.memory_space<hbm>>
      tpu.enqueue_indirect_dma source(%dma_start3A_969 : memref<1000000x64xf32, #tpu.memory_space<hbm>>) target(%dma_start3A_965 : memref<128x64xf32, #tpu.memory_space<vmem>>) offsets(%dma_start3A_966 : memref<128xi32, #tpu.memory_space<vmem>>) semaphore(%arg13 : memref<!tpu.dma_semaphore, #tpu.memory_space<semaphore_mem>>)
      %add3A_970 = arith.constant 1 : i32
      %add3A_971 = arith.addi %mul3A_904, %add3A_970 : i32
      %mul3A_972 = arith.constant 128 : i32
      %mul3A_973 = arith.muli %add3A_971, %mul3A_972 : i32
      %dma_wait3A_974 = arith.constant 1 : i32
      %dma_wait3A_975 = arith.constant 0 : i32
      %dma_wait3A_976 = arith.constant 0 : i32
      %dma_wait3A_977 = tpu.memref_slice %arg6[%dma_wait3A_974, %dma_wait3A_975, %dma_wait3A_976] : memref<8x128x64xf32, #tpu.memory_space<vmem>> -> memref<1x128x64xf32, #tpu.memory_space<vmem>>
      %dma_wait3A_978 = tpu.memref_squeeze %dma_wait3A_977 : memref<1x128x64xf32, #tpu.memory_space<vmem>> -> memref<128x64xf32, #tpu.memory_space<vmem>>
      %dma_wait3A_979 = tpu.memref_slice %arg5[%mul3A_973] : memref<25600xi32, #tpu.memory_space<vmem>> -> memref<128xi32, #tpu.memory_space<vmem>>
      %dma_wait3A_980 = arith.constant 0 : i32
      %dma_wait3A_981 = arith.constant 0 : i32
      %dma_wait3A_982 = tpu.memref_slice %arg3[%dma_wait3A_980, %dma_wait3A_981] : memref<1000000x64xf32, #tpu.memory_space<hbm>> -> memref<1000000x64xf32, #tpu.memory_space<hbm>>
      tpu.wait_indirect_dma semaphore(%arg8 : memref<!tpu.dma_semaphore, #tpu.memory_space<semaphore_mem>>) src(%dma_wait3A_982 : memref<1000000x64xf32, #tpu.memory_space<hbm>>) dst(%dma_wait3A_978 : memref<128x64xf32, #tpu.memory_space<vmem>>)
      %scan3A_983 = arith.constant 0 : i32
      %scan3A_984 = arith.constant 0 : i32
      %scan3A_985 = arith.constant 128 : i32
      %scan3A_986 = arith.addi %scan3A_984, %scan3A_985 : i32
      %scan3A_987 = arith.constant 1 : i32
      scf.for %scan3A_1432 = %scan3A_984 to %scan3A_986 step %scan3A_987  : i32 {
        %get3A = arith.constant 1 : i32
        %get3A_1433 = arith.index_cast %get3A : i32 to index
        %get3A_1434 = arith.index_cast %scan3A_1432 : i32 to index
        %get3A_1435 = arith.constant 0 : index
        %get3A_1436 = tpu.vector_load %arg6[%get3A_1433, %get3A_1434, %get3A_1435] {strides = array<i32>} : memref<8x128x64xf32, #tpu.memory_space<vmem>>, vector<1x1x16xf32>,
        %get3A_1437 = vector.shape_cast %get3A_1436 : vector<1x1x16xf32> to vector<16xf32>
        %mul3A_1438 = arith.constant 8.000000e+00 : f32
        %mul3A_1439 = vector.broadcast %mul3A_1438 : f32 to vector<16xf32>
        %mul3A_1440 = arith.mulf %get3A_1437, %mul3A_1439 : vector<16xf32>
        %swap3A = arith.constant 1 : i32
        %swap3A_1441 = arith.index_cast %swap3A : i32 to index
        %swap3A_1442 = arith.index_cast %scan3A_1432 : i32 to index
        %swap3A_1443 = arith.constant 0 : index
        %swap3A_1444 = tpu.vector_load %arg6[%swap3A_1441, %swap3A_1442, %swap3A_1443] {strides = array<i32>} : memref<8x128x64xf32, #tpu.memory_space<vmem>>, vector<1x1x16xf32>,
        %swap3A_1445 = vector.shape_cast %swap3A_1444 : vector<1x1x16xf32> to vector<16xf32>
        %swap3A_1446 = vector.shape_cast %mul3A_1440 : vector<16xf32> to vector<1x1x16xf32>
        tpu.vector_store %arg6[%swap3A_1441, %swap3A_1442, %swap3A_1443], %swap3A_1446 {strides = array<i32>} : memref<8x128x64xf32, #tpu.memory_space<vmem>>, vector<1x1x16xf32>,
        %get3A_1447 = arith.constant 1 : i32
        %get3A_1448 = arith.index_cast %get3A_1447 : i32 to index
        %get3A_1449 = arith.index_cast %scan3A_1432 : i32 to index
        %get3A_1450 = arith.constant 16 : index
        %get3A_1451 = tpu.vector_load %arg6[%get3A_1448, %get3A_1449, %get3A_1450] {strides = array<i32>} : memref<8x128x64xf32, #tpu.memory_space<vmem>>, vector<1x1x16xf32>,
        %get3A_1452 = vector.shape_cast %get3A_1451 : vector<1x1x16xf32> to vector<16xf32>
        %mul3A_1453 = arith.constant 8.000000e+00 : f32
        %mul3A_1454 = vector.broadcast %mul3A_1453 : f32 to vector<16xf32>
        %mul3A_1455 = arith.mulf %get3A_1452, %mul3A_1454 : vector<16xf32>
        %swap3A_1456 = arith.constant 1 : i32
        %swap3A_1457 = arith.index_cast %swap3A_1456 : i32 to index
        %swap3A_1458 = arith.index_cast %scan3A_1432 : i32 to index
        %swap3A_1459 = arith.constant 16 : index
        %swap3A_1460 = tpu.vector_load %arg6[%swap3A_1457, %swap3A_1458, %swap3A_1459] {strides = array<i32>} : memref<8x128x64xf32, #tpu.memory_space<vmem>>, vector<1x1x16xf32>,
        %swap3A_1461 = vector.shape_cast %swap3A_1460 : vector<1x1x16xf32> to vector<16xf32>
        %swap3A_1462 = vector.shape_cast %mul3A_1455 : vector<16xf32> to vector<1x1x16xf32>
        tpu.vector_store %arg6[%swap3A_1457, %swap3A_1458, %swap3A_1459], %swap3A_1462 {strides = array<i32>} : memref<8x128x64xf32, #tpu.memory_space<vmem>>, vector<1x1x16xf32>,
        %get3A_1463 = arith.constant 1 : i32
        %get3A_1464 = arith.index_cast %get3A_1463 : i32 to index
        %get3A_1465 = arith.index_cast %scan3A_1432 : i32 to index
        %get3A_1466 = arith.constant 32 : index
        %get3A_1467 = tpu.vector_load %arg6[%get3A_1464, %get3A_1465, %get3A_1466] {strides = array<i32>} : memref<8x128x64xf32, #tpu.memory_space<vmem>>, vector<1x1x16xf32>,
        %get3A_1468 = vector.shape_cast %get3A_1467 : vector<1x1x16xf32> to vector<16xf32>
        %mul3A_1469 = arith.constant 8.000000e+00 : f32
        %mul3A_1470 = vector.broadcast %mul3A_1469 : f32 to vector<16xf32>
        %mul3A_1471 = arith.mulf %get3A_1468, %mul3A_1470 : vector<16xf32>
        %swap3A_1472 = arith.constant 1 : i32
        %swap3A_1473 = arith.index_cast %swap3A_1472 : i32 to index
        %swap3A_1474 = arith.index_cast %scan3A_1432 : i32 to index
        %swap3A_1475 = arith.constant 32 : index
        %swap3A_1476 = tpu.vector_load %arg6[%swap3A_1473, %swap3A_1474, %swap3A_1475] {strides = array<i32>} : memref<8x128x64xf32, #tpu.memory_space<vmem>>, vector<1x1x16xf32>,
        %swap3A_1477 = vector.shape_cast %swap3A_1476 : vector<1x1x16xf32> to vector<16xf32>
        %swap3A_1478 = vector.shape_cast %mul3A_1471 : vector<16xf32> to vector<1x1x16xf32>
        tpu.vector_store %arg6[%swap3A_1473, %swap3A_1474, %swap3A_1475], %swap3A_1478 {strides = array<i32>} : memref<8x128x64xf32, #tpu.memory_space<vmem>>, vector<1x1x16xf32>,
        %get3A_1479 = arith.constant 1 : i32
        %get3A_1480 = arith.index_cast %get3A_1479 : i32 to index
        %get3A_1481 = arith.index_cast %scan3A_1432 : i32 to index
        %get3A_1482 = arith.constant 48 : index
        %get3A_1483 = tpu.vector_load %arg6[%get3A_1480, %get3A_1481, %get3A_1482] {strides = array<i32>} : memref<8x128x64xf32, #tpu.memory_space<vmem>>, vector<1x1x16xf32>,
        %get3A_1484 = vector.shape_cast %get3A_1483 : vector<1x1x16xf32> to vector<16xf32>
        %mul3A_1485 = arith.constant 8.000000e+00 : f32
        %mul3A_1486 = vector.broadcast %mul3A_1485 : f32 to vector<16xf32>
        %mul3A_1487 = arith.mulf %get3A_1484, %mul3A_1486 : vector<16xf32>
        %swap3A_1488 = arith.constant 1 : i32
        %swap3A_1489 = arith.index_cast %swap3A_1488 : i32 to index
        %swap3A_1490 = arith.index_cast %scan3A_1432 : i32 to index
        %swap3A_1491 = arith.constant 48 : index
        %swap3A_1492 = tpu.vector_load %arg6[%swap3A_1489, %swap3A_1490, %swap3A_1491] {strides = array<i32>} : memref<8x128x64xf32, #tpu.memory_space<vmem>>, vector<1x1x16xf32>,
        %swap3A_1493 = vector.shape_cast %swap3A_1492 : vector<1x1x16xf32> to vector<16xf32>
        %swap3A_1494 = vector.shape_cast %mul3A_1487 : vector<16xf32> to vector<1x1x16xf32>
        tpu.vector_store %arg6[%swap3A_1489, %swap3A_1490, %swap3A_1491], %swap3A_1494 {strides = array<i32>} : memref<8x128x64xf32, #tpu.memory_space<vmem>>, vector<1x1x16xf32>,
      }
      %scan3A_988 = arith.constant 128 : i32
      %mul3A_989 = arith.constant 128 : i32
      %mul3A_990 = arith.muli %add3A_971, %mul3A_989 : i32
      %add3A_991 = arith.addi %mul3A_2, %mul3A_990 : i32
      %dma_start3A_992 = arith.constant 1 : i32
      %dma_start3A_993 = arith.constant 0 : i32
      %dma_start3A_994 = arith.constant 0 : i32
      %dma_start3A_995 = tpu.memref_slice %arg6[%dma_start3A_992, %dma_start3A_993, %dma_start3A_994] : memref<8x128x64xf32, #tpu.memory_space<vmem>> -> memref<1x128x64xf32, #tpu.memory_space<vmem>>
      %dma_start3A_996 = tpu.memref_squeeze %dma_start3A_995 : memref<1x128x64xf32, #tpu.memory_space<vmem>> -> memref<128x64xf32, #tpu.memory_space<vmem>>
      %dma_start3A_997 = arith.constant 0 : i32
      %dma_start3A_998 = tpu.memref_slice %arg4[%add3A_991, %dma_start3A_997] : memref<819200x64xf32, #tpu.memory_space<hbm>> -> memref<128x64xf32, #tpu.memory_space<hbm>>
      %dma_start3A_999 = arith.constant 0 : i32
      %dma_start3A_1000 = tpu.memref_slice %arg4[%add3A_991, %dma_start3A_999] : memref<819200x64xf32, #tpu.memory_space<hbm>> -> memref<128x64xf32, #tpu.memory_space<hbm>>
      %dma_start3A_1001 = arith.constant 0 : i32
      %dma_start3A_1002 = arith.constant 0 : i32
      %dma_start3A_1003 = tpu.memref_slice %arg6[%dma_start3A_992, %dma_start3A_1001, %dma_start3A_1002] : memref<8x128x64xf32, #tpu.memory_space<vmem>> -> memref<1x128x64xf32, #tpu.memory_space<vmem>>
      %dma_start3A_1004 = tpu.memref_squeeze %dma_start3A_1003 : memref<1x128x64xf32, #tpu.memory_space<vmem>> -> memref<128x64xf32, #tpu.memory_space<vmem>>
      tpu.enqueue_dma source(%dma_start3A_1004 : memref<128x64xf32, #tpu.memory_space<vmem>>) target(%dma_start3A_1000 : memref<128x64xf32, #tpu.memory_space<hbm>>) target_semaphore(%arg16 : memref<!tpu.dma_semaphore, #tpu.memory_space<semaphore_mem>>)
      %add3A_1005 = arith.constant 6 : i32
      %add3A_1006 = arith.addi %add3A_971, %add3A_1005 : i32
      %sub3A_1007 = arith.constant 8 : i32
      %sub3A_1008 = arith.subi %add3A_1006, %sub3A_1007 : i32
      %mul3A_1009 = arith.constant 128 : i32
      %mul3A_1010 = arith.muli %sub3A_1008, %mul3A_1009 : i32
      %add3A_1011 = arith.addi %mul3A_2, %mul3A_1010 : i32
      %dma_wait3A_1012 = arith.constant 7 : i32
      %dma_wait3A_1013 = arith.constant 0 : i32
      %dma_wait3A_1014 = arith.constant 0 : i32
      %dma_wait3A_1015 = tpu.memref_slice %arg6[%dma_wait3A_1012, %dma_wait3A_1013, %dma_wait3A_1014] : memref<8x128x64xf32, #tpu.memory_space<vmem>> -> memref<1x128x64xf32, #tpu.memory_space<vmem>>
      %dma_wait3A_1016 = tpu.memref_squeeze %dma_wait3A_1015 : memref<1x128x64xf32, #tpu.memory_space<vmem>> -> memref<128x64xf32, #tpu.memory_space<vmem>>
      %dma_wait3A_1017 = arith.constant 0 : i32
      %dma_wait3A_1018 = tpu.memref_slice %arg4[%add3A_1011, %dma_wait3A_1017] : memref<819200x64xf32, #tpu.memory_space<hbm>> -> memref<128x64xf32, #tpu.memory_space<hbm>>
      %dma_wait3A_1019 = arith.constant 0 : i32
      %dma_wait3A_1020 = tpu.memref_slice %arg4[%add3A_1011, %dma_wait3A_1019] : memref<819200x64xf32, #tpu.memory_space<hbm>> -> memref<128x64xf32, #tpu.memory_space<hbm>>
      %dma_wait3A_1021 = arith.constant 0 : i32
      %dma_wait3A_1022 = arith.constant 0 : i32
      %dma_wait3A_1023 = tpu.memref_slice %arg6[%dma_wait3A_1012, %dma_wait3A_1021, %dma_wait3A_1022] : memref<8x128x64xf32, #tpu.memory_space<vmem>> -> memref<1x128x64xf32, #tpu.memory_space<vmem>>
      %dma_wait3A_1024 = tpu.memref_squeeze %dma_wait3A_1023 : memref<1x128x64xf32, #tpu.memory_space<vmem>> -> memref<128x64xf32, #tpu.memory_space<vmem>>
      tpu.wait_dma2 semaphore(%arg22 : memref<!tpu.dma_semaphore, #tpu.memory_space<semaphore_mem>>) src(%dma_wait3A_1024 : memref<128x64xf32, #tpu.memory_space<vmem>>) dst(%dma_wait3A_1020 : memref<128x64xf32, #tpu.memory_space<hbm>>)
      %mul3A_1025 = arith.constant 128 : i32
      %mul3A_1026 = arith.muli %add3A_1006, %mul3A_1025 : i32
      %dma_start3A_1027 = arith.constant 7 : i32
      %dma_start3A_1028 = arith.constant 0 : i32
      %dma_start3A_1029 = arith.constant 0 : i32
      %dma_start3A_1030 = tpu.memref_slice %arg6[%dma_start3A_1027, %dma_start3A_1028, %dma_start3A_1029] : memref<8x128x64xf32, #tpu.memory_space<vmem>> -> memref<1x128x64xf32, #tpu.memory_space<vmem>>
      %dma_start3A_1031 = tpu.memref_squeeze %dma_start3A_1030 : memref<1x128x64xf32, #tpu.memory_space<vmem>> -> memref<128x64xf32, #tpu.memory_space<vmem>>
      %dma_start3A_1032 = tpu.memref_slice %arg5[%mul3A_1026] : memref<25600xi32, #tpu.memory_space<vmem>> -> memref<128xi32, #tpu.memory_space<vmem>>
      %dma_start3A_1033 = arith.constant 0 : i32
      %dma_start3A_1034 = arith.constant 0 : i32
      %dma_start3A_1035 = tpu.memref_slice %arg3[%dma_start3A_1033, %dma_start3A_1034] : memref<1000000x64xf32, #tpu.memory_space<hbm>> -> memref<1000000x64xf32, #tpu.memory_space<hbm>>
      tpu.enqueue_indirect_dma source(%dma_start3A_1035 : memref<1000000x64xf32, #tpu.memory_space<hbm>>) target(%dma_start3A_1031 : memref<128x64xf32, #tpu.memory_space<vmem>>) offsets(%dma_start3A_1032 : memref<128xi32, #tpu.memory_space<vmem>>) semaphore(%arg14 : memref<!tpu.dma_semaphore, #tpu.memory_space<semaphore_mem>>)
      %add3A_1036 = arith.constant 2 : i32
      %add3A_1037 = arith.addi %mul3A_904, %add3A_1036 : i32
      %mul3A_1038 = arith.constant 128 : i32
      %mul3A_1039 = arith.muli %add3A_1037, %mul3A_1038 : i32
      %dma_wait3A_1040 = arith.constant 2 : i32
      %dma_wait3A_1041 = arith.constant 0 : i32
      %dma_wait3A_1042 = arith.constant 0 : i32
      %dma_wait3A_1043 = tpu.memref_slice %arg6[%dma_wait3A_1040, %dma_wait3A_1041, %dma_wait3A_1042] : memref<8x128x64xf32, #tpu.memory_space<vmem>> -> memref<1x128x64xf32, #tpu.memory_space<vmem>>
      %dma_wait3A_1044 = tpu.memref_squeeze %dma_wait3A_1043 : memref<1x128x64xf32, #tpu.memory_space<vmem>> -> memref<128x64xf32, #tpu.memory_space<vmem>>
      %dma_wait3A_1045 = tpu.memref_slice %arg5[%mul3A_1039] : memref<25600xi32, #tpu.memory_space<vmem>> -> memref<128xi32, #tpu.memory_space<vmem>>
      %dma_wait3A_1046 = arith.constant 0 : i32
      %dma_wait3A_1047 = arith.constant 0 : i32
      %dma_wait3A_1048 = tpu.memref_slice %arg3[%dma_wait3A_1046, %dma_wait3A_1047] : memref<1000000x64xf32, #tpu.memory_space<hbm>> -> memref<1000000x64xf32, #tpu.memory_space<hbm>>
      tpu.wait_indirect_dma semaphore(%arg9 : memref<!tpu.dma_semaphore, #tpu.memory_space<semaphore_mem>>) src(%dma_wait3A_1048 : memref<1000000x64xf32, #tpu.memory_space<hbm>>) dst(%dma_wait3A_1044 : memref<128x64xf32, #tpu.memory_space<vmem>>)
      %scan3A_1049 = arith.constant 0 : i32
      %scan3A_1050 = arith.constant 0 : i32
      %scan3A_1051 = arith.constant 128 : i32
      %scan3A_1052 = arith.addi %scan3A_1050, %scan3A_1051 : i32
      %scan3A_1053 = arith.constant 1 : i32
      scf.for %scan3A_1432 = %scan3A_1050 to %scan3A_1052 step %scan3A_1053  : i32 {
        %get3A = arith.constant 2 : i32
        %get3A_1433 = arith.index_cast %get3A : i32 to index
        %get3A_1434 = arith.index_cast %scan3A_1432 : i32 to index
        %get3A_1435 = arith.constant 0 : index
        %get3A_1436 = tpu.vector_load %arg6[%get3A_1433, %get3A_1434, %get3A_1435] {strides = array<i32>} : memref<8x128x64xf32, #tpu.memory_space<vmem>>, vector<1x1x16xf32>,
        %get3A_1437 = vector.shape_cast %get3A_1436 : vector<1x1x16xf32> to vector<16xf32>
        %mul3A_1438 = arith.constant 8.000000e+00 : f32
        %mul3A_1439 = vector.broadcast %mul3A_1438 : f32 to vector<16xf32>
        %mul3A_1440 = arith.mulf %get3A_1437, %mul3A_1439 : vector<16xf32>
        %swap3A = arith.constant 2 : i32
        %swap3A_1441 = arith.index_cast %swap3A : i32 to index
        %swap3A_1442 = arith.index_cast %scan3A_1432 : i32 to index
        %swap3A_1443 = arith.constant 0 : index
        %swap3A_1444 = tpu.vector_load %arg6[%swap3A_1441, %swap3A_1442, %swap3A_1443] {strides = array<i32>} : memref<8x128x64xf32, #tpu.memory_space<vmem>>, vector<1x1x16xf32>,
        %swap3A_1445 = vector.shape_cast %swap3A_1444 : vector<1x1x16xf32> to vector<16xf32>
        %swap3A_1446 = vector.shape_cast %mul3A_1440 : vector<16xf32> to vector<1x1x16xf32>
        tpu.vector_store %arg6[%swap3A_1441, %swap3A_1442, %swap3A_1443], %swap3A_1446 {strides = array<i32>} : memref<8x128x64xf32, #tpu.memory_space<vmem>>, vector<1x1x16xf32>,
        %get3A_1447 = arith.constant 2 : i32
        %get3A_1448 = arith.index_cast %get3A_1447 : i32 to index
        %get3A_1449 = arith.index_cast %scan3A_1432 : i32 to index
        %get3A_1450 = arith.constant 16 : index
        %get3A_1451 = tpu.vector_load %arg6[%get3A_1448, %get3A_1449, %get3A_1450] {strides = array<i32>} : memref<8x128x64xf32, #tpu.memory_space<vmem>>, vector<1x1x16xf32>,
        %get3A_1452 = vector.shape_cast %get3A_1451 : vector<1x1x16xf32> to vector<16xf32>
        %mul3A_1453 = arith.constant 8.000000e+00 : f32
        %mul3A_1454 = vector.broadcast %mul3A_1453 : f32 to vector<16xf32>
        %mul3A_1455 = arith.mulf %get3A_1452, %mul3A_1454 : vector<16xf32>
        %swap3A_1456 = arith.constant 2 : i32
        %swap3A_1457 = arith.index_cast %swap3A_1456 : i32 to index
        %swap3A_1458 = arith.index_cast %scan3A_1432 : i32 to index
        %swap3A_1459 = arith.constant 16 : index
        %swap3A_1460 = tpu.vector_load %arg6[%swap3A_1457, %swap3A_1458, %swap3A_1459] {strides = array<i32>} : memref<8x128x64xf32, #tpu.memory_space<vmem>>, vector<1x1x16xf32>,
        %swap3A_1461 = vector.shape_cast %swap3A_1460 : vector<1x1x16xf32> to vector<16xf32>
        %swap3A_1462 = vector.shape_cast %mul3A_1455 : vector<16xf32> to vector<1x1x16xf32>
        tpu.vector_store %arg6[%swap3A_1457, %swap3A_1458, %swap3A_1459], %swap3A_1462 {strides = array<i32>} : memref<8x128x64xf32, #tpu.memory_space<vmem>>, vector<1x1x16xf32>,
        %get3A_1463 = arith.constant 2 : i32
        %get3A_1464 = arith.index_cast %get3A_1463 : i32 to index
        %get3A_1465 = arith.index_cast %scan3A_1432 : i32 to index
        %get3A_1466 = arith.constant 32 : index
        %get3A_1467 = tpu.vector_load %arg6[%get3A_1464, %get3A_1465, %get3A_1466] {strides = array<i32>} : memref<8x128x64xf32, #tpu.memory_space<vmem>>, vector<1x1x16xf32>,
        %get3A_1468 = vector.shape_cast %get3A_1467 : vector<1x1x16xf32> to vector<16xf32>
        %mul3A_1469 = arith.constant 8.000000e+00 : f32
        %mul3A_1470 = vector.broadcast %mul3A_1469 : f32 to vector<16xf32>
        %mul3A_1471 = arith.mulf %get3A_1468, %mul3A_1470 : vector<16xf32>
        %swap3A_1472 = arith.constant 2 : i32
        %swap3A_1473 = arith.index_cast %swap3A_1472 : i32 to index
        %swap3A_1474 = arith.index_cast %scan3A_1432 : i32 to index
        %swap3A_1475 = arith.constant 32 : index
        %swap3A_1476 = tpu.vector_load %arg6[%swap3A_1473, %swap3A_1474, %swap3A_1475] {strides = array<i32>} : memref<8x128x64xf32, #tpu.memory_space<vmem>>, vector<1x1x16xf32>,
        %swap3A_1477 = vector.shape_cast %swap3A_1476 : vector<1x1x16xf32> to vector<16xf32>
        %swap3A_1478 = vector.shape_cast %mul3A_1471 : vector<16xf32> to vector<1x1x16xf32>
        tpu.vector_store %arg6[%swap3A_1473, %swap3A_1474, %swap3A_1475], %swap3A_1478 {strides = array<i32>} : memref<8x128x64xf32, #tpu.memory_space<vmem>>, vector<1x1x16xf32>,
        %get3A_1479 = arith.constant 2 : i32
        %get3A_1480 = arith.index_cast %get3A_1479 : i32 to index
        %get3A_1481 = arith.index_cast %scan3A_1432 : i32 to index
        %get3A_1482 = arith.constant 48 : index
        %get3A_1483 = tpu.vector_load %arg6[%get3A_1480, %get3A_1481, %get3A_1482] {strides = array<i32>} : memref<8x128x64xf32, #tpu.memory_space<vmem>>, vector<1x1x16xf32>,
        %get3A_1484 = vector.shape_cast %get3A_1483 : vector<1x1x16xf32> to vector<16xf32>
        %mul3A_1485 = arith.constant 8.000000e+00 : f32
        %mul3A_1486 = vector.broadcast %mul3A_1485 : f32 to vector<16xf32>
        %mul3A_1487 = arith.mulf %get3A_1484, %mul3A_1486 : vector<16xf32>
        %swap3A_1488 = arith.constant 2 : i32
        %swap3A_1489 = arith.index_cast %swap3A_1488 : i32 to index
        %swap3A_1490 = arith.index_cast %scan3A_1432 : i32 to index
        %swap3A_1491 = arith.constant 48 : index
        %swap3A_1492 = tpu.vector_load %arg6[%swap3A_1489, %swap3A_1490, %swap3A_1491] {strides = array<i32>} : memref<8x128x64xf32, #tpu.memory_space<vmem>>, vector<1x1x16xf32>,
        %swap3A_1493 = vector.shape_cast %swap3A_1492 : vector<1x1x16xf32> to vector<16xf32>
        %swap3A_1494 = vector.shape_cast %mul3A_1487 : vector<16xf32> to vector<1x1x16xf32>
        tpu.vector_store %arg6[%swap3A_1489, %swap3A_1490, %swap3A_1491], %swap3A_1494 {strides = array<i32>} : memref<8x128x64xf32, #tpu.memory_space<vmem>>, vector<1x1x16xf32>,
      }
      %scan3A_1054 = arith.constant 128 : i32
      %mul3A_1055 = arith.constant 128 : i32
      %mul3A_1056 = arith.muli %add3A_1037, %mul3A_1055 : i32
      %add3A_1057 = arith.addi %mul3A_2, %mul3A_1056 : i32
      %dma_start3A_1058 = arith.constant 2 : i32
      %dma_start3A_1059 = arith.constant 0 : i32
      %dma_start3A_1060 = arith.constant 0 : i32
      %dma_start3A_1061 = tpu.memref_slice %arg6[%dma_start3A_1058, %dma_start3A_1059, %dma_start3A_1060] : memref<8x128x64xf32, #tpu.memory_space<vmem>> -> memref<1x128x64xf32, #tpu.memory_space<vmem>>
      %dma_start3A_1062 = tpu.memref_squeeze %dma_start3A_1061 : memref<1x128x64xf32, #tpu.memory_space<vmem>> -> memref<128x64xf32, #tpu.memory_space<vmem>>
      %dma_start3A_1063 = arith.constant 0 : i32
      %dma_start3A_1064 = tpu.memref_slice %arg4[%add3A_1057, %dma_start3A_1063] : memref<819200x64xf32, #tpu.memory_space<hbm>> -> memref<128x64xf32, #tpu.memory_space<hbm>>
      %dma_start3A_1065 = arith.constant 0 : i32
      %dma_start3A_1066 = tpu.memref_slice %arg4[%add3A_1057, %dma_start3A_1065] : memref<819200x64xf32, #tpu.memory_space<hbm>> -> memref<128x64xf32, #tpu.memory_space<hbm>>
      %dma_start3A_1067 = arith.constant 0 : i32
      %dma_start3A_1068 = arith.constant 0 : i32
      %dma_start3A_1069 = tpu.memref_slice %arg6[%dma_start3A_1058, %dma_start3A_1067, %dma_start3A_1068] : memref<8x128x64xf32, #tpu.memory_space<vmem>> -> memref<1x128x64xf32, #tpu.memory_space<vmem>>
      %dma_start3A_1070 = tpu.memref_squeeze %dma_start3A_1069 : memref<1x128x64xf32, #tpu.memory_space<vmem>> -> memref<128x64xf32, #tpu.memory_space<vmem>>
      tpu.enqueue_dma source(%dma_start3A_1070 : memref<128x64xf32, #tpu.memory_space<vmem>>) target(%dma_start3A_1066 : memref<128x64xf32, #tpu.memory_space<hbm>>) target_semaphore(%arg17 : memref<!tpu.dma_semaphore, #tpu.memory_space<semaphore_mem>>)
      %add3A_1071 = arith.constant 6 : i32
      %add3A_1072 = arith.addi %add3A_1037, %add3A_1071 : i32
      %sub3A_1073 = arith.constant 8 : i32
      %sub3A_1074 = arith.subi %add3A_1072, %sub3A_1073 : i32
      %mul3A_1075 = arith.constant 128 : i32
      %mul3A_1076 = arith.muli %sub3A_1074, %mul3A_1075 : i32
      %add3A_1077 = arith.addi %mul3A_2, %mul3A_1076 : i32
      %dma_wait3A_1078 = arith.constant 0 : i32
      %dma_wait3A_1079 = arith.constant 0 : i32
      %dma_wait3A_1080 = arith.constant 0 : i32
      %dma_wait3A_1081 = tpu.memref_slice %arg6[%dma_wait3A_1078, %dma_wait3A_1079, %dma_wait3A_1080] : memref<8x128x64xf32, #tpu.memory_space<vmem>> -> memref<1x128x64xf32, #tpu.memory_space<vmem>>
      %dma_wait3A_1082 = tpu.memref_squeeze %dma_wait3A_1081 : memref<1x128x64xf32, #tpu.memory_space<vmem>> -> memref<128x64xf32, #tpu.memory_space<vmem>>
      %dma_wait3A_1083 = arith.constant 0 : i32
      %dma_wait3A_1084 = tpu.memref_slice %arg4[%add3A_1077, %dma_wait3A_1083] : memref<819200x64xf32, #tpu.memory_space<hbm>> -> memref<128x64xf32, #tpu.memory_space<hbm>>
      %dma_wait3A_1085 = arith.constant 0 : i32
      %dma_wait3A_1086 = tpu.memref_slice %arg4[%add3A_1077, %dma_wait3A_1085] : memref<819200x64xf32, #tpu.memory_space<hbm>> -> memref<128x64xf32, #tpu.memory_space<hbm>>
      %dma_wait3A_1087 = arith.constant 0 : i32
      %dma_wait3A_1088 = arith.constant 0 : i32
      %dma_wait3A_1089 = tpu.memref_slice %arg6[%dma_wait3A_1078, %dma_wait3A_1087, %dma_wait3A_1088] : memref<8x128x64xf32, #tpu.memory_space<vmem>> -> memref<1x128x64xf32, #tpu.memory_space<vmem>>
      %dma_wait3A_1090 = tpu.memref_squeeze %dma_wait3A_1089 : memref<1x128x64xf32, #tpu.memory_space<vmem>> -> memref<128x64xf32, #tpu.memory_space<vmem>>
      tpu.wait_dma2 semaphore(%arg15 : memref<!tpu.dma_semaphore, #tpu.memory_space<semaphore_mem>>) src(%dma_wait3A_1090 : memref<128x64xf32, #tpu.memory_space<vmem>>) dst(%dma_wait3A_1086 : memref<128x64xf32, #tpu.memory_space<hbm>>)
      %mul3A_1091 = arith.constant 128 : i32
      %mul3A_1092 = arith.muli %add3A_1072, %mul3A_1091 : i32
      %dma_start3A_1093 = arith.constant 0 : i32
      %dma_start3A_1094 = arith.constant 0 : i32
      %dma_start3A_1095 = arith.constant 0 : i32
      %dma_start3A_1096 = tpu.memref_slice %arg6[%dma_start3A_1093, %dma_start3A_1094, %dma_start3A_1095] : memref<8x128x64xf32, #tpu.memory_space<vmem>> -> memref<1x128x64xf32, #tpu.memory_space<vmem>>
      %dma_start3A_1097 = tpu.memref_squeeze %dma_start3A_1096 : memref<1x128x64xf32, #tpu.memory_space<vmem>> -> memref<128x64xf32, #tpu.memory_space<vmem>>
      %dma_start3A_1098 = tpu.memref_slice %arg5[%mul3A_1092] : memref<25600xi32, #tpu.memory_space<vmem>> -> memref<128xi32, #tpu.memory_space<vmem>>
      %dma_start3A_1099 = arith.constant 0 : i32
      %dma_start3A_1100 = arith.constant 0 : i32
      %dma_start3A_1101 = tpu.memref_slice %arg3[%dma_start3A_1099, %dma_start3A_1100] : memref<1000000x64xf32, #tpu.memory_space<hbm>> -> memref<1000000x64xf32, #tpu.memory_space<hbm>>
      tpu.enqueue_indirect_dma source(%dma_start3A_1101 : memref<1000000x64xf32, #tpu.memory_space<hbm>>) target(%dma_start3A_1097 : memref<128x64xf32, #tpu.memory_space<vmem>>) offsets(%dma_start3A_1098 : memref<128xi32, #tpu.memory_space<vmem>>) semaphore(%arg7 : memref<!tpu.dma_semaphore, #tpu.memory_space<semaphore_mem>>)
      %add3A_1102 = arith.constant 3 : i32
      %add3A_1103 = arith.addi %mul3A_904, %add3A_1102 : i32
      %mul3A_1104 = arith.constant 128 : i32
      %mul3A_1105 = arith.muli %add3A_1103, %mul3A_1104 : i32
      %dma_wait3A_1106 = arith.constant 3 : i32
      %dma_wait3A_1107 = arith.constant 0 : i32
      %dma_wait3A_1108 = arith.constant 0 : i32
      %dma_wait3A_1109 = tpu.memref_slice %arg6[%dma_wait3A_1106, %dma_wait3A_1107, %dma_wait3A_1108] : memref<8x128x64xf32, #tpu.memory_space<vmem>> -> memref<1x128x64xf32, #tpu.memory_space<vmem>>
      %dma_wait3A_1110 = tpu.memref_squeeze %dma_wait3A_1109 : memref<1x128x64xf32, #tpu.memory_space<vmem>> -> memref<128x64xf32, #tpu.memory_space<vmem>>
      %dma_wait3A_1111 = tpu.memref_slice %arg5[%mul3A_1105] : memref<25600xi32, #tpu.memory_space<vmem>> -> memref<128xi32, #tpu.memory_space<vmem>>
      %dma_wait3A_1112 = arith.constant 0 : i32
      %dma_wait3A_1113 = arith.constant 0 : i32
      %dma_wait3A_1114 = tpu.memref_slice %arg3[%dma_wait3A_1112, %dma_wait3A_1113] : memref<1000000x64xf32, #tpu.memory_space<hbm>> -> memref<1000000x64xf32, #tpu.memory_space<hbm>>
      tpu.wait_indirect_dma semaphore(%arg10 : memref<!tpu.dma_semaphore, #tpu.memory_space<semaphore_mem>>) src(%dma_wait3A_1114 : memref<1000000x64xf32, #tpu.memory_space<hbm>>) dst(%dma_wait3A_1110 : memref<128x64xf32, #tpu.memory_space<vmem>>)
      %scan3A_1115 = arith.constant 0 : i32
      %scan3A_1116 = arith.constant 0 : i32
      %scan3A_1117 = arith.constant 128 : i32
      %scan3A_1118 = arith.addi %scan3A_1116, %scan3A_1117 : i32
      %scan3A_1119 = arith.constant 1 : i32
      scf.for %scan3A_1432 = %scan3A_1116 to %scan3A_1118 step %scan3A_1119  : i32 {
        %get3A = arith.constant 3 : i32
        %get3A_1433 = arith.index_cast %get3A : i32 to index
        %get3A_1434 = arith.index_cast %scan3A_1432 : i32 to index
        %get3A_1435 = arith.constant 0 : index
        %get3A_1436 = tpu.vector_load %arg6[%get3A_1433, %get3A_1434, %get3A_1435] {strides = array<i32>} : memref<8x128x64xf32, #tpu.memory_space<vmem>>, vector<1x1x16xf32>,
        %get3A_1437 = vector.shape_cast %get3A_1436 : vector<1x1x16xf32> to vector<16xf32>
        %mul3A_1438 = arith.constant 8.000000e+00 : f32
        %mul3A_1439 = vector.broadcast %mul3A_1438 : f32 to vector<16xf32>
        %mul3A_1440 = arith.mulf %get3A_1437, %mul3A_1439 : vector<16xf32>
        %swap3A = arith.constant 3 : i32
        %swap3A_1441 = arith.index_cast %swap3A : i32 to index
        %swap3A_1442 = arith.index_cast %scan3A_1432 : i32 to index
        %swap3A_1443 = arith.constant 0 : index
        %swap3A_1444 = tpu.vector_load %arg6[%swap3A_1441, %swap3A_1442, %swap3A_1443] {strides = array<i32>} : memref<8x128x64xf32, #tpu.memory_space<vmem>>, vector<1x1x16xf32>,
        %swap3A_1445 = vector.shape_cast %swap3A_1444 : vector<1x1x16xf32> to vector<16xf32>
        %swap3A_1446 = vector.shape_cast %mul3A_1440 : vector<16xf32> to vector<1x1x16xf32>
        tpu.vector_store %arg6[%swap3A_1441, %swap3A_1442, %swap3A_1443], %swap3A_1446 {strides = array<i32>} : memref<8x128x64xf32, #tpu.memory_space<vmem>>, vector<1x1x16xf32>,
        %get3A_1447 = arith.constant 3 : i32
        %get3A_1448 = arith.index_cast %get3A_1447 : i32 to index
        %get3A_1449 = arith.index_cast %scan3A_1432 : i32 to index
        %get3A_1450 = arith.constant 16 : index
        %get3A_1451 = tpu.vector_load %arg6[%get3A_1448, %get3A_1449, %get3A_1450] {strides = array<i32>} : memref<8x128x64xf32, #tpu.memory_space<vmem>>, vector<1x1x16xf32>,
        %get3A_1452 = vector.shape_cast %get3A_1451 : vector<1x1x16xf32> to vector<16xf32>
        %mul3A_1453 = arith.constant 8.000000e+00 : f32
        %mul3A_1454 = vector.broadcast %mul3A_1453 : f32 to vector<16xf32>
        %mul3A_1455 = arith.mulf %get3A_1452, %mul3A_1454 : vector<16xf32>
        %swap3A_1456 = arith.constant 3 : i32
        %swap3A_1457 = arith.index_cast %swap3A_1456 : i32 to index
        %swap3A_1458 = arith.index_cast %scan3A_1432 : i32 to index
        %swap3A_1459 = arith.constant 16 : index
        %swap3A_1460 = tpu.vector_load %arg6[%swap3A_1457, %swap3A_1458, %swap3A_1459] {strides = array<i32>} : memref<8x128x64xf32, #tpu.memory_space<vmem>>, vector<1x1x16xf32>,
        %swap3A_1461 = vector.shape_cast %swap3A_1460 : vector<1x1x16xf32> to vector<16xf32>
        %swap3A_1462 = vector.shape_cast %mul3A_1455 : vector<16xf32> to vector<1x1x16xf32>
        tpu.vector_store %arg6[%swap3A_1457, %swap3A_1458, %swap3A_1459], %swap3A_1462 {strides = array<i32>} : memref<8x128x64xf32, #tpu.memory_space<vmem>>, vector<1x1x16xf32>,
        %get3A_1463 = arith.constant 3 : i32
        %get3A_1464 = arith.index_cast %get3A_1463 : i32 to index
        %get3A_1465 = arith.index_cast %scan3A_1432 : i32 to index
        %get3A_1466 = arith.constant 32 : index
        %get3A_1467 = tpu.vector_load %arg6[%get3A_1464, %get3A_1465, %get3A_1466] {strides = array<i32>} : memref<8x128x64xf32, #tpu.memory_space<vmem>>, vector<1x1x16xf32>,
        %get3A_1468 = vector.shape_cast %get3A_1467 : vector<1x1x16xf32> to vector<16xf32>
        %mul3A_1469 = arith.constant 8.000000e+00 : f32
        %mul3A_1470 = vector.broadcast %mul3A_1469 : f32 to vector<16xf32>
        %mul3A_1471 = arith.mulf %get3A_1468, %mul3A_1470 : vector<16xf32>
        %swap3A_1472 = arith.constant 3 : i32
        %swap3A_1473 = arith.index_cast %swap3A_1472 : i32 to index
        %swap3A_1474 = arith.index_cast %scan3A_1432 : i32 to index
        %swap3A_1475 = arith.constant 32 : index
        %swap3A_1476 = tpu.vector_load %arg6[%swap3A_1473, %swap3A_1474, %swap3A_1475] {strides = array<i32>} : memref<8x128x64xf32, #tpu.memory_space<vmem>>, vector<1x1x16xf32>,
        %swap3A_1477 = vector.shape_cast %swap3A_1476 : vector<1x1x16xf32> to vector<16xf32>
        %swap3A_1478 = vector.shape_cast %mul3A_1471 : vector<16xf32> to vector<1x1x16xf32>
        tpu.vector_store %arg6[%swap3A_1473, %swap3A_1474, %swap3A_1475], %swap3A_1478 {strides = array<i32>} : memref<8x128x64xf32, #tpu.memory_space<vmem>>, vector<1x1x16xf32>,
        %get3A_1479 = arith.constant 3 : i32
        %get3A_1480 = arith.index_cast %get3A_1479 : i32 to index
        %get3A_1481 = arith.index_cast %scan3A_1432 : i32 to index
        %get3A_1482 = arith.constant 48 : index
        %get3A_1483 = tpu.vector_load %arg6[%get3A_1480, %get3A_1481, %get3A_1482] {strides = array<i32>} : memref<8x128x64xf32, #tpu.memory_space<vmem>>, vector<1x1x16xf32>,
        %get3A_1484 = vector.shape_cast %get3A_1483 : vector<1x1x16xf32> to vector<16xf32>
        %mul3A_1485 = arith.constant 8.000000e+00 : f32
        %mul3A_1486 = vector.broadcast %mul3A_1485 : f32 to vector<16xf32>
        %mul3A_1487 = arith.mulf %get3A_1484, %mul3A_1486 : vector<16xf32>
        %swap3A_1488 = arith.constant 3 : i32
        %swap3A_1489 = arith.index_cast %swap3A_1488 : i32 to index
        %swap3A_1490 = arith.index_cast %scan3A_1432 : i32 to index
        %swap3A_1491 = arith.constant 48 : index
        %swap3A_1492 = tpu.vector_load %arg6[%swap3A_1489, %swap3A_1490, %swap3A_1491] {strides = array<i32>} : memref<8x128x64xf32, #tpu.memory_space<vmem>>, vector<1x1x16xf32>,
        %swap3A_1493 = vector.shape_cast %swap3A_1492 : vector<1x1x16xf32> to vector<16xf32>
        %swap3A_1494 = vector.shape_cast %mul3A_1487 : vector<16xf32> to vector<1x1x16xf32>
        tpu.vector_store %arg6[%swap3A_1489, %swap3A_1490, %swap3A_1491], %swap3A_1494 {strides = array<i32>} : memref<8x128x64xf32, #tpu.memory_space<vmem>>, vector<1x1x16xf32>,
      }
      %scan3A_1120 = arith.constant 128 : i32
      %mul3A_1121 = arith.constant 128 : i32
      %mul3A_1122 = arith.muli %add3A_1103, %mul3A_1121 : i32
      %add3A_1123 = arith.addi %mul3A_2, %mul3A_1122 : i32
      %dma_start3A_1124 = arith.constant 3 : i32
      %dma_start3A_1125 = arith.constant 0 : i32
      %dma_start3A_1126 = arith.constant 0 : i32
      %dma_start3A_1127 = tpu.memref_slice %arg6[%dma_start3A_1124, %dma_start3A_1125, %dma_start3A_1126] : memref<8x128x64xf32, #tpu.memory_space<vmem>> -> memref<1x128x64xf32, #tpu.memory_space<vmem>>
      %dma_start3A_1128 = tpu.memref_squeeze %dma_start3A_1127 : memref<1x128x64xf32, #tpu.memory_space<vmem>> -> memref<128x64xf32, #tpu.memory_space<vmem>>
      %dma_start3A_1129 = arith.constant 0 : i32
      %dma_start3A_1130 = tpu.memref_slice %arg4[%add3A_1123, %dma_start3A_1129] : memref<819200x64xf32, #tpu.memory_space<hbm>> -> memref<128x64xf32, #tpu.memory_space<hbm>>
      %dma_start3A_1131 = arith.constant 0 : i32
      %dma_start3A_1132 = tpu.memref_slice %arg4[%add3A_1123, %dma_start3A_1131] : memref<819200x64xf32, #tpu.memory_space<hbm>> -> memref<128x64xf32, #tpu.memory_space<hbm>>
      %dma_start3A_1133 = arith.constant 0 : i32
      %dma_start3A_1134 = arith.constant 0 : i32
      %dma_start3A_1135 = tpu.memref_slice %arg6[%dma_start3A_1124, %dma_start3A_1133, %dma_start3A_1134] : memref<8x128x64xf32, #tpu.memory_space<vmem>> -> memref<1x128x64xf32, #tpu.memory_space<vmem>>
      %dma_start3A_1136 = tpu.memref_squeeze %dma_start3A_1135 : memref<1x128x64xf32, #tpu.memory_space<vmem>> -> memref<128x64xf32, #tpu.memory_space<vmem>>
      tpu.enqueue_dma source(%dma_start3A_1136 : memref<128x64xf32, #tpu.memory_space<vmem>>) target(%dma_start3A_1132 : memref<128x64xf32, #tpu.memory_space<hbm>>) target_semaphore(%arg18 : memref<!tpu.dma_semaphore, #tpu.memory_space<semaphore_mem>>)
      %add3A_1137 = arith.constant 6 : i32
      %add3A_1138 = arith.addi %add3A_1103, %add3A_1137 : i32
      %sub3A_1139 = arith.constant 8 : i32
      %sub3A_1140 = arith.subi %add3A_1138, %sub3A_1139 : i32
      %mul3A_1141 = arith.constant 128 : i32
      %mul3A_1142 = arith.muli %sub3A_1140, %mul3A_1141 : i32
      %add3A_1143 = arith.addi %mul3A_2, %mul3A_1142 : i32
      %dma_wait3A_1144 = arith.constant 1 : i32
      %dma_wait3A_1145 = arith.constant 0 : i32
      %dma_wait3A_1146 = arith.constant 0 : i32
      %dma_wait3A_1147 = tpu.memref_slice %arg6[%dma_wait3A_1144, %dma_wait3A_1145, %dma_wait3A_1146] : memref<8x128x64xf32, #tpu.memory_space<vmem>> -> memref<1x128x64xf32, #tpu.memory_space<vmem>>
      %dma_wait3A_1148 = tpu.memref_squeeze %dma_wait3A_1147 : memref<1x128x64xf32, #tpu.memory_space<vmem>> -> memref<128x64xf32, #tpu.memory_space<vmem>>
      %dma_wait3A_1149 = arith.constant 0 : i32
      %dma_wait3A_1150 = tpu.memref_slice %arg4[%add3A_1143, %dma_wait3A_1149] : memref<819200x64xf32, #tpu.memory_space<hbm>> -> memref<128x64xf32, #tpu.memory_space<hbm>>
      %dma_wait3A_1151 = arith.constant 0 : i32
      %dma_wait3A_1152 = tpu.memref_slice %arg4[%add3A_1143, %dma_wait3A_1151] : memref<819200x64xf32, #tpu.memory_space<hbm>> -> memref<128x64xf32, #tpu.memory_space<hbm>>
      %dma_wait3A_1153 = arith.constant 0 : i32
      %dma_wait3A_1154 = arith.constant 0 : i32
      %dma_wait3A_1155 = tpu.memref_slice %arg6[%dma_wait3A_1144, %dma_wait3A_1153, %dma_wait3A_1154] : memref<8x128x64xf32, #tpu.memory_space<vmem>> -> memref<1x128x64xf32, #tpu.memory_space<vmem>>
      %dma_wait3A_1156 = tpu.memref_squeeze %dma_wait3A_1155 : memref<1x128x64xf32, #tpu.memory_space<vmem>> -> memref<128x64xf32, #tpu.memory_space<vmem>>
      tpu.wait_dma2 semaphore(%arg16 : memref<!tpu.dma_semaphore, #tpu.memory_space<semaphore_mem>>) src(%dma_wait3A_1156 : memref<128x64xf32, #tpu.memory_space<vmem>>) dst(%dma_wait3A_1152 : memref<128x64xf32, #tpu.memory_space<hbm>>)
      %mul3A_1157 = arith.constant 128 : i32
      %mul3A_1158 = arith.muli %add3A_1138, %mul3A_1157 : i32
      %dma_start3A_1159 = arith.constant 1 : i32
      %dma_start3A_1160 = arith.constant 0 : i32
      %dma_start3A_1161 = arith.constant 0 : i32
      %dma_start3A_1162 = tpu.memref_slice %arg6[%dma_start3A_1159, %dma_start3A_1160, %dma_start3A_1161] : memref<8x128x64xf32, #tpu.memory_space<vmem>> -> memref<1x128x64xf32, #tpu.memory_space<vmem>>
      %dma_start3A_1163 = tpu.memref_squeeze %dma_start3A_1162 : memref<1x128x64xf32, #tpu.memory_space<vmem>> -> memref<128x64xf32, #tpu.memory_space<vmem>>
      %dma_start3A_1164 = tpu.memref_slice %arg5[%mul3A_1158] : memref<25600xi32, #tpu.memory_space<vmem>> -> memref<128xi32, #tpu.memory_space<vmem>>
      %dma_start3A_1165 = arith.constant 0 : i32
      %dma_start3A_1166 = arith.constant 0 : i32
      %dma_start3A_1167 = tpu.memref_slice %arg3[%dma_start3A_1165, %dma_start3A_1166] : memref<1000000x64xf32, #tpu.memory_space<hbm>> -> memref<1000000x64xf32, #tpu.memory_space<hbm>>
      tpu.enqueue_indirect_dma source(%dma_start3A_1167 : memref<1000000x64xf32, #tpu.memory_space<hbm>>) target(%dma_start3A_1163 : memref<128x64xf32, #tpu.memory_space<vmem>>) offsets(%dma_start3A_1164 : memref<128xi32, #tpu.memory_space<vmem>>) semaphore(%arg8 : memref<!tpu.dma_semaphore, #tpu.memory_space<semaphore_mem>>)
      %add3A_1168 = arith.constant 4 : i32
      %add3A_1169 = arith.addi %mul3A_904, %add3A_1168 : i32
      %mul3A_1170 = arith.constant 128 : i32
      %mul3A_1171 = arith.muli %add3A_1169, %mul3A_1170 : i32
      %dma_wait3A_1172 = arith.constant 4 : i32
      %dma_wait3A_1173 = arith.constant 0 : i32
      %dma_wait3A_1174 = arith.constant 0 : i32
      %dma_wait3A_1175 = tpu.memref_slice %arg6[%dma_wait3A_1172, %dma_wait3A_1173, %dma_wait3A_1174] : memref<8x128x64xf32, #tpu.memory_space<vmem>> -> memref<1x128x64xf32, #tpu.memory_space<vmem>>
      %dma_wait3A_1176 = tpu.memref_squeeze %dma_wait3A_1175 : memref<1x128x64xf32, #tpu.memory_space<vmem>> -> memref<128x64xf32, #tpu.memory_space<vmem>>
      %dma_wait3A_1177 = tpu.memref_slice %arg5[%mul3A_1171] : memref<25600xi32, #tpu.memory_space<vmem>> -> memref<128xi32, #tpu.memory_space<vmem>>
      %dma_wait3A_1178 = arith.constant 0 : i32
      %dma_wait3A_1179 = arith.constant 0 : i32
      %dma_wait3A_1180 = tpu.memref_slice %arg3[%dma_wait3A_1178, %dma_wait3A_1179] : memref<1000000x64xf32, #tpu.memory_space<hbm>> -> memref<1000000x64xf32, #tpu.memory_space<hbm>>
      tpu.wait_indirect_dma semaphore(%arg11 : memref<!tpu.dma_semaphore, #tpu.memory_space<semaphore_mem>>) src(%dma_wait3A_1180 : memref<1000000x64xf32, #tpu.memory_space<hbm>>) dst(%dma_wait3A_1176 : memref<128x64xf32, #tpu.memory_space<vmem>>)
      %scan3A_1181 = arith.constant 0 : i32
      %scan3A_1182 = arith.constant 0 : i32
      %scan3A_1183 = arith.constant 128 : i32
      %scan3A_1184 = arith.addi %scan3A_1182, %scan3A_1183 : i32
      %scan3A_1185 = arith.constant 1 : i32
      scf.for %scan3A_1432 = %scan3A_1182 to %scan3A_1184 step %scan3A_1185  : i32 {
        %get3A = arith.constant 4 : i32
        %get3A_1433 = arith.index_cast %get3A : i32 to index
        %get3A_1434 = arith.index_cast %scan3A_1432 : i32 to index
        %get3A_1435 = arith.constant 0 : index
        %get3A_1436 = tpu.vector_load %arg6[%get3A_1433, %get3A_1434, %get3A_1435] {strides = array<i32>} : memref<8x128x64xf32, #tpu.memory_space<vmem>>, vector<1x1x16xf32>,
        %get3A_1437 = vector.shape_cast %get3A_1436 : vector<1x1x16xf32> to vector<16xf32>
        %mul3A_1438 = arith.constant 8.000000e+00 : f32
        %mul3A_1439 = vector.broadcast %mul3A_1438 : f32 to vector<16xf32>
        %mul3A_1440 = arith.mulf %get3A_1437, %mul3A_1439 : vector<16xf32>
        %swap3A = arith.constant 4 : i32
        %swap3A_1441 = arith.index_cast %swap3A : i32 to index
        %swap3A_1442 = arith.index_cast %scan3A_1432 : i32 to index
        %swap3A_1443 = arith.constant 0 : index
        %swap3A_1444 = tpu.vector_load %arg6[%swap3A_1441, %swap3A_1442, %swap3A_1443] {strides = array<i32>} : memref<8x128x64xf32, #tpu.memory_space<vmem>>, vector<1x1x16xf32>,
        %swap3A_1445 = vector.shape_cast %swap3A_1444 : vector<1x1x16xf32> to vector<16xf32>
        %swap3A_1446 = vector.shape_cast %mul3A_1440 : vector<16xf32> to vector<1x1x16xf32>
        tpu.vector_store %arg6[%swap3A_1441, %swap3A_1442, %swap3A_1443], %swap3A_1446 {strides = array<i32>} : memref<8x128x64xf32, #tpu.memory_space<vmem>>, vector<1x1x16xf32>,
        %get3A_1447 = arith.constant 4 : i32
        %get3A_1448 = arith.index_cast %get3A_1447 : i32 to index
        %get3A_1449 = arith.index_cast %scan3A_1432 : i32 to index
        %get3A_1450 = arith.constant 16 : index
        %get3A_1451 = tpu.vector_load %arg6[%get3A_1448, %get3A_1449, %get3A_1450] {strides = array<i32>} : memref<8x128x64xf32, #tpu.memory_space<vmem>>, vector<1x1x16xf32>,
        %get3A_1452 = vector.shape_cast %get3A_1451 : vector<1x1x16xf32> to vector<16xf32>
        %mul3A_1453 = arith.constant 8.000000e+00 : f32
        %mul3A_1454 = vector.broadcast %mul3A_1453 : f32 to vector<16xf32>
        %mul3A_1455 = arith.mulf %get3A_1452, %mul3A_1454 : vector<16xf32>
        %swap3A_1456 = arith.constant 4 : i32
        %swap3A_1457 = arith.index_cast %swap3A_1456 : i32 to index
        %swap3A_1458 = arith.index_cast %scan3A_1432 : i32 to index
        %swap3A_1459 = arith.constant 16 : index
        %swap3A_1460 = tpu.vector_load %arg6[%swap3A_1457, %swap3A_1458, %swap3A_1459] {strides = array<i32>} : memref<8x128x64xf32, #tpu.memory_space<vmem>>, vector<1x1x16xf32>,
        %swap3A_1461 = vector.shape_cast %swap3A_1460 : vector<1x1x16xf32> to vector<16xf32>
        %swap3A_1462 = vector.shape_cast %mul3A_1455 : vector<16xf32> to vector<1x1x16xf32>
        tpu.vector_store %arg6[%swap3A_1457, %swap3A_1458, %swap3A_1459], %swap3A_1462 {strides = array<i32>} : memref<8x128x64xf32, #tpu.memory_space<vmem>>, vector<1x1x16xf32>,
        %get3A_1463 = arith.constant 4 : i32
        %get3A_1464 = arith.index_cast %get3A_1463 : i32 to index
        %get3A_1465 = arith.index_cast %scan3A_1432 : i32 to index
        %get3A_1466 = arith.constant 32 : index
        %get3A_1467 = tpu.vector_load %arg6[%get3A_1464, %get3A_1465, %get3A_1466] {strides = array<i32>} : memref<8x128x64xf32, #tpu.memory_space<vmem>>, vector<1x1x16xf32>,
        %get3A_1468 = vector.shape_cast %get3A_1467 : vector<1x1x16xf32> to vector<16xf32>
        %mul3A_1469 = arith.constant 8.000000e+00 : f32
        %mul3A_1470 = vector.broadcast %mul3A_1469 : f32 to vector<16xf32>
        %mul3A_1471 = arith.mulf %get3A_1468, %mul3A_1470 : vector<16xf32>
        %swap3A_1472 = arith.constant 4 : i32
        %swap3A_1473 = arith.index_cast %swap3A_1472 : i32 to index
        %swap3A_1474 = arith.index_cast %scan3A_1432 : i32 to index
        %swap3A_1475 = arith.constant 32 : index
        %swap3A_1476 = tpu.vector_load %arg6[%swap3A_1473, %swap3A_1474, %swap3A_1475] {strides = array<i32>} : memref<8x128x64xf32, #tpu.memory_space<vmem>>, vector<1x1x16xf32>,
        %swap3A_1477 = vector.shape_cast %swap3A_1476 : vector<1x1x16xf32> to vector<16xf32>
        %swap3A_1478 = vector.shape_cast %mul3A_1471 : vector<16xf32> to vector<1x1x16xf32>
        tpu.vector_store %arg6[%swap3A_1473, %swap3A_1474, %swap3A_1475], %swap3A_1478 {strides = array<i32>} : memref<8x128x64xf32, #tpu.memory_space<vmem>>, vector<1x1x16xf32>,
        %get3A_1479 = arith.constant 4 : i32
        %get3A_1480 = arith.index_cast %get3A_1479 : i32 to index
        %get3A_1481 = arith.index_cast %scan3A_1432 : i32 to index
        %get3A_1482 = arith.constant 48 : index
        %get3A_1483 = tpu.vector_load %arg6[%get3A_1480, %get3A_1481, %get3A_1482] {strides = array<i32>} : memref<8x128x64xf32, #tpu.memory_space<vmem>>, vector<1x1x16xf32>,
        %get3A_1484 = vector.shape_cast %get3A_1483 : vector<1x1x16xf32> to vector<16xf32>
        %mul3A_1485 = arith.constant 8.000000e+00 : f32
        %mul3A_1486 = vector.broadcast %mul3A_1485 : f32 to vector<16xf32>
        %mul3A_1487 = arith.mulf %get3A_1484, %mul3A_1486 : vector<16xf32>
        %swap3A_1488 = arith.constant 4 : i32
        %swap3A_1489 = arith.index_cast %swap3A_1488 : i32 to index
        %swap3A_1490 = arith.index_cast %scan3A_1432 : i32 to index
        %swap3A_1491 = arith.constant 48 : index
        %swap3A_1492 = tpu.vector_load %arg6[%swap3A_1489, %swap3A_1490, %swap3A_1491] {strides = array<i32>} : memref<8x128x64xf32, #tpu.memory_space<vmem>>, vector<1x1x16xf32>,
        %swap3A_1493 = vector.shape_cast %swap3A_1492 : vector<1x1x16xf32> to vector<16xf32>
        %swap3A_1494 = vector.shape_cast %mul3A_1487 : vector<16xf32> to vector<1x1x16xf32>
        tpu.vector_store %arg6[%swap3A_1489, %swap3A_1490, %swap3A_1491], %swap3A_1494 {strides = array<i32>} : memref<8x128x64xf32, #tpu.memory_space<vmem>>, vector<1x1x16xf32>,
      }
      %scan3A_1186 = arith.constant 128 : i32
      %mul3A_1187 = arith.constant 128 : i32
      %mul3A_1188 = arith.muli %add3A_1169, %mul3A_1187 : i32
      %add3A_1189 = arith.addi %mul3A_2, %mul3A_1188 : i32
      %dma_start3A_1190 = arith.constant 4 : i32
      %dma_start3A_1191 = arith.constant 0 : i32
      %dma_start3A_1192 = arith.constant 0 : i32
      %dma_start3A_1193 = tpu.memref_slice %arg6[%dma_start3A_1190, %dma_start3A_1191, %dma_start3A_1192] : memref<8x128x64xf32, #tpu.memory_space<vmem>> -> memref<1x128x64xf32, #tpu.memory_space<vmem>>
      %dma_start3A_1194 = tpu.memref_squeeze %dma_start3A_1193 : memref<1x128x64xf32, #tpu.memory_space<vmem>> -> memref<128x64xf32, #tpu.memory_space<vmem>>
      %dma_start3A_1195 = arith.constant 0 : i32
      %dma_start3A_1196 = tpu.memref_slice %arg4[%add3A_1189, %dma_start3A_1195] : memref<819200x64xf32, #tpu.memory_space<hbm>> -> memref<128x64xf32, #tpu.memory_space<hbm>>
      %dma_start3A_1197 = arith.constant 0 : i32
      %dma_start3A_1198 = tpu.memref_slice %arg4[%add3A_1189, %dma_start3A_1197] : memref<819200x64xf32, #tpu.memory_space<hbm>> -> memref<128x64xf32, #tpu.memory_space<hbm>>
      %dma_start3A_1199 = arith.constant 0 : i32
      %dma_start3A_1200 = arith.constant 0 : i32
      %dma_start3A_1201 = tpu.memref_slice %arg6[%dma_start3A_1190, %dma_start3A_1199, %dma_start3A_1200] : memref<8x128x64xf32, #tpu.memory_space<vmem>> -> memref<1x128x64xf32, #tpu.memory_space<vmem>>
      %dma_start3A_1202 = tpu.memref_squeeze %dma_start3A_1201 : memref<1x128x64xf32, #tpu.memory_space<vmem>> -> memref<128x64xf32, #tpu.memory_space<vmem>>
      tpu.enqueue_dma source(%dma_start3A_1202 : memref<128x64xf32, #tpu.memory_space<vmem>>) target(%dma_start3A_1198 : memref<128x64xf32, #tpu.memory_space<hbm>>) target_semaphore(%arg19 : memref<!tpu.dma_semaphore, #tpu.memory_space<semaphore_mem>>)
      %add3A_1203 = arith.constant 6 : i32
      %add3A_1204 = arith.addi %add3A_1169, %add3A_1203 : i32
      %sub3A_1205 = arith.constant 8 : i32
      %sub3A_1206 = arith.subi %add3A_1204, %sub3A_1205 : i32
      %mul3A_1207 = arith.constant 128 : i32
      %mul3A_1208 = arith.muli %sub3A_1206, %mul3A_1207 : i32
      %add3A_1209 = arith.addi %mul3A_2, %mul3A_1208 : i32
      %dma_wait3A_1210 = arith.constant 2 : i32
      %dma_wait3A_1211 = arith.constant 0 : i32
      %dma_wait3A_1212 = arith.constant 0 : i32
      %dma_wait3A_1213 = tpu.memref_slice %arg6[%dma_wait3A_1210, %dma_wait3A_1211, %dma_wait3A_1212] : memref<8x128x64xf32, #tpu.memory_space<vmem>> -> memref<1x128x64xf32, #tpu.memory_space<vmem>>
      %dma_wait3A_1214 = tpu.memref_squeeze %dma_wait3A_1213 : memref<1x128x64xf32, #tpu.memory_space<vmem>> -> memref<128x64xf32, #tpu.memory_space<vmem>>
      %dma_wait3A_1215 = arith.constant 0 : i32
      %dma_wait3A_1216 = tpu.memref_slice %arg4[%add3A_1209, %dma_wait3A_1215] : memref<819200x64xf32, #tpu.memory_space<hbm>> -> memref<128x64xf32, #tpu.memory_space<hbm>>
      %dma_wait3A_1217 = arith.constant 0 : i32
      %dma_wait3A_1218 = tpu.memref_slice %arg4[%add3A_1209, %dma_wait3A_1217] : memref<819200x64xf32, #tpu.memory_space<hbm>> -> memref<128x64xf32, #tpu.memory_space<hbm>>
      %dma_wait3A_1219 = arith.constant 0 : i32
      %dma_wait3A_1220 = arith.constant 0 : i32
      %dma_wait3A_1221 = tpu.memref_slice %arg6[%dma_wait3A_1210, %dma_wait3A_1219, %dma_wait3A_1220] : memref<8x128x64xf32, #tpu.memory_space<vmem>> -> memref<1x128x64xf32, #tpu.memory_space<vmem>>
      %dma_wait3A_1222 = tpu.memref_squeeze %dma_wait3A_1221 : memref<1x128x64xf32, #tpu.memory_space<vmem>> -> memref<128x64xf32, #tpu.memory_space<vmem>>
      tpu.wait_dma2 semaphore(%arg17 : memref<!tpu.dma_semaphore, #tpu.memory_space<semaphore_mem>>) src(%dma_wait3A_1222 : memref<128x64xf32, #tpu.memory_space<vmem>>) dst(%dma_wait3A_1218 : memref<128x64xf32, #tpu.memory_space<hbm>>)
      %mul3A_1223 = arith.constant 128 : i32
      %mul3A_1224 = arith.muli %add3A_1204, %mul3A_1223 : i32
      %dma_start3A_1225 = arith.constant 2 : i32
      %dma_start3A_1226 = arith.constant 0 : i32
      %dma_start3A_1227 = arith.constant 0 : i32
      %dma_start3A_1228 = tpu.memref_slice %arg6[%dma_start3A_1225, %dma_start3A_1226, %dma_start3A_1227] : memref<8x128x64xf32, #tpu.memory_space<vmem>> -> memref<1x128x64xf32, #tpu.memory_space<vmem>>
      %dma_start3A_1229 = tpu.memref_squeeze %dma_start3A_1228 : memref<1x128x64xf32, #tpu.memory_space<vmem>> -> memref<128x64xf32, #tpu.memory_space<vmem>>
      %dma_start3A_1230 = tpu.memref_slice %arg5[%mul3A_1224] : memref<25600xi32, #tpu.memory_space<vmem>> -> memref<128xi32, #tpu.memory_space<vmem>>
      %dma_start3A_1231 = arith.constant 0 : i32
      %dma_start3A_1232 = arith.constant 0 : i32
      %dma_start3A_1233 = tpu.memref_slice %arg3[%dma_start3A_1231, %dma_start3A_1232] : memref<1000000x64xf32, #tpu.memory_space<hbm>> -> memref<1000000x64xf32, #tpu.memory_space<hbm>>
      tpu.enqueue_indirect_dma source(%dma_start3A_1233 : memref<1000000x64xf32, #tpu.memory_space<hbm>>) target(%dma_start3A_1229 : memref<128x64xf32, #tpu.memory_space<vmem>>) offsets(%dma_start3A_1230 : memref<128xi32, #tpu.memory_space<vmem>>) semaphore(%arg9 : memref<!tpu.dma_semaphore, #tpu.memory_space<semaphore_mem>>)
      %add3A_1234 = arith.constant 5 : i32
      %add3A_1235 = arith.addi %mul3A_904, %add3A_1234 : i32
      %mul3A_1236 = arith.constant 128 : i32
      %mul3A_1237 = arith.muli %add3A_1235, %mul3A_1236 : i32
      %dma_wait3A_1238 = arith.constant 5 : i32
      %dma_wait3A_1239 = arith.constant 0 : i32
      %dma_wait3A_1240 = arith.constant 0 : i32
      %dma_wait3A_1241 = tpu.memref_slice %arg6[%dma_wait3A_1238, %dma_wait3A_1239, %dma_wait3A_1240] : memref<8x128x64xf32, #tpu.memory_space<vmem>> -> memref<1x128x64xf32, #tpu.memory_space<vmem>>
      %dma_wait3A_1242 = tpu.memref_squeeze %dma_wait3A_1241 : memref<1x128x64xf32, #tpu.memory_space<vmem>> -> memref<128x64xf32, #tpu.memory_space<vmem>>
      %dma_wait3A_1243 = tpu.memref_slice %arg5[%mul3A_1237] : memref<25600xi32, #tpu.memory_space<vmem>> -> memref<128xi32, #tpu.memory_space<vmem>>
      %dma_wait3A_1244 = arith.constant 0 : i32
      %dma_wait3A_1245 = arith.constant 0 : i32
      %dma_wait3A_1246 = tpu.memref_slice %arg3[%dma_wait3A_1244, %dma_wait3A_1245] : memref<1000000x64xf32, #tpu.memory_space<hbm>> -> memref<1000000x64xf32, #tpu.memory_space<hbm>>
      tpu.wait_indirect_dma semaphore(%arg12 : memref<!tpu.dma_semaphore, #tpu.memory_space<semaphore_mem>>) src(%dma_wait3A_1246 : memref<1000000x64xf32, #tpu.memory_space<hbm>>) dst(%dma_wait3A_1242 : memref<128x64xf32, #tpu.memory_space<vmem>>)
      %scan3A_1247 = arith.constant 0 : i32
      %scan3A_1248 = arith.constant 0 : i32
      %scan3A_1249 = arith.constant 128 : i32
      %scan3A_1250 = arith.addi %scan3A_1248, %scan3A_1249 : i32
      %scan3A_1251 = arith.constant 1 : i32
      scf.for %scan3A_1432 = %scan3A_1248 to %scan3A_1250 step %scan3A_1251  : i32 {
        %get3A = arith.constant 5 : i32
        %get3A_1433 = arith.index_cast %get3A : i32 to index
        %get3A_1434 = arith.index_cast %scan3A_1432 : i32 to index
        %get3A_1435 = arith.constant 0 : index
        %get3A_1436 = tpu.vector_load %arg6[%get3A_1433, %get3A_1434, %get3A_1435] {strides = array<i32>} : memref<8x128x64xf32, #tpu.memory_space<vmem>>, vector<1x1x16xf32>,
        %get3A_1437 = vector.shape_cast %get3A_1436 : vector<1x1x16xf32> to vector<16xf32>
        %mul3A_1438 = arith.constant 8.000000e+00 : f32
        %mul3A_1439 = vector.broadcast %mul3A_1438 : f32 to vector<16xf32>
        %mul3A_1440 = arith.mulf %get3A_1437, %mul3A_1439 : vector<16xf32>
        %swap3A = arith.constant 5 : i32
        %swap3A_1441 = arith.index_cast %swap3A : i32 to index
        %swap3A_1442 = arith.index_cast %scan3A_1432 : i32 to index
        %swap3A_1443 = arith.constant 0 : index
        %swap3A_1444 = tpu.vector_load %arg6[%swap3A_1441, %swap3A_1442, %swap3A_1443] {strides = array<i32>} : memref<8x128x64xf32, #tpu.memory_space<vmem>>, vector<1x1x16xf32>,
        %swap3A_1445 = vector.shape_cast %swap3A_1444 : vector<1x1x16xf32> to vector<16xf32>
        %swap3A_1446 = vector.shape_cast %mul3A_1440 : vector<16xf32> to vector<1x1x16xf32>
        tpu.vector_store %arg6[%swap3A_1441, %swap3A_1442, %swap3A_1443], %swap3A_1446 {strides = array<i32>} : memref<8x128x64xf32, #tpu.memory_space<vmem>>, vector<1x1x16xf32>,
        %get3A_1447 = arith.constant 5 : i32
        %get3A_1448 = arith.index_cast %get3A_1447 : i32 to index
        %get3A_1449 = arith.index_cast %scan3A_1432 : i32 to index
        %get3A_1450 = arith.constant 16 : index
        %get3A_1451 = tpu.vector_load %arg6[%get3A_1448, %get3A_1449, %get3A_1450] {strides = array<i32>} : memref<8x128x64xf32, #tpu.memory_space<vmem>>, vector<1x1x16xf32>,
        %get3A_1452 = vector.shape_cast %get3A_1451 : vector<1x1x16xf32> to vector<16xf32>
        %mul3A_1453 = arith.constant 8.000000e+00 : f32
        %mul3A_1454 = vector.broadcast %mul3A_1453 : f32 to vector<16xf32>
        %mul3A_1455 = arith.mulf %get3A_1452, %mul3A_1454 : vector<16xf32>
        %swap3A_1456 = arith.constant 5 : i32
        %swap3A_1457 = arith.index_cast %swap3A_1456 : i32 to index
        %swap3A_1458 = arith.index_cast %scan3A_1432 : i32 to index
        %swap3A_1459 = arith.constant 16 : index
        %swap3A_1460 = tpu.vector_load %arg6[%swap3A_1457, %swap3A_1458, %swap3A_1459] {strides = array<i32>} : memref<8x128x64xf32, #tpu.memory_space<vmem>>, vector<1x1x16xf32>,
        %swap3A_1461 = vector.shape_cast %swap3A_1460 : vector<1x1x16xf32> to vector<16xf32>
        %swap3A_1462 = vector.shape_cast %mul3A_1455 : vector<16xf32> to vector<1x1x16xf32>
        tpu.vector_store %arg6[%swap3A_1457, %swap3A_1458, %swap3A_1459], %swap3A_1462 {strides = array<i32>} : memref<8x128x64xf32, #tpu.memory_space<vmem>>, vector<1x1x16xf32>,
        %get3A_1463 = arith.constant 5 : i32
        %get3A_1464 = arith.index_cast %get3A_1463 : i32 to index
        %get3A_1465 = arith.index_cast %scan3A_1432 : i32 to index
        %get3A_1466 = arith.constant 32 : index
        %get3A_1467 = tpu.vector_load %arg6[%get3A_1464, %get3A_1465, %get3A_1466] {strides = array<i32>} : memref<8x128x64xf32, #tpu.memory_space<vmem>>, vector<1x1x16xf32>,
        %get3A_1468 = vector.shape_cast %get3A_1467 : vector<1x1x16xf32> to vector<16xf32>
        %mul3A_1469 = arith.constant 8.000000e+00 : f32
        %mul3A_1470 = vector.broadcast %mul3A_1469 : f32 to vector<16xf32>
        %mul3A_1471 = arith.mulf %get3A_1468, %mul3A_1470 : vector<16xf32>
        %swap3A_1472 = arith.constant 5 : i32
        %swap3A_1473 = arith.index_cast %swap3A_1472 : i32 to index
        %swap3A_1474 = arith.index_cast %scan3A_1432 : i32 to index
        %swap3A_1475 = arith.constant 32 : index
        %swap3A_1476 = tpu.vector_load %arg6[%swap3A_1473, %swap3A_1474, %swap3A_1475] {strides = array<i32>} : memref<8x128x64xf32, #tpu.memory_space<vmem>>, vector<1x1x16xf32>,
        %swap3A_1477 = vector.shape_cast %swap3A_1476 : vector<1x1x16xf32> to vector<16xf32>
        %swap3A_1478 = vector.shape_cast %mul3A_1471 : vector<16xf32> to vector<1x1x16xf32>
        tpu.vector_store %arg6[%swap3A_1473, %swap3A_1474, %swap3A_1475], %swap3A_1478 {strides = array<i32>} : memref<8x128x64xf32, #tpu.memory_space<vmem>>, vector<1x1x16xf32>,
        %get3A_1479 = arith.constant 5 : i32
        %get3A_1480 = arith.index_cast %get3A_1479 : i32 to index
        %get3A_1481 = arith.index_cast %scan3A_1432 : i32 to index
        %get3A_1482 = arith.constant 48 : index
        %get3A_1483 = tpu.vector_load %arg6[%get3A_1480, %get3A_1481, %get3A_1482] {strides = array<i32>} : memref<8x128x64xf32, #tpu.memory_space<vmem>>, vector<1x1x16xf32>,
        %get3A_1484 = vector.shape_cast %get3A_1483 : vector<1x1x16xf32> to vector<16xf32>
        %mul3A_1485 = arith.constant 8.000000e+00 : f32
        %mul3A_1486 = vector.broadcast %mul3A_1485 : f32 to vector<16xf32>
        %mul3A_1487 = arith.mulf %get3A_1484, %mul3A_1486 : vector<16xf32>
        %swap3A_1488 = arith.constant 5 : i32
        %swap3A_1489 = arith.index_cast %swap3A_1488 : i32 to index
        %swap3A_1490 = arith.index_cast %scan3A_1432 : i32 to index
        %swap3A_1491 = arith.constant 48 : index
        %swap3A_1492 = tpu.vector_load %arg6[%swap3A_1489, %swap3A_1490, %swap3A_1491] {strides = array<i32>} : memref<8x128x64xf32, #tpu.memory_space<vmem>>, vector<1x1x16xf32>,
        %swap3A_1493 = vector.shape_cast %swap3A_1492 : vector<1x1x16xf32> to vector<16xf32>
        %swap3A_1494 = vector.shape_cast %mul3A_1487 : vector<16xf32> to vector<1x1x16xf32>
        tpu.vector_store %arg6[%swap3A_1489, %swap3A_1490, %swap3A_1491], %swap3A_1494 {strides = array<i32>} : memref<8x128x64xf32, #tpu.memory_space<vmem>>, vector<1x1x16xf32>,
      }
      %scan3A_1252 = arith.constant 128 : i32
      %mul3A_1253 = arith.constant 128 : i32
      %mul3A_1254 = arith.muli %add3A_1235, %mul3A_1253 : i32
      %add3A_1255 = arith.addi %mul3A_2, %mul3A_1254 : i32
      %dma_start3A_1256 = arith.constant 5 : i32
      %dma_start3A_1257 = arith.constant 0 : i32
      %dma_start3A_1258 = arith.constant 0 : i32
      %dma_start3A_1259 = tpu.memref_slice %arg6[%dma_start3A_1256, %dma_start3A_1257, %dma_start3A_1258] : memref<8x128x64xf32, #tpu.memory_space<vmem>> -> memref<1x128x64xf32, #tpu.memory_space<vmem>>
      %dma_start3A_1260 = tpu.memref_squeeze %dma_start3A_1259 : memref<1x128x64xf32, #tpu.memory_space<vmem>> -> memref<128x64xf32, #tpu.memory_space<vmem>>
      %dma_start3A_1261 = arith.constant 0 : i32
      %dma_start3A_1262 = tpu.memref_slice %arg4[%add3A_1255, %dma_start3A_1261] : memref<819200x64xf32, #tpu.memory_space<hbm>> -> memref<128x64xf32, #tpu.memory_space<hbm>>
      %dma_start3A_1263 = arith.constant 0 : i32
      %dma_start3A_1264 = tpu.memref_slice %arg4[%add3A_1255, %dma_start3A_1263] : memref<819200x64xf32, #tpu.memory_space<hbm>> -> memref<128x64xf32, #tpu.memory_space<hbm>>
      %dma_start3A_1265 = arith.constant 0 : i32
      %dma_start3A_1266 = arith.constant 0 : i32
      %dma_start3A_1267 = tpu.memref_slice %arg6[%dma_start3A_1256, %dma_start3A_1265, %dma_start3A_1266] : memref<8x128x64xf32, #tpu.memory_space<vmem>> -> memref<1x128x64xf32, #tpu.memory_space<vmem>>
      %dma_start3A_1268 = tpu.memref_squeeze %dma_start3A_1267 : memref<1x128x64xf32, #tpu.memory_space<vmem>> -> memref<128x64xf32, #tpu.memory_space<vmem>>
      tpu.enqueue_dma source(%dma_start3A_1268 : memref<128x64xf32, #tpu.memory_space<vmem>>) target(%dma_start3A_1264 : memref<128x64xf32, #tpu.memory_space<hbm>>) target_semaphore(%arg20 : memref<!tpu.dma_semaphore, #tpu.memory_space<semaphore_mem>>)
      %add3A_1269 = arith.constant 6 : i32
      %add3A_1270 = arith.addi %add3A_1235, %add3A_1269 : i32
      %sub3A_1271 = arith.constant 8 : i32
      %sub3A_1272 = arith.subi %add3A_1270, %sub3A_1271 : i32
      %mul3A_1273 = arith.constant 128 : i32
      %mul3A_1274 = arith.muli %sub3A_1272, %mul3A_1273 : i32
      %add3A_1275 = arith.addi %mul3A_2, %mul3A_1274 : i32
      %dma_wait3A_1276 = arith.constant 3 : i32
      %dma_wait3A_1277 = arith.constant 0 : i32
      %dma_wait3A_1278 = arith.constant 0 : i32
      %dma_wait3A_1279 = tpu.memref_slice %arg6[%dma_wait3A_1276, %dma_wait3A_1277, %dma_wait3A_1278] : memref<8x128x64xf32, #tpu.memory_space<vmem>> -> memref<1x128x64xf32, #tpu.memory_space<vmem>>
      %dma_wait3A_1280 = tpu.memref_squeeze %dma_wait3A_1279 : memref<1x128x64xf32, #tpu.memory_space<vmem>> -> memref<128x64xf32, #tpu.memory_space<vmem>>
      %dma_wait3A_1281 = arith.constant 0 : i32
      %dma_wait3A_1282 = tpu.memref_slice %arg4[%add3A_1275, %dma_wait3A_1281] : memref<819200x64xf32, #tpu.memory_space<hbm>> -> memref<128x64xf32, #tpu.memory_space<hbm>>
      %dma_wait3A_1283 = arith.constant 0 : i32
      %dma_wait3A_1284 = tpu.memref_slice %arg4[%add3A_1275, %dma_wait3A_1283] : memref<819200x64xf32, #tpu.memory_space<hbm>> -> memref<128x64xf32, #tpu.memory_space<hbm>>
      %dma_wait3A_1285 = arith.constant 0 : i32
      %dma_wait3A_1286 = arith.constant 0 : i32
      %dma_wait3A_1287 = tpu.memref_slice %arg6[%dma_wait3A_1276, %dma_wait3A_1285, %dma_wait3A_1286] : memref<8x128x64xf32, #tpu.memory_space<vmem>> -> memref<1x128x64xf32, #tpu.memory_space<vmem>>
      %dma_wait3A_1288 = tpu.memref_squeeze %dma_wait3A_1287 : memref<1x128x64xf32, #tpu.memory_space<vmem>> -> memref<128x64xf32, #tpu.memory_space<vmem>>
      tpu.wait_dma2 semaphore(%arg18 : memref<!tpu.dma_semaphore, #tpu.memory_space<semaphore_mem>>) src(%dma_wait3A_1288 : memref<128x64xf32, #tpu.memory_space<vmem>>) dst(%dma_wait3A_1284 : memref<128x64xf32, #tpu.memory_space<hbm>>)
      %mul3A_1289 = arith.constant 128 : i32
      %mul3A_1290 = arith.muli %add3A_1270, %mul3A_1289 : i32
      %dma_start3A_1291 = arith.constant 3 : i32
      %dma_start3A_1292 = arith.constant 0 : i32
      %dma_start3A_1293 = arith.constant 0 : i32
      %dma_start3A_1294 = tpu.memref_slice %arg6[%dma_start3A_1291, %dma_start3A_1292, %dma_start3A_1293] : memref<8x128x64xf32, #tpu.memory_space<vmem>> -> memref<1x128x64xf32, #tpu.memory_space<vmem>>
      %dma_start3A_1295 = tpu.memref_squeeze %dma_start3A_1294 : memref<1x128x64xf32, #tpu.memory_space<vmem>> -> memref<128x64xf32, #tpu.memory_space<vmem>>
      %dma_start3A_1296 = tpu.memref_slice %arg5[%mul3A_1290] : memref<25600xi32, #tpu.memory_space<vmem>> -> memref<128xi32, #tpu.memory_space<vmem>>
      %dma_start3A_1297 = arith.constant 0 : i32
      %dma_start3A_1298 = arith.constant 0 : i32
      %dma_start3A_1299 = tpu.memref_slice %arg3[%dma_start3A_1297, %dma_start3A_1298] : memref<1000000x64xf32, #tpu.memory_space<hbm>> -> memref<1000000x64xf32, #tpu.memory_space<hbm>>
      tpu.enqueue_indirect_dma source(%dma_start3A_1299 : memref<1000000x64xf32, #tpu.memory_space<hbm>>) target(%dma_start3A_1295 : memref<128x64xf32, #tpu.memory_space<vmem>>) offsets(%dma_start3A_1296 : memref<128xi32, #tpu.memory_space<vmem>>) semaphore(%arg10 : memref<!tpu.dma_semaphore, #tpu.memory_space<semaphore_mem>>)
      %add3A_1300 = arith.constant 6 : i32
      %add3A_1301 = arith.addi %mul3A_904, %add3A_1300 : i32
      %mul3A_1302 = arith.constant 128 : i32
      %mul3A_1303 = arith.muli %add3A_1301, %mul3A_1302 : i32
      %dma_wait3A_1304 = arith.constant 6 : i32
      %dma_wait3A_1305 = arith.constant 0 : i32
      %dma_wait3A_1306 = arith.constant 0 : i32
      %dma_wait3A_1307 = tpu.memref_slice %arg6[%dma_wait3A_1304, %dma_wait3A_1305, %dma_wait3A_1306] : memref<8x128x64xf32, #tpu.memory_space<vmem>> -> memref<1x128x64xf32, #tpu.memory_space<vmem>>
      %dma_wait3A_1308 = tpu.memref_squeeze %dma_wait3A_1307 : memref<1x128x64xf32, #tpu.memory_space<vmem>> -> memref<128x64xf32, #tpu.memory_space<vmem>>
      %dma_wait3A_1309 = tpu.memref_slice %arg5[%mul3A_1303] : memref<25600xi32, #tpu.memory_space<vmem>> -> memref<128xi32, #tpu.memory_space<vmem>>
      %dma_wait3A_1310 = arith.constant 0 : i32
      %dma_wait3A_1311 = arith.constant 0 : i32
      %dma_wait3A_1312 = tpu.memref_slice %arg3[%dma_wait3A_1310, %dma_wait3A_1311] : memref<1000000x64xf32, #tpu.memory_space<hbm>> -> memref<1000000x64xf32, #tpu.memory_space<hbm>>
      tpu.wait_indirect_dma semaphore(%arg13 : memref<!tpu.dma_semaphore, #tpu.memory_space<semaphore_mem>>) src(%dma_wait3A_1312 : memref<1000000x64xf32, #tpu.memory_space<hbm>>) dst(%dma_wait3A_1308 : memref<128x64xf32, #tpu.memory_space<vmem>>)
      %scan3A_1313 = arith.constant 0 : i32
      %scan3A_1314 = arith.constant 0 : i32
      %scan3A_1315 = arith.constant 128 : i32
      %scan3A_1316 = arith.addi %scan3A_1314, %scan3A_1315 : i32
      %scan3A_1317 = arith.constant 1 : i32
      scf.for %scan3A_1432 = %scan3A_1314 to %scan3A_1316 step %scan3A_1317  : i32 {
        %get3A = arith.constant 6 : i32
        %get3A_1433 = arith.index_cast %get3A : i32 to index
        %get3A_1434 = arith.index_cast %scan3A_1432 : i32 to index
        %get3A_1435 = arith.constant 0 : index
        %get3A_1436 = tpu.vector_load %arg6[%get3A_1433, %get3A_1434, %get3A_1435] {strides = array<i32>} : memref<8x128x64xf32, #tpu.memory_space<vmem>>, vector<1x1x16xf32>,
        %get3A_1437 = vector.shape_cast %get3A_1436 : vector<1x1x16xf32> to vector<16xf32>
        %mul3A_1438 = arith.constant 8.000000e+00 : f32
        %mul3A_1439 = vector.broadcast %mul3A_1438 : f32 to vector<16xf32>
        %mul3A_1440 = arith.mulf %get3A_1437, %mul3A_1439 : vector<16xf32>
        %swap3A = arith.constant 6 : i32
        %swap3A_1441 = arith.index_cast %swap3A : i32 to index
        %swap3A_1442 = arith.index_cast %scan3A_1432 : i32 to index
        %swap3A_1443 = arith.constant 0 : index
        %swap3A_1444 = tpu.vector_load %arg6[%swap3A_1441, %swap3A_1442, %swap3A_1443] {strides = array<i32>} : memref<8x128x64xf32, #tpu.memory_space<vmem>>, vector<1x1x16xf32>,
        %swap3A_1445 = vector.shape_cast %swap3A_1444 : vector<1x1x16xf32> to vector<16xf32>
        %swap3A_1446 = vector.shape_cast %mul3A_1440 : vector<16xf32> to vector<1x1x16xf32>
        tpu.vector_store %arg6[%swap3A_1441, %swap3A_1442, %swap3A_1443], %swap3A_1446 {strides = array<i32>} : memref<8x128x64xf32, #tpu.memory_space<vmem>>, vector<1x1x16xf32>,
        %get3A_1447 = arith.constant 6 : i32
        %get3A_1448 = arith.index_cast %get3A_1447 : i32 to index
        %get3A_1449 = arith.index_cast %scan3A_1432 : i32 to index
        %get3A_1450 = arith.constant 16 : index
        %get3A_1451 = tpu.vector_load %arg6[%get3A_1448, %get3A_1449, %get3A_1450] {strides = array<i32>} : memref<8x128x64xf32, #tpu.memory_space<vmem>>, vector<1x1x16xf32>,
        %get3A_1452 = vector.shape_cast %get3A_1451 : vector<1x1x16xf32> to vector<16xf32>
        %mul3A_1453 = arith.constant 8.000000e+00 : f32
        %mul3A_1454 = vector.broadcast %mul3A_1453 : f32 to vector<16xf32>
        %mul3A_1455 = arith.mulf %get3A_1452, %mul3A_1454 : vector<16xf32>
        %swap3A_1456 = arith.constant 6 : i32
        %swap3A_1457 = arith.index_cast %swap3A_1456 : i32 to index
        %swap3A_1458 = arith.index_cast %scan3A_1432 : i32 to index
        %swap3A_1459 = arith.constant 16 : index
        %swap3A_1460 = tpu.vector_load %arg6[%swap3A_1457, %swap3A_1458, %swap3A_1459] {strides = array<i32>} : memref<8x128x64xf32, #tpu.memory_space<vmem>>, vector<1x1x16xf32>,
        %swap3A_1461 = vector.shape_cast %swap3A_1460 : vector<1x1x16xf32> to vector<16xf32>
        %swap3A_1462 = vector.shape_cast %mul3A_1455 : vector<16xf32> to vector<1x1x16xf32>
        tpu.vector_store %arg6[%swap3A_1457, %swap3A_1458, %swap3A_1459], %swap3A_1462 {strides = array<i32>} : memref<8x128x64xf32, #tpu.memory_space<vmem>>, vector<1x1x16xf32>,
        %get3A_1463 = arith.constant 6 : i32
        %get3A_1464 = arith.index_cast %get3A_1463 : i32 to index
        %get3A_1465 = arith.index_cast %scan3A_1432 : i32 to index
        %get3A_1466 = arith.constant 32 : index
        %get3A_1467 = tpu.vector_load %arg6[%get3A_1464, %get3A_1465, %get3A_1466] {strides = array<i32>} : memref<8x128x64xf32, #tpu.memory_space<vmem>>, vector<1x1x16xf32>,
        %get3A_1468 = vector.shape_cast %get3A_1467 : vector<1x1x16xf32> to vector<16xf32>
        %mul3A_1469 = arith.constant 8.000000e+00 : f32
        %mul3A_1470 = vector.broadcast %mul3A_1469 : f32 to vector<16xf32>
        %mul3A_1471 = arith.mulf %get3A_1468, %mul3A_1470 : vector<16xf32>
        %swap3A_1472 = arith.constant 6 : i32
        %swap3A_1473 = arith.index_cast %swap3A_1472 : i32 to index
        %swap3A_1474 = arith.index_cast %scan3A_1432 : i32 to index
        %swap3A_1475 = arith.constant 32 : index
        %swap3A_1476 = tpu.vector_load %arg6[%swap3A_1473, %swap3A_1474, %swap3A_1475] {strides = array<i32>} : memref<8x128x64xf32, #tpu.memory_space<vmem>>, vector<1x1x16xf32>,
        %swap3A_1477 = vector.shape_cast %swap3A_1476 : vector<1x1x16xf32> to vector<16xf32>
        %swap3A_1478 = vector.shape_cast %mul3A_1471 : vector<16xf32> to vector<1x1x16xf32>
        tpu.vector_store %arg6[%swap3A_1473, %swap3A_1474, %swap3A_1475], %swap3A_1478 {strides = array<i32>} : memref<8x128x64xf32, #tpu.memory_space<vmem>>, vector<1x1x16xf32>,
        %get3A_1479 = arith.constant 6 : i32
        %get3A_1480 = arith.index_cast %get3A_1479 : i32 to index
        %get3A_1481 = arith.index_cast %scan3A_1432 : i32 to index
        %get3A_1482 = arith.constant 48 : index
        %get3A_1483 = tpu.vector_load %arg6[%get3A_1480, %get3A_1481, %get3A_1482] {strides = array<i32>} : memref<8x128x64xf32, #tpu.memory_space<vmem>>, vector<1x1x16xf32>,
        %get3A_1484 = vector.shape_cast %get3A_1483 : vector<1x1x16xf32> to vector<16xf32>
        %mul3A_1485 = arith.constant 8.000000e+00 : f32
        %mul3A_1486 = vector.broadcast %mul3A_1485 : f32 to vector<16xf32>
        %mul3A_1487 = arith.mulf %get3A_1484, %mul3A_1486 : vector<16xf32>
        %swap3A_1488 = arith.constant 6 : i32
        %swap3A_1489 = arith.index_cast %swap3A_1488 : i32 to index
        %swap3A_1490 = arith.index_cast %scan3A_1432 : i32 to index
        %swap3A_1491 = arith.constant 48 : index
        %swap3A_1492 = tpu.vector_load %arg6[%swap3A_1489, %swap3A_1490, %swap3A_1491] {strides = array<i32>} : memref<8x128x64xf32, #tpu.memory_space<vmem>>, vector<1x1x16xf32>,
        %swap3A_1493 = vector.shape_cast %swap3A_1492 : vector<1x1x16xf32> to vector<16xf32>
        %swap3A_1494 = vector.shape_cast %mul3A_1487 : vector<16xf32> to vector<1x1x16xf32>
        tpu.vector_store %arg6[%swap3A_1489, %swap3A_1490, %swap3A_1491], %swap3A_1494 {strides = array<i32>} : memref<8x128x64xf32, #tpu.memory_space<vmem>>, vector<1x1x16xf32>,
      }
      %scan3A_1318 = arith.constant 128 : i32
      %mul3A_1319 = arith.constant 128 : i32
      %mul3A_1320 = arith.muli %add3A_1301, %mul3A_1319 : i32
      %add3A_1321 = arith.addi %mul3A_2, %mul3A_1320 : i32
      %dma_start3A_1322 = arith.constant 6 : i32
      %dma_start3A_1323 = arith.constant 0 : i32
      %dma_start3A_1324 = arith.constant 0 : i32
      %dma_start3A_1325 = tpu.memref_slice %arg6[%dma_start3A_1322, %dma_start3A_1323, %dma_start3A_1324] : memref<8x128x64xf32, #tpu.memory_space<vmem>> -> memref<1x128x64xf32, #tpu.memory_space<vmem>>
      %dma_start3A_1326 = tpu.memref_squeeze %dma_start3A_1325 : memref<1x128x64xf32, #tpu.memory_space<vmem>> -> memref<128x64xf32, #tpu.memory_space<vmem>>
      %dma_start3A_1327 = arith.constant 0 : i32
      %dma_start3A_1328 = tpu.memref_slice %arg4[%add3A_1321, %dma_start3A_1327] : memref<819200x64xf32, #tpu.memory_space<hbm>> -> memref<128x64xf32, #tpu.memory_space<hbm>>
      %dma_start3A_1329 = arith.constant 0 : i32
      %dma_start3A_1330 = tpu.memref_slice %arg4[%add3A_1321, %dma_start3A_1329] : memref<819200x64xf32, #tpu.memory_space<hbm>> -> memref<128x64xf32, #tpu.memory_space<hbm>>
      %dma_start3A_1331 = arith.constant 0 : i32
      %dma_start3A_1332 = arith.constant 0 : i32
      %dma_start3A_1333 = tpu.memref_slice %arg6[%dma_start3A_1322, %dma_start3A_1331, %dma_start3A_1332] : memref<8x128x64xf32, #tpu.memory_space<vmem>> -> memref<1x128x64xf32, #tpu.memory_space<vmem>>
      %dma_start3A_1334 = tpu.memref_squeeze %dma_start3A_1333 : memref<1x128x64xf32, #tpu.memory_space<vmem>> -> memref<128x64xf32, #tpu.memory_space<vmem>>
      tpu.enqueue_dma source(%dma_start3A_1334 : memref<128x64xf32, #tpu.memory_space<vmem>>) target(%dma_start3A_1330 : memref<128x64xf32, #tpu.memory_space<hbm>>) target_semaphore(%arg21 : memref<!tpu.dma_semaphore, #tpu.memory_space<semaphore_mem>>)
      %add3A_1335 = arith.constant 6 : i32
      %add3A_1336 = arith.addi %add3A_1301, %add3A_1335 : i32
      %sub3A_1337 = arith.constant 8 : i32
      %sub3A_1338 = arith.subi %add3A_1336, %sub3A_1337 : i32
      %mul3A_1339 = arith.constant 128 : i32
      %mul3A_1340 = arith.muli %sub3A_1338, %mul3A_1339 : i32
      %add3A_1341 = arith.addi %mul3A_2, %mul3A_1340 : i32
      %dma_wait3A_1342 = arith.constant 4 : i32
      %dma_wait3A_1343 = arith.constant 0 : i32
      %dma_wait3A_1344 = arith.constant 0 : i32
      %dma_wait3A_1345 = tpu.memref_slice %arg6[%dma_wait3A_1342, %dma_wait3A_1343, %dma_wait3A_1344] : memref<8x128x64xf32, #tpu.memory_space<vmem>> -> memref<1x128x64xf32, #tpu.memory_space<vmem>>
      %dma_wait3A_1346 = tpu.memref_squeeze %dma_wait3A_1345 : memref<1x128x64xf32, #tpu.memory_space<vmem>> -> memref<128x64xf32, #tpu.memory_space<vmem>>
      %dma_wait3A_1347 = arith.constant 0 : i32
      %dma_wait3A_1348 = tpu.memref_slice %arg4[%add3A_1341, %dma_wait3A_1347] : memref<819200x64xf32, #tpu.memory_space<hbm>> -> memref<128x64xf32, #tpu.memory_space<hbm>>
      %dma_wait3A_1349 = arith.constant 0 : i32
      %dma_wait3A_1350 = tpu.memref_slice %arg4[%add3A_1341, %dma_wait3A_1349] : memref<819200x64xf32, #tpu.memory_space<hbm>> -> memref<128x64xf32, #tpu.memory_space<hbm>>
      %dma_wait3A_1351 = arith.constant 0 : i32
      %dma_wait3A_1352 = arith.constant 0 : i32
      %dma_wait3A_1353 = tpu.memref_slice %arg6[%dma_wait3A_1342, %dma_wait3A_1351, %dma_wait3A_1352] : memref<8x128x64xf32, #tpu.memory_space<vmem>> -> memref<1x128x64xf32, #tpu.memory_space<vmem>>
      %dma_wait3A_1354 = tpu.memref_squeeze %dma_wait3A_1353 : memref<1x128x64xf32, #tpu.memory_space<vmem>> -> memref<128x64xf32, #tpu.memory_space<vmem>>
      tpu.wait_dma2 semaphore(%arg19 : memref<!tpu.dma_semaphore, #tpu.memory_space<semaphore_mem>>) src(%dma_wait3A_1354 : memref<128x64xf32, #tpu.memory_space<vmem>>) dst(%dma_wait3A_1350 : memref<128x64xf32, #tpu.memory_space<hbm>>)
      %mul3A_1355 = arith.constant 128 : i32
      %mul3A_1356 = arith.muli %add3A_1336, %mul3A_1355 : i32
      %dma_start3A_1357 = arith.constant 4 : i32
      %dma_start3A_1358 = arith.constant 0 : i32
      %dma_start3A_1359 = arith.constant 0 : i32
      %dma_start3A_1360 = tpu.memref_slice %arg6[%dma_start3A_1357, %dma_start3A_1358, %dma_start3A_1359] : memref<8x128x64xf32, #tpu.memory_space<vmem>> -> memref<1x128x64xf32, #tpu.memory_space<vmem>>
      %dma_start3A_1361 = tpu.memref_squeeze %dma_start3A_1360 : memref<1x128x64xf32, #tpu.memory_space<vmem>> -> memref<128x64xf32, #tpu.memory_space<vmem>>
      %dma_start3A_1362 = tpu.memref_slice %arg5[%mul3A_1356] : memref<25600xi32, #tpu.memory_space<vmem>> -> memref<128xi32, #tpu.memory_space<vmem>>
      %dma_start3A_1363 = arith.constant 0 : i32
      %dma_start3A_1364 = arith.constant 0 : i32
      %dma_start3A_1365 = tpu.memref_slice %arg3[%dma_start3A_1363, %dma_start3A_1364] : memref<1000000x64xf32, #tpu.memory_space<hbm>> -> memref<1000000x64xf32, #tpu.memory_space<hbm>>
      tpu.enqueue_indirect_dma source(%dma_start3A_1365 : memref<1000000x64xf32, #tpu.memory_space<hbm>>) target(%dma_start3A_1361 : memref<128x64xf32, #tpu.memory_space<vmem>>) offsets(%dma_start3A_1362 : memref<128xi32, #tpu.memory_space<vmem>>) semaphore(%arg11 : memref<!tpu.dma_semaphore, #tpu.memory_space<semaphore_mem>>)
      %add3A_1366 = arith.constant 7 : i32
      %add3A_1367 = arith.addi %mul3A_904, %add3A_1366 : i32
      %mul3A_1368 = arith.constant 128 : i32
      %mul3A_1369 = arith.muli %add3A_1367, %mul3A_1368 : i32
      %dma_wait3A_1370 = arith.constant 7 : i32
      %dma_wait3A_1371 = arith.constant 0 : i32
      %dma_wait3A_1372 = arith.constant 0 : i32
      %dma_wait3A_1373 = tpu.memref_slice %arg6[%dma_wait3A_1370, %dma_wait3A_1371, %dma_wait3A_1372] : memref<8x128x64xf32, #tpu.memory_space<vmem>> -> memref<1x128x64xf32, #tpu.memory_space<vmem>>
      %dma_wait3A_1374 = tpu.memref_squeeze %dma_wait3A_1373 : memref<1x128x64xf32, #tpu.memory_space<vmem>> -> memref<128x64xf32, #tpu.memory_space<vmem>>
      %dma_wait3A_1375 = tpu.memref_slice %arg5[%mul3A_1369] : memref<25600xi32, #tpu.memory_space<vmem>> -> memref<128xi32, #tpu.memory_space<vmem>>
      %dma_wait3A_1376 = arith.constant 0 : i32
      %dma_wait3A_1377 = arith.constant 0 : i32
      %dma_wait3A_1378 = tpu.memref_slice %arg3[%dma_wait3A_1376, %dma_wait3A_1377] : memref<1000000x64xf32, #tpu.memory_space<hbm>> -> memref<1000000x64xf32, #tpu.memory_space<hbm>>
      tpu.wait_indirect_dma semaphore(%arg14 : memref<!tpu.dma_semaphore, #tpu.memory_space<semaphore_mem>>) src(%dma_wait3A_1378 : memref<1000000x64xf32, #tpu.memory_space<hbm>>) dst(%dma_wait3A_1374 : memref<128x64xf32, #tpu.memory_space<vmem>>)
      %scan3A_1379 = arith.constant 0 : i32
      %scan3A_1380 = arith.constant 0 : i32
      %scan3A_1381 = arith.constant 128 : i32
      %scan3A_1382 = arith.addi %scan3A_1380, %scan3A_1381 : i32
      %scan3A_1383 = arith.constant 1 : i32
      scf.for %scan3A_1432 = %scan3A_1380 to %scan3A_1382 step %scan3A_1383  : i32 {
        %get3A = arith.constant 7 : i32
        %get3A_1433 = arith.index_cast %get3A : i32 to index
        %get3A_1434 = arith.index_cast %scan3A_1432 : i32 to index
        %get3A_1435 = arith.constant 0 : index
        %get3A_1436 = tpu.vector_load %arg6[%get3A_1433, %get3A_1434, %get3A_1435] {strides = array<i32>} : memref<8x128x64xf32, #tpu.memory_space<vmem>>, vector<1x1x16xf32>,
        %get3A_1437 = vector.shape_cast %get3A_1436 : vector<1x1x16xf32> to vector<16xf32>
        %mul3A_1438 = arith.constant 8.000000e+00 : f32
        %mul3A_1439 = vector.broadcast %mul3A_1438 : f32 to vector<16xf32>
        %mul3A_1440 = arith.mulf %get3A_1437, %mul3A_1439 : vector<16xf32>
        %swap3A = arith.constant 7 : i32
        %swap3A_1441 = arith.index_cast %swap3A : i32 to index
        %swap3A_1442 = arith.index_cast %scan3A_1432 : i32 to index
        %swap3A_1443 = arith.constant 0 : index
        %swap3A_1444 = tpu.vector_load %arg6[%swap3A_1441, %swap3A_1442, %swap3A_1443] {strides = array<i32>} : memref<8x128x64xf32, #tpu.memory_space<vmem>>, vector<1x1x16xf32>,
        %swap3A_1445 = vector.shape_cast %swap3A_1444 : vector<1x1x16xf32> to vector<16xf32>
        %swap3A_1446 = vector.shape_cast %mul3A_1440 : vector<16xf32> to vector<1x1x16xf32>
        tpu.vector_store %arg6[%swap3A_1441, %swap3A_1442, %swap3A_1443], %swap3A_1446 {strides = array<i32>} : memref<8x128x64xf32, #tpu.memory_space<vmem>>, vector<1x1x16xf32>,
        %get3A_1447 = arith.constant 7 : i32
        %get3A_1448 = arith.index_cast %get3A_1447 : i32 to index
        %get3A_1449 = arith.index_cast %scan3A_1432 : i32 to index
        %get3A_1450 = arith.constant 16 : index
        %get3A_1451 = tpu.vector_load %arg6[%get3A_1448, %get3A_1449, %get3A_1450] {strides = array<i32>} : memref<8x128x64xf32, #tpu.memory_space<vmem>>, vector<1x1x16xf32>,
        %get3A_1452 = vector.shape_cast %get3A_1451 : vector<1x1x16xf32> to vector<16xf32>
        %mul3A_1453 = arith.constant 8.000000e+00 : f32
        %mul3A_1454 = vector.broadcast %mul3A_1453 : f32 to vector<16xf32>
        %mul3A_1455 = arith.mulf %get3A_1452, %mul3A_1454 : vector<16xf32>
        %swap3A_1456 = arith.constant 7 : i32
        %swap3A_1457 = arith.index_cast %swap3A_1456 : i32 to index
        %swap3A_1458 = arith.index_cast %scan3A_1432 : i32 to index
        %swap3A_1459 = arith.constant 16 : index
        %swap3A_1460 = tpu.vector_load %arg6[%swap3A_1457, %swap3A_1458, %swap3A_1459] {strides = array<i32>} : memref<8x128x64xf32, #tpu.memory_space<vmem>>, vector<1x1x16xf32>,
        %swap3A_1461 = vector.shape_cast %swap3A_1460 : vector<1x1x16xf32> to vector<16xf32>
        %swap3A_1462 = vector.shape_cast %mul3A_1455 : vector<16xf32> to vector<1x1x16xf32>
        tpu.vector_store %arg6[%swap3A_1457, %swap3A_1458, %swap3A_1459], %swap3A_1462 {strides = array<i32>} : memref<8x128x64xf32, #tpu.memory_space<vmem>>, vector<1x1x16xf32>,
        %get3A_1463 = arith.constant 7 : i32
        %get3A_1464 = arith.index_cast %get3A_1463 : i32 to index
        %get3A_1465 = arith.index_cast %scan3A_1432 : i32 to index
        %get3A_1466 = arith.constant 32 : index
        %get3A_1467 = tpu.vector_load %arg6[%get3A_1464, %get3A_1465, %get3A_1466] {strides = array<i32>} : memref<8x128x64xf32, #tpu.memory_space<vmem>>, vector<1x1x16xf32>,
        %get3A_1468 = vector.shape_cast %get3A_1467 : vector<1x1x16xf32> to vector<16xf32>
        %mul3A_1469 = arith.constant 8.000000e+00 : f32
        %mul3A_1470 = vector.broadcast %mul3A_1469 : f32 to vector<16xf32>
        %mul3A_1471 = arith.mulf %get3A_1468, %mul3A_1470 : vector<16xf32>
        %swap3A_1472 = arith.constant 7 : i32
        %swap3A_1473 = arith.index_cast %swap3A_1472 : i32 to index
        %swap3A_1474 = arith.index_cast %scan3A_1432 : i32 to index
        %swap3A_1475 = arith.constant 32 : index
        %swap3A_1476 = tpu.vector_load %arg6[%swap3A_1473, %swap3A_1474, %swap3A_1475] {strides = array<i32>} : memref<8x128x64xf32, #tpu.memory_space<vmem>>, vector<1x1x16xf32>,
        %swap3A_1477 = vector.shape_cast %swap3A_1476 : vector<1x1x16xf32> to vector<16xf32>
        %swap3A_1478 = vector.shape_cast %mul3A_1471 : vector<16xf32> to vector<1x1x16xf32>
        tpu.vector_store %arg6[%swap3A_1473, %swap3A_1474, %swap3A_1475], %swap3A_1478 {strides = array<i32>} : memref<8x128x64xf32, #tpu.memory_space<vmem>>, vector<1x1x16xf32>,
        %get3A_1479 = arith.constant 7 : i32
        %get3A_1480 = arith.index_cast %get3A_1479 : i32 to index
        %get3A_1481 = arith.index_cast %scan3A_1432 : i32 to index
        %get3A_1482 = arith.constant 48 : index
        %get3A_1483 = tpu.vector_load %arg6[%get3A_1480, %get3A_1481, %get3A_1482] {strides = array<i32>} : memref<8x128x64xf32, #tpu.memory_space<vmem>>, vector<1x1x16xf32>,
        %get3A_1484 = vector.shape_cast %get3A_1483 : vector<1x1x16xf32> to vector<16xf32>
        %mul3A_1485 = arith.constant 8.000000e+00 : f32
        %mul3A_1486 = vector.broadcast %mul3A_1485 : f32 to vector<16xf32>
        %mul3A_1487 = arith.mulf %get3A_1484, %mul3A_1486 : vector<16xf32>
        %swap3A_1488 = arith.constant 7 : i32
        %swap3A_1489 = arith.index_cast %swap3A_1488 : i32 to index
        %swap3A_1490 = arith.index_cast %scan3A_1432 : i32 to index
        %swap3A_1491 = arith.constant 48 : index
        %swap3A_1492 = tpu.vector_load %arg6[%swap3A_1489, %swap3A_1490, %swap3A_1491] {strides = array<i32>} : memref<8x128x64xf32, #tpu.memory_space<vmem>>, vector<1x1x16xf32>,
        %swap3A_1493 = vector.shape_cast %swap3A_1492 : vector<1x1x16xf32> to vector<16xf32>
        %swap3A_1494 = vector.shape_cast %mul3A_1487 : vector<16xf32> to vector<1x1x16xf32>
        tpu.vector_store %arg6[%swap3A_1489, %swap3A_1490, %swap3A_1491], %swap3A_1494 {strides = array<i32>} : memref<8x128x64xf32, #tpu.memory_space<vmem>>, vector<1x1x16xf32>,
      }
      %scan3A_1384 = arith.constant 128 : i32
      %mul3A_1385 = arith.constant 128 : i32
      %mul3A_1386 = arith.muli %add3A_1367, %mul3A_1385 : i32
      %add3A_1387 = arith.addi %mul3A_2, %mul3A_1386 : i32
      %dma_start3A_1388 = arith.constant 7 : i32
      %dma_start3A_1389 = arith.constant 0 : i32
      %dma_start3A_1390 = arith.constant 0 : i32
      %dma_start3A_1391 = tpu.memref_slice %arg6[%dma_start3A_1388, %dma_start3A_1389, %dma_start3A_1390] : memref<8x128x64xf32, #tpu.memory_space<vmem>> -> memref<1x128x64xf32, #tpu.memory_space<vmem>>
      %dma_start3A_1392 = tpu.memref_squeeze %dma_start3A_1391 : memref<1x128x64xf32, #tpu.memory_space<vmem>> -> memref<128x64xf32, #tpu.memory_space<vmem>>
      %dma_start3A_1393 = arith.constant 0 : i32
      %dma_start3A_1394 = tpu.memref_slice %arg4[%add3A_1387, %dma_start3A_1393] : memref<819200x64xf32, #tpu.memory_space<hbm>> -> memref<128x64xf32, #tpu.memory_space<hbm>>
      %dma_start3A_1395 = arith.constant 0 : i32
      %dma_start3A_1396 = tpu.memref_slice %arg4[%add3A_1387, %dma_start3A_1395] : memref<819200x64xf32, #tpu.memory_space<hbm>> -> memref<128x64xf32, #tpu.memory_space<hbm>>
      %dma_start3A_1397 = arith.constant 0 : i32
      %dma_start3A_1398 = arith.constant 0 : i32
      %dma_start3A_1399 = tpu.memref_slice %arg6[%dma_start3A_1388, %dma_start3A_1397, %dma_start3A_1398] : memref<8x128x64xf32, #tpu.memory_space<vmem>> -> memref<1x128x64xf32, #tpu.memory_space<vmem>>
      %dma_start3A_1400 = tpu.memref_squeeze %dma_start3A_1399 : memref<1x128x64xf32, #tpu.memory_space<vmem>> -> memref<128x64xf32, #tpu.memory_space<vmem>>
      tpu.enqueue_dma source(%dma_start3A_1400 : memref<128x64xf32, #tpu.memory_space<vmem>>) target(%dma_start3A_1396 : memref<128x64xf32, #tpu.memory_space<hbm>>) target_semaphore(%arg22 : memref<!tpu.dma_semaphore, #tpu.memory_space<semaphore_mem>>)
      %add3A_1401 = arith.constant 6 : i32
      %add3A_1402 = arith.addi %add3A_1367, %add3A_1401 : i32
      %sub3A_1403 = arith.constant 8 : i32
      %sub3A_1404 = arith.subi %add3A_1402, %sub3A_1403 : i32
      %mul3A_1405 = arith.constant 128 : i32
      %mul3A_1406 = arith.muli %sub3A_1404, %mul3A_1405 : i32
      %add3A_1407 = arith.addi %mul3A_2, %mul3A_1406 : i32
      %dma_wait3A_1408 = arith.constant 5 : i32
      %dma_wait3A_1409 = arith.constant 0 : i32
      %dma_wait3A_1410 = arith.constant 0 : i32
      %dma_wait3A_1411 = tpu.memref_slice %arg6[%dma_wait3A_1408, %dma_wait3A_1409, %dma_wait3A_1410] : memref<8x128x64xf32, #tpu.memory_space<vmem>> -> memref<1x128x64xf32, #tpu.memory_space<vmem>>
      %dma_wait3A_1412 = tpu.memref_squeeze %dma_wait3A_1411 : memref<1x128x64xf32, #tpu.memory_space<vmem>> -> memref<128x64xf32, #tpu.memory_space<vmem>>
      %dma_wait3A_1413 = arith.constant 0 : i32
      %dma_wait3A_1414 = tpu.memref_slice %arg4[%add3A_1407, %dma_wait3A_1413] : memref<819200x64xf32, #tpu.memory_space<hbm>> -> memref<128x64xf32, #tpu.memory_space<hbm>>
      %dma_wait3A_1415 = arith.constant 0 : i32
      %dma_wait3A_1416 = tpu.memref_slice %arg4[%add3A_1407, %dma_wait3A_1415] : memref<819200x64xf32, #tpu.memory_space<hbm>> -> memref<128x64xf32, #tpu.memory_space<hbm>>
      %dma_wait3A_1417 = arith.constant 0 : i32
      %dma_wait3A_1418 = arith.constant 0 : i32
      %dma_wait3A_1419 = tpu.memref_slice %arg6[%dma_wait3A_1408, %dma_wait3A_1417, %dma_wait3A_1418] : memref<8x128x64xf32, #tpu.memory_space<vmem>> -> memref<1x128x64xf32, #tpu.memory_space<vmem>>
      %dma_wait3A_1420 = tpu.memref_squeeze %dma_wait3A_1419 : memref<1x128x64xf32, #tpu.memory_space<vmem>> -> memref<128x64xf32, #tpu.memory_space<vmem>>
      tpu.wait_dma2 semaphore(%arg20 : memref<!tpu.dma_semaphore, #tpu.memory_space<semaphore_mem>>) src(%dma_wait3A_1420 : memref<128x64xf32, #tpu.memory_space<vmem>>) dst(%dma_wait3A_1416 : memref<128x64xf32, #tpu.memory_space<hbm>>)
      %mul3A_1421 = arith.constant 128 : i32
      %mul3A_1422 = arith.muli %add3A_1402, %mul3A_1421 : i32
      %dma_start3A_1423 = arith.constant 5 : i32
      %dma_start3A_1424 = arith.constant 0 : i32
      %dma_start3A_1425 = arith.constant 0 : i32
      %dma_start3A_1426 = tpu.memref_slice %arg6[%dma_start3A_1423, %dma_start3A_1424, %dma_start3A_1425] : memref<8x128x64xf32, #tpu.memory_space<vmem>> -> memref<1x128x64xf32, #tpu.memory_space<vmem>>
      %dma_start3A_1427 = tpu.memref_squeeze %dma_start3A_1426 : memref<1x128x64xf32, #tpu.memory_space<vmem>> -> memref<128x64xf32, #tpu.memory_space<vmem>>
      %dma_start3A_1428 = tpu.memref_slice %arg5[%mul3A_1422] : memref<25600xi32, #tpu.memory_space<vmem>> -> memref<128xi32, #tpu.memory_space<vmem>>
      %dma_start3A_1429 = arith.constant 0 : i32
      %dma_start3A_1430 = arith.constant 0 : i32
      %dma_start3A_1431 = tpu.memref_slice %arg3[%dma_start3A_1429, %dma_start3A_1430] : memref<1000000x64xf32, #tpu.memory_space<hbm>> -> memref<1000000x64xf32, #tpu.memory_space<hbm>>
      tpu.enqueue_indirect_dma source(%dma_start3A_1431 : memref<1000000x64xf32, #tpu.memory_space<hbm>>) target(%dma_start3A_1427 : memref<128x64xf32, #tpu.memory_space<vmem>>) offsets(%dma_start3A_1428 : memref<128xi32, #tpu.memory_space<vmem>>) semaphore(%arg12 : memref<!tpu.dma_semaphore, #tpu.memory_space<semaphore_mem>>)
    }
    %scan3A_483 = arith.constant 23 : i32
    %dma_wait3A_484 = arith.constant 0 : i32
    %dma_wait3A_485 = arith.constant 0 : i32
    %dma_wait3A_486 = arith.constant 0 : i32
    %dma_wait3A_487 = tpu.memref_slice %arg6[%dma_wait3A_484, %dma_wait3A_485, %dma_wait3A_486] : memref<8x128x64xf32, #tpu.memory_space<vmem>> -> memref<1x128x64xf32, #tpu.memory_space<vmem>>
    %dma_wait3A_488 = tpu.memref_squeeze %dma_wait3A_487 : memref<1x128x64xf32, #tpu.memory_space<vmem>> -> memref<128x64xf32, #tpu.memory_space<vmem>>
    %dma_wait3A_489 = arith.constant 24576 : i32
    %dma_wait3A_490 = tpu.memref_slice %arg5[%dma_wait3A_489] : memref<25600xi32, #tpu.memory_space<vmem>> -> memref<128xi32, #tpu.memory_space<vmem>>
    %dma_wait3A_491 = arith.constant 0 : i32
    %dma_wait3A_492 = arith.constant 0 : i32
    %dma_wait3A_493 = tpu.memref_slice %arg3[%dma_wait3A_491, %dma_wait3A_492] : memref<1000000x64xf32, #tpu.memory_space<hbm>> -> memref<1000000x64xf32, #tpu.memory_space<hbm>>
    tpu.wait_indirect_dma semaphore(%arg7 : memref<!tpu.dma_semaphore, #tpu.memory_space<semaphore_mem>>) src(%dma_wait3A_493 : memref<1000000x64xf32, #tpu.memory_space<hbm>>) dst(%dma_wait3A_488 : memref<128x64xf32, #tpu.memory_space<vmem>>)
    %scan3A_494 = arith.constant 0 : i32
    %scan3A_495 = arith.constant 0 : i32
    %scan3A_496 = arith.constant 128 : i32
    %scan3A_497 = arith.addi %scan3A_495, %scan3A_496 : i32
    %scan3A_498 = arith.constant 1 : i32
    scf.for %scan3A_902 = %scan3A_495 to %scan3A_497 step %scan3A_498  : i32 {
      %get3A = arith.constant 0 : i32
      %get3A_903 = arith.index_cast %get3A : i32 to index
      %get3A_904 = arith.index_cast %scan3A_902 : i32 to index
      %get3A_905 = arith.constant 0 : index
      %get3A_906 = tpu.vector_load %arg6[%get3A_903, %get3A_904, %get3A_905] {strides = array<i32>} : memref<8x128x64xf32, #tpu.memory_space<vmem>>, vector<1x1x16xf32>,
      %get3A_907 = vector.shape_cast %get3A_906 : vector<1x1x16xf32> to vector<16xf32>
      %mul3A_908 = arith.constant 8.000000e+00 : f32
      %mul3A_909 = vector.broadcast %mul3A_908 : f32 to vector<16xf32>
      %mul3A_910 = arith.mulf %get3A_907, %mul3A_909 : vector<16xf32>
      %swap3A = arith.constant 0 : i32
      %swap3A_911 = arith.index_cast %swap3A : i32 to index
      %swap3A_912 = arith.index_cast %scan3A_902 : i32 to index
      %swap3A_913 = arith.constant 0 : index
      %swap3A_914 = tpu.vector_load %arg6[%swap3A_911, %swap3A_912, %swap3A_913] {strides = array<i32>} : memref<8x128x64xf32, #tpu.memory_space<vmem>>, vector<1x1x16xf32>,
      %swap3A_915 = vector.shape_cast %swap3A_914 : vector<1x1x16xf32> to vector<16xf32>
      %swap3A_916 = vector.shape_cast %mul3A_910 : vector<16xf32> to vector<1x1x16xf32>
      tpu.vector_store %arg6[%swap3A_911, %swap3A_912, %swap3A_913], %swap3A_916 {strides = array<i32>} : memref<8x128x64xf32, #tpu.memory_space<vmem>>, vector<1x1x16xf32>,
      %get3A_917 = arith.constant 0 : i32
      %get3A_918 = arith.index_cast %get3A_917 : i32 to index
      %get3A_919 = arith.index_cast %scan3A_902 : i32 to index
      %get3A_920 = arith.constant 16 : index
      %get3A_921 = tpu.vector_load %arg6[%get3A_918, %get3A_919, %get3A_920] {strides = array<i32>} : memref<8x128x64xf32, #tpu.memory_space<vmem>>, vector<1x1x16xf32>,
      %get3A_922 = vector.shape_cast %get3A_921 : vector<1x1x16xf32> to vector<16xf32>
      %mul3A_923 = arith.constant 8.000000e+00 : f32
      %mul3A_924 = vector.broadcast %mul3A_923 : f32 to vector<16xf32>
      %mul3A_925 = arith.mulf %get3A_922, %mul3A_924 : vector<16xf32>
      %swap3A_926 = arith.constant 0 : i32
      %swap3A_927 = arith.index_cast %swap3A_926 : i32 to index
      %swap3A_928 = arith.index_cast %scan3A_902 : i32 to index
      %swap3A_929 = arith.constant 16 : index
      %swap3A_930 = tpu.vector_load %arg6[%swap3A_927, %swap3A_928, %swap3A_929] {strides = array<i32>} : memref<8x128x64xf32, #tpu.memory_space<vmem>>, vector<1x1x16xf32>,
      %swap3A_931 = vector.shape_cast %swap3A_930 : vector<1x1x16xf32> to vector<16xf32>
      %swap3A_932 = vector.shape_cast %mul3A_925 : vector<16xf32> to vector<1x1x16xf32>
      tpu.vector_store %arg6[%swap3A_927, %swap3A_928, %swap3A_929], %swap3A_932 {strides = array<i32>} : memref<8x128x64xf32, #tpu.memory_space<vmem>>, vector<1x1x16xf32>,
      %get3A_933 = arith.constant 0 : i32
      %get3A_934 = arith.index_cast %get3A_933 : i32 to index
      %get3A_935 = arith.index_cast %scan3A_902 : i32 to index
      %get3A_936 = arith.constant 32 : index
      %get3A_937 = tpu.vector_load %arg6[%get3A_934, %get3A_935, %get3A_936] {strides = array<i32>} : memref<8x128x64xf32, #tpu.memory_space<vmem>>, vector<1x1x16xf32>,
      %get3A_938 = vector.shape_cast %get3A_937 : vector<1x1x16xf32> to vector<16xf32>
      %mul3A_939 = arith.constant 8.000000e+00 : f32
      %mul3A_940 = vector.broadcast %mul3A_939 : f32 to vector<16xf32>
      %mul3A_941 = arith.mulf %get3A_938, %mul3A_940 : vector<16xf32>
      %swap3A_942 = arith.constant 0 : i32
      %swap3A_943 = arith.index_cast %swap3A_942 : i32 to index
      %swap3A_944 = arith.index_cast %scan3A_902 : i32 to index
      %swap3A_945 = arith.constant 32 : index
      %swap3A_946 = tpu.vector_load %arg6[%swap3A_943, %swap3A_944, %swap3A_945] {strides = array<i32>} : memref<8x128x64xf32, #tpu.memory_space<vmem>>, vector<1x1x16xf32>,
      %swap3A_947 = vector.shape_cast %swap3A_946 : vector<1x1x16xf32> to vector<16xf32>
      %swap3A_948 = vector.shape_cast %mul3A_941 : vector<16xf32> to vector<1x1x16xf32>
      tpu.vector_store %arg6[%swap3A_943, %swap3A_944, %swap3A_945], %swap3A_948 {strides = array<i32>} : memref<8x128x64xf32, #tpu.memory_space<vmem>>, vector<1x1x16xf32>,
      %get3A_949 = arith.constant 0 : i32
      %get3A_950 = arith.index_cast %get3A_949 : i32 to index
      %get3A_951 = arith.index_cast %scan3A_902 : i32 to index
      %get3A_952 = arith.constant 48 : index
      %get3A_953 = tpu.vector_load %arg6[%get3A_950, %get3A_951, %get3A_952] {strides = array<i32>} : memref<8x128x64xf32, #tpu.memory_space<vmem>>, vector<1x1x16xf32>,
      %get3A_954 = vector.shape_cast %get3A_953 : vector<1x1x16xf32> to vector<16xf32>
      %mul3A_955 = arith.constant 8.000000e+00 : f32
      %mul3A_956 = vector.broadcast %mul3A_955 : f32 to vector<16xf32>
      %mul3A_957 = arith.mulf %get3A_954, %mul3A_956 : vector<16xf32>
      %swap3A_958 = arith.constant 0 : i32
      %swap3A_959 = arith.index_cast %swap3A_958 : i32 to index
      %swap3A_960 = arith.index_cast %scan3A_902 : i32 to index
      %swap3A_961 = arith.constant 48 : index
      %swap3A_962 = tpu.vector_load %arg6[%swap3A_959, %swap3A_960, %swap3A_961] {strides = array<i32>} : memref<8x128x64xf32, #tpu.memory_space<vmem>>, vector<1x1x16xf32>,
      %swap3A_963 = vector.shape_cast %swap3A_962 : vector<1x1x16xf32> to vector<16xf32>
      %swap3A_964 = vector.shape_cast %mul3A_957 : vector<16xf32> to vector<1x1x16xf32>
      tpu.vector_store %arg6[%swap3A_959, %swap3A_960, %swap3A_961], %swap3A_964 {strides = array<i32>} : memref<8x128x64xf32, #tpu.memory_space<vmem>>, vector<1x1x16xf32>,
    }
    %scan3A_499 = arith.constant 128 : i32
    %add3A_500 = arith.constant 24576 : i32
    %add3A_501 = arith.addi %mul3A_2, %add3A_500 : i32
    %dma_start3A_502 = arith.constant 0 : i32
    %dma_start3A_503 = arith.constant 0 : i32
    %dma_start3A_504 = arith.constant 0 : i32
    %dma_start3A_505 = tpu.memref_slice %arg6[%dma_start3A_502, %dma_start3A_503, %dma_start3A_504] : memref<8x128x64xf32, #tpu.memory_space<vmem>> -> memref<1x128x64xf32, #tpu.memory_space<vmem>>
    %dma_start3A_506 = tpu.memref_squeeze %dma_start3A_505 : memref<1x128x64xf32, #tpu.memory_space<vmem>> -> memref<128x64xf32, #tpu.memory_space<vmem>>
    %dma_start3A_507 = arith.constant 0 : i32
    %dma_start3A_508 = tpu.memref_slice %arg4[%add3A_501, %dma_start3A_507] : memref<819200x64xf32, #tpu.memory_space<hbm>> -> memref<128x64xf32, #tpu.memory_space<hbm>>
    %dma_start3A_509 = arith.constant 0 : i32
    %dma_start3A_510 = tpu.memref_slice %arg4[%add3A_501, %dma_start3A_509] : memref<819200x64xf32, #tpu.memory_space<hbm>> -> memref<128x64xf32, #tpu.memory_space<hbm>>
    %dma_start3A_511 = arith.constant 0 : i32
    %dma_start3A_512 = arith.constant 0 : i32
    %dma_start3A_513 = tpu.memref_slice %arg6[%dma_start3A_502, %dma_start3A_511, %dma_start3A_512] : memref<8x128x64xf32, #tpu.memory_space<vmem>> -> memref<1x128x64xf32, #tpu.memory_space<vmem>>
    %dma_start3A_514 = tpu.memref_squeeze %dma_start3A_513 : memref<1x128x64xf32, #tpu.memory_space<vmem>> -> memref<128x64xf32, #tpu.memory_space<vmem>>
    tpu.enqueue_dma source(%dma_start3A_514 : memref<128x64xf32, #tpu.memory_space<vmem>>) target(%dma_start3A_510 : memref<128x64xf32, #tpu.memory_space<hbm>>) target_semaphore(%arg15 : memref<!tpu.dma_semaphore, #tpu.memory_space<semaphore_mem>>)
    %add3A_515 = arith.constant 24320 : i32
    %add3A_516 = arith.addi %mul3A_2, %add3A_515 : i32
    %dma_wait3A_517 = arith.constant 6 : i32
    %dma_wait3A_518 = arith.constant 0 : i32
    %dma_wait3A_519 = arith.constant 0 : i32
    %dma_wait3A_520 = tpu.memref_slice %arg6[%dma_wait3A_517, %dma_wait3A_518, %dma_wait3A_519] : memref<8x128x64xf32, #tpu.memory_space<vmem>> -> memref<1x128x64xf32, #tpu.memory_space<vmem>>
    %dma_wait3A_521 = tpu.memref_squeeze %dma_wait3A_520 : memref<1x128x64xf32, #tpu.memory_space<vmem>> -> memref<128x64xf32, #tpu.memory_space<vmem>>
    %dma_wait3A_522 = arith.constant 0 : i32
    %dma_wait3A_523 = tpu.memref_slice %arg4[%add3A_516, %dma_wait3A_522] : memref<819200x64xf32, #tpu.memory_space<hbm>> -> memref<128x64xf32, #tpu.memory_space<hbm>>
    %dma_wait3A_524 = arith.constant 0 : i32
    %dma_wait3A_525 = tpu.memref_slice %arg4[%add3A_516, %dma_wait3A_524] : memref<819200x64xf32, #tpu.memory_space<hbm>> -> memref<128x64xf32, #tpu.memory_space<hbm>>
    %dma_wait3A_526 = arith.constant 0 : i32
    %dma_wait3A_527 = arith.constant 0 : i32
    %dma_wait3A_528 = tpu.memref_slice %arg6[%dma_wait3A_517, %dma_wait3A_526, %dma_wait3A_527] : memref<8x128x64xf32, #tpu.memory_space<vmem>> -> memref<1x128x64xf32, #tpu.memory_space<vmem>>
    %dma_wait3A_529 = tpu.memref_squeeze %dma_wait3A_528 : memref<1x128x64xf32, #tpu.memory_space<vmem>> -> memref<128x64xf32, #tpu.memory_space<vmem>>
    tpu.wait_dma2 semaphore(%arg21 : memref<!tpu.dma_semaphore, #tpu.memory_space<semaphore_mem>>) src(%dma_wait3A_529 : memref<128x64xf32, #tpu.memory_space<vmem>>) dst(%dma_wait3A_525 : memref<128x64xf32, #tpu.memory_space<hbm>>)
    %dma_start3A_530 = arith.constant 6 : i32
    %dma_start3A_531 = arith.constant 0 : i32
    %dma_start3A_532 = arith.constant 0 : i32
    %dma_start3A_533 = tpu.memref_slice %arg6[%dma_start3A_530, %dma_start3A_531, %dma_start3A_532] : memref<8x128x64xf32, #tpu.memory_space<vmem>> -> memref<1x128x64xf32, #tpu.memory_space<vmem>>
    %dma_start3A_534 = tpu.memref_squeeze %dma_start3A_533 : memref<1x128x64xf32, #tpu.memory_space<vmem>> -> memref<128x64xf32, #tpu.memory_space<vmem>>
    %dma_start3A_535 = arith.constant 25344 : i32
    %dma_start3A_536 = tpu.memref_slice %arg5[%dma_start3A_535] : memref<25600xi32, #tpu.memory_space<vmem>> -> memref<128xi32, #tpu.memory_space<vmem>>
    %dma_start3A_537 = arith.constant 0 : i32
    %dma_start3A_538 = arith.constant 0 : i32
    %dma_start3A_539 = tpu.memref_slice %arg3[%dma_start3A_537, %dma_start3A_538] : memref<1000000x64xf32, #tpu.memory_space<hbm>> -> memref<1000000x64xf32, #tpu.memory_space<hbm>>
    tpu.enqueue_indirect_dma source(%dma_start3A_539 : memref<1000000x64xf32, #tpu.memory_space<hbm>>) target(%dma_start3A_534 : memref<128x64xf32, #tpu.memory_space<vmem>>) offsets(%dma_start3A_536 : memref<128xi32, #tpu.memory_space<vmem>>) semaphore(%arg13 : memref<!tpu.dma_semaphore, #tpu.memory_space<semaphore_mem>>)
    %dma_wait3A_540 = arith.constant 1 : i32
    %dma_wait3A_541 = arith.constant 0 : i32
    %dma_wait3A_542 = arith.constant 0 : i32
    %dma_wait3A_543 = tpu.memref_slice %arg6[%dma_wait3A_540, %dma_wait3A_541, %dma_wait3A_542] : memref<8x128x64xf32, #tpu.memory_space<vmem>> -> memref<1x128x64xf32, #tpu.memory_space<vmem>>
    %dma_wait3A_544 = tpu.memref_squeeze %dma_wait3A_543 : memref<1x128x64xf32, #tpu.memory_space<vmem>> -> memref<128x64xf32, #tpu.memory_space<vmem>>
    %dma_wait3A_545 = arith.constant 24704 : i32
    %dma_wait3A_546 = tpu.memref_slice %arg5[%dma_wait3A_545] : memref<25600xi32, #tpu.memory_space<vmem>> -> memref<128xi32, #tpu.memory_space<vmem>>
    %dma_wait3A_547 = arith.constant 0 : i32
    %dma_wait3A_548 = arith.constant 0 : i32
    %dma_wait3A_549 = tpu.memref_slice %arg3[%dma_wait3A_547, %dma_wait3A_548] : memref<1000000x64xf32, #tpu.memory_space<hbm>> -> memref<1000000x64xf32, #tpu.memory_space<hbm>>
    tpu.wait_indirect_dma semaphore(%arg8 : memref<!tpu.dma_semaphore, #tpu.memory_space<semaphore_mem>>) src(%dma_wait3A_549 : memref<1000000x64xf32, #tpu.memory_space<hbm>>) dst(%dma_wait3A_544 : memref<128x64xf32, #tpu.memory_space<vmem>>)
    %scan3A_550 = arith.constant 0 : i32
    %scan3A_551 = arith.constant 0 : i32
    %scan3A_552 = arith.constant 128 : i32
    %scan3A_553 = arith.addi %scan3A_551, %scan3A_552 : i32
    %scan3A_554 = arith.constant 1 : i32
    scf.for %scan3A_902 = %scan3A_551 to %scan3A_553 step %scan3A_554  : i32 {
      %get3A = arith.constant 1 : i32
      %get3A_903 = arith.index_cast %get3A : i32 to index
      %get3A_904 = arith.index_cast %scan3A_902 : i32 to index
      %get3A_905 = arith.constant 0 : index
      %get3A_906 = tpu.vector_load %arg6[%get3A_903, %get3A_904, %get3A_905] {strides = array<i32>} : memref<8x128x64xf32, #tpu.memory_space<vmem>>, vector<1x1x16xf32>,
      %get3A_907 = vector.shape_cast %get3A_906 : vector<1x1x16xf32> to vector<16xf32>
      %mul3A_908 = arith.constant 8.000000e+00 : f32
      %mul3A_909 = vector.broadcast %mul3A_908 : f32 to vector<16xf32>
      %mul3A_910 = arith.mulf %get3A_907, %mul3A_909 : vector<16xf32>
      %swap3A = arith.constant 1 : i32
      %swap3A_911 = arith.index_cast %swap3A : i32 to index
      %swap3A_912 = arith.index_cast %scan3A_902 : i32 to index
      %swap3A_913 = arith.constant 0 : index
      %swap3A_914 = tpu.vector_load %arg6[%swap3A_911, %swap3A_912, %swap3A_913] {strides = array<i32>} : memref<8x128x64xf32, #tpu.memory_space<vmem>>, vector<1x1x16xf32>,
      %swap3A_915 = vector.shape_cast %swap3A_914 : vector<1x1x16xf32> to vector<16xf32>
      %swap3A_916 = vector.shape_cast %mul3A_910 : vector<16xf32> to vector<1x1x16xf32>
      tpu.vector_store %arg6[%swap3A_911, %swap3A_912, %swap3A_913], %swap3A_916 {strides = array<i32>} : memref<8x128x64xf32, #tpu.memory_space<vmem>>, vector<1x1x16xf32>,
      %get3A_917 = arith.constant 1 : i32
      %get3A_918 = arith.index_cast %get3A_917 : i32 to index
      %get3A_919 = arith.index_cast %scan3A_902 : i32 to index
      %get3A_920 = arith.constant 16 : index
      %get3A_921 = tpu.vector_load %arg6[%get3A_918, %get3A_919, %get3A_920] {strides = array<i32>} : memref<8x128x64xf32, #tpu.memory_space<vmem>>, vector<1x1x16xf32>,
      %get3A_922 = vector.shape_cast %get3A_921 : vector<1x1x16xf32> to vector<16xf32>
      %mul3A_923 = arith.constant 8.000000e+00 : f32
      %mul3A_924 = vector.broadcast %mul3A_923 : f32 to vector<16xf32>
      %mul3A_925 = arith.mulf %get3A_922, %mul3A_924 : vector<16xf32>
      %swap3A_926 = arith.constant 1 : i32
      %swap3A_927 = arith.index_cast %swap3A_926 : i32 to index
      %swap3A_928 = arith.index_cast %scan3A_902 : i32 to index
      %swap3A_929 = arith.constant 16 : index
      %swap3A_930 = tpu.vector_load %arg6[%swap3A_927, %swap3A_928, %swap3A_929] {strides = array<i32>} : memref<8x128x64xf32, #tpu.memory_space<vmem>>, vector<1x1x16xf32>,
      %swap3A_931 = vector.shape_cast %swap3A_930 : vector<1x1x16xf32> to vector<16xf32>
      %swap3A_932 = vector.shape_cast %mul3A_925 : vector<16xf32> to vector<1x1x16xf32>
      tpu.vector_store %arg6[%swap3A_927, %swap3A_928, %swap3A_929], %swap3A_932 {strides = array<i32>} : memref<8x128x64xf32, #tpu.memory_space<vmem>>, vector<1x1x16xf32>,
      %get3A_933 = arith.constant 1 : i32
      %get3A_934 = arith.index_cast %get3A_933 : i32 to index
      %get3A_935 = arith.index_cast %scan3A_902 : i32 to index
      %get3A_936 = arith.constant 32 : index
      %get3A_937 = tpu.vector_load %arg6[%get3A_934, %get3A_935, %get3A_936] {strides = array<i32>} : memref<8x128x64xf32, #tpu.memory_space<vmem>>, vector<1x1x16xf32>,
      %get3A_938 = vector.shape_cast %get3A_937 : vector<1x1x16xf32> to vector<16xf32>
      %mul3A_939 = arith.constant 8.000000e+00 : f32
      %mul3A_940 = vector.broadcast %mul3A_939 : f32 to vector<16xf32>
      %mul3A_941 = arith.mulf %get3A_938, %mul3A_940 : vector<16xf32>
      %swap3A_942 = arith.constant 1 : i32
      %swap3A_943 = arith.index_cast %swap3A_942 : i32 to index
      %swap3A_944 = arith.index_cast %scan3A_902 : i32 to index
      %swap3A_945 = arith.constant 32 : index
      %swap3A_946 = tpu.vector_load %arg6[%swap3A_943, %swap3A_944, %swap3A_945] {strides = array<i32>} : memref<8x128x64xf32, #tpu.memory_space<vmem>>, vector<1x1x16xf32>,
      %swap3A_947 = vector.shape_cast %swap3A_946 : vector<1x1x16xf32> to vector<16xf32>
      %swap3A_948 = vector.shape_cast %mul3A_941 : vector<16xf32> to vector<1x1x16xf32>
      tpu.vector_store %arg6[%swap3A_943, %swap3A_944, %swap3A_945], %swap3A_948 {strides = array<i32>} : memref<8x128x64xf32, #tpu.memory_space<vmem>>, vector<1x1x16xf32>,
      %get3A_949 = arith.constant 1 : i32
      %get3A_950 = arith.index_cast %get3A_949 : i32 to index
      %get3A_951 = arith.index_cast %scan3A_902 : i32 to index
      %get3A_952 = arith.constant 48 : index
      %get3A_953 = tpu.vector_load %arg6[%get3A_950, %get3A_951, %get3A_952] {strides = array<i32>} : memref<8x128x64xf32, #tpu.memory_space<vmem>>, vector<1x1x16xf32>,
      %get3A_954 = vector.shape_cast %get3A_953 : vector<1x1x16xf32> to vector<16xf32>
      %mul3A_955 = arith.constant 8.000000e+00 : f32
      %mul3A_956 = vector.broadcast %mul3A_955 : f32 to vector<16xf32>
      %mul3A_957 = arith.mulf %get3A_954, %mul3A_956 : vector<16xf32>
      %swap3A_958 = arith.constant 1 : i32
      %swap3A_959 = arith.index_cast %swap3A_958 : i32 to index
      %swap3A_960 = arith.index_cast %scan3A_902 : i32 to index
      %swap3A_961 = arith.constant 48 : index
      %swap3A_962 = tpu.vector_load %arg6[%swap3A_959, %swap3A_960, %swap3A_961] {strides = array<i32>} : memref<8x128x64xf32, #tpu.memory_space<vmem>>, vector<1x1x16xf32>,
      %swap3A_963 = vector.shape_cast %swap3A_962 : vector<1x1x16xf32> to vector<16xf32>
      %swap3A_964 = vector.shape_cast %mul3A_957 : vector<16xf32> to vector<1x1x16xf32>
      tpu.vector_store %arg6[%swap3A_959, %swap3A_960, %swap3A_961], %swap3A_964 {strides = array<i32>} : memref<8x128x64xf32, #tpu.memory_space<vmem>>, vector<1x1x16xf32>,
    }
    %scan3A_555 = arith.constant 128 : i32
    %add3A_556 = arith.constant 24704 : i32
    %add3A_557 = arith.addi %mul3A_2, %add3A_556 : i32
    %dma_start3A_558 = arith.constant 1 : i32
    %dma_start3A_559 = arith.constant 0 : i32
    %dma_start3A_560 = arith.constant 0 : i32
    %dma_start3A_561 = tpu.memref_slice %arg6[%dma_start3A_558, %dma_start3A_559, %dma_start3A_560] : memref<8x128x64xf32, #tpu.memory_space<vmem>> -> memref<1x128x64xf32, #tpu.memory_space<vmem>>
    %dma_start3A_562 = tpu.memref_squeeze %dma_start3A_561 : memref<1x128x64xf32, #tpu.memory_space<vmem>> -> memref<128x64xf32, #tpu.memory_space<vmem>>
    %dma_start3A_563 = arith.constant 0 : i32
    %dma_start3A_564 = tpu.memref_slice %arg4[%add3A_557, %dma_start3A_563] : memref<819200x64xf32, #tpu.memory_space<hbm>> -> memref<128x64xf32, #tpu.memory_space<hbm>>
    %dma_start3A_565 = arith.constant 0 : i32
    %dma_start3A_566 = tpu.memref_slice %arg4[%add3A_557, %dma_start3A_565] : memref<819200x64xf32, #tpu.memory_space<hbm>> -> memref<128x64xf32, #tpu.memory_space<hbm>>
    %dma_start3A_567 = arith.constant 0 : i32
    %dma_start3A_568 = arith.constant 0 : i32
    %dma_start3A_569 = tpu.memref_slice %arg6[%dma_start3A_558, %dma_start3A_567, %dma_start3A_568] : memref<8x128x64xf32, #tpu.memory_space<vmem>> -> memref<1x128x64xf32, #tpu.memory_space<vmem>>
    %dma_start3A_570 = tpu.memref_squeeze %dma_start3A_569 : memref<1x128x64xf32, #tpu.memory_space<vmem>> -> memref<128x64xf32, #tpu.memory_space<vmem>>
    tpu.enqueue_dma source(%dma_start3A_570 : memref<128x64xf32, #tpu.memory_space<vmem>>) target(%dma_start3A_566 : memref<128x64xf32, #tpu.memory_space<hbm>>) target_semaphore(%arg16 : memref<!tpu.dma_semaphore, #tpu.memory_space<semaphore_mem>>)
    %add3A_571 = arith.constant 24448 : i32
    %add3A_572 = arith.addi %mul3A_2, %add3A_571 : i32
    %dma_wait3A_573 = arith.constant 7 : i32
    %dma_wait3A_574 = arith.constant 0 : i32
    %dma_wait3A_575 = arith.constant 0 : i32
    %dma_wait3A_576 = tpu.memref_slice %arg6[%dma_wait3A_573, %dma_wait3A_574, %dma_wait3A_575] : memref<8x128x64xf32, #tpu.memory_space<vmem>> -> memref<1x128x64xf32, #tpu.memory_space<vmem>>
    %dma_wait3A_577 = tpu.memref_squeeze %dma_wait3A_576 : memref<1x128x64xf32, #tpu.memory_space<vmem>> -> memref<128x64xf32, #tpu.memory_space<vmem>>
    %dma_wait3A_578 = arith.constant 0 : i32
    %dma_wait3A_579 = tpu.memref_slice %arg4[%add3A_572, %dma_wait3A_578] : memref<819200x64xf32, #tpu.memory_space<hbm>> -> memref<128x64xf32, #tpu.memory_space<hbm>>
    %dma_wait3A_580 = arith.constant 0 : i32
    %dma_wait3A_581 = tpu.memref_slice %arg4[%add3A_572, %dma_wait3A_580] : memref<819200x64xf32, #tpu.memory_space<hbm>> -> memref<128x64xf32, #tpu.memory_space<hbm>>
    %dma_wait3A_582 = arith.constant 0 : i32
    %dma_wait3A_583 = arith.constant 0 : i32
    %dma_wait3A_584 = tpu.memref_slice %arg6[%dma_wait3A_573, %dma_wait3A_582, %dma_wait3A_583] : memref<8x128x64xf32, #tpu.memory_space<vmem>> -> memref<1x128x64xf32, #tpu.memory_space<vmem>>
    %dma_wait3A_585 = tpu.memref_squeeze %dma_wait3A_584 : memref<1x128x64xf32, #tpu.memory_space<vmem>> -> memref<128x64xf32, #tpu.memory_space<vmem>>
    tpu.wait_dma2 semaphore(%arg22 : memref<!tpu.dma_semaphore, #tpu.memory_space<semaphore_mem>>) src(%dma_wait3A_585 : memref<128x64xf32, #tpu.memory_space<vmem>>) dst(%dma_wait3A_581 : memref<128x64xf32, #tpu.memory_space<hbm>>)
    %dma_start3A_586 = arith.constant 7 : i32
    %dma_start3A_587 = arith.constant 0 : i32
    %dma_start3A_588 = arith.constant 0 : i32
    %dma_start3A_589 = tpu.memref_slice %arg6[%dma_start3A_586, %dma_start3A_587, %dma_start3A_588] : memref<8x128x64xf32, #tpu.memory_space<vmem>> -> memref<1x128x64xf32, #tpu.memory_space<vmem>>
    %dma_start3A_590 = tpu.memref_squeeze %dma_start3A_589 : memref<1x128x64xf32, #tpu.memory_space<vmem>> -> memref<128x64xf32, #tpu.memory_space<vmem>>
    %dma_start3A_591 = arith.constant 25472 : i32
    %dma_start3A_592 = tpu.memref_slice %arg5[%dma_start3A_591] : memref<25600xi32, #tpu.memory_space<vmem>> -> memref<128xi32, #tpu.memory_space<vmem>>
    %dma_start3A_593 = arith.constant 0 : i32
    %dma_start3A_594 = arith.constant 0 : i32
    %dma_start3A_595 = tpu.memref_slice %arg3[%dma_start3A_593, %dma_start3A_594] : memref<1000000x64xf32, #tpu.memory_space<hbm>> -> memref<1000000x64xf32, #tpu.memory_space<hbm>>
    tpu.enqueue_indirect_dma source(%dma_start3A_595 : memref<1000000x64xf32, #tpu.memory_space<hbm>>) target(%dma_start3A_590 : memref<128x64xf32, #tpu.memory_space<vmem>>) offsets(%dma_start3A_592 : memref<128xi32, #tpu.memory_space<vmem>>) semaphore(%arg14 : memref<!tpu.dma_semaphore, #tpu.memory_space<semaphore_mem>>)
    %dma_wait3A_596 = arith.constant 2 : i32
    %dma_wait3A_597 = arith.constant 0 : i32
    %dma_wait3A_598 = arith.constant 0 : i32
    %dma_wait3A_599 = tpu.memref_slice %arg6[%dma_wait3A_596, %dma_wait3A_597, %dma_wait3A_598] : memref<8x128x64xf32, #tpu.memory_space<vmem>> -> memref<1x128x64xf32, #tpu.memory_space<vmem>>
    %dma_wait3A_600 = tpu.memref_squeeze %dma_wait3A_599 : memref<1x128x64xf32, #tpu.memory_space<vmem>> -> memref<128x64xf32, #tpu.memory_space<vmem>>
    %dma_wait3A_601 = arith.constant 24832 : i32
    %dma_wait3A_602 = tpu.memref_slice %arg5[%dma_wait3A_601] : memref<25600xi32, #tpu.memory_space<vmem>> -> memref<128xi32, #tpu.memory_space<vmem>>
    %dma_wait3A_603 = arith.constant 0 : i32
    %dma_wait3A_604 = arith.constant 0 : i32
    %dma_wait3A_605 = tpu.memref_slice %arg3[%dma_wait3A_603, %dma_wait3A_604] : memref<1000000x64xf32, #tpu.memory_space<hbm>> -> memref<1000000x64xf32, #tpu.memory_space<hbm>>
    tpu.wait_indirect_dma semaphore(%arg9 : memref<!tpu.dma_semaphore, #tpu.memory_space<semaphore_mem>>) src(%dma_wait3A_605 : memref<1000000x64xf32, #tpu.memory_space<hbm>>) dst(%dma_wait3A_600 : memref<128x64xf32, #tpu.memory_space<vmem>>)
    %scan3A_606 = arith.constant 0 : i32
    %scan3A_607 = arith.constant 0 : i32
    %scan3A_608 = arith.constant 128 : i32
    %scan3A_609 = arith.addi %scan3A_607, %scan3A_608 : i32
    %scan3A_610 = arith.constant 1 : i32
    scf.for %scan3A_902 = %scan3A_607 to %scan3A_609 step %scan3A_610  : i32 {
      %get3A = arith.constant 2 : i32
      %get3A_903 = arith.index_cast %get3A : i32 to index
      %get3A_904 = arith.index_cast %scan3A_902 : i32 to index
      %get3A_905 = arith.constant 0 : index
      %get3A_906 = tpu.vector_load %arg6[%get3A_903, %get3A_904, %get3A_905] {strides = array<i32>} : memref<8x128x64xf32, #tpu.memory_space<vmem>>, vector<1x1x16xf32>,
      %get3A_907 = vector.shape_cast %get3A_906 : vector<1x1x16xf32> to vector<16xf32>
      %mul3A_908 = arith.constant 8.000000e+00 : f32
      %mul3A_909 = vector.broadcast %mul3A_908 : f32 to vector<16xf32>
      %mul3A_910 = arith.mulf %get3A_907, %mul3A_909 : vector<16xf32>
      %swap3A = arith.constant 2 : i32
      %swap3A_911 = arith.index_cast %swap3A : i32 to index
      %swap3A_912 = arith.index_cast %scan3A_902 : i32 to index
      %swap3A_913 = arith.constant 0 : index
      %swap3A_914 = tpu.vector_load %arg6[%swap3A_911, %swap3A_912, %swap3A_913] {strides = array<i32>} : memref<8x128x64xf32, #tpu.memory_space<vmem>>, vector<1x1x16xf32>,
      %swap3A_915 = vector.shape_cast %swap3A_914 : vector<1x1x16xf32> to vector<16xf32>
      %swap3A_916 = vector.shape_cast %mul3A_910 : vector<16xf32> to vector<1x1x16xf32>
      tpu.vector_store %arg6[%swap3A_911, %swap3A_912, %swap3A_913], %swap3A_916 {strides = array<i32>} : memref<8x128x64xf32, #tpu.memory_space<vmem>>, vector<1x1x16xf32>,
      %get3A_917 = arith.constant 2 : i32
      %get3A_918 = arith.index_cast %get3A_917 : i32 to index
      %get3A_919 = arith.index_cast %scan3A_902 : i32 to index
      %get3A_920 = arith.constant 16 : index
      %get3A_921 = tpu.vector_load %arg6[%get3A_918, %get3A_919, %get3A_920] {strides = array<i32>} : memref<8x128x64xf32, #tpu.memory_space<vmem>>, vector<1x1x16xf32>,
      %get3A_922 = vector.shape_cast %get3A_921 : vector<1x1x16xf32> to vector<16xf32>
      %mul3A_923 = arith.constant 8.000000e+00 : f32
      %mul3A_924 = vector.broadcast %mul3A_923 : f32 to vector<16xf32>
      %mul3A_925 = arith.mulf %get3A_922, %mul3A_924 : vector<16xf32>
      %swap3A_926 = arith.constant 2 : i32
      %swap3A_927 = arith.index_cast %swap3A_926 : i32 to index
      %swap3A_928 = arith.index_cast %scan3A_902 : i32 to index
      %swap3A_929 = arith.constant 16 : index
      %swap3A_930 = tpu.vector_load %arg6[%swap3A_927, %swap3A_928, %swap3A_929] {strides = array<i32>} : memref<8x128x64xf32, #tpu.memory_space<vmem>>, vector<1x1x16xf32>,
      %swap3A_931 = vector.shape_cast %swap3A_930 : vector<1x1x16xf32> to vector<16xf32>
      %swap3A_932 = vector.shape_cast %mul3A_925 : vector<16xf32> to vector<1x1x16xf32>
      tpu.vector_store %arg6[%swap3A_927, %swap3A_928, %swap3A_929], %swap3A_932 {strides = array<i32>} : memref<8x128x64xf32, #tpu.memory_space<vmem>>, vector<1x1x16xf32>,
      %get3A_933 = arith.constant 2 : i32
      %get3A_934 = arith.index_cast %get3A_933 : i32 to index
      %get3A_935 = arith.index_cast %scan3A_902 : i32 to index
      %get3A_936 = arith.constant 32 : index
      %get3A_937 = tpu.vector_load %arg6[%get3A_934, %get3A_935, %get3A_936] {strides = array<i32>} : memref<8x128x64xf32, #tpu.memory_space<vmem>>, vector<1x1x16xf32>,
      %get3A_938 = vector.shape_cast %get3A_937 : vector<1x1x16xf32> to vector<16xf32>
      %mul3A_939 = arith.constant 8.000000e+00 : f32
      %mul3A_940 = vector.broadcast %mul3A_939 : f32 to vector<16xf32>
      %mul3A_941 = arith.mulf %get3A_938, %mul3A_940 : vector<16xf32>
      %swap3A_942 = arith.constant 2 : i32
      %swap3A_943 = arith.index_cast %swap3A_942 : i32 to index
      %swap3A_944 = arith.index_cast %scan3A_902 : i32 to index
      %swap3A_945 = arith.constant 32 : index
      %swap3A_946 = tpu.vector_load %arg6[%swap3A_943, %swap3A_944, %swap3A_945] {strides = array<i32>} : memref<8x128x64xf32, #tpu.memory_space<vmem>>, vector<1x1x16xf32>,
      %swap3A_947 = vector.shape_cast %swap3A_946 : vector<1x1x16xf32> to vector<16xf32>
      %swap3A_948 = vector.shape_cast %mul3A_941 : vector<16xf32> to vector<1x1x16xf32>
      tpu.vector_store %arg6[%swap3A_943, %swap3A_944, %swap3A_945], %swap3A_948 {strides = array<i32>} : memref<8x128x64xf32, #tpu.memory_space<vmem>>, vector<1x1x16xf32>,
      %get3A_949 = arith.constant 2 : i32
      %get3A_950 = arith.index_cast %get3A_949 : i32 to index
      %get3A_951 = arith.index_cast %scan3A_902 : i32 to index
      %get3A_952 = arith.constant 48 : index
      %get3A_953 = tpu.vector_load %arg6[%get3A_950, %get3A_951, %get3A_952] {strides = array<i32>} : memref<8x128x64xf32, #tpu.memory_space<vmem>>, vector<1x1x16xf32>,
      %get3A_954 = vector.shape_cast %get3A_953 : vector<1x1x16xf32> to vector<16xf32>
      %mul3A_955 = arith.constant 8.000000e+00 : f32
      %mul3A_956 = vector.broadcast %mul3A_955 : f32 to vector<16xf32>
      %mul3A_957 = arith.mulf %get3A_954, %mul3A_956 : vector<16xf32>
      %swap3A_958 = arith.constant 2 : i32
      %swap3A_959 = arith.index_cast %swap3A_958 : i32 to index
      %swap3A_960 = arith.index_cast %scan3A_902 : i32 to index
      %swap3A_961 = arith.constant 48 : index
      %swap3A_962 = tpu.vector_load %arg6[%swap3A_959, %swap3A_960, %swap3A_961] {strides = array<i32>} : memref<8x128x64xf32, #tpu.memory_space<vmem>>, vector<1x1x16xf32>,
      %swap3A_963 = vector.shape_cast %swap3A_962 : vector<1x1x16xf32> to vector<16xf32>
      %swap3A_964 = vector.shape_cast %mul3A_957 : vector<16xf32> to vector<1x1x16xf32>
      tpu.vector_store %arg6[%swap3A_959, %swap3A_960, %swap3A_961], %swap3A_964 {strides = array<i32>} : memref<8x128x64xf32, #tpu.memory_space<vmem>>, vector<1x1x16xf32>,
    }
    %scan3A_611 = arith.constant 128 : i32
    %add3A_612 = arith.constant 24832 : i32
    %add3A_613 = arith.addi %mul3A_2, %add3A_612 : i32
    %dma_start3A_614 = arith.constant 2 : i32
    %dma_start3A_615 = arith.constant 0 : i32
    %dma_start3A_616 = arith.constant 0 : i32
    %dma_start3A_617 = tpu.memref_slice %arg6[%dma_start3A_614, %dma_start3A_615, %dma_start3A_616] : memref<8x128x64xf32, #tpu.memory_space<vmem>> -> memref<1x128x64xf32, #tpu.memory_space<vmem>>
    %dma_start3A_618 = tpu.memref_squeeze %dma_start3A_617 : memref<1x128x64xf32, #tpu.memory_space<vmem>> -> memref<128x64xf32, #tpu.memory_space<vmem>>
    %dma_start3A_619 = arith.constant 0 : i32
    %dma_start3A_620 = tpu.memref_slice %arg4[%add3A_613, %dma_start3A_619] : memref<819200x64xf32, #tpu.memory_space<hbm>> -> memref<128x64xf32, #tpu.memory_space<hbm>>
    %dma_start3A_621 = arith.constant 0 : i32
    %dma_start3A_622 = tpu.memref_slice %arg4[%add3A_613, %dma_start3A_621] : memref<819200x64xf32, #tpu.memory_space<hbm>> -> memref<128x64xf32, #tpu.memory_space<hbm>>
    %dma_start3A_623 = arith.constant 0 : i32
    %dma_start3A_624 = arith.constant 0 : i32
    %dma_start3A_625 = tpu.memref_slice %arg6[%dma_start3A_614, %dma_start3A_623, %dma_start3A_624] : memref<8x128x64xf32, #tpu.memory_space<vmem>> -> memref<1x128x64xf32, #tpu.memory_space<vmem>>
    %dma_start3A_626 = tpu.memref_squeeze %dma_start3A_625 : memref<1x128x64xf32, #tpu.memory_space<vmem>> -> memref<128x64xf32, #tpu.memory_space<vmem>>
    tpu.enqueue_dma source(%dma_start3A_626 : memref<128x64xf32, #tpu.memory_space<vmem>>) target(%dma_start3A_622 : memref<128x64xf32, #tpu.memory_space<hbm>>) target_semaphore(%arg17 : memref<!tpu.dma_semaphore, #tpu.memory_space<semaphore_mem>>)
    %add3A_627 = arith.constant 24576 : i32
    %add3A_628 = arith.addi %mul3A_2, %add3A_627 : i32
    %dma_wait3A_629 = arith.constant 0 : i32
    %dma_wait3A_630 = arith.constant 0 : i32
    %dma_wait3A_631 = arith.constant 0 : i32
    %dma_wait3A_632 = tpu.memref_slice %arg6[%dma_wait3A_629, %dma_wait3A_630, %dma_wait3A_631] : memref<8x128x64xf32, #tpu.memory_space<vmem>> -> memref<1x128x64xf32, #tpu.memory_space<vmem>>
    %dma_wait3A_633 = tpu.memref_squeeze %dma_wait3A_632 : memref<1x128x64xf32, #tpu.memory_space<vmem>> -> memref<128x64xf32, #tpu.memory_space<vmem>>
    %dma_wait3A_634 = arith.constant 0 : i32
    %dma_wait3A_635 = tpu.memref_slice %arg4[%add3A_628, %dma_wait3A_634] : memref<819200x64xf32, #tpu.memory_space<hbm>> -> memref<128x64xf32, #tpu.memory_space<hbm>>
    %dma_wait3A_636 = arith.constant 0 : i32
    %dma_wait3A_637 = tpu.memref_slice %arg4[%add3A_628, %dma_wait3A_636] : memref<819200x64xf32, #tpu.memory_space<hbm>> -> memref<128x64xf32, #tpu.memory_space<hbm>>
    %dma_wait3A_638 = arith.constant 0 : i32
    %dma_wait3A_639 = arith.constant 0 : i32
    %dma_wait3A_640 = tpu.memref_slice %arg6[%dma_wait3A_629, %dma_wait3A_638, %dma_wait3A_639] : memref<8x128x64xf32, #tpu.memory_space<vmem>> -> memref<1x128x64xf32, #tpu.memory_space<vmem>>
    %dma_wait3A_641 = tpu.memref_squeeze %dma_wait3A_640 : memref<1x128x64xf32, #tpu.memory_space<vmem>> -> memref<128x64xf32, #tpu.memory_space<vmem>>
    tpu.wait_dma2 semaphore(%arg15 : memref<!tpu.dma_semaphore, #tpu.memory_space<semaphore_mem>>) src(%dma_wait3A_641 : memref<128x64xf32, #tpu.memory_space<vmem>>) dst(%dma_wait3A_637 : memref<128x64xf32, #tpu.memory_space<hbm>>)
    %dma_wait3A_642 = arith.constant 3 : i32
    %dma_wait3A_643 = arith.constant 0 : i32
    %dma_wait3A_644 = arith.constant 0 : i32
    %dma_wait3A_645 = tpu.memref_slice %arg6[%dma_wait3A_642, %dma_wait3A_643, %dma_wait3A_644] : memref<8x128x64xf32, #tpu.memory_space<vmem>> -> memref<1x128x64xf32, #tpu.memory_space<vmem>>
    %dma_wait3A_646 = tpu.memref_squeeze %dma_wait3A_645 : memref<1x128x64xf32, #tpu.memory_space<vmem>> -> memref<128x64xf32, #tpu.memory_space<vmem>>
    %dma_wait3A_647 = arith.constant 24960 : i32
    %dma_wait3A_648 = tpu.memref_slice %arg5[%dma_wait3A_647] : memref<25600xi32, #tpu.memory_space<vmem>> -> memref<128xi32, #tpu.memory_space<vmem>>
    %dma_wait3A_649 = arith.constant 0 : i32
    %dma_wait3A_650 = arith.constant 0 : i32
    %dma_wait3A_651 = tpu.memref_slice %arg3[%dma_wait3A_649, %dma_wait3A_650] : memref<1000000x64xf32, #tpu.memory_space<hbm>> -> memref<1000000x64xf32, #tpu.memory_space<hbm>>
    tpu.wait_indirect_dma semaphore(%arg10 : memref<!tpu.dma_semaphore, #tpu.memory_space<semaphore_mem>>) src(%dma_wait3A_651 : memref<1000000x64xf32, #tpu.memory_space<hbm>>) dst(%dma_wait3A_646 : memref<128x64xf32, #tpu.memory_space<vmem>>)
    %scan3A_652 = arith.constant 0 : i32
    %scan3A_653 = arith.constant 0 : i32
    %scan3A_654 = arith.constant 128 : i32
    %scan3A_655 = arith.addi %scan3A_653, %scan3A_654 : i32
    %scan3A_656 = arith.constant 1 : i32
    scf.for %scan3A_902 = %scan3A_653 to %scan3A_655 step %scan3A_656  : i32 {
      %get3A = arith.constant 3 : i32
      %get3A_903 = arith.index_cast %get3A : i32 to index
      %get3A_904 = arith.index_cast %scan3A_902 : i32 to index
      %get3A_905 = arith.constant 0 : index
      %get3A_906 = tpu.vector_load %arg6[%get3A_903, %get3A_904, %get3A_905] {strides = array<i32>} : memref<8x128x64xf32, #tpu.memory_space<vmem>>, vector<1x1x16xf32>,
      %get3A_907 = vector.shape_cast %get3A_906 : vector<1x1x16xf32> to vector<16xf32>
      %mul3A_908 = arith.constant 8.000000e+00 : f32
      %mul3A_909 = vector.broadcast %mul3A_908 : f32 to vector<16xf32>
      %mul3A_910 = arith.mulf %get3A_907, %mul3A_909 : vector<16xf32>
      %swap3A = arith.constant 3 : i32
      %swap3A_911 = arith.index_cast %swap3A : i32 to index
      %swap3A_912 = arith.index_cast %scan3A_902 : i32 to index
      %swap3A_913 = arith.constant 0 : index
      %swap3A_914 = tpu.vector_load %arg6[%swap3A_911, %swap3A_912, %swap3A_913] {strides = array<i32>} : memref<8x128x64xf32, #tpu.memory_space<vmem>>, vector<1x1x16xf32>,
      %swap3A_915 = vector.shape_cast %swap3A_914 : vector<1x1x16xf32> to vector<16xf32>
      %swap3A_916 = vector.shape_cast %mul3A_910 : vector<16xf32> to vector<1x1x16xf32>
      tpu.vector_store %arg6[%swap3A_911, %swap3A_912, %swap3A_913], %swap3A_916 {strides = array<i32>} : memref<8x128x64xf32, #tpu.memory_space<vmem>>, vector<1x1x16xf32>,
      %get3A_917 = arith.constant 3 : i32
      %get3A_918 = arith.index_cast %get3A_917 : i32 to index
      %get3A_919 = arith.index_cast %scan3A_902 : i32 to index
      %get3A_920 = arith.constant 16 : index
      %get3A_921 = tpu.vector_load %arg6[%get3A_918, %get3A_919, %get3A_920] {strides = array<i32>} : memref<8x128x64xf32, #tpu.memory_space<vmem>>, vector<1x1x16xf32>,
      %get3A_922 = vector.shape_cast %get3A_921 : vector<1x1x16xf32> to vector<16xf32>
      %mul3A_923 = arith.constant 8.000000e+00 : f32
      %mul3A_924 = vector.broadcast %mul3A_923 : f32 to vector<16xf32>
      %mul3A_925 = arith.mulf %get3A_922, %mul3A_924 : vector<16xf32>
      %swap3A_926 = arith.constant 3 : i32
      %swap3A_927 = arith.index_cast %swap3A_926 : i32 to index
      %swap3A_928 = arith.index_cast %scan3A_902 : i32 to index
      %swap3A_929 = arith.constant 16 : index
      %swap3A_930 = tpu.vector_load %arg6[%swap3A_927, %swap3A_928, %swap3A_929] {strides = array<i32>} : memref<8x128x64xf32, #tpu.memory_space<vmem>>, vector<1x1x16xf32>,
      %swap3A_931 = vector.shape_cast %swap3A_930 : vector<1x1x16xf32> to vector<16xf32>
      %swap3A_932 = vector.shape_cast %mul3A_925 : vector<16xf32> to vector<1x1x16xf32>
      tpu.vector_store %arg6[%swap3A_927, %swap3A_928, %swap3A_929], %swap3A_932 {strides = array<i32>} : memref<8x128x64xf32, #tpu.memory_space<vmem>>, vector<1x1x16xf32>,
      %get3A_933 = arith.constant 3 : i32
      %get3A_934 = arith.index_cast %get3A_933 : i32 to index
      %get3A_935 = arith.index_cast %scan3A_902 : i32 to index
      %get3A_936 = arith.constant 32 : index
      %get3A_937 = tpu.vector_load %arg6[%get3A_934, %get3A_935, %get3A_936] {strides = array<i32>} : memref<8x128x64xf32, #tpu.memory_space<vmem>>, vector<1x1x16xf32>,
      %get3A_938 = vector.shape_cast %get3A_937 : vector<1x1x16xf32> to vector<16xf32>
      %mul3A_939 = arith.constant 8.000000e+00 : f32
      %mul3A_940 = vector.broadcast %mul3A_939 : f32 to vector<16xf32>
      %mul3A_941 = arith.mulf %get3A_938, %mul3A_940 : vector<16xf32>
      %swap3A_942 = arith.constant 3 : i32
      %swap3A_943 = arith.index_cast %swap3A_942 : i32 to index
      %swap3A_944 = arith.index_cast %scan3A_902 : i32 to index
      %swap3A_945 = arith.constant 32 : index
      %swap3A_946 = tpu.vector_load %arg6[%swap3A_943, %swap3A_944, %swap3A_945] {strides = array<i32>} : memref<8x128x64xf32, #tpu.memory_space<vmem>>, vector<1x1x16xf32>,
      %swap3A_947 = vector.shape_cast %swap3A_946 : vector<1x1x16xf32> to vector<16xf32>
      %swap3A_948 = vector.shape_cast %mul3A_941 : vector<16xf32> to vector<1x1x16xf32>
      tpu.vector_store %arg6[%swap3A_943, %swap3A_944, %swap3A_945], %swap3A_948 {strides = array<i32>} : memref<8x128x64xf32, #tpu.memory_space<vmem>>, vector<1x1x16xf32>,
      %get3A_949 = arith.constant 3 : i32
      %get3A_950 = arith.index_cast %get3A_949 : i32 to index
      %get3A_951 = arith.index_cast %scan3A_902 : i32 to index
      %get3A_952 = arith.constant 48 : index
      %get3A_953 = tpu.vector_load %arg6[%get3A_950, %get3A_951, %get3A_952] {strides = array<i32>} : memref<8x128x64xf32, #tpu.memory_space<vmem>>, vector<1x1x16xf32>,
      %get3A_954 = vector.shape_cast %get3A_953 : vector<1x1x16xf32> to vector<16xf32>
      %mul3A_955 = arith.constant 8.000000e+00 : f32
      %mul3A_956 = vector.broadcast %mul3A_955 : f32 to vector<16xf32>
      %mul3A_957 = arith.mulf %get3A_954, %mul3A_956 : vector<16xf32>
      %swap3A_958 = arith.constant 3 : i32
      %swap3A_959 = arith.index_cast %swap3A_958 : i32 to index
      %swap3A_960 = arith.index_cast %scan3A_902 : i32 to index
      %swap3A_961 = arith.constant 48 : index
      %swap3A_962 = tpu.vector_load %arg6[%swap3A_959, %swap3A_960, %swap3A_961] {strides = array<i32>} : memref<8x128x64xf32, #tpu.memory_space<vmem>>, vector<1x1x16xf32>,
      %swap3A_963 = vector.shape_cast %swap3A_962 : vector<1x1x16xf32> to vector<16xf32>
      %swap3A_964 = vector.shape_cast %mul3A_957 : vector<16xf32> to vector<1x1x16xf32>
      tpu.vector_store %arg6[%swap3A_959, %swap3A_960, %swap3A_961], %swap3A_964 {strides = array<i32>} : memref<8x128x64xf32, #tpu.memory_space<vmem>>, vector<1x1x16xf32>,
    }
    %scan3A_657 = arith.constant 128 : i32
    %add3A_658 = arith.constant 24960 : i32
    %add3A_659 = arith.addi %mul3A_2, %add3A_658 : i32
    %dma_start3A_660 = arith.constant 3 : i32
    %dma_start3A_661 = arith.constant 0 : i32
    %dma_start3A_662 = arith.constant 0 : i32
    %dma_start3A_663 = tpu.memref_slice %arg6[%dma_start3A_660, %dma_start3A_661, %dma_start3A_662] : memref<8x128x64xf32, #tpu.memory_space<vmem>> -> memref<1x128x64xf32, #tpu.memory_space<vmem>>
    %dma_start3A_664 = tpu.memref_squeeze %dma_start3A_663 : memref<1x128x64xf32, #tpu.memory_space<vmem>> -> memref<128x64xf32, #tpu.memory_space<vmem>>
    %dma_start3A_665 = arith.constant 0 : i32
    %dma_start3A_666 = tpu.memref_slice %arg4[%add3A_659, %dma_start3A_665] : memref<819200x64xf32, #tpu.memory_space<hbm>> -> memref<128x64xf32, #tpu.memory_space<hbm>>
    %dma_start3A_667 = arith.constant 0 : i32
    %dma_start3A_668 = tpu.memref_slice %arg4[%add3A_659, %dma_start3A_667] : memref<819200x64xf32, #tpu.memory_space<hbm>> -> memref<128x64xf32, #tpu.memory_space<hbm>>
    %dma_start3A_669 = arith.constant 0 : i32
    %dma_start3A_670 = arith.constant 0 : i32
    %dma_start3A_671 = tpu.memref_slice %arg6[%dma_start3A_660, %dma_start3A_669, %dma_start3A_670] : memref<8x128x64xf32, #tpu.memory_space<vmem>> -> memref<1x128x64xf32, #tpu.memory_space<vmem>>
    %dma_start3A_672 = tpu.memref_squeeze %dma_start3A_671 : memref<1x128x64xf32, #tpu.memory_space<vmem>> -> memref<128x64xf32, #tpu.memory_space<vmem>>
    tpu.enqueue_dma source(%dma_start3A_672 : memref<128x64xf32, #tpu.memory_space<vmem>>) target(%dma_start3A_668 : memref<128x64xf32, #tpu.memory_space<hbm>>) target_semaphore(%arg18 : memref<!tpu.dma_semaphore, #tpu.memory_space<semaphore_mem>>)
    %add3A_673 = arith.constant 24704 : i32
    %add3A_674 = arith.addi %mul3A_2, %add3A_673 : i32
    %dma_wait3A_675 = arith.constant 1 : i32
    %dma_wait3A_676 = arith.constant 0 : i32
    %dma_wait3A_677 = arith.constant 0 : i32
    %dma_wait3A_678 = tpu.memref_slice %arg6[%dma_wait3A_675, %dma_wait3A_676, %dma_wait3A_677] : memref<8x128x64xf32, #tpu.memory_space<vmem>> -> memref<1x128x64xf32, #tpu.memory_space<vmem>>
    %dma_wait3A_679 = tpu.memref_squeeze %dma_wait3A_678 : memref<1x128x64xf32, #tpu.memory_space<vmem>> -> memref<128x64xf32, #tpu.memory_space<vmem>>
    %dma_wait3A_680 = arith.constant 0 : i32
    %dma_wait3A_681 = tpu.memref_slice %arg4[%add3A_674, %dma_wait3A_680] : memref<819200x64xf32, #tpu.memory_space<hbm>> -> memref<128x64xf32, #tpu.memory_space<hbm>>
    %dma_wait3A_682 = arith.constant 0 : i32
    %dma_wait3A_683 = tpu.memref_slice %arg4[%add3A_674, %dma_wait3A_682] : memref<819200x64xf32, #tpu.memory_space<hbm>> -> memref<128x64xf32, #tpu.memory_space<hbm>>
    %dma_wait3A_684 = arith.constant 0 : i32
    %dma_wait3A_685 = arith.constant 0 : i32
    %dma_wait3A_686 = tpu.memref_slice %arg6[%dma_wait3A_675, %dma_wait3A_684, %dma_wait3A_685] : memref<8x128x64xf32, #tpu.memory_space<vmem>> -> memref<1x128x64xf32, #tpu.memory_space<vmem>>
    %dma_wait3A_687 = tpu.memref_squeeze %dma_wait3A_686 : memref<1x128x64xf32, #tpu.memory_space<vmem>> -> memref<128x64xf32, #tpu.memory_space<vmem>>
    tpu.wait_dma2 semaphore(%arg16 : memref<!tpu.dma_semaphore, #tpu.memory_space<semaphore_mem>>) src(%dma_wait3A_687 : memref<128x64xf32, #tpu.memory_space<vmem>>) dst(%dma_wait3A_683 : memref<128x64xf32, #tpu.memory_space<hbm>>)
    %dma_wait3A_688 = arith.constant 4 : i32
    %dma_wait3A_689 = arith.constant 0 : i32
    %dma_wait3A_690 = arith.constant 0 : i32
    %dma_wait3A_691 = tpu.memref_slice %arg6[%dma_wait3A_688, %dma_wait3A_689, %dma_wait3A_690] : memref<8x128x64xf32, #tpu.memory_space<vmem>> -> memref<1x128x64xf32, #tpu.memory_space<vmem>>
    %dma_wait3A_692 = tpu.memref_squeeze %dma_wait3A_691 : memref<1x128x64xf32, #tpu.memory_space<vmem>> -> memref<128x64xf32, #tpu.memory_space<vmem>>
    %dma_wait3A_693 = arith.constant 25088 : i32
    %dma_wait3A_694 = tpu.memref_slice %arg5[%dma_wait3A_693] : memref<25600xi32, #tpu.memory_space<vmem>> -> memref<128xi32, #tpu.memory_space<vmem>>
    %dma_wait3A_695 = arith.constant 0 : i32
    %dma_wait3A_696 = arith.constant 0 : i32
    %dma_wait3A_697 = tpu.memref_slice %arg3[%dma_wait3A_695, %dma_wait3A_696] : memref<1000000x64xf32, #tpu.memory_space<hbm>> -> memref<1000000x64xf32, #tpu.memory_space<hbm>>
    tpu.wait_indirect_dma semaphore(%arg11 : memref<!tpu.dma_semaphore, #tpu.memory_space<semaphore_mem>>) src(%dma_wait3A_697 : memref<1000000x64xf32, #tpu.memory_space<hbm>>) dst(%dma_wait3A_692 : memref<128x64xf32, #tpu.memory_space<vmem>>)
    %scan3A_698 = arith.constant 0 : i32
    %scan3A_699 = arith.constant 0 : i32
    %scan3A_700 = arith.constant 128 : i32
    %scan3A_701 = arith.addi %scan3A_699, %scan3A_700 : i32
    %scan3A_702 = arith.constant 1 : i32
    scf.for %scan3A_902 = %scan3A_699 to %scan3A_701 step %scan3A_702  : i32 {
      %get3A = arith.constant 4 : i32
      %get3A_903 = arith.index_cast %get3A : i32 to index
      %get3A_904 = arith.index_cast %scan3A_902 : i32 to index
      %get3A_905 = arith.constant 0 : index
      %get3A_906 = tpu.vector_load %arg6[%get3A_903, %get3A_904, %get3A_905] {strides = array<i32>} : memref<8x128x64xf32, #tpu.memory_space<vmem>>, vector<1x1x16xf32>,
      %get3A_907 = vector.shape_cast %get3A_906 : vector<1x1x16xf32> to vector<16xf32>
      %mul3A_908 = arith.constant 8.000000e+00 : f32
      %mul3A_909 = vector.broadcast %mul3A_908 : f32 to vector<16xf32>
      %mul3A_910 = arith.mulf %get3A_907, %mul3A_909 : vector<16xf32>
      %swap3A = arith.constant 4 : i32
      %swap3A_911 = arith.index_cast %swap3A : i32 to index
      %swap3A_912 = arith.index_cast %scan3A_902 : i32 to index
      %swap3A_913 = arith.constant 0 : index
      %swap3A_914 = tpu.vector_load %arg6[%swap3A_911, %swap3A_912, %swap3A_913] {strides = array<i32>} : memref<8x128x64xf32, #tpu.memory_space<vmem>>, vector<1x1x16xf32>,
      %swap3A_915 = vector.shape_cast %swap3A_914 : vector<1x1x16xf32> to vector<16xf32>
      %swap3A_916 = vector.shape_cast %mul3A_910 : vector<16xf32> to vector<1x1x16xf32>
      tpu.vector_store %arg6[%swap3A_911, %swap3A_912, %swap3A_913], %swap3A_916 {strides = array<i32>} : memref<8x128x64xf32, #tpu.memory_space<vmem>>, vector<1x1x16xf32>,
      %get3A_917 = arith.constant 4 : i32
      %get3A_918 = arith.index_cast %get3A_917 : i32 to index
      %get3A_919 = arith.index_cast %scan3A_902 : i32 to index
      %get3A_920 = arith.constant 16 : index
      %get3A_921 = tpu.vector_load %arg6[%get3A_918, %get3A_919, %get3A_920] {strides = array<i32>} : memref<8x128x64xf32, #tpu.memory_space<vmem>>, vector<1x1x16xf32>,
      %get3A_922 = vector.shape_cast %get3A_921 : vector<1x1x16xf32> to vector<16xf32>
      %mul3A_923 = arith.constant 8.000000e+00 : f32
      %mul3A_924 = vector.broadcast %mul3A_923 : f32 to vector<16xf32>
      %mul3A_925 = arith.mulf %get3A_922, %mul3A_924 : vector<16xf32>
      %swap3A_926 = arith.constant 4 : i32
      %swap3A_927 = arith.index_cast %swap3A_926 : i32 to index
      %swap3A_928 = arith.index_cast %scan3A_902 : i32 to index
      %swap3A_929 = arith.constant 16 : index
      %swap3A_930 = tpu.vector_load %arg6[%swap3A_927, %swap3A_928, %swap3A_929] {strides = array<i32>} : memref<8x128x64xf32, #tpu.memory_space<vmem>>, vector<1x1x16xf32>,
      %swap3A_931 = vector.shape_cast %swap3A_930 : vector<1x1x16xf32> to vector<16xf32>
      %swap3A_932 = vector.shape_cast %mul3A_925 : vector<16xf32> to vector<1x1x16xf32>
      tpu.vector_store %arg6[%swap3A_927, %swap3A_928, %swap3A_929], %swap3A_932 {strides = array<i32>} : memref<8x128x64xf32, #tpu.memory_space<vmem>>, vector<1x1x16xf32>,
      %get3A_933 = arith.constant 4 : i32
      %get3A_934 = arith.index_cast %get3A_933 : i32 to index
      %get3A_935 = arith.index_cast %scan3A_902 : i32 to index
      %get3A_936 = arith.constant 32 : index
      %get3A_937 = tpu.vector_load %arg6[%get3A_934, %get3A_935, %get3A_936] {strides = array<i32>} : memref<8x128x64xf32, #tpu.memory_space<vmem>>, vector<1x1x16xf32>,
      %get3A_938 = vector.shape_cast %get3A_937 : vector<1x1x16xf32> to vector<16xf32>
      %mul3A_939 = arith.constant 8.000000e+00 : f32
      %mul3A_940 = vector.broadcast %mul3A_939 : f32 to vector<16xf32>
      %mul3A_941 = arith.mulf %get3A_938, %mul3A_940 : vector<16xf32>
      %swap3A_942 = arith.constant 4 : i32
      %swap3A_943 = arith.index_cast %swap3A_942 : i32 to index
      %swap3A_944 = arith.index_cast %scan3A_902 : i32 to index
      %swap3A_945 = arith.constant 32 : index
      %swap3A_946 = tpu.vector_load %arg6[%swap3A_943, %swap3A_944, %swap3A_945] {strides = array<i32>} : memref<8x128x64xf32, #tpu.memory_space<vmem>>, vector<1x1x16xf32>,
      %swap3A_947 = vector.shape_cast %swap3A_946 : vector<1x1x16xf32> to vector<16xf32>
      %swap3A_948 = vector.shape_cast %mul3A_941 : vector<16xf32> to vector<1x1x16xf32>
      tpu.vector_store %arg6[%swap3A_943, %swap3A_944, %swap3A_945], %swap3A_948 {strides = array<i32>} : memref<8x128x64xf32, #tpu.memory_space<vmem>>, vector<1x1x16xf32>,
      %get3A_949 = arith.constant 4 : i32
      %get3A_950 = arith.index_cast %get3A_949 : i32 to index
      %get3A_951 = arith.index_cast %scan3A_902 : i32 to index
      %get3A_952 = arith.constant 48 : index
      %get3A_953 = tpu.vector_load %arg6[%get3A_950, %get3A_951, %get3A_952] {strides = array<i32>} : memref<8x128x64xf32, #tpu.memory_space<vmem>>, vector<1x1x16xf32>,
      %get3A_954 = vector.shape_cast %get3A_953 : vector<1x1x16xf32> to vector<16xf32>
      %mul3A_955 = arith.constant 8.000000e+00 : f32
      %mul3A_956 = vector.broadcast %mul3A_955 : f32 to vector<16xf32>
      %mul3A_957 = arith.mulf %get3A_954, %mul3A_956 : vector<16xf32>
      %swap3A_958 = arith.constant 4 : i32
      %swap3A_959 = arith.index_cast %swap3A_958 : i32 to index
      %swap3A_960 = arith.index_cast %scan3A_902 : i32 to index
      %swap3A_961 = arith.constant 48 : index
      %swap3A_962 = tpu.vector_load %arg6[%swap3A_959, %swap3A_960, %swap3A_961] {strides = array<i32>} : memref<8x128x64xf32, #tpu.memory_space<vmem>>, vector<1x1x16xf32>,
      %swap3A_963 = vector.shape_cast %swap3A_962 : vector<1x1x16xf32> to vector<16xf32>
      %swap3A_964 = vector.shape_cast %mul3A_957 : vector<16xf32> to vector<1x1x16xf32>
      tpu.vector_store %arg6[%swap3A_959, %swap3A_960, %swap3A_961], %swap3A_964 {strides = array<i32>} : memref<8x128x64xf32, #tpu.memory_space<vmem>>, vector<1x1x16xf32>,
    }
    %scan3A_703 = arith.constant 128 : i32
    %add3A_704 = arith.constant 25088 : i32
    %add3A_705 = arith.addi %mul3A_2, %add3A_704 : i32
    %dma_start3A_706 = arith.constant 4 : i32
    %dma_start3A_707 = arith.constant 0 : i32
    %dma_start3A_708 = arith.constant 0 : i32
    %dma_start3A_709 = tpu.memref_slice %arg6[%dma_start3A_706, %dma_start3A_707, %dma_start3A_708] : memref<8x128x64xf32, #tpu.memory_space<vmem>> -> memref<1x128x64xf32, #tpu.memory_space<vmem>>
    %dma_start3A_710 = tpu.memref_squeeze %dma_start3A_709 : memref<1x128x64xf32, #tpu.memory_space<vmem>> -> memref<128x64xf32, #tpu.memory_space<vmem>>
    %dma_start3A_711 = arith.constant 0 : i32
    %dma_start3A_712 = tpu.memref_slice %arg4[%add3A_705, %dma_start3A_711] : memref<819200x64xf32, #tpu.memory_space<hbm>> -> memref<128x64xf32, #tpu.memory_space<hbm>>
    %dma_start3A_713 = arith.constant 0 : i32
    %dma_start3A_714 = tpu.memref_slice %arg4[%add3A_705, %dma_start3A_713] : memref<819200x64xf32, #tpu.memory_space<hbm>> -> memref<128x64xf32, #tpu.memory_space<hbm>>
    %dma_start3A_715 = arith.constant 0 : i32
    %dma_start3A_716 = arith.constant 0 : i32
    %dma_start3A_717 = tpu.memref_slice %arg6[%dma_start3A_706, %dma_start3A_715, %dma_start3A_716] : memref<8x128x64xf32, #tpu.memory_space<vmem>> -> memref<1x128x64xf32, #tpu.memory_space<vmem>>
    %dma_start3A_718 = tpu.memref_squeeze %dma_start3A_717 : memref<1x128x64xf32, #tpu.memory_space<vmem>> -> memref<128x64xf32, #tpu.memory_space<vmem>>
    tpu.enqueue_dma source(%dma_start3A_718 : memref<128x64xf32, #tpu.memory_space<vmem>>) target(%dma_start3A_714 : memref<128x64xf32, #tpu.memory_space<hbm>>) target_semaphore(%arg19 : memref<!tpu.dma_semaphore, #tpu.memory_space<semaphore_mem>>)
    %add3A_719 = arith.constant 24832 : i32
    %add3A_720 = arith.addi %mul3A_2, %add3A_719 : i32
    %dma_wait3A_721 = arith.constant 2 : i32
    %dma_wait3A_722 = arith.constant 0 : i32
    %dma_wait3A_723 = arith.constant 0 : i32
    %dma_wait3A_724 = tpu.memref_slice %arg6[%dma_wait3A_721, %dma_wait3A_722, %dma_wait3A_723] : memref<8x128x64xf32, #tpu.memory_space<vmem>> -> memref<1x128x64xf32, #tpu.memory_space<vmem>>
    %dma_wait3A_725 = tpu.memref_squeeze %dma_wait3A_724 : memref<1x128x64xf32, #tpu.memory_space<vmem>> -> memref<128x64xf32, #tpu.memory_space<vmem>>
    %dma_wait3A_726 = arith.constant 0 : i32
    %dma_wait3A_727 = tpu.memref_slice %arg4[%add3A_720, %dma_wait3A_726] : memref<819200x64xf32, #tpu.memory_space<hbm>> -> memref<128x64xf32, #tpu.memory_space<hbm>>
    %dma_wait3A_728 = arith.constant 0 : i32
    %dma_wait3A_729 = tpu.memref_slice %arg4[%add3A_720, %dma_wait3A_728] : memref<819200x64xf32, #tpu.memory_space<hbm>> -> memref<128x64xf32, #tpu.memory_space<hbm>>
    %dma_wait3A_730 = arith.constant 0 : i32
    %dma_wait3A_731 = arith.constant 0 : i32
    %dma_wait3A_732 = tpu.memref_slice %arg6[%dma_wait3A_721, %dma_wait3A_730, %dma_wait3A_731] : memref<8x128x64xf32, #tpu.memory_space<vmem>> -> memref<1x128x64xf32, #tpu.memory_space<vmem>>
    %dma_wait3A_733 = tpu.memref_squeeze %dma_wait3A_732 : memref<1x128x64xf32, #tpu.memory_space<vmem>> -> memref<128x64xf32, #tpu.memory_space<vmem>>
    tpu.wait_dma2 semaphore(%arg17 : memref<!tpu.dma_semaphore, #tpu.memory_space<semaphore_mem>>) src(%dma_wait3A_733 : memref<128x64xf32, #tpu.memory_space<vmem>>) dst(%dma_wait3A_729 : memref<128x64xf32, #tpu.memory_space<hbm>>)
    %dma_wait3A_734 = arith.constant 5 : i32
    %dma_wait3A_735 = arith.constant 0 : i32
    %dma_wait3A_736 = arith.constant 0 : i32
    %dma_wait3A_737 = tpu.memref_slice %arg6[%dma_wait3A_734, %dma_wait3A_735, %dma_wait3A_736] : memref<8x128x64xf32, #tpu.memory_space<vmem>> -> memref<1x128x64xf32, #tpu.memory_space<vmem>>
    %dma_wait3A_738 = tpu.memref_squeeze %dma_wait3A_737 : memref<1x128x64xf32, #tpu.memory_space<vmem>> -> memref<128x64xf32, #tpu.memory_space<vmem>>
    %dma_wait3A_739 = arith.constant 25216 : i32
    %dma_wait3A_740 = tpu.memref_slice %arg5[%dma_wait3A_739] : memref<25600xi32, #tpu.memory_space<vmem>> -> memref<128xi32, #tpu.memory_space<vmem>>
    %dma_wait3A_741 = arith.constant 0 : i32
    %dma_wait3A_742 = arith.constant 0 : i32
    %dma_wait3A_743 = tpu.memref_slice %arg3[%dma_wait3A_741, %dma_wait3A_742] : memref<1000000x64xf32, #tpu.memory_space<hbm>> -> memref<1000000x64xf32, #tpu.memory_space<hbm>>
    tpu.wait_indirect_dma semaphore(%arg12 : memref<!tpu.dma_semaphore, #tpu.memory_space<semaphore_mem>>) src(%dma_wait3A_743 : memref<1000000x64xf32, #tpu.memory_space<hbm>>) dst(%dma_wait3A_738 : memref<128x64xf32, #tpu.memory_space<vmem>>)
    %scan3A_744 = arith.constant 0 : i32
    %scan3A_745 = arith.constant 0 : i32
    %scan3A_746 = arith.constant 128 : i32
    %scan3A_747 = arith.addi %scan3A_745, %scan3A_746 : i32
    %scan3A_748 = arith.constant 1 : i32
    scf.for %scan3A_902 = %scan3A_745 to %scan3A_747 step %scan3A_748  : i32 {
      %get3A = arith.constant 5 : i32
      %get3A_903 = arith.index_cast %get3A : i32 to index
      %get3A_904 = arith.index_cast %scan3A_902 : i32 to index
      %get3A_905 = arith.constant 0 : index
      %get3A_906 = tpu.vector_load %arg6[%get3A_903, %get3A_904, %get3A_905] {strides = array<i32>} : memref<8x128x64xf32, #tpu.memory_space<vmem>>, vector<1x1x16xf32>,
      %get3A_907 = vector.shape_cast %get3A_906 : vector<1x1x16xf32> to vector<16xf32>
      %mul3A_908 = arith.constant 8.000000e+00 : f32
      %mul3A_909 = vector.broadcast %mul3A_908 : f32 to vector<16xf32>
      %mul3A_910 = arith.mulf %get3A_907, %mul3A_909 : vector<16xf32>
      %swap3A = arith.constant 5 : i32
      %swap3A_911 = arith.index_cast %swap3A : i32 to index
      %swap3A_912 = arith.index_cast %scan3A_902 : i32 to index
      %swap3A_913 = arith.constant 0 : index
      %swap3A_914 = tpu.vector_load %arg6[%swap3A_911, %swap3A_912, %swap3A_913] {strides = array<i32>} : memref<8x128x64xf32, #tpu.memory_space<vmem>>, vector<1x1x16xf32>,
      %swap3A_915 = vector.shape_cast %swap3A_914 : vector<1x1x16xf32> to vector<16xf32>
      %swap3A_916 = vector.shape_cast %mul3A_910 : vector<16xf32> to vector<1x1x16xf32>
      tpu.vector_store %arg6[%swap3A_911, %swap3A_912, %swap3A_913], %swap3A_916 {strides = array<i32>} : memref<8x128x64xf32, #tpu.memory_space<vmem>>, vector<1x1x16xf32>,
      %get3A_917 = arith.constant 5 : i32
      %get3A_918 = arith.index_cast %get3A_917 : i32 to index
      %get3A_919 = arith.index_cast %scan3A_902 : i32 to index
      %get3A_920 = arith.constant 16 : index
      %get3A_921 = tpu.vector_load %arg6[%get3A_918, %get3A_919, %get3A_920] {strides = array<i32>} : memref<8x128x64xf32, #tpu.memory_space<vmem>>, vector<1x1x16xf32>,
      %get3A_922 = vector.shape_cast %get3A_921 : vector<1x1x16xf32> to vector<16xf32>
      %mul3A_923 = arith.constant 8.000000e+00 : f32
      %mul3A_924 = vector.broadcast %mul3A_923 : f32 to vector<16xf32>
      %mul3A_925 = arith.mulf %get3A_922, %mul3A_924 : vector<16xf32>
      %swap3A_926 = arith.constant 5 : i32
      %swap3A_927 = arith.index_cast %swap3A_926 : i32 to index
      %swap3A_928 = arith.index_cast %scan3A_902 : i32 to index
      %swap3A_929 = arith.constant 16 : index
      %swap3A_930 = tpu.vector_load %arg6[%swap3A_927, %swap3A_928, %swap3A_929] {strides = array<i32>} : memref<8x128x64xf32, #tpu.memory_space<vmem>>, vector<1x1x16xf32>,
      %swap3A_931 = vector.shape_cast %swap3A_930 : vector<1x1x16xf32> to vector<16xf32>
      %swap3A_932 = vector.shape_cast %mul3A_925 : vector<16xf32> to vector<1x1x16xf32>
      tpu.vector_store %arg6[%swap3A_927, %swap3A_928, %swap3A_929], %swap3A_932 {strides = array<i32>} : memref<8x128x64xf32, #tpu.memory_space<vmem>>, vector<1x1x16xf32>,
      %get3A_933 = arith.constant 5 : i32
      %get3A_934 = arith.index_cast %get3A_933 : i32 to index
      %get3A_935 = arith.index_cast %scan3A_902 : i32 to index
      %get3A_936 = arith.constant 32 : index
      %get3A_937 = tpu.vector_load %arg6[%get3A_934, %get3A_935, %get3A_936] {strides = array<i32>} : memref<8x128x64xf32, #tpu.memory_space<vmem>>, vector<1x1x16xf32>,
      %get3A_938 = vector.shape_cast %get3A_937 : vector<1x1x16xf32> to vector<16xf32>
      %mul3A_939 = arith.constant 8.000000e+00 : f32
      %mul3A_940 = vector.broadcast %mul3A_939 : f32 to vector<16xf32>
      %mul3A_941 = arith.mulf %get3A_938, %mul3A_940 : vector<16xf32>
      %swap3A_942 = arith.constant 5 : i32
      %swap3A_943 = arith.index_cast %swap3A_942 : i32 to index
      %swap3A_944 = arith.index_cast %scan3A_902 : i32 to index
      %swap3A_945 = arith.constant 32 : index
      %swap3A_946 = tpu.vector_load %arg6[%swap3A_943, %swap3A_944, %swap3A_945] {strides = array<i32>} : memref<8x128x64xf32, #tpu.memory_space<vmem>>, vector<1x1x16xf32>,
      %swap3A_947 = vector.shape_cast %swap3A_946 : vector<1x1x16xf32> to vector<16xf32>
      %swap3A_948 = vector.shape_cast %mul3A_941 : vector<16xf32> to vector<1x1x16xf32>
      tpu.vector_store %arg6[%swap3A_943, %swap3A_944, %swap3A_945], %swap3A_948 {strides = array<i32>} : memref<8x128x64xf32, #tpu.memory_space<vmem>>, vector<1x1x16xf32>,
      %get3A_949 = arith.constant 5 : i32
      %get3A_950 = arith.index_cast %get3A_949 : i32 to index
      %get3A_951 = arith.index_cast %scan3A_902 : i32 to index
      %get3A_952 = arith.constant 48 : index
      %get3A_953 = tpu.vector_load %arg6[%get3A_950, %get3A_951, %get3A_952] {strides = array<i32>} : memref<8x128x64xf32, #tpu.memory_space<vmem>>, vector<1x1x16xf32>,
      %get3A_954 = vector.shape_cast %get3A_953 : vector<1x1x16xf32> to vector<16xf32>
      %mul3A_955 = arith.constant 8.000000e+00 : f32
      %mul3A_956 = vector.broadcast %mul3A_955 : f32 to vector<16xf32>
      %mul3A_957 = arith.mulf %get3A_954, %mul3A_956 : vector<16xf32>
      %swap3A_958 = arith.constant 5 : i32
      %swap3A_959 = arith.index_cast %swap3A_958 : i32 to index
      %swap3A_960 = arith.index_cast %scan3A_902 : i32 to index
      %swap3A_961 = arith.constant 48 : index
      %swap3A_962 = tpu.vector_load %arg6[%swap3A_959, %swap3A_960, %swap3A_961] {strides = array<i32>} : memref<8x128x64xf32, #tpu.memory_space<vmem>>, vector<1x1x16xf32>,
      %swap3A_963 = vector.shape_cast %swap3A_962 : vector<1x1x16xf32> to vector<16xf32>
      %swap3A_964 = vector.shape_cast %mul3A_957 : vector<16xf32> to vector<1x1x16xf32>
      tpu.vector_store %arg6[%swap3A_959, %swap3A_960, %swap3A_961], %swap3A_964 {strides = array<i32>} : memref<8x128x64xf32, #tpu.memory_space<vmem>>, vector<1x1x16xf32>,
    }
    %scan3A_749 = arith.constant 128 : i32
    %add3A_750 = arith.constant 25216 : i32
    %add3A_751 = arith.addi %mul3A_2, %add3A_750 : i32
    %dma_start3A_752 = arith.constant 5 : i32
    %dma_start3A_753 = arith.constant 0 : i32
    %dma_start3A_754 = arith.constant 0 : i32
    %dma_start3A_755 = tpu.memref_slice %arg6[%dma_start3A_752, %dma_start3A_753, %dma_start3A_754] : memref<8x128x64xf32, #tpu.memory_space<vmem>> -> memref<1x128x64xf32, #tpu.memory_space<vmem>>
    %dma_start3A_756 = tpu.memref_squeeze %dma_start3A_755 : memref<1x128x64xf32, #tpu.memory_space<vmem>> -> memref<128x64xf32, #tpu.memory_space<vmem>>
    %dma_start3A_757 = arith.constant 0 : i32
    %dma_start3A_758 = tpu.memref_slice %arg4[%add3A_751, %dma_start3A_757] : memref<819200x64xf32, #tpu.memory_space<hbm>> -> memref<128x64xf32, #tpu.memory_space<hbm>>
    %dma_start3A_759 = arith.constant 0 : i32
    %dma_start3A_760 = tpu.memref_slice %arg4[%add3A_751, %dma_start3A_759] : memref<819200x64xf32, #tpu.memory_space<hbm>> -> memref<128x64xf32, #tpu.memory_space<hbm>>
    %dma_start3A_761 = arith.constant 0 : i32
    %dma_start3A_762 = arith.constant 0 : i32
    %dma_start3A_763 = tpu.memref_slice %arg6[%dma_start3A_752, %dma_start3A_761, %dma_start3A_762] : memref<8x128x64xf32, #tpu.memory_space<vmem>> -> memref<1x128x64xf32, #tpu.memory_space<vmem>>
    %dma_start3A_764 = tpu.memref_squeeze %dma_start3A_763 : memref<1x128x64xf32, #tpu.memory_space<vmem>> -> memref<128x64xf32, #tpu.memory_space<vmem>>
    tpu.enqueue_dma source(%dma_start3A_764 : memref<128x64xf32, #tpu.memory_space<vmem>>) target(%dma_start3A_760 : memref<128x64xf32, #tpu.memory_space<hbm>>) target_semaphore(%arg20 : memref<!tpu.dma_semaphore, #tpu.memory_space<semaphore_mem>>)
    %add3A_765 = arith.constant 24960 : i32
    %add3A_766 = arith.addi %mul3A_2, %add3A_765 : i32
    %dma_wait3A_767 = arith.constant 3 : i32
    %dma_wait3A_768 = arith.constant 0 : i32
    %dma_wait3A_769 = arith.constant 0 : i32
    %dma_wait3A_770 = tpu.memref_slice %arg6[%dma_wait3A_767, %dma_wait3A_768, %dma_wait3A_769] : memref<8x128x64xf32, #tpu.memory_space<vmem>> -> memref<1x128x64xf32, #tpu.memory_space<vmem>>
    %dma_wait3A_771 = tpu.memref_squeeze %dma_wait3A_770 : memref<1x128x64xf32, #tpu.memory_space<vmem>> -> memref<128x64xf32, #tpu.memory_space<vmem>>
    %dma_wait3A_772 = arith.constant 0 : i32
    %dma_wait3A_773 = tpu.memref_slice %arg4[%add3A_766, %dma_wait3A_772] : memref<819200x64xf32, #tpu.memory_space<hbm>> -> memref<128x64xf32, #tpu.memory_space<hbm>>
    %dma_wait3A_774 = arith.constant 0 : i32
    %dma_wait3A_775 = tpu.memref_slice %arg4[%add3A_766, %dma_wait3A_774] : memref<819200x64xf32, #tpu.memory_space<hbm>> -> memref<128x64xf32, #tpu.memory_space<hbm>>
    %dma_wait3A_776 = arith.constant 0 : i32
    %dma_wait3A_777 = arith.constant 0 : i32
    %dma_wait3A_778 = tpu.memref_slice %arg6[%dma_wait3A_767, %dma_wait3A_776, %dma_wait3A_777] : memref<8x128x64xf32, #tpu.memory_space<vmem>> -> memref<1x128x64xf32, #tpu.memory_space<vmem>>
    %dma_wait3A_779 = tpu.memref_squeeze %dma_wait3A_778 : memref<1x128x64xf32, #tpu.memory_space<vmem>> -> memref<128x64xf32, #tpu.memory_space<vmem>>
    tpu.wait_dma2 semaphore(%arg18 : memref<!tpu.dma_semaphore, #tpu.memory_space<semaphore_mem>>) src(%dma_wait3A_779 : memref<128x64xf32, #tpu.memory_space<vmem>>) dst(%dma_wait3A_775 : memref<128x64xf32, #tpu.memory_space<hbm>>)
    %dma_wait3A_780 = arith.constant 6 : i32
    %dma_wait3A_781 = arith.constant 0 : i32
    %dma_wait3A_782 = arith.constant 0 : i32
    %dma_wait3A_783 = tpu.memref_slice %arg6[%dma_wait3A_780, %dma_wait3A_781, %dma_wait3A_782] : memref<8x128x64xf32, #tpu.memory_space<vmem>> -> memref<1x128x64xf32, #tpu.memory_space<vmem>>
    %dma_wait3A_784 = tpu.memref_squeeze %dma_wait3A_783 : memref<1x128x64xf32, #tpu.memory_space<vmem>> -> memref<128x64xf32, #tpu.memory_space<vmem>>
    %dma_wait3A_785 = arith.constant 25344 : i32
    %dma_wait3A_786 = tpu.memref_slice %arg5[%dma_wait3A_785] : memref<25600xi32, #tpu.memory_space<vmem>> -> memref<128xi32, #tpu.memory_space<vmem>>
    %dma_wait3A_787 = arith.constant 0 : i32
    %dma_wait3A_788 = arith.constant 0 : i32
    %dma_wait3A_789 = tpu.memref_slice %arg3[%dma_wait3A_787, %dma_wait3A_788] : memref<1000000x64xf32, #tpu.memory_space<hbm>> -> memref<1000000x64xf32, #tpu.memory_space<hbm>>
    tpu.wait_indirect_dma semaphore(%arg13 : memref<!tpu.dma_semaphore, #tpu.memory_space<semaphore_mem>>) src(%dma_wait3A_789 : memref<1000000x64xf32, #tpu.memory_space<hbm>>) dst(%dma_wait3A_784 : memref<128x64xf32, #tpu.memory_space<vmem>>)
    %scan3A_790 = arith.constant 0 : i32
    %scan3A_791 = arith.constant 0 : i32
    %scan3A_792 = arith.constant 128 : i32
    %scan3A_793 = arith.addi %scan3A_791, %scan3A_792 : i32
    %scan3A_794 = arith.constant 1 : i32
    scf.for %scan3A_902 = %scan3A_791 to %scan3A_793 step %scan3A_794  : i32 {
      %get3A = arith.constant 6 : i32
      %get3A_903 = arith.index_cast %get3A : i32 to index
      %get3A_904 = arith.index_cast %scan3A_902 : i32 to index
      %get3A_905 = arith.constant 0 : index
      %get3A_906 = tpu.vector_load %arg6[%get3A_903, %get3A_904, %get3A_905] {strides = array<i32>} : memref<8x128x64xf32, #tpu.memory_space<vmem>>, vector<1x1x16xf32>,
      %get3A_907 = vector.shape_cast %get3A_906 : vector<1x1x16xf32> to vector<16xf32>
      %mul3A_908 = arith.constant 8.000000e+00 : f32
      %mul3A_909 = vector.broadcast %mul3A_908 : f32 to vector<16xf32>
      %mul3A_910 = arith.mulf %get3A_907, %mul3A_909 : vector<16xf32>
      %swap3A = arith.constant 6 : i32
      %swap3A_911 = arith.index_cast %swap3A : i32 to index
      %swap3A_912 = arith.index_cast %scan3A_902 : i32 to index
      %swap3A_913 = arith.constant 0 : index
      %swap3A_914 = tpu.vector_load %arg6[%swap3A_911, %swap3A_912, %swap3A_913] {strides = array<i32>} : memref<8x128x64xf32, #tpu.memory_space<vmem>>, vector<1x1x16xf32>,
      %swap3A_915 = vector.shape_cast %swap3A_914 : vector<1x1x16xf32> to vector<16xf32>
      %swap3A_916 = vector.shape_cast %mul3A_910 : vector<16xf32> to vector<1x1x16xf32>
      tpu.vector_store %arg6[%swap3A_911, %swap3A_912, %swap3A_913], %swap3A_916 {strides = array<i32>} : memref<8x128x64xf32, #tpu.memory_space<vmem>>, vector<1x1x16xf32>,
      %get3A_917 = arith.constant 6 : i32
      %get3A_918 = arith.index_cast %get3A_917 : i32 to index
      %get3A_919 = arith.index_cast %scan3A_902 : i32 to index
      %get3A_920 = arith.constant 16 : index
      %get3A_921 = tpu.vector_load %arg6[%get3A_918, %get3A_919, %get3A_920] {strides = array<i32>} : memref<8x128x64xf32, #tpu.memory_space<vmem>>, vector<1x1x16xf32>,
      %get3A_922 = vector.shape_cast %get3A_921 : vector<1x1x16xf32> to vector<16xf32>
      %mul3A_923 = arith.constant 8.000000e+00 : f32
      %mul3A_924 = vector.broadcast %mul3A_923 : f32 to vector<16xf32>
      %mul3A_925 = arith.mulf %get3A_922, %mul3A_924 : vector<16xf32>
      %swap3A_926 = arith.constant 6 : i32
      %swap3A_927 = arith.index_cast %swap3A_926 : i32 to index
      %swap3A_928 = arith.index_cast %scan3A_902 : i32 to index
      %swap3A_929 = arith.constant 16 : index
      %swap3A_930 = tpu.vector_load %arg6[%swap3A_927, %swap3A_928, %swap3A_929] {strides = array<i32>} : memref<8x128x64xf32, #tpu.memory_space<vmem>>, vector<1x1x16xf32>,
      %swap3A_931 = vector.shape_cast %swap3A_930 : vector<1x1x16xf32> to vector<16xf32>
      %swap3A_932 = vector.shape_cast %mul3A_925 : vector<16xf32> to vector<1x1x16xf32>
      tpu.vector_store %arg6[%swap3A_927, %swap3A_928, %swap3A_929], %swap3A_932 {strides = array<i32>} : memref<8x128x64xf32, #tpu.memory_space<vmem>>, vector<1x1x16xf32>,
      %get3A_933 = arith.constant 6 : i32
      %get3A_934 = arith.index_cast %get3A_933 : i32 to index
      %get3A_935 = arith.index_cast %scan3A_902 : i32 to index
      %get3A_936 = arith.constant 32 : index
      %get3A_937 = tpu.vector_load %arg6[%get3A_934, %get3A_935, %get3A_936] {strides = array<i32>} : memref<8x128x64xf32, #tpu.memory_space<vmem>>, vector<1x1x16xf32>,
      %get3A_938 = vector.shape_cast %get3A_937 : vector<1x1x16xf32> to vector<16xf32>
      %mul3A_939 = arith.constant 8.000000e+00 : f32
      %mul3A_940 = vector.broadcast %mul3A_939 : f32 to vector<16xf32>
      %mul3A_941 = arith.mulf %get3A_938, %mul3A_940 : vector<16xf32>
      %swap3A_942 = arith.constant 6 : i32
      %swap3A_943 = arith.index_cast %swap3A_942 : i32 to index
      %swap3A_944 = arith.index_cast %scan3A_902 : i32 to index
      %swap3A_945 = arith.constant 32 : index
      %swap3A_946 = tpu.vector_load %arg6[%swap3A_943, %swap3A_944, %swap3A_945] {strides = array<i32>} : memref<8x128x64xf32, #tpu.memory_space<vmem>>, vector<1x1x16xf32>,
      %swap3A_947 = vector.shape_cast %swap3A_946 : vector<1x1x16xf32> to vector<16xf32>
      %swap3A_948 = vector.shape_cast %mul3A_941 : vector<16xf32> to vector<1x1x16xf32>
      tpu.vector_store %arg6[%swap3A_943, %swap3A_944, %swap3A_945], %swap3A_948 {strides = array<i32>} : memref<8x128x64xf32, #tpu.memory_space<vmem>>, vector<1x1x16xf32>,
      %get3A_949 = arith.constant 6 : i32
      %get3A_950 = arith.index_cast %get3A_949 : i32 to index
      %get3A_951 = arith.index_cast %scan3A_902 : i32 to index
      %get3A_952 = arith.constant 48 : index
      %get3A_953 = tpu.vector_load %arg6[%get3A_950, %get3A_951, %get3A_952] {strides = array<i32>} : memref<8x128x64xf32, #tpu.memory_space<vmem>>, vector<1x1x16xf32>,
      %get3A_954 = vector.shape_cast %get3A_953 : vector<1x1x16xf32> to vector<16xf32>
      %mul3A_955 = arith.constant 8.000000e+00 : f32
      %mul3A_956 = vector.broadcast %mul3A_955 : f32 to vector<16xf32>
      %mul3A_957 = arith.mulf %get3A_954, %mul3A_956 : vector<16xf32>
      %swap3A_958 = arith.constant 6 : i32
      %swap3A_959 = arith.index_cast %swap3A_958 : i32 to index
      %swap3A_960 = arith.index_cast %scan3A_902 : i32 to index
      %swap3A_961 = arith.constant 48 : index
      %swap3A_962 = tpu.vector_load %arg6[%swap3A_959, %swap3A_960, %swap3A_961] {strides = array<i32>} : memref<8x128x64xf32, #tpu.memory_space<vmem>>, vector<1x1x16xf32>,
      %swap3A_963 = vector.shape_cast %swap3A_962 : vector<1x1x16xf32> to vector<16xf32>
      %swap3A_964 = vector.shape_cast %mul3A_957 : vector<16xf32> to vector<1x1x16xf32>
      tpu.vector_store %arg6[%swap3A_959, %swap3A_960, %swap3A_961], %swap3A_964 {strides = array<i32>} : memref<8x128x64xf32, #tpu.memory_space<vmem>>, vector<1x1x16xf32>,
    }
    %scan3A_795 = arith.constant 128 : i32
    %add3A_796 = arith.constant 25344 : i32
    %add3A_797 = arith.addi %mul3A_2, %add3A_796 : i32
    %dma_start3A_798 = arith.constant 6 : i32
    %dma_start3A_799 = arith.constant 0 : i32
    %dma_start3A_800 = arith.constant 0 : i32
    %dma_start3A_801 = tpu.memref_slice %arg6[%dma_start3A_798, %dma_start3A_799, %dma_start3A_800] : memref<8x128x64xf32, #tpu.memory_space<vmem>> -> memref<1x128x64xf32, #tpu.memory_space<vmem>>
    %dma_start3A_802 = tpu.memref_squeeze %dma_start3A_801 : memref<1x128x64xf32, #tpu.memory_space<vmem>> -> memref<128x64xf32, #tpu.memory_space<vmem>>
    %dma_start3A_803 = arith.constant 0 : i32
    %dma_start3A_804 = tpu.memref_slice %arg4[%add3A_797, %dma_start3A_803] : memref<819200x64xf32, #tpu.memory_space<hbm>> -> memref<128x64xf32, #tpu.memory_space<hbm>>
    %dma_start3A_805 = arith.constant 0 : i32
    %dma_start3A_806 = tpu.memref_slice %arg4[%add3A_797, %dma_start3A_805] : memref<819200x64xf32, #tpu.memory_space<hbm>> -> memref<128x64xf32, #tpu.memory_space<hbm>>
    %dma_start3A_807 = arith.constant 0 : i32
    %dma_start3A_808 = arith.constant 0 : i32
    %dma_start3A_809 = tpu.memref_slice %arg6[%dma_start3A_798, %dma_start3A_807, %dma_start3A_808] : memref<8x128x64xf32, #tpu.memory_space<vmem>> -> memref<1x128x64xf32, #tpu.memory_space<vmem>>
    %dma_start3A_810 = tpu.memref_squeeze %dma_start3A_809 : memref<1x128x64xf32, #tpu.memory_space<vmem>> -> memref<128x64xf32, #tpu.memory_space<vmem>>
    tpu.enqueue_dma source(%dma_start3A_810 : memref<128x64xf32, #tpu.memory_space<vmem>>) target(%dma_start3A_806 : memref<128x64xf32, #tpu.memory_space<hbm>>) target_semaphore(%arg21 : memref<!tpu.dma_semaphore, #tpu.memory_space<semaphore_mem>>)
    %add3A_811 = arith.constant 25088 : i32
    %add3A_812 = arith.addi %mul3A_2, %add3A_811 : i32
    %dma_wait3A_813 = arith.constant 4 : i32
    %dma_wait3A_814 = arith.constant 0 : i32
    %dma_wait3A_815 = arith.constant 0 : i32
    %dma_wait3A_816 = tpu.memref_slice %arg6[%dma_wait3A_813, %dma_wait3A_814, %dma_wait3A_815] : memref<8x128x64xf32, #tpu.memory_space<vmem>> -> memref<1x128x64xf32, #tpu.memory_space<vmem>>
    %dma_wait3A_817 = tpu.memref_squeeze %dma_wait3A_816 : memref<1x128x64xf32, #tpu.memory_space<vmem>> -> memref<128x64xf32, #tpu.memory_space<vmem>>
    %dma_wait3A_818 = arith.constant 0 : i32
    %dma_wait3A_819 = tpu.memref_slice %arg4[%add3A_812, %dma_wait3A_818] : memref<819200x64xf32, #tpu.memory_space<hbm>> -> memref<128x64xf32, #tpu.memory_space<hbm>>
    %dma_wait3A_820 = arith.constant 0 : i32
    %dma_wait3A_821 = tpu.memref_slice %arg4[%add3A_812, %dma_wait3A_820] : memref<819200x64xf32, #tpu.memory_space<hbm>> -> memref<128x64xf32, #tpu.memory_space<hbm>>
    %dma_wait3A_822 = arith.constant 0 : i32
    %dma_wait3A_823 = arith.constant 0 : i32
    %dma_wait3A_824 = tpu.memref_slice %arg6[%dma_wait3A_813, %dma_wait3A_822, %dma_wait3A_823] : memref<8x128x64xf32, #tpu.memory_space<vmem>> -> memref<1x128x64xf32, #tpu.memory_space<vmem>>
    %dma_wait3A_825 = tpu.memref_squeeze %dma_wait3A_824 : memref<1x128x64xf32, #tpu.memory_space<vmem>> -> memref<128x64xf32, #tpu.memory_space<vmem>>
    tpu.wait_dma2 semaphore(%arg19 : memref<!tpu.dma_semaphore, #tpu.memory_space<semaphore_mem>>) src(%dma_wait3A_825 : memref<128x64xf32, #tpu.memory_space<vmem>>) dst(%dma_wait3A_821 : memref<128x64xf32, #tpu.memory_space<hbm>>)
    %dma_wait3A_826 = arith.constant 7 : i32
    %dma_wait3A_827 = arith.constant 0 : i32
    %dma_wait3A_828 = arith.constant 0 : i32
    %dma_wait3A_829 = tpu.memref_slice %arg6[%dma_wait3A_826, %dma_wait3A_827, %dma_wait3A_828] : memref<8x128x64xf32, #tpu.memory_space<vmem>> -> memref<1x128x64xf32, #tpu.memory_space<vmem>>
    %dma_wait3A_830 = tpu.memref_squeeze %dma_wait3A_829 : memref<1x128x64xf32, #tpu.memory_space<vmem>> -> memref<128x64xf32, #tpu.memory_space<vmem>>
    %dma_wait3A_831 = arith.constant 25472 : i32
    %dma_wait3A_832 = tpu.memref_slice %arg5[%dma_wait3A_831] : memref<25600xi32, #tpu.memory_space<vmem>> -> memref<128xi32, #tpu.memory_space<vmem>>
    %dma_wait3A_833 = arith.constant 0 : i32
    %dma_wait3A_834 = arith.constant 0 : i32
    %dma_wait3A_835 = tpu.memref_slice %arg3[%dma_wait3A_833, %dma_wait3A_834] : memref<1000000x64xf32, #tpu.memory_space<hbm>> -> memref<1000000x64xf32, #tpu.memory_space<hbm>>
    tpu.wait_indirect_dma semaphore(%arg14 : memref<!tpu.dma_semaphore, #tpu.memory_space<semaphore_mem>>) src(%dma_wait3A_835 : memref<1000000x64xf32, #tpu.memory_space<hbm>>) dst(%dma_wait3A_830 : memref<128x64xf32, #tpu.memory_space<vmem>>)
    %scan3A_836 = arith.constant 0 : i32
    %scan3A_837 = arith.constant 0 : i32
    %scan3A_838 = arith.constant 128 : i32
    %scan3A_839 = arith.addi %scan3A_837, %scan3A_838 : i32
    %scan3A_840 = arith.constant 1 : i32
    scf.for %scan3A_902 = %scan3A_837 to %scan3A_839 step %scan3A_840  : i32 {
      %get3A = arith.constant 7 : i32
      %get3A_903 = arith.index_cast %get3A : i32 to index
      %get3A_904 = arith.index_cast %scan3A_902 : i32 to index
      %get3A_905 = arith.constant 0 : index
      %get3A_906 = tpu.vector_load %arg6[%get3A_903, %get3A_904, %get3A_905] {strides = array<i32>} : memref<8x128x64xf32, #tpu.memory_space<vmem>>, vector<1x1x16xf32>,
      %get3A_907 = vector.shape_cast %get3A_906 : vector<1x1x16xf32> to vector<16xf32>
      %mul3A_908 = arith.constant 8.000000e+00 : f32
      %mul3A_909 = vector.broadcast %mul3A_908 : f32 to vector<16xf32>
      %mul3A_910 = arith.mulf %get3A_907, %mul3A_909 : vector<16xf32>
      %swap3A = arith.constant 7 : i32
      %swap3A_911 = arith.index_cast %swap3A : i32 to index
      %swap3A_912 = arith.index_cast %scan3A_902 : i32 to index
      %swap3A_913 = arith.constant 0 : index
      %swap3A_914 = tpu.vector_load %arg6[%swap3A_911, %swap3A_912, %swap3A_913] {strides = array<i32>} : memref<8x128x64xf32, #tpu.memory_space<vmem>>, vector<1x1x16xf32>,
      %swap3A_915 = vector.shape_cast %swap3A_914 : vector<1x1x16xf32> to vector<16xf32>
      %swap3A_916 = vector.shape_cast %mul3A_910 : vector<16xf32> to vector<1x1x16xf32>
      tpu.vector_store %arg6[%swap3A_911, %swap3A_912, %swap3A_913], %swap3A_916 {strides = array<i32>} : memref<8x128x64xf32, #tpu.memory_space<vmem>>, vector<1x1x16xf32>,
      %get3A_917 = arith.constant 7 : i32
      %get3A_918 = arith.index_cast %get3A_917 : i32 to index
      %get3A_919 = arith.index_cast %scan3A_902 : i32 to index
      %get3A_920 = arith.constant 16 : index
      %get3A_921 = tpu.vector_load %arg6[%get3A_918, %get3A_919, %get3A_920] {strides = array<i32>} : memref<8x128x64xf32, #tpu.memory_space<vmem>>, vector<1x1x16xf32>,
      %get3A_922 = vector.shape_cast %get3A_921 : vector<1x1x16xf32> to vector<16xf32>
      %mul3A_923 = arith.constant 8.000000e+00 : f32
      %mul3A_924 = vector.broadcast %mul3A_923 : f32 to vector<16xf32>
      %mul3A_925 = arith.mulf %get3A_922, %mul3A_924 : vector<16xf32>
      %swap3A_926 = arith.constant 7 : i32
      %swap3A_927 = arith.index_cast %swap3A_926 : i32 to index
      %swap3A_928 = arith.index_cast %scan3A_902 : i32 to index
      %swap3A_929 = arith.constant 16 : index
      %swap3A_930 = tpu.vector_load %arg6[%swap3A_927, %swap3A_928, %swap3A_929] {strides = array<i32>} : memref<8x128x64xf32, #tpu.memory_space<vmem>>, vector<1x1x16xf32>,
      %swap3A_931 = vector.shape_cast %swap3A_930 : vector<1x1x16xf32> to vector<16xf32>
      %swap3A_932 = vector.shape_cast %mul3A_925 : vector<16xf32> to vector<1x1x16xf32>
      tpu.vector_store %arg6[%swap3A_927, %swap3A_928, %swap3A_929], %swap3A_932 {strides = array<i32>} : memref<8x128x64xf32, #tpu.memory_space<vmem>>, vector<1x1x16xf32>,
      %get3A_933 = arith.constant 7 : i32
      %get3A_934 = arith.index_cast %get3A_933 : i32 to index
      %get3A_935 = arith.index_cast %scan3A_902 : i32 to index
      %get3A_936 = arith.constant 32 : index
      %get3A_937 = tpu.vector_load %arg6[%get3A_934, %get3A_935, %get3A_936] {strides = array<i32>} : memref<8x128x64xf32, #tpu.memory_space<vmem>>, vector<1x1x16xf32>,
      %get3A_938 = vector.shape_cast %get3A_937 : vector<1x1x16xf32> to vector<16xf32>
      %mul3A_939 = arith.constant 8.000000e+00 : f32
      %mul3A_940 = vector.broadcast %mul3A_939 : f32 to vector<16xf32>
      %mul3A_941 = arith.mulf %get3A_938, %mul3A_940 : vector<16xf32>
      %swap3A_942 = arith.constant 7 : i32
      %swap3A_943 = arith.index_cast %swap3A_942 : i32 to index
      %swap3A_944 = arith.index_cast %scan3A_902 : i32 to index
      %swap3A_945 = arith.constant 32 : index
      %swap3A_946 = tpu.vector_load %arg6[%swap3A_943, %swap3A_944, %swap3A_945] {strides = array<i32>} : memref<8x128x64xf32, #tpu.memory_space<vmem>>, vector<1x1x16xf32>,
      %swap3A_947 = vector.shape_cast %swap3A_946 : vector<1x1x16xf32> to vector<16xf32>
      %swap3A_948 = vector.shape_cast %mul3A_941 : vector<16xf32> to vector<1x1x16xf32>
      tpu.vector_store %arg6[%swap3A_943, %swap3A_944, %swap3A_945], %swap3A_948 {strides = array<i32>} : memref<8x128x64xf32, #tpu.memory_space<vmem>>, vector<1x1x16xf32>,
      %get3A_949 = arith.constant 7 : i32
      %get3A_950 = arith.index_cast %get3A_949 : i32 to index
      %get3A_951 = arith.index_cast %scan3A_902 : i32 to index
      %get3A_952 = arith.constant 48 : index
      %get3A_953 = tpu.vector_load %arg6[%get3A_950, %get3A_951, %get3A_952] {strides = array<i32>} : memref<8x128x64xf32, #tpu.memory_space<vmem>>, vector<1x1x16xf32>,
      %get3A_954 = vector.shape_cast %get3A_953 : vector<1x1x16xf32> to vector<16xf32>
      %mul3A_955 = arith.constant 8.000000e+00 : f32
      %mul3A_956 = vector.broadcast %mul3A_955 : f32 to vector<16xf32>
      %mul3A_957 = arith.mulf %get3A_954, %mul3A_956 : vector<16xf32>
      %swap3A_958 = arith.constant 7 : i32
      %swap3A_959 = arith.index_cast %swap3A_958 : i32 to index
      %swap3A_960 = arith.index_cast %scan3A_902 : i32 to index
      %swap3A_961 = arith.constant 48 : index
      %swap3A_962 = tpu.vector_load %arg6[%swap3A_959, %swap3A_960, %swap3A_961] {strides = array<i32>} : memref<8x128x64xf32, #tpu.memory_space<vmem>>, vector<1x1x16xf32>,
      %swap3A_963 = vector.shape_cast %swap3A_962 : vector<1x1x16xf32> to vector<16xf32>
      %swap3A_964 = vector.shape_cast %mul3A_957 : vector<16xf32> to vector<1x1x16xf32>
      tpu.vector_store %arg6[%swap3A_959, %swap3A_960, %swap3A_961], %swap3A_964 {strides = array<i32>} : memref<8x128x64xf32, #tpu.memory_space<vmem>>, vector<1x1x16xf32>,
    }
    %scan3A_841 = arith.constant 128 : i32
    %add3A_842 = arith.constant 25472 : i32
    %add3A_843 = arith.addi %mul3A_2, %add3A_842 : i32
    %dma_start3A_844 = arith.constant 7 : i32
    %dma_start3A_845 = arith.constant 0 : i32
    %dma_start3A_846 = arith.constant 0 : i32
    %dma_start3A_847 = tpu.memref_slice %arg6[%dma_start3A_844, %dma_start3A_845, %dma_start3A_846] : memref<8x128x64xf32, #tpu.memory_space<vmem>> -> memref<1x128x64xf32, #tpu.memory_space<vmem>>
    %dma_start3A_848 = tpu.memref_squeeze %dma_start3A_847 : memref<1x128x64xf32, #tpu.memory_space<vmem>> -> memref<128x64xf32, #tpu.memory_space<vmem>>
    %dma_start3A_849 = arith.constant 0 : i32
    %dma_start3A_850 = tpu.memref_slice %arg4[%add3A_843, %dma_start3A_849] : memref<819200x64xf32, #tpu.memory_space<hbm>> -> memref<128x64xf32, #tpu.memory_space<hbm>>
    %dma_start3A_851 = arith.constant 0 : i32
    %dma_start3A_852 = tpu.memref_slice %arg4[%add3A_843, %dma_start3A_851] : memref<819200x64xf32, #tpu.memory_space<hbm>> -> memref<128x64xf32, #tpu.memory_space<hbm>>
    %dma_start3A_853 = arith.constant 0 : i32
    %dma_start3A_854 = arith.constant 0 : i32
    %dma_start3A_855 = tpu.memref_slice %arg6[%dma_start3A_844, %dma_start3A_853, %dma_start3A_854] : memref<8x128x64xf32, #tpu.memory_space<vmem>> -> memref<1x128x64xf32, #tpu.memory_space<vmem>>
    %dma_start3A_856 = tpu.memref_squeeze %dma_start3A_855 : memref<1x128x64xf32, #tpu.memory_space<vmem>> -> memref<128x64xf32, #tpu.memory_space<vmem>>
    tpu.enqueue_dma source(%dma_start3A_856 : memref<128x64xf32, #tpu.memory_space<vmem>>) target(%dma_start3A_852 : memref<128x64xf32, #tpu.memory_space<hbm>>) target_semaphore(%arg22 : memref<!tpu.dma_semaphore, #tpu.memory_space<semaphore_mem>>)
    %add3A_857 = arith.constant 25216 : i32
    %add3A_858 = arith.addi %mul3A_2, %add3A_857 : i32
    %dma_wait3A_859 = arith.constant 5 : i32
    %dma_wait3A_860 = arith.constant 0 : i32
    %dma_wait3A_861 = arith.constant 0 : i32
    %dma_wait3A_862 = tpu.memref_slice %arg6[%dma_wait3A_859, %dma_wait3A_860, %dma_wait3A_861] : memref<8x128x64xf32, #tpu.memory_space<vmem>> -> memref<1x128x64xf32, #tpu.memory_space<vmem>>
    %dma_wait3A_863 = tpu.memref_squeeze %dma_wait3A_862 : memref<1x128x64xf32, #tpu.memory_space<vmem>> -> memref<128x64xf32, #tpu.memory_space<vmem>>
    %dma_wait3A_864 = arith.constant 0 : i32
    %dma_wait3A_865 = tpu.memref_slice %arg4[%add3A_858, %dma_wait3A_864] : memref<819200x64xf32, #tpu.memory_space<hbm>> -> memref<128x64xf32, #tpu.memory_space<hbm>>
    %dma_wait3A_866 = arith.constant 0 : i32
    %dma_wait3A_867 = tpu.memref_slice %arg4[%add3A_858, %dma_wait3A_866] : memref<819200x64xf32, #tpu.memory_space<hbm>> -> memref<128x64xf32, #tpu.memory_space<hbm>>
    %dma_wait3A_868 = arith.constant 0 : i32
    %dma_wait3A_869 = arith.constant 0 : i32
    %dma_wait3A_870 = tpu.memref_slice %arg6[%dma_wait3A_859, %dma_wait3A_868, %dma_wait3A_869] : memref<8x128x64xf32, #tpu.memory_space<vmem>> -> memref<1x128x64xf32, #tpu.memory_space<vmem>>
    %dma_wait3A_871 = tpu.memref_squeeze %dma_wait3A_870 : memref<1x128x64xf32, #tpu.memory_space<vmem>> -> memref<128x64xf32, #tpu.memory_space<vmem>>
    tpu.wait_dma2 semaphore(%arg20 : memref<!tpu.dma_semaphore, #tpu.memory_space<semaphore_mem>>) src(%dma_wait3A_871 : memref<128x64xf32, #tpu.memory_space<vmem>>) dst(%dma_wait3A_867 : memref<128x64xf32, #tpu.memory_space<hbm>>)
    %add3A_872 = arith.constant 25344 : i32
    %add3A_873 = arith.addi %mul3A_2, %add3A_872 : i32
    %dma_wait3A_874 = arith.constant 6 : i32
    %dma_wait3A_875 = arith.constant 0 : i32
    %dma_wait3A_876 = arith.constant 0 : i32
    %dma_wait3A_877 = tpu.memref_slice %arg6[%dma_wait3A_874, %dma_wait3A_875, %dma_wait3A_876] : memref<8x128x64xf32, #tpu.memory_space<vmem>> -> memref<1x128x64xf32, #tpu.memory_space<vmem>>
    %dma_wait3A_878 = tpu.memref_squeeze %dma_wait3A_877 : memref<1x128x64xf32, #tpu.memory_space<vmem>> -> memref<128x64xf32, #tpu.memory_space<vmem>>
    %dma_wait3A_879 = arith.constant 0 : i32
    %dma_wait3A_880 = tpu.memref_slice %arg4[%add3A_873, %dma_wait3A_879] : memref<819200x64xf32, #tpu.memory_space<hbm>> -> memref<128x64xf32, #tpu.memory_space<hbm>>
    %dma_wait3A_881 = arith.constant 0 : i32
    %dma_wait3A_882 = tpu.memref_slice %arg4[%add3A_873, %dma_wait3A_881] : memref<819200x64xf32, #tpu.memory_space<hbm>> -> memref<128x64xf32, #tpu.memory_space<hbm>>
    %dma_wait3A_883 = arith.constant 0 : i32
    %dma_wait3A_884 = arith.constant 0 : i32
    %dma_wait3A_885 = tpu.memref_slice %arg6[%dma_wait3A_874, %dma_wait3A_883, %dma_wait3A_884] : memref<8x128x64xf32, #tpu.memory_space<vmem>> -> memref<1x128x64xf32, #tpu.memory_space<vmem>>
    %dma_wait3A_886 = tpu.memref_squeeze %dma_wait3A_885 : memref<1x128x64xf32, #tpu.memory_space<vmem>> -> memref<128x64xf32, #tpu.memory_space<vmem>>
    tpu.wait_dma2 semaphore(%arg21 : memref<!tpu.dma_semaphore, #tpu.memory_space<semaphore_mem>>) src(%dma_wait3A_886 : memref<128x64xf32, #tpu.memory_space<vmem>>) dst(%dma_wait3A_882 : memref<128x64xf32, #tpu.memory_space<hbm>>)
    %add3A_887 = arith.constant 25472 : i32
    %add3A_888 = arith.addi %mul3A_2, %add3A_887 : i32
    %dma_wait3A_889 = arith.constant 7 : i32
    %dma_wait3A_890 = arith.constant 0 : i32
    %dma_wait3A_891 = arith.constant 0 : i32
    %dma_wait3A_892 = tpu.memref_slice %arg6[%dma_wait3A_889, %dma_wait3A_890, %dma_wait3A_891] : memref<8x128x64xf32, #tpu.memory_space<vmem>> -> memref<1x128x64xf32, #tpu.memory_space<vmem>>
    %dma_wait3A_893 = tpu.memref_squeeze %dma_wait3A_892 : memref<1x128x64xf32, #tpu.memory_space<vmem>> -> memref<128x64xf32, #tpu.memory_space<vmem>>
    %dma_wait3A_894 = arith.constant 0 : i32
    %dma_wait3A_895 = tpu.memref_slice %arg4[%add3A_888, %dma_wait3A_894] : memref<819200x64xf32, #tpu.memory_space<hbm>> -> memref<128x64xf32, #tpu.memory_space<hbm>>
    %dma_wait3A_896 = arith.constant 0 : i32
    %dma_wait3A_897 = tpu.memref_slice %arg4[%add3A_888, %dma_wait3A_896] : memref<819200x64xf32, #tpu.memory_space<hbm>> -> memref<128x64xf32, #tpu.memory_space<hbm>>
    %dma_wait3A_898 = arith.constant 0 : i32
    %dma_wait3A_899 = arith.constant 0 : i32
    %dma_wait3A_900 = tpu.memref_slice %arg6[%dma_wait3A_889, %dma_wait3A_898, %dma_wait3A_899] : memref<8x128x64xf32, #tpu.memory_space<vmem>> -> memref<1x128x64xf32, #tpu.memory_space<vmem>>
    %dma_wait3A_901 = tpu.memref_squeeze %dma_wait3A_900 : memref<1x128x64xf32, #tpu.memory_space<vmem>> -> memref<128x64xf32, #tpu.memory_space<vmem>>
    tpu.wait_dma2 semaphore(%arg22 : memref<!tpu.dma_semaphore, #tpu.memory_space<semaphore_mem>>) src(%dma_wait3A_901 : memref<128x64xf32, #tpu.memory_space<vmem>>) dst(%dma_wait3A_897 : memref<128x64xf32, #tpu.memory_space<hbm>>)
    return
  }
}

</mosaic_0001>

<sc_bundles>
// kernel: kernel.3.cloned.1.call-start
scs
__scs_entry_jumppad:
0x0: {  	(pc) =	sbr.rel $0x88, $3  }
0x1: {  	(tag) =	ssettag $0x0;
	lr =	simm.s32 $0x1  }
0x2: {  	[smem:$0x3F9F] =	sst lr;
	_ =	strace $0xD0000000  }
0x3: {  	_ = 	snop  }
0x4: {  	_ = 	snop  }
0x5: {  	_ = 	snop  }
0x6: {  	_ = 	snop  }
0x7: {  	_ = 	snop  }
__scs_overlays_trampoline_lowered:
0x8: {  	[smem:$0x3FAE] =	sst s0  }
0x9: {  	[smem:$0x3FAF] =	sst s1  }
0xa: {  	[smem:$0x3FB0] =	sst s2  }
0xb: {  	[smem:$0x3FB1] =	sst s3  }
0xc: {  	[smem:$0x3FB2] =	sst s4  }
0xd: {  	[smem:$0x3FB3] =	sst s5  }
0xe: {  	[smem:$0x3FB4] =	sst s6  }
0xf: {  	[smem:$0x3FB5] =	sst s7  }
0x10: {  	[smem:$0x3FB6] =	sst s8  }
0x11: {  	[smem:$0x3FB7] =	sst s9;
	s0 =	simm.s32 @!p0 $0x0  }
0x12: {  	s1 =	sld [smem:$0x3F9D];
	s0 =	simm.s32 @p0 $0x1  }
0x13: {  	[smem:$0x3FB8] =	sst s0;
	s0 =	simm.s32 @!p1 $0x0  }
0x14: {  	s2 =	sld [smem:$0x3F9C];
	s0 =	simm.s32 @p1 $0x1  }
0x15: {  	[smem:$0x3FB9] =	sst s0;
	s0 =	simm.s32 @!p2 $0x0  }
0x16: {  	s3 =	sld [smem:$0x3FDB];
	s0 =	simm.s32 @p2 $0x1  }
0x17: {  	s4 =	simm.s32 $0x1BF5;
	[smem:$0x3FBB] =	sst s0  }
0x18: {  	s0 =	sld [smem:$0x3F9E];
	_ =	swait.ge [sflag:s4], $0x0  }
0x19: {  	s7 =	sld [smem:$0x3F9F]  }
0x1a: {  	s8 =	sadd.s32 $0xFFFFE003, lr  }
0x1b: {  	s9 =	sadd.s32 $0xFFFFFEF7, lr;
	s5 =	simm.s32 $0xFFFFFFFF;
	p2 =	slt.u32 s8, $0xFFFFF086  }
0x1c: {  	p1 =	slt.u32 s9, $0xF7A;
	s5 =	simm.s32 @!p2 $0x0  }
0x1d: {  	s5 =	simm.s32 @p1 $0x1;
	p0 =	seq.s32 s7, s2  }
0x1e: {  	s7 =	smul.u32 @!p0 $0xF7A, s2;
	p2 =	seq.s32 @!p0 s5, $0x0  }
0x1f: {  	s9 =	smul.u32 $0xF7A, s1;
	s8 =	simm.s32 @!p0 $0x1BF5;
	p2 =	por !p2, p0  }
0x20: {  	[sflag:s8] =	ssyncset.s32 @!p0 $0xFFFFF086;
	s6 =	sadd.s32 @!p0 s3, s7;
	s7 =	simm.s32 @!p0 $0x108  }
0x21: {  	s3 =	sadd.s32 s3, s9;
	s6 =	sadd.s32 @!p0 $0x88, s6;
	s7 =	simm.s32 @p2 $0x1082  }
0x22: {  	[simem:s7], [sflag:s8] =	dma.local @!p0 [hbm:s6], $0xF7A  }
0x23: {  	s9 =	sor.u32 $0xD0000000, s2;
	s6 =	simm.s32 $0x108;
	_ =	swait.ge @!p0 [sflag:s8], $0x0  }
0x24: {  	s3 =	sadd.s32 $0x88, s3;
	s6 =	simm.s32 @!p1 $0x1082;
	[sflag:s4] =	ssyncset.s32 $0xFFFFF086  }
0x25: {  	[simem:s6], [sflag:s4] =	dma.local [hbm:s3], $0xF7A  }
0x26: {  	[smem:$0x3F9F] =	sst s1;
	(tag) =	ssettag s2;
	_ =	strace s9  }
0x27: {  	s1 =	sld [smem:$0x3FAF]  }
0x28: {  	s2 =	sld [smem:$0x3FB0]  }
0x29: {  	s4 =	sld [smem:$0x3FB2]  }
0x2a: {  	p0 =	seq.s32 s5, $0x0;
	s5 =	sld [smem:$0x3FB3]  }
0x2b: {  	s6 =	sld [smem:$0x3FB4]  }
0x2c: {  	s7 =	sld [smem:$0x3FB5]  }
0x2d: {  	s3 =	simm.s32 $0x108;
	s8 =	sld [smem:$0x3FB6]  }
0x2e: {  	s3 =	simm.s32 @!p0 $0x1082;
	s9 =	sld [smem:$0x3FB7]  }
0x2f: {  	lr =	sadd.s32 s0, s3;
	s0 =	sld [smem:$0x3FAE]  }
0x30: {  	s3 =	sld [smem:$0x3FB1]  }
0x31: {  	[smem:$0x3FBA] =	sst s10  }
0x32: {  	s10 =	sld [smem:$0x3FB8];
	_ =	sdelay $0x3  }
0x33: {  	p0 =	seq.s32 s10, $0x1;
	s10 =	sld [smem:$0x3FBA];
	_ =	sdelay $0x3  }
0x34: {  	[smem:$0x3FBA] =	sst s10  }
0x35: {  	s10 =	sld [smem:$0x3FB9];
	_ =	sdelay $0x3  }
0x36: {  	p1 =	seq.s32 s10, $0x1;
	s10 =	sld [smem:$0x3FBA];
	_ =	sdelay $0x3  }
0x37: {  	[smem:$0x3FBA] =	sst s10  }
0x38: {  	s10 =	sld [smem:$0x3FBB]  }
0x39: {  	_ = 	snop;
	(pc) =	sbr.ind lr, $3  }
0x3a: {  	_ = 	snop  }
0x3b: {  	_ = 	snop  }
0x3c: {  	p2 =	seq.s32 s10, $0x1;
	s10 =	sld [smem:$0x3FBA]  }
0x3d: {  	_ =	shalt  }
0x3e: {  	_ =	shalt  }
0x3f: {  	_ =	shalt  }
0x40: {  	_ =	shalt  }
0x41: {  	_ =	shalt  }
0x42: {  	_ =	shalt  }
0x43: {  	_ =	shalt  }
0x44: {  	_ =	shalt  }
0x45: {  	_ =	shalt  }
0x46: {  	_ =	shalt  }
0x47: {  	_ =	shalt  }
0x48: {  	_ =	shalt  }
0x49: {  	_ =	shalt  }
0x4a: {  	_ =	shalt  }
0x4b: {  	_ =	shalt  }
0x4c: {  	_ =	shalt  }
0x4d: {  	_ =	shalt  }
0x4e: {  	_ =	shalt  }
0x4f: {  	_ =	shalt  }
0x50: {  	_ =	shalt  }
0x51: {  	_ =	shalt  }
0x52: {  	_ =	shalt  }
0x53: {  	_ =	shalt  }
0x54: {  	_ =	shalt  }
0x55: {  	_ =	shalt  }
0x56: {  	_ =	shalt  }
0x57: {  	_ =	shalt  }
0x58: {  	_ =	shalt  }
0x59: {  	_ =	shalt  }
0x5a: {  	_ =	shalt  }
0x5b: {  	_ =	shalt  }
0x5c: {  	_ =	shalt  }
0x5d: {  	_ =	shalt  }
0x5e: {  	_ =	shalt  }
0x5f: {  	_ =	shalt  }
0x60: {  	_ =	shalt  }
0x61: {  	_ =	shalt  }
0x62: {  	_ =	shalt  }
0x63: {  	_ =	shalt  }
0x64: {  	_ =	shalt  }
0x65: {  	_ =	shalt  }
0x66: {  	_ =	shalt  }
0x67: {  	_ =	shalt  }
0x68: {  	_ =	shalt  }
0x69: {  	_ =	shalt  }
0x6a: {  	_ =	shalt  }
0x6b: {  	_ =	shalt  }
0x6c: {  	_ =	shalt  }
0x6d: {  	_ =	shalt  }
0x6e: {  	_ =	shalt  }
0x6f: {  	_ =	shalt  }
0x70: {  	_ =	shalt  }
0x71: {  	_ =	shalt  }
0x72: {  	_ =	shalt  }
0x73: {  	_ =	shalt  }
0x74: {  	_ =	shalt  }
0x75: {  	_ =	shalt  }
0x76: {  	_ =	shalt  }
0x77: {  	_ =	shalt  }
0x78: {  	_ =	shalt  }
0x79: {  	_ =	shalt  }
0x7a: {  	_ =	shalt  }
0x7b: {  	_ =	shalt  }
0x7c: {  	_ =	shalt  }
0x7d: {  	_ =	shalt  }
0x7e: {  	_ =	shalt  }
0x7f: {  	_ =	shalt  }
0x80: {  	_ =	shalt  }
0x81: {  	_ =	shalt  }
0x82: {  	_ =	shalt  }
0x83: {  	_ =	shalt  }
0x84: {  	_ =	shalt  }
0x85: {  	_ =	shalt  }
0x86: {  	_ =	shalt  }
0x87: {  	_ =	shalt  }
.Lfunc_end0:
.L_simem_size_0:
called_computation.1_lowered:
.L_overlay_start_0:
0x88: {  	s2 =	sld [smem:$0x3FD9]  }
0x89: {  	s3 =	sld [smem:$0x3FFE];
	_ =	sdelay $0x1  }
0x8a: {  	s1 =	srdreg.scid  }
0x8b: {  	s0 =	sand.u32 $0x1, s1  }
0x8c: {  	s17 =	sshll.u32 s0, $0xA;
	s2 =	sadd.s32 s3, s2  }
0x8d: {  	s2 =	sadd.s32 s2, s17  }
0x8e: {  	[smem:$0x3FC6] =	sst s2  }
0x8f: {  	_ = 	snop  }
0x90: {  	s2 =	sld [smem:$0x3FD0];
	(tm) =	ssettm $0x1  }
0x91: {  	s18 =	sld [smem:$0x3FFB];
	_ =	sdelay $0x3  }
0x92: {  	_ =	strace s18  }
0x93: {  	s3 =	sld [smem:$0x3FFC];
	_ =	sdelay $0x3  }
0x94: {  	_ =	strace s3  }
0x95: {  	s3 =	sld [smem:$0x3FFD];
	_ =	sdelay $0x3  }
0x96: {  	_ =	strace s3  }
0x97: {  	_ =	strace $0x8FFFFFFF  }
0x98: {  	s19 =	sld [smem:$0x3FDB];
	_ =	sdelay $0x1  }
0x99: {  	s4 =	simm.s32 $_scs_section_size  }
0x9a: {  	s5 =	simm.s32 $_size__tile_overlayer_lowered;
	s6 =	simm.s32 $_tile_overlayer_lowered  }
0x9b: {  	s22 =	simm.s32 $0x1BFF;
	s21 =	sshll.u32 s6, $0x1;
	s3 =	sadd.s32 s4, s19  }
0x9c: {  	s7 =	simm.s32 $0x0;
	s20 =	sshll.u32 s5, $0x1;
	s5 =	sadd.s32 s21, s3  }
0x9d: {  	[timem:s7], [sflag:s22] =	dma.local [hbm:s5], s20  }
0x9e: {  	_ =	swait.ge [sflag:s22], s20  }
0x9f: {  	s4 =	ssub.s32 $0x0, s20;
	[sflag:s22] =	ssyncset.done $0x0  }
0xa0: {  	[sflag:s22] =	ssyncadd.s32 s4;
	_ =	sdelay $0x1  }
0xa1: {  	s23 =	simm.s32 $0x1B8B  }
0xa2: {  	_ =	swait.ge [sflag:s23], $0x1  }
0xa3: {  	[sflag:s23] =	ssyncset.done $0x0  }
0xa4: {  	s25 =	simm.s32 $0x1B8E;
	s24 =	sld [smem:$0x3FFE];
	[sflag:s23] =	ssyncadd.s32 $0xFFFFFFFF  }
0xa5: {  	s26 =	simm.s32 $execute0_lowered;
	[smem:$0x3FD2] =	sst s25  }
0xa6: {  	s5 =	sshll.u32 s26, $0x1;
	_ =	strace $0x80000046;
	[dreg:$0x1] =	wrdreg $0xFFFFFFFF  }
0xa7: {  	s28 =	simm.s32 $_size_execute0_lowered;
	s3 =	sadd.s32 s3, s5;
	[dreg:$0x0] =	wrdreg $0x0  }
0xa8: {  	s5 =	sshll.u32 s28, $0x1;
	[dreg:$0x2] =	wrdreg s3  }
0xa9: {  	[dreg:$0x3] =	wrdreg s5  }
0xaa: {  	[dreg:$0x4] =	wrdreg $0xC0  }
0xab: {  	_ =	task [dreg:s7], $0x5FFFF  }
0xac: {  	[dreg:$0x1] =	wrdreg $0xFFFFFFFF  }
0xad: {  	[dreg:$0x0] =	wrdreg $0x60  }
0xae: {  	[dreg:$0x2] =	wrdreg s24  }
0xaf: {  	[dreg:$0x3] =	wrdreg s2  }
0xb0: {  	[dreg:$0x4] =	wrdreg $0x9  }
0xb1: {  	_ =	task.clear_ibuf [dreg:s7], $0x5FFFF;
	_ =	strace $0x90000046  }
0xb2: {  	s29 =	simm.s32 $0x9;
	_ =	strace $0x80000048  }
0xb3: {  	_ =	swait.ge [sflag:s29], $0x1  }
0xb4: {  	[sflag:s29] =	ssyncadd.s32 $0xFFFFFFFF  }
0xb5: {  	_ =	strace $0x90000048  }
0xb6: {  	_ =	sfence  }
0xb7: {  	s30 =	sld [smem:$0x0];
	_ =	sdelay $0x2  }
0xb8: {  	s31 =	sshll.u32 s1, $0xD;
	s1 =	sshrl.u32 s1, $0x2  }
0xb9: {  	s3 =	sand.u32 $0x4000, s31;
	s1 =	sadd.s32 s1, s30  }
0xba: {  	s0 =	sor.u32 s3, s0;
	s1 =	sshll.u32 s1, $0x11  }
0xbb: {  	s0 =	sor.u32 s1, s0  }
0xbc: {  	s0 =	sadd.s32 $0x8F2B, s0  }
0xbd: {  	[sflag:s0] =	ssyncadd.remote.s32 $0x1  }
0xbe: {  	_ =	sfence.sel $0xFFFF  }
0xbf: {  	[dreg:$0x0] =	wrdreg $0xFFFFFFFF;
	(pc) =	sbr.abs _section_cstart, $3  }
0xc0: {  	[dreg:$0x1] =	wrdreg $0xFFFFFFFF  }
0xc1: {  	_ =	task.clear_ibuf [dreg:s7], $0x2FFFF;
	_ =	strace $0x9FFFFFFF  }
0xc2: {  	(tm) =	ssettm $0x7FFFFFFF  }
0xc3: {  	_ =	shalt  }
tec
execute0_lowered:
.L_overlay_start_1:
0x0: {  	(tag) =	ssettag $0x1  }
0x1: {  	s0 =	srdreg.scid;
	s2 =	stileid.u32  }
0x2: {  	s0 =	sand.u32 $0x1, s0;
	s3 =	sshll.u32 s2, $0x1  }
0x3: {  	s1 =	rddreg [dreg:$0x0];
	s3 =	sor.u32 s0, s3  }
0x4: {  	s10 =	simm.s32 $0x0;
	s2 =	rddreg [dreg:$0x1];
	s6 =	smul.u32 $0x32000, s3  }
0x5: {  	[smem:$0x7FF] =	sst s10;
	s11 =	smul.u32 $0x190000, s3  }
0x6: {  	s0 =	ssub.s32 $0x2, s0;
	_ =	strace $0x80000047;
	s4 =	smul.u32 $0x6400, s3  }
0x7: {  	s8 =	sshrl.u32 s0, $0x1;
	s6 =	sadd.s32 s2, s6;
	[dreg:$0x6] =	wrdreg s11  }
0x8: {  	s0 =	ssub.s32 s0, s8;
	s18 =	sor.u32 $0x80, s4;
	[dreg:$0x3] =	wrdreg s6  }
0x9: {  	s0 =	smax.u32 s0, $0x1;
	[dreg:$0xd] =	wrdreg s18  }
0xa: {  	s26 =	sor.u32 $0x100, s4;
	[dreg:$0x16] =	wrdreg s0  }
0xb: {  	s31 =	simm.s32 $0xD;
	s28 =	sor.u32 $0x180, s4;
	[dreg:$0x17] =	wrdreg s26  }
0xc: {  	s3 =	simm.s32 $0x8;
	s29 =	sor.u32 $0x200, s4;
	[dreg:$0x18] =	wrdreg s28  }
0xd: {  	s5 =	sshrl.u32 s4, $0x3;
	s30 =	sor.u32 $0x280, s4;
	[dreg:$0x19] =	wrdreg s29  }
0xe: {  	s7 =	sadd.s32 s5, s1;
	s9 =	sadd.s32 $0x400, s6;
	[dreg:$0x1a] =	wrdreg s30  }
0xf: {  	s5 =	sadd.s32 $0xF42E00, s1;
	s12 =	sadd.s32 $0x800, s6;
	[dreg:$0x5] =	wrdreg s9  }
0x10: {  	s13 =	sadd.s32 $0xC00, s6;
	s14 =	sadd.s32 $0x1000, s6;
	[dreg:$0x7] =	wrdreg s12  }
0x11: {  	s15 =	sadd.s32 $0x1400, s6;
	s16 =	sadd.s32 $0x1800, s6;
	[dreg:$0x8] =	wrdreg s13  }
0x12: {  	s1 =	sshrl.u32 s11, $0x3;
	s17 =	sadd.s32 $0x1C00, s6;
	[dreg:$0x9] =	wrdreg s14  }
0x13: {  	s11 =	simm.s32 $0x6400;
	s18 =	simm.s32 $0x3;
	[dreg:$0xa] =	wrdreg s15  }
0x14: {  	s6 =	simm.s32 $0x7;
	s26 =	simm.s32 $0x10;
	[dreg:$0xb] =	wrdreg s16  }
0x15: {  	s8 =	sadd.s32 $0xA00, s7;
	[dreg:$0xc] =	wrdreg s17;
	s1 =	sadd.s32 s2, s1  }
0x16: {  	s12 =	simm.s32 $0x10400;
	[dreg:$0x4] =	wrdreg s8;
	s19 =	sadd.s32 $0x30000, s1  }
0x17: {  	s13 =	simm.s32 $0x1;
	s20 =	sadd.s32 $0x30400, s1;
	[dreg:$0xe] =	wrdreg s19  }
0x18: {  	s14 =	simm.s32 $0x12400;
	s21 =	sadd.s32 $0x30800, s1;
	[dreg:$0xf] =	wrdreg s20  }
0x19: {  	s15 =	simm.s32 $0x2;
	s22 =	sadd.s32 $0x30C00, s1;
	[dreg:$0x10] =	wrdreg s21  }
0x1a: {  	s17 =	simm.s32 $0x14400;
	s23 =	sadd.s32 $0x31000, s1;
	[dreg:$0x11] =	wrdreg s22  }
0x1b: {  	s9 =	simm.s32 $0xE;
	s24 =	sadd.s32 $0x31400, s1;
	[dreg:$0x12] =	wrdreg s23  }
0x1c: {  	s16 =	simm.s32 $0xF;
	s25 =	sadd.s32 $0x31800, s1;
	[dreg:$0x13] =	wrdreg s24  }
0x1d: {  	s7 =	simm.s32 $0x0;
	s1 =	sadd.s32 $0x31C00, s1;
	[dreg:$0x14] =	wrdreg s25  }
0x1e: {  	[dreg:$0x15] =	wrdreg s1;
	s1 =	simm.s32 $0x80;
	s19 =	simm.s32 $0x9  }
0x1f: {  	s20 =	simm.s32 $0x4;
	s21 =	simm.s32 $0xA;
	s22 =	simm.s32 $0x5  }
0x20: {  	s23 =	simm.s32 $0xB;
	s24 =	simm.s32 $0x6;
	s25 =	simm.s32 $0xC  }
.LBB2_1:
0x21: {  	[dreg:$0x1b] =	wrdreg s7  }
0x22: {  	s0 =	rddreg [dreg:$0x4];
	s8 =	simm.s32 $0x11  }
0x23: {  	[tilespmem:s10], [sflag:$0x11] =	stream.linear.gather [hbm4b:s0+s10], $0x6400, $0x38;
	[tilespmem:$0x16400] =	vst v63  }
0x24: {  	_ =	swait.ge [sflag:s8], $0x6400  }
0x25: {  	[sflag:s8] =	ssyncset.done $0x0  }
0x26: {  	[sflag:s8] =	ssyncadd.s32 $0xFFFF9C00  }
0x27: {  	[tilespmem:s11], [sflag:$0x1] =	stream.indirect.gather [hbm4b:s5+s1], $0x40, s10, s1, $0xb8;
	[tilespmem:$0x16400] =	vst v63  }
0x28: {  	s28 =	simm.s32 $0x8400  }
0x29: {  	[tilespmem:s28], [sflag:$0x2] =	stream.indirect.gather [hbm4b:s5+s1], $0x40, s1, s1, $0xb8;
	[tilespmem:$0x16400] =	vst v63  }
0x2a: {  	s29 =	simm.s32 $0x100;
	s30 =	simm.s32 $0xA400  }
0x2b: {  	[tilespmem:s30], [sflag:$0x3] =	stream.indirect.gather [hbm4b:s5+s1], $0x40, s29, s1, $0xb8;
	[tilespmem:$0x16400] =	vst v63  }
0x2c: {  	s7 =	simm.s32 $0x180;
	s8 =	simm.s32 $0xC400  }
0x2d: {  	[tilespmem:s8], [sflag:$0x4] =	stream.indirect.gather [hbm4b:s5+s1], $0x40, s7, s1, $0xb8;
	[tilespmem:$0x16400] =	vst v63  }
0x2e: {  	s28 =	simm.s32 $0x200;
	s29 =	simm.s32 $0xE400  }
0x2f: {  	[tilespmem:s29], [sflag:$0x5] =	stream.indirect.gather [hbm4b:s5+s1], $0x40, s28, s1, $0xb8;
	[tilespmem:$0x16400] =	vst v63  }
0x30: {  	s30 =	simm.s32 $0x280  }
0x31: {  	[tilespmem:s12], [sflag:$0x6] =	stream.indirect.gather [hbm4b:s5+s1], $0x40, s30, s1, $0xb8;
	[tilespmem:$0x16400] =	vst v63  }
0x32: {  	_ =	swait.ge [sflag:s13], $0x2000  }
0x33: {  	[sflag:s13] =	ssyncset.done $0x0  }
0x34: {  	s0 =	simm.s32 $0x0;
	[sflag:s13] =	ssyncadd.s32 $0xFFFFE000  }
0x35: {  	v0 =	vld [tilespmem:s0+$0x6400]  }
0x36: {  	v2 =	vld [tilespmem:s0+$0x6410]  }
0x37: {  	s7 =	simm.s32 $0x100;
	v1 =	vld [tilespmem:s0+$0x6420]  }
.LBB2_2:
0x38: {  	p0 =	sne.s32 s7, $0x7F00;
	v3 =	vld [tilespmem:s0+$0x6430];
	_ =	sdelay $0x1  }
0x39: {  	v0 =	vmul.f32 $8.000000000e+00, v0  }
.Ltmp0:
0x3a: {  	v2 =	vmul.f32 $8.000000000e+00, v2;
	(pc) =	sbr.rel @p0 .LBB2_2-.Ltmp0, $4  }
0x3b: {  	s8 =	sshra.s32 s7, $0x2;
	[tilespmem:s0+$0x6400] =	vst v0;
	v1 =	vmul.f32 $8.000000000e+00, v1  }
0x3c: {  	v0 =	vld [tilespmem:s8+$0x6400];
	[tilespmem:s0+$0x6410] =	vst v2;
	v3 =	vmul.f32 $8.000000000e+00, v3  }
0x3d: {  	v2 =	vld [tilespmem:s8+$0x6410];
	[tilespmem:s0+$0x6420] =	vst v1  }
0x3e: {  	s7 =	sadd.s32 $0x100, s7;
	v1 =	vld [tilespmem:s8+$0x6420];
	[tilespmem:s0+$0x6430] =	vst v3;
	s0 =	smov.u32 s8  }
0x3f: {  	v3 =	vld [tilespmem:s0+$0x6430];
	_ =	sdelay $0x1  }
0x40: {  	v0 =	vmul.f32 $8.000000000e+00, v0  }
0x41: {  	v2 =	vmul.f32 $8.000000000e+00, v2  }
0x42: {  	[tilespmem:s0+$0x6400] =	vst v0;
	v0 =	vmul.f32 $8.000000000e+00, v1  }
0x43: {  	[tilespmem:s0+$0x6410] =	vst v2;
	v1 =	vmul.f32 $8.000000000e+00, v3  }
0x44: {  	[tilespmem:s0+$0x6420] =	vst v0  }
0x45: {  	s29 =	simm.s32 $0x0;
	s7 =	rddreg [dreg:$0x3];
	[tilespmem:s0+$0x6430] =	vst v1  }
0x46: {  	[hbm4b:s7+s29] =	stream.linear.scatter [tilespmem:s11], [sflag:$0x9], $0x2000, $0x38;
	[tilespmem:$0x16400] =	vst v63  }
0x47: {  	s30 =	simm.s32 $0x300  }
0x48: {  	[tilespmem:s14], [sflag:$0x7] =	stream.indirect.gather [hbm4b:s5+s1], $0x40, s30, s1, $0xb8;
	[tilespmem:$0x16400] =	vst v63  }
0x49: {  	_ =	swait.ge [sflag:s15], $0x2000  }
0x4a: {  	[sflag:s15] =	ssyncset.done $0x0  }
0x4b: {  	s0 =	simm.s32 $0x0;
	[sflag:s15] =	ssyncadd.s32 $0xFFFFE000  }
0x4c: {  	v0 =	vld [tilespmem:s0+$0x8400]  }
0x4d: {  	v2 =	vld [tilespmem:s0+$0x8410]  }
0x4e: {  	s7 =	simm.s32 $0x100;
	v1 =	vld [tilespmem:s0+$0x8420]  }
.LBB2_4:
0x4f: {  	p0 =	sne.s32 s7, $0x7F00;
	v3 =	vld [tilespmem:s0+$0x8430];
	_ =	sdelay $0x1  }
0x50: {  	v0 =	vmul.f32 $8.000000000e+00, v0  }
.Ltmp1:
0x51: {  	v2 =	vmul.f32 $8.000000000e+00, v2;
	(pc) =	sbr.rel @p0 .LBB2_4-.Ltmp1, $4  }
0x52: {  	s8 =	sshra.s32 s7, $0x2;
	[tilespmem:s0+$0x8400] =	vst v0;
	v1 =	vmul.f32 $8.000000000e+00, v1  }
0x53: {  	v0 =	vld [tilespmem:s8+$0x8400];
	[tilespmem:s0+$0x8410] =	vst v2;
	v3 =	vmul.f32 $8.000000000e+00, v3  }
0x54: {  	v2 =	vld [tilespmem:s8+$0x8410];
	[tilespmem:s0+$0x8420] =	vst v1  }
0x55: {  	s7 =	sadd.s32 $0x100, s7;
	v1 =	vld [tilespmem:s8+$0x8420];
	[tilespmem:s0+$0x8430] =	vst v3;
	s0 =	smov.u32 s8  }
0x56: {  	v3 =	vld [tilespmem:s0+$0x8430];
	_ =	sdelay $0x1  }
0x57: {  	v0 =	vmul.f32 $8.000000000e+00, v0  }
0x58: {  	v2 =	vmul.f32 $8.000000000e+00, v2  }
0x59: {  	[tilespmem:s0+$0x8400] =	vst v0;
	v0 =	vmul.f32 $8.000000000e+00, v1  }
0x5a: {  	[tilespmem:s0+$0x8410] =	vst v2;
	v1 =	vmul.f32 $8.000000000e+00, v3  }
0x5b: {  	[tilespmem:s0+$0x8420] =	vst v0  }
0x5c: {  	s29 =	simm.s32 $0x0;
	s7 =	rddreg [dreg:$0x5];
	s8 =	simm.s32 $0x8400;
	[tilespmem:s0+$0x8430] =	vst v1  }
0x5d: {  	[hbm4b:s7+s29] =	stream.linear.scatter [tilespmem:s8], [sflag:$0xA], $0x2000, $0x38;
	[tilespmem:$0x16400] =	vst v63  }
0x5e: {  	s30 =	simm.s32 $0x380  }
0x5f: {  	[tilespmem:s17], [sflag:$0x8] =	stream.indirect.gather [hbm4b:s5+s1], $0x40, s30, s1, $0xb8;
	[tilespmem:$0x16400] =	vst v63  }
0x60: {  	_ =	swait.ge [sflag:s18], $0x2000  }
0x61: {  	[sflag:s18] =	ssyncset.done $0x0  }
0x62: {  	s0 =	simm.s32 $0x0;
	[sflag:s18] =	ssyncadd.s32 $0xFFFFE000  }
0x63: {  	v0 =	vld [tilespmem:s0+$0xA400]  }
0x64: {  	v2 =	vld [tilespmem:s0+$0xA410]  }
0x65: {  	s7 =	simm.s32 $0x100;
	v1 =	vld [tilespmem:s0+$0xA420]  }
.LBB2_6:
0x66: {  	p0 =	sne.s32 s7, $0x7F00;
	v3 =	vld [tilespmem:s0+$0xA430];
	_ =	sdelay $0x1  }
0x67: {  	v0 =	vmul.f32 $8.000000000e+00, v0  }
.Ltmp2:
0x68: {  	v2 =	vmul.f32 $8.000000000e+00, v2;
	(pc) =	sbr.rel @p0 .LBB2_6-.Ltmp2, $4  }
0x69: {  	s8 =	sshra.s32 s7, $0x2;
	[tilespmem:s0+$0xA400] =	vst v0;
	v1 =	vmul.f32 $8.000000000e+00, v1  }
0x6a: {  	v0 =	vld [tilespmem:s8+$0xA400];
	[tilespmem:s0+$0xA410] =	vst v2;
	v3 =	vmul.f32 $8.000000000e+00, v3  }
0x6b: {  	v2 =	vld [tilespmem:s8+$0xA410];
	[tilespmem:s0+$0xA420] =	vst v1  }
0x6c: {  	s7 =	sadd.s32 $0x100, s7;
	v1 =	vld [tilespmem:s8+$0xA420];
	[tilespmem:s0+$0xA430] =	vst v3;
	s0 =	smov.u32 s8  }
0x6d: {  	v3 =	vld [tilespmem:s0+$0xA430];
	_ =	sdelay $0x1  }
0x6e: {  	v0 =	vmul.f32 $8.000000000e+00, v0  }
0x6f: {  	v2 =	vmul.f32 $8.000000000e+00, v2  }
0x70: {  	[tilespmem:s0+$0xA400] =	vst v0;
	v0 =	vmul.f32 $8.000000000e+00, v1  }
0x71: {  	[tilespmem:s0+$0xA410] =	vst v2;
	v1 =	vmul.f32 $8.000000000e+00, v3  }
0x72: {  	[tilespmem:s0+$0xA420] =	vst v0  }
0x73: {  	s29 =	simm.s32 $0x0;
	s7 =	rddreg [dreg:$0x7];
	s8 =	simm.s32 $0xA400;
	[tilespmem:s0+$0xA430] =	vst v1  }
0x74: {  	[hbm4b:s7+s29] =	stream.linear.scatter [tilespmem:s8], [sflag:$0xB], $0x2000, $0x38;
	[tilespmem:$0x16400] =	vst v63  }
0x75: {  	_ =	swait.ge [sflag:s19], $0x2000  }
0x76: {  	[sflag:s19] =	ssyncset.done $0x0  }
0x77: {  	s30 =	simm.s32 $0x400;
	[sflag:s19] =	ssyncadd.s32 $0xFFFFE000  }
0x78: {  	[tilespmem:s11], [sflag:$0x1] =	stream.indirect.gather [hbm4b:s5+s1], $0x40, s30, s1, $0xb8;
	[tilespmem:$0x16400] =	vst v63  }
0x79: {  	_ =	swait.ge [sflag:s20], $0x2000  }
0x7a: {  	[sflag:s20] =	ssyncset.done $0x0  }
0x7b: {  	s0 =	simm.s32 $0x0;
	[sflag:s20] =	ssyncadd.s32 $0xFFFFE000  }
0x7c: {  	v0 =	vld [tilespmem:s0+$0xC400]  }
0x7d: {  	v2 =	vld [tilespmem:s0+$0xC410]  }
0x7e: {  	s7 =	simm.s32 $0x100;
	v1 =	vld [tilespmem:s0+$0xC420]  }
.LBB2_8:
0x7f: {  	p0 =	sne.s32 s7, $0x7F00;
	v3 =	vld [tilespmem:s0+$0xC430];
	_ =	sdelay $0x1  }
0x80: {  	v0 =	vmul.f32 $8.000000000e+00, v0  }
.Ltmp3:
0x81: {  	v2 =	vmul.f32 $8.000000000e+00, v2;
	(pc) =	sbr.rel @p0 .LBB2_8-.Ltmp3, $4  }
0x82: {  	s8 =	sshra.s32 s7, $0x2;
	[tilespmem:s0+$0xC400] =	vst v0;
	v1 =	vmul.f32 $8.000000000e+00, v1  }
0x83: {  	v0 =	vld [tilespmem:s8+$0xC400];
	[tilespmem:s0+$0xC410] =	vst v2;
	v3 =	vmul.f32 $8.000000000e+00, v3  }
0x84: {  	v2 =	vld [tilespmem:s8+$0xC410];
	[tilespmem:s0+$0xC420] =	vst v1  }
0x85: {  	s7 =	sadd.s32 $0x100, s7;
	v1 =	vld [tilespmem:s8+$0xC420];
	[tilespmem:s0+$0xC430] =	vst v3;
	s0 =	smov.u32 s8  }
0x86: {  	v3 =	vld [tilespmem:s0+$0xC430];
	_ =	sdelay $0x1  }
0x87: {  	v0 =	vmul.f32 $8.000000000e+00, v0  }
0x88: {  	v2 =	vmul.f32 $8.000000000e+00, v2  }
0x89: {  	[tilespmem:s0+$0xC400] =	vst v0;
	v0 =	vmul.f32 $8.000000000e+00, v1  }
0x8a: {  	[tilespmem:s0+$0xC410] =	vst v2;
	v1 =	vmul.f32 $8.000000000e+00, v3  }
0x8b: {  	[tilespmem:s0+$0xC420] =	vst v0  }
0x8c: {  	s28 =	simm.s32 $0x0;
	s7 =	rddreg [dreg:$0x8];
	s8 =	simm.s32 $0xC400;
	[tilespmem:s0+$0xC430] =	vst v1  }
0x8d: {  	[hbm4b:s7+s28] =	stream.linear.scatter [tilespmem:s8], [sflag:$0xC], $0x2000, $0x38;
	[tilespmem:$0x16400] =	vst v63  }
0x8e: {  	_ =	swait.ge [sflag:s21], $0x2000  }
0x8f: {  	[sflag:s21] =	ssyncset.done $0x0  }
0x90: {  	s29 =	simm.s32 $0x8400;
	s30 =	simm.s32 $0x480;
	[sflag:s21] =	ssyncadd.s32 $0xFFFFE000  }
0x91: {  	[tilespmem:s29], [sflag:$0x2] =	stream.indirect.gather [hbm4b:s5+s1], $0x40, s30, s1, $0xb8;
	[tilespmem:$0x16400] =	vst v63  }
0x92: {  	_ =	swait.ge [sflag:s22], $0x2000  }
0x93: {  	[sflag:s22] =	ssyncset.done $0x0  }
0x94: {  	s0 =	simm.s32 $0x0;
	[sflag:s22] =	ssyncadd.s32 $0xFFFFE000  }
0x95: {  	v0 =	vld [tilespmem:s0+$0xE400]  }
0x96: {  	v2 =	vld [tilespmem:s0+$0xE410]  }
0x97: {  	s7 =	simm.s32 $0x100;
	v1 =	vld [tilespmem:s0+$0xE420]  }
.LBB2_10:
0x98: {  	p0 =	sne.s32 s7, $0x7F00;
	v3 =	vld [tilespmem:s0+$0xE430];
	_ =	sdelay $0x1  }
0x99: {  	v0 =	vmul.f32 $8.000000000e+00, v0  }
.Ltmp4:
0x9a: {  	v2 =	vmul.f32 $8.000000000e+00, v2;
	(pc) =	sbr.rel @p0 .LBB2_10-.Ltmp4, $4  }
0x9b: {  	s8 =	sshra.s32 s7, $0x2;
	[tilespmem:s0+$0xE400] =	vst v0;
	v1 =	vmul.f32 $8.000000000e+00, v1  }
0x9c: {  	v0 =	vld [tilespmem:s8+$0xE400];
	[tilespmem:s0+$0xE410] =	vst v2;
	v3 =	vmul.f32 $8.000000000e+00, v3  }
0x9d: {  	v2 =	vld [tilespmem:s8+$0xE410];
	[tilespmem:s0+$0xE420] =	vst v1  }
0x9e: {  	s7 =	sadd.s32 $0x100, s7;
	v1 =	vld [tilespmem:s8+$0xE420];
	[tilespmem:s0+$0xE430] =	vst v3;
	s0 =	smov.u32 s8  }
0x9f: {  	v3 =	vld [tilespmem:s0+$0xE430];
	_ =	sdelay $0x1  }
0xa0: {  	v0 =	vmul.f32 $8.000000000e+00, v0  }
0xa1: {  	v2 =	vmul.f32 $8.000000000e+00, v2  }
0xa2: {  	[tilespmem:s0+$0xE400] =	vst v0;
	v0 =	vmul.f32 $8.000000000e+00, v1  }
0xa3: {  	[tilespmem:s0+$0xE410] =	vst v2;
	v1 =	vmul.f32 $8.000000000e+00, v3  }
0xa4: {  	[tilespmem:s0+$0xE420] =	vst v0  }
0xa5: {  	s28 =	simm.s32 $0x0;
	s7 =	rddreg [dreg:$0x9];
	s8 =	simm.s32 $0xE400;
	[tilespmem:s0+$0xE430] =	vst v1  }
0xa6: {  	[hbm4b:s7+s28] =	stream.linear.scatter [tilespmem:s8], [sflag:$0xD], $0x2000, $0x38;
	[tilespmem:$0x16400] =	vst v63  }
0xa7: {  	_ =	swait.ge [sflag:s23], $0x2000  }
0xa8: {  	[sflag:s23] =	ssyncset.done $0x0  }
0xa9: {  	s29 =	simm.s32 $0xA400;
	s30 =	simm.s32 $0x500;
	[sflag:s23] =	ssyncadd.s32 $0xFFFFE000  }
0xaa: {  	[tilespmem:s29], [sflag:$0x3] =	stream.indirect.gather [hbm4b:s5+s1], $0x40, s30, s1, $0xb8;
	[tilespmem:$0x16400] =	vst v63  }
0xab: {  	_ =	swait.ge [sflag:s24], $0x2000  }
0xac: {  	[sflag:s24] =	ssyncset.done $0x0  }
0xad: {  	s0 =	simm.s32 $0x0;
	[sflag:s24] =	ssyncadd.s32 $0xFFFFE000  }
0xae: {  	v0 =	vld [tilespmem:s0+$0x10400]  }
0xaf: {  	v2 =	vld [tilespmem:s0+$0x10410]  }
0xb0: {  	s7 =	simm.s32 $0x100;
	v1 =	vld [tilespmem:s0+$0x10420]  }
.LBB2_12:
0xb1: {  	p0 =	sne.s32 s7, $0x7F00;
	v3 =	vld [tilespmem:s0+$0x10430];
	_ =	sdelay $0x1  }
0xb2: {  	v0 =	vmul.f32 $8.000000000e+00, v0  }
.Ltmp5:
0xb3: {  	v2 =	vmul.f32 $8.000000000e+00, v2;
	(pc) =	sbr.rel @p0 .LBB2_12-.Ltmp5, $4  }
0xb4: {  	s8 =	sshra.s32 s7, $0x2;
	[tilespmem:s0+$0x10400] =	vst v0;
	v1 =	vmul.f32 $8.000000000e+00, v1  }
0xb5: {  	v0 =	vld [tilespmem:s8+$0x10400];
	[tilespmem:s0+$0x10410] =	vst v2;
	v3 =	vmul.f32 $8.000000000e+00, v3  }
0xb6: {  	v2 =	vld [tilespmem:s8+$0x10410];
	[tilespmem:s0+$0x10420] =	vst v1  }
0xb7: {  	s7 =	sadd.s32 $0x100, s7;
	v1 =	vld [tilespmem:s8+$0x10420];
	[tilespmem:s0+$0x10430] =	vst v3;
	s0 =	smov.u32 s8  }
0xb8: {  	v3 =	vld [tilespmem:s0+$0x10430];
	_ =	sdelay $0x1  }
0xb9: {  	v0 =	vmul.f32 $8.000000000e+00, v0  }
0xba: {  	v2 =	vmul.f32 $8.000000000e+00, v2  }
0xbb: {  	[tilespmem:s0+$0x10400] =	vst v0;
	v0 =	vmul.f32 $8.000000000e+00, v1  }
0xbc: {  	[tilespmem:s0+$0x10410] =	vst v2;
	v1 =	vmul.f32 $8.000000000e+00, v3  }
0xbd: {  	[tilespmem:s0+$0x10420] =	vst v0  }
0xbe: {  	s28 =	simm.s32 $0x0;
	s7 =	rddreg [dreg:$0xa];
	[tilespmem:s0+$0x10430] =	vst v1  }
0xbf: {  	[hbm4b:s7+s28] =	stream.linear.scatter [tilespmem:s12], [sflag:$0xE], $0x2000, $0x38;
	[tilespmem:$0x16400] =	vst v63  }
0xc0: {  	_ =	swait.ge [sflag:s25], $0x2000  }
0xc1: {  	[sflag:s25] =	ssyncset.done $0x0  }
0xc2: {  	s29 =	simm.s32 $0xC400;
	s30 =	simm.s32 $0x580;
	[sflag:s25] =	ssyncadd.s32 $0xFFFFE000  }
0xc3: {  	[tilespmem:s29], [sflag:$0x4] =	stream.indirect.gather [hbm4b:s5+s1], $0x40, s30, s1, $0xb8;
	[tilespmem:$0x16400] =	vst v63  }
0xc4: {  	_ =	swait.ge [sflag:s6], $0x2000  }
0xc5: {  	[sflag:s6] =	ssyncset.done $0x0  }
0xc6: {  	s0 =	simm.s32 $0x0;
	[sflag:s6] =	ssyncadd.s32 $0xFFFFE000  }
0xc7: {  	v0 =	vld [tilespmem:s0+$0x12400]  }
0xc8: {  	v2 =	vld [tilespmem:s0+$0x12410]  }
0xc9: {  	s7 =	simm.s32 $0x100;
	v1 =	vld [tilespmem:s0+$0x12420]  }
.LBB2_14:
0xca: {  	p0 =	sne.s32 s7, $0x7F00;
	v3 =	vld [tilespmem:s0+$0x12430];
	_ =	sdelay $0x1  }
0xcb: {  	v0 =	vmul.f32 $8.000000000e+00, v0  }
.Ltmp6:
0xcc: {  	v2 =	vmul.f32 $8.000000000e+00, v2;
	(pc) =	sbr.rel @p0 .LBB2_14-.Ltmp6, $4  }
0xcd: {  	s8 =	sshra.s32 s7, $0x2;
	[tilespmem:s0+$0x12400] =	vst v0;
	v1 =	vmul.f32 $8.000000000e+00, v1  }
0xce: {  	v0 =	vld [tilespmem:s8+$0x12400];
	[tilespmem:s0+$0x12410] =	vst v2;
	v3 =	vmul.f32 $8.000000000e+00, v3  }
0xcf: {  	v2 =	vld [tilespmem:s8+$0x12410];
	[tilespmem:s0+$0x12420] =	vst v1  }
0xd0: {  	s7 =	sadd.s32 $0x100, s7;
	v1 =	vld [tilespmem:s8+$0x12420];
	[tilespmem:s0+$0x12430] =	vst v3;
	s0 =	smov.u32 s8  }
0xd1: {  	v3 =	vld [tilespmem:s0+$0x12430];
	_ =	sdelay $0x1  }
0xd2: {  	v0 =	vmul.f32 $8.000000000e+00, v0  }
0xd3: {  	v2 =	vmul.f32 $8.000000000e+00, v2  }
0xd4: {  	[tilespmem:s0+$0x12400] =	vst v0;
	v0 =	vmul.f32 $8.000000000e+00, v1  }
0xd5: {  	[tilespmem:s0+$0x12410] =	vst v2;
	v1 =	vmul.f32 $8.000000000e+00, v3  }
0xd6: {  	[tilespmem:s0+$0x12420] =	vst v0  }
0xd7: {  	s28 =	simm.s32 $0x0;
	s7 =	rddreg [dreg:$0xb];
	[tilespmem:s0+$0x12430] =	vst v1  }
0xd8: {  	[hbm4b:s7+s28] =	stream.linear.scatter [tilespmem:s14], [sflag:$0xF], $0x2000, $0x38;
	[tilespmem:$0x16400] =	vst v63  }
0xd9: {  	_ =	swait.ge [sflag:s31], $0x2000  }
0xda: {  	[sflag:s31] =	ssyncset.done $0x0  }
0xdb: {  	s29 =	simm.s32 $0xE400;
	s30 =	simm.s32 $0x600;
	[sflag:s31] =	ssyncadd.s32 $0xFFFFE000  }
0xdc: {  	[tilespmem:s29], [sflag:$0x5] =	stream.indirect.gather [hbm4b:s5+s1], $0x40, s30, s1, $0xb8;
	[tilespmem:$0x16400] =	vst v63  }
0xdd: {  	_ =	swait.ge [sflag:s3], $0x2000  }
0xde: {  	[sflag:s3] =	ssyncset.done $0x0  }
0xdf: {  	s0 =	simm.s32 $0x0;
	[sflag:s3] =	ssyncadd.s32 $0xFFFFE000  }
0xe0: {  	v0 =	vld [tilespmem:s0+$0x14400]  }
0xe1: {  	v2 =	vld [tilespmem:s0+$0x14410]  }
0xe2: {  	s7 =	simm.s32 $0x100;
	v1 =	vld [tilespmem:s0+$0x14420]  }
.LBB2_16:
0xe3: {  	p0 =	sne.s32 s7, $0x7F00;
	v3 =	vld [tilespmem:s0+$0x14430];
	_ =	sdelay $0x1  }
0xe4: {  	v0 =	vmul.f32 $8.000000000e+00, v0  }
.Ltmp7:
0xe5: {  	v2 =	vmul.f32 $8.000000000e+00, v2;
	(pc) =	sbr.rel @p0 .LBB2_16-.Ltmp7, $4  }
0xe6: {  	s8 =	sshra.s32 s7, $0x2;
	[tilespmem:s0+$0x14400] =	vst v0;
	v1 =	vmul.f32 $8.000000000e+00, v1  }
0xe7: {  	v0 =	vld [tilespmem:s8+$0x14400];
	[tilespmem:s0+$0x14410] =	vst v2;
	v3 =	vmul.f32 $8.000000000e+00, v3  }
0xe8: {  	v2 =	vld [tilespmem:s8+$0x14410];
	[tilespmem:s0+$0x14420] =	vst v1  }
0xe9: {  	s7 =	sadd.s32 $0x100, s7;
	v1 =	vld [tilespmem:s8+$0x14420];
	[tilespmem:s0+$0x14430] =	vst v3;
	s0 =	smov.u32 s8  }
0xea: {  	v3 =	vld [tilespmem:s0+$0x14430];
	_ =	sdelay $0x1  }
0xeb: {  	v0 =	vmul.f32 $8.000000000e+00, v0  }
0xec: {  	v2 =	vmul.f32 $8.000000000e+00, v2  }
0xed: {  	[tilespmem:s0+$0x14400] =	vst v0;
	v62 =	vmul.f32 $8.000000000e+00, v1  }
0xee: {  	[tilespmem:s0+$0x14410] =	vst v2;
	v63 =	vmul.f32 $8.000000000e+00, v3  }
0xef: {  	[tilespmem:s0+$0x14420] =	vst v62  }
0xf0: {  	s29 =	rddreg [dreg:$0xc];
	[tilespmem:s0+$0x14430] =	vst v63  }
0xf1: {  	[hbm4b:s29+s10] =	stream.linear.scatter [tilespmem:s17], [sflag:$0x10], $0x2000, $0x38;
	[tilespmem:$0x16400] =	vst v63  }
0xf2: {  	_ =	swait.ge [sflag:s9], $0x2000  }
0xf3: {  	[sflag:s9] =	ssyncset.done $0x0  }
0xf4: {  	s30 =	simm.s32 $0x680;
	s28 =	simm.s32 $0x1;
	[sflag:s9] =	ssyncadd.s32 $0xFFFFE000  }
0xf5: {  	[tilespmem:s12], [sflag:$0x6] =	stream.indirect.gather [hbm4b:s5+s1], $0x40, s30, s1, $0xb8;
	[tilespmem:$0x16400] =	vst v63  }
.LBB2_18:
0xf6: {  	_ =	swait.ge [sflag:s13], $0x2000  }
0xf7: {  	[sflag:s13] =	ssyncset.done $0x0  }
0xf8: {  	s0 =	simm.s32 $0x0;
	[sflag:s13] =	ssyncadd.s32 $0xFFFFE000  }
0xf9: {  	v0 =	vld [tilespmem:s0+$0x6400]  }
0xfa: {  	v2 =	vld [tilespmem:s0+$0x6410]  }
0xfb: {  	s7 =	simm.s32 $0x100;
	v1 =	vld [tilespmem:s0+$0x6420]  }
.LBB2_19:
0xfc: {  	p0 =	sne.s32 s7, $0x7F00;
	v3 =	vld [tilespmem:s0+$0x6430];
	_ =	sdelay $0x1  }
0xfd: {  	v0 =	vmul.f32 $8.000000000e+00, v0  }
.Ltmp8:
0xfe: {  	v2 =	vmul.f32 $8.000000000e+00, v2;
	(pc) =	sbr.rel @p0 .LBB2_19-.Ltmp8, $4  }
0xff: {  	s8 =	sshra.s32 s7, $0x2;
	[tilespmem:s0+$0x6400] =	vst v0;
	v1 =	vmul.f32 $8.000000000e+00, v1  }
0x100: {  	v0 =	vld [tilespmem:s8+$0x6400];
	[tilespmem:s0+$0x6410] =	vst v2;
	v3 =	vmul.f32 $8.000000000e+00, v3  }
0x101: {  	v2 =	vld [tilespmem:s8+$0x6410];
	[tilespmem:s0+$0x6420] =	vst v1  }
0x102: {  	s7 =	sadd.s32 $0x100, s7;
	v1 =	vld [tilespmem:s8+$0x6420];
	[tilespmem:s0+$0x6430] =	vst v3;
	s0 =	smov.u32 s8  }
0x103: {  	v3 =	vld [tilespmem:s0+$0x6430];
	_ =	sdelay $0x1  }
0x104: {  	v0 =	vmul.f32 $8.000000000e+00, v0  }
0x105: {  	v2 =	vmul.f32 $8.000000000e+00, v2  }
0x106: {  	s7 =	sshll.u32 s28, $0x10;
	s8 =	rddreg [dreg:$0x6];
	[tilespmem:s0+$0x6400] =	vst v0;
	v0 =	vmul.f32 $8.000000000e+00, v1  }
0x107: {  	s7 =	sadd.s32 s8, s7;
	[tilespmem:s0+$0x6410] =	vst v2;
	v1 =	vmul.f32 $8.000000000e+00, v3  }
0x108: {  	s7 =	sshrl.u32 s7, $0x3;
	[tilespmem:s0+$0x6420] =	vst v0  }
0x109: {  	s30 =	simm.s32 $0x0;
	s10 =	sadd.s32 s2, s7;
	[tilespmem:s0+$0x6430] =	vst v1  }
0x10a: {  	[hbm4b:s10+s30] =	stream.linear.scatter [tilespmem:s11], [sflag:$0x9], $0x2000, $0x38;
	[tilespmem:$0x16400] =	vst v63  }
0x10b: {  	_ =	swait.ge [sflag:s16], $0x2000  }
0x10c: {  	s7 =	sshll.u32 s28, $0xA;
	[sflag:s16] =	ssyncset.done $0x0  }
0x10d: {  	s29 =	sor.u32 $0x300, s7;
	[sflag:s16] =	ssyncadd.s32 $0xFFFFE000  }
0x10e: {  	[tilespmem:s14], [sflag:$0x7] =	stream.indirect.gather [hbm4b:s5+s1], $0x40, s29, s1, $0xb8;
	[tilespmem:$0x16400] =	vst v63  }
0x10f: {  	_ =	swait.ge [sflag:s15], $0x2000  }
0x110: {  	[sflag:s15] =	ssyncset.done $0x0  }
0x111: {  	s0 =	simm.s32 $0x0;
	[sflag:s15] =	ssyncadd.s32 $0xFFFFE000  }
0x112: {  	v0 =	vld [tilespmem:s0+$0x8400]  }
0x113: {  	v2 =	vld [tilespmem:s0+$0x8410]  }
0x114: {  	s8 =	simm.s32 $0x100;
	v1 =	vld [tilespmem:s0+$0x8420]  }
.LBB2_21:
0x115: {  	p0 =	sne.s32 s8, $0x7F00;
	v3 =	vld [tilespmem:s0+$0x8430];
	_ =	sdelay $0x1  }
0x116: {  	v0 =	vmul.f32 $8.000000000e+00, v0  }
.Ltmp9:
0x117: {  	v2 =	vmul.f32 $8.000000000e+00, v2;
	(pc) =	sbr.rel @p0 .LBB2_21-.Ltmp9, $4  }
0x118: {  	s10 =	sshra.s32 s8, $0x2;
	[tilespmem:s0+$0x8400] =	vst v0;
	v1 =	vmul.f32 $8.000000000e+00, v1  }
0x119: {  	v0 =	vld [tilespmem:s10+$0x8400];
	[tilespmem:s0+$0x8410] =	vst v2;
	v3 =	vmul.f32 $8.000000000e+00, v3  }
0x11a: {  	v2 =	vld [tilespmem:s10+$0x8410];
	[tilespmem:s0+$0x8420] =	vst v1  }
0x11b: {  	s8 =	sadd.s32 $0x100, s8;
	v1 =	vld [tilespmem:s10+$0x8420];
	[tilespmem:s0+$0x8430] =	vst v3;
	s0 =	smov.u32 s10  }
0x11c: {  	v3 =	vld [tilespmem:s0+$0x8430];
	_ =	sdelay $0x1  }
0x11d: {  	v0 =	vmul.f32 $8.000000000e+00, v0  }
0x11e: {  	s8 =	rddreg [dreg:$0xd];
	v2 =	vmul.f32 $8.000000000e+00, v2  }
0x11f: {  	s8 =	sadd.s32 s7, s8;
	[tilespmem:s0+$0x8400] =	vst v0;
	v0 =	vmul.f32 $8.000000000e+00, v1  }
0x120: {  	s8 =	sshll.u32 s8, $0x3;
	[tilespmem:s0+$0x8410] =	vst v2;
	v1 =	vmul.f32 $8.000000000e+00, v3  }
0x121: {  	s8 =	sand.u32 $0x1FFFE400, s8;
	[tilespmem:s0+$0x8420] =	vst v0  }
0x122: {  	s10 =	simm.s32 $0x8400;
	[tilespmem:s0+$0x8430] =	vst v1;
	s0 =	sadd.s32 s2, s8;
	s8 =	simm.s32 $0x0  }
0x123: {  	[hbm4b:s0+s8] =	stream.linear.scatter [tilespmem:s10], [sflag:$0xA], $0x2000, $0x38;
	[tilespmem:$0x16400] =	vst v63  }
0x124: {  	_ =	swait.ge [sflag:s26], $0x2000  }
0x125: {  	[sflag:s26] =	ssyncset.done $0x0  }
0x126: {  	s30 =	sor.u32 $0x380, s7;
	[sflag:s26] =	ssyncadd.s32 $0xFFFFE000  }
0x127: {  	[tilespmem:s17], [sflag:$0x8] =	stream.indirect.gather [hbm4b:s5+s1], $0x40, s30, s1, $0xb8;
	[tilespmem:$0x16400] =	vst v63  }
0x128: {  	_ =	swait.ge [sflag:s18], $0x2000  }
0x129: {  	[sflag:s18] =	ssyncset.done $0x0  }
0x12a: {  	s0 =	simm.s32 $0x0;
	[sflag:s18] =	ssyncadd.s32 $0xFFFFE000  }
0x12b: {  	v0 =	vld [tilespmem:s0+$0xA400]  }
0x12c: {  	v2 =	vld [tilespmem:s0+$0xA410]  }
0x12d: {  	s8 =	simm.s32 $0x100;
	v1 =	vld [tilespmem:s0+$0xA420]  }
.LBB2_23:
0x12e: {  	p0 =	sne.s32 s8, $0x7F00;
	v3 =	vld [tilespmem:s0+$0xA430];
	_ =	sdelay $0x1  }
0x12f: {  	v0 =	vmul.f32 $8.000000000e+00, v0  }
.Ltmp10:
0x130: {  	v2 =	vmul.f32 $8.000000000e+00, v2;
	(pc) =	sbr.rel @p0 .LBB2_23-.Ltmp10, $4  }
0x131: {  	s10 =	sshra.s32 s8, $0x2;
	[tilespmem:s0+$0xA400] =	vst v0;
	v1 =	vmul.f32 $8.000000000e+00, v1  }
0x132: {  	v0 =	vld [tilespmem:s10+$0xA400];
	[tilespmem:s0+$0xA410] =	vst v2;
	v3 =	vmul.f32 $8.000000000e+00, v3  }
0x133: {  	v2 =	vld [tilespmem:s10+$0xA410];
	[tilespmem:s0+$0xA420] =	vst v1  }
0x134: {  	s8 =	sadd.s32 $0x100, s8;
	v1 =	vld [tilespmem:s10+$0xA420];
	[tilespmem:s0+$0xA430] =	vst v3;
	s0 =	smov.u32 s10  }
0x135: {  	v3 =	vld [tilespmem:s0+$0xA430];
	_ =	sdelay $0x1  }
0x136: {  	v0 =	vmul.f32 $8.000000000e+00, v0  }
0x137: {  	s8 =	rddreg [dreg:$0x17];
	v2 =	vmul.f32 $8.000000000e+00, v2  }
0x138: {  	s8 =	sadd.s32 s7, s8;
	[tilespmem:s0+$0xA400] =	vst v0;
	v0 =	vmul.f32 $8.000000000e+00, v1  }
0x139: {  	s8 =	sshll.u32 s8, $0x3;
	[tilespmem:s0+$0xA410] =	vst v2;
	v1 =	vmul.f32 $8.000000000e+00, v3  }
0x13a: {  	s8 =	sand.u32 $0x1FFFE800, s8;
	[tilespmem:s0+$0xA420] =	vst v0  }
0x13b: {  	s10 =	simm.s32 $0xA400;
	[tilespmem:s0+$0xA430] =	vst v1;
	s0 =	sadd.s32 s2, s8;
	s8 =	simm.s32 $0x0  }
0x13c: {  	[hbm4b:s0+s8] =	stream.linear.scatter [tilespmem:s10], [sflag:$0xB], $0x2000, $0x38;
	[tilespmem:$0x16400] =	vst v63  }
0x13d: {  	_ =	swait.ge [sflag:s19], $0x2000  }
0x13e: {  	s0 =	sand.u32 $0x3FFFFC00, s7;
	[sflag:s19] =	ssyncset.done $0x0  }
0x13f: {  	s10 =	sadd.s32 $0x400, s0;
	[sflag:s19] =	ssyncadd.s32 $0xFFFFE000  }
0x140: {  	[tilespmem:s11], [sflag:$0x1] =	stream.indirect.gather [hbm4b:s5+s1], $0x40, s10, s1, $0xb8;
	[tilespmem:$0x16400] =	vst v63  }
0x141: {  	_ =	swait.ge [sflag:s20], $0x2000  }
0x142: {  	[sflag:s20] =	ssyncset.done $0x0  }
0x143: {  	s8 =	simm.s32 $0x0;
	[sflag:s20] =	ssyncadd.s32 $0xFFFFE000  }
0x144: {  	v0 =	vld [tilespmem:s8+$0xC400]  }
0x145: {  	v2 =	vld [tilespmem:s8+$0xC410]  }
0x146: {  	s10 =	simm.s32 $0x100;
	v1 =	vld [tilespmem:s8+$0xC420]  }
.LBB2_25:
0x147: {  	p0 =	sne.s32 s10, $0x7F00;
	v3 =	vld [tilespmem:s8+$0xC430];
	_ =	sdelay $0x1  }
0x148: {  	v0 =	vmul.f32 $8.000000000e+00, v0  }
.Ltmp11:
0x149: {  	v2 =	vmul.f32 $8.000000000e+00, v2;
	(pc) =	sbr.rel @p0 .LBB2_25-.Ltmp11, $4  }
0x14a: {  	s11 =	sshra.s32 s10, $0x2;
	[tilespmem:s8+$0xC400] =	vst v0;
	v1 =	vmul.f32 $8.000000000e+00, v1  }
0x14b: {  	v0 =	vld [tilespmem:s11+$0xC400];
	[tilespmem:s8+$0xC410] =	vst v2;
	v3 =	vmul.f32 $8.000000000e+00, v3  }
0x14c: {  	v2 =	vld [tilespmem:s11+$0xC410];
	[tilespmem:s8+$0xC420] =	vst v1  }
0x14d: {  	s10 =	sadd.s32 $0x100, s10;
	v1 =	vld [tilespmem:s11+$0xC420];
	[tilespmem:s8+$0xC430] =	vst v3;
	s8 =	smov.u32 s11  }
0x14e: {  	v3 =	vld [tilespmem:s8+$0xC430];
	_ =	sdelay $0x1  }
0x14f: {  	v0 =	vmul.f32 $8.000000000e+00, v0  }
0x150: {  	s10 =	rddreg [dreg:$0x18];
	v2 =	vmul.f32 $8.000000000e+00, v2  }
0x151: {  	s10 =	sadd.s32 s7, s10;
	[tilespmem:s8+$0xC400] =	vst v0;
	v0 =	vmul.f32 $8.000000000e+00, v1  }
0x152: {  	s10 =	sshll.u32 s10, $0x3;
	[tilespmem:s8+$0xC410] =	vst v2;
	v1 =	vmul.f32 $8.000000000e+00, v3  }
0x153: {  	s10 =	sand.u32 $0x1FFFEC00, s10;
	[tilespmem:s8+$0xC420] =	vst v0  }
0x154: {  	s11 =	simm.s32 $0xC400;
	[tilespmem:s8+$0xC430] =	vst v1;
	s8 =	sadd.s32 s2, s10;
	s10 =	simm.s32 $0x0  }
0x155: {  	[hbm4b:s8+s10] =	stream.linear.scatter [tilespmem:s11], [sflag:$0xC], $0x2000, $0x38;
	[tilespmem:$0x16400] =	vst v63  }
0x156: {  	_ =	swait.ge [sflag:s21], $0x2000  }
0x157: {  	[sflag:s21] =	ssyncset.done $0x0  }
0x158: {  	s10 =	sadd.s32 $0x480, s0;
	s11 =	simm.s32 $0x8400;
	[sflag:s21] =	ssyncadd.s32 $0xFFFFE000  }
0x159: {  	[tilespmem:s11], [sflag:$0x2] =	stream.indirect.gather [hbm4b:s5+s1], $0x40, s10, s1, $0xb8;
	[tilespmem:$0x16400] =	vst v63  }
0x15a: {  	_ =	swait.ge [sflag:s22], $0x2000  }
0x15b: {  	[sflag:s22] =	ssyncset.done $0x0  }
0x15c: {  	s8 =	simm.s32 $0x0;
	[sflag:s22] =	ssyncadd.s32 $0xFFFFE000  }
0x15d: {  	v0 =	vld [tilespmem:s8+$0xE400]  }
0x15e: {  	v2 =	vld [tilespmem:s8+$0xE410]  }
0x15f: {  	s10 =	simm.s32 $0x100;
	v1 =	vld [tilespmem:s8+$0xE420]  }
.LBB2_27:
0x160: {  	p0 =	sne.s32 s10, $0x7F00;
	v3 =	vld [tilespmem:s8+$0xE430];
	_ =	sdelay $0x1  }
0x161: {  	v0 =	vmul.f32 $8.000000000e+00, v0  }
.Ltmp12:
0x162: {  	v2 =	vmul.f32 $8.000000000e+00, v2;
	(pc) =	sbr.rel @p0 .LBB2_27-.Ltmp12, $4  }
0x163: {  	s11 =	sshra.s32 s10, $0x2;
	[tilespmem:s8+$0xE400] =	vst v0;
	v1 =	vmul.f32 $8.000000000e+00, v1  }
0x164: {  	v0 =	vld [tilespmem:s11+$0xE400];
	[tilespmem:s8+$0xE410] =	vst v2;
	v3 =	vmul.f32 $8.000000000e+00, v3  }
0x165: {  	v2 =	vld [tilespmem:s11+$0xE410];
	[tilespmem:s8+$0xE420] =	vst v1  }
0x166: {  	s10 =	sadd.s32 $0x100, s10;
	v1 =	vld [tilespmem:s11+$0xE420];
	[tilespmem:s8+$0xE430] =	vst v3;
	s8 =	smov.u32 s11  }
0x167: {  	v3 =	vld [tilespmem:s8+$0xE430];
	_ =	sdelay $0x1  }
0x168: {  	v0 =	vmul.f32 $8.000000000e+00, v0  }
0x169: {  	s10 =	rddreg [dreg:$0x19];
	v2 =	vmul.f32 $8.000000000e+00, v2  }
0x16a: {  	s10 =	sadd.s32 s7, s10;
	[tilespmem:s8+$0xE400] =	vst v0;
	v0 =	vmul.f32 $8.000000000e+00, v1  }
0x16b: {  	s10 =	sshll.u32 s10, $0x3;
	[tilespmem:s8+$0xE410] =	vst v2;
	v1 =	vmul.f32 $8.000000000e+00, v3  }
0x16c: {  	s10 =	sand.u32 $0x1FFFF000, s10;
	[tilespmem:s8+$0xE420] =	vst v0  }
0x16d: {  	s11 =	simm.s32 $0xE400;
	[tilespmem:s8+$0xE430] =	vst v1;
	s8 =	sadd.s32 s2, s10;
	s10 =	simm.s32 $0x0  }
0x16e: {  	[hbm4b:s8+s10] =	stream.linear.scatter [tilespmem:s11], [sflag:$0xD], $0x2000, $0x38;
	[tilespmem:$0x16400] =	vst v63  }
0x16f: {  	_ =	swait.ge [sflag:s23], $0x2000  }
0x170: {  	[sflag:s23] =	ssyncset.done $0x0  }
0x171: {  	s10 =	sadd.s32 $0x500, s0;
	s11 =	simm.s32 $0xA400;
	[sflag:s23] =	ssyncadd.s32 $0xFFFFE000  }
0x172: {  	[tilespmem:s11], [sflag:$0x3] =	stream.indirect.gather [hbm4b:s5+s1], $0x40, s10, s1, $0xb8;
	[tilespmem:$0x16400] =	vst v63  }
0x173: {  	_ =	swait.ge [sflag:s24], $0x2000  }
0x174: {  	[sflag:s24] =	ssyncset.done $0x0  }
0x175: {  	s8 =	simm.s32 $0x0;
	[sflag:s24] =	ssyncadd.s32 $0xFFFFE000  }
0x176: {  	v0 =	vld [tilespmem:s8+$0x10400]  }
0x177: {  	v2 =	vld [tilespmem:s8+$0x10410]  }
0x178: {  	s10 =	simm.s32 $0x100;
	v1 =	vld [tilespmem:s8+$0x10420]  }
.LBB2_29:
0x179: {  	p0 =	sne.s32 s10, $0x7F00;
	v3 =	vld [tilespmem:s8+$0x10430];
	_ =	sdelay $0x1  }
0x17a: {  	v0 =	vmul.f32 $8.000000000e+00, v0  }
.Ltmp13:
0x17b: {  	v2 =	vmul.f32 $8.000000000e+00, v2;
	(pc) =	sbr.rel @p0 .LBB2_29-.Ltmp13, $4  }
0x17c: {  	s11 =	sshra.s32 s10, $0x2;
	[tilespmem:s8+$0x10400] =	vst v0;
	v1 =	vmul.f32 $8.000000000e+00, v1  }
0x17d: {  	v0 =	vld [tilespmem:s11+$0x10400];
	[tilespmem:s8+$0x10410] =	vst v2;
	v3 =	vmul.f32 $8.000000000e+00, v3  }
0x17e: {  	v2 =	vld [tilespmem:s11+$0x10410];
	[tilespmem:s8+$0x10420] =	vst v1  }
0x17f: {  	s10 =	sadd.s32 $0x100, s10;
	v1 =	vld [tilespmem:s11+$0x10420];
	[tilespmem:s8+$0x10430] =	vst v3;
	s8 =	smov.u32 s11  }
0x180: {  	v3 =	vld [tilespmem:s8+$0x10430];
	_ =	sdelay $0x1  }
0x181: {  	v0 =	vmul.f32 $8.000000000e+00, v0  }
0x182: {  	s10 =	rddreg [dreg:$0x1a];
	v2 =	vmul.f32 $8.000000000e+00, v2  }
0x183: {  	s7 =	sadd.s32 s7, s10;
	[tilespmem:s8+$0x10400] =	vst v0;
	v0 =	vmul.f32 $8.000000000e+00, v1  }
0x184: {  	s7 =	sshll.u32 s7, $0x3;
	[tilespmem:s8+$0x10410] =	vst v2;
	v1 =	vmul.f32 $8.000000000e+00, v3  }
0x185: {  	s7 =	sand.u32 $0x1FFFF400, s7;
	[tilespmem:s8+$0x10420] =	vst v0  }
0x186: {  	s11 =	simm.s32 $0x0;
	s7 =	sadd.s32 s2, s7;
	[tilespmem:s8+$0x10430] =	vst v1  }
0x187: {  	[hbm4b:s7+s11] =	stream.linear.scatter [tilespmem:s12], [sflag:$0xE], $0x2000, $0x38;
	[tilespmem:$0x16400] =	vst v63  }
0x188: {  	_ =	swait.ge [sflag:s25], $0x2000  }
0x189: {  	[sflag:s25] =	ssyncset.done $0x0  }
0x18a: {  	s10 =	sadd.s32 $0x580, s0;
	s11 =	simm.s32 $0xC400;
	[sflag:s25] =	ssyncadd.s32 $0xFFFFE000  }
0x18b: {  	[tilespmem:s11], [sflag:$0x4] =	stream.indirect.gather [hbm4b:s5+s1], $0x40, s10, s1, $0xb8;
	[tilespmem:$0x16400] =	vst v63  }
0x18c: {  	_ =	swait.ge [sflag:s6], $0x2000  }
0x18d: {  	[sflag:s6] =	ssyncset.done $0x0  }
0x18e: {  	s7 =	simm.s32 $0x0;
	[sflag:s6] =	ssyncadd.s32 $0xFFFFE000  }
0x18f: {  	v0 =	vld [tilespmem:s7+$0x12400]  }
0x190: {  	v2 =	vld [tilespmem:s7+$0x12410]  }
0x191: {  	s8 =	simm.s32 $0x100;
	v1 =	vld [tilespmem:s7+$0x12420]  }
.LBB2_31:
0x192: {  	p0 =	sne.s32 s8, $0x7F00;
	v3 =	vld [tilespmem:s7+$0x12430];
	_ =	sdelay $0x1  }
0x193: {  	v0 =	vmul.f32 $8.000000000e+00, v0  }
.Ltmp14:
0x194: {  	v2 =	vmul.f32 $8.000000000e+00, v2;
	(pc) =	sbr.rel @p0 .LBB2_31-.Ltmp14, $4  }
0x195: {  	s10 =	sshra.s32 s8, $0x2;
	[tilespmem:s7+$0x12400] =	vst v0;
	v1 =	vmul.f32 $8.000000000e+00, v1  }
0x196: {  	v0 =	vld [tilespmem:s10+$0x12400];
	[tilespmem:s7+$0x12410] =	vst v2;
	v3 =	vmul.f32 $8.000000000e+00, v3  }
0x197: {  	v2 =	vld [tilespmem:s10+$0x12410];
	[tilespmem:s7+$0x12420] =	vst v1  }
0x198: {  	s8 =	sadd.s32 $0x100, s8;
	v1 =	vld [tilespmem:s10+$0x12420];
	[tilespmem:s7+$0x12430] =	vst v3;
	s7 =	smov.u32 s10  }
0x199: {  	v3 =	vld [tilespmem:s7+$0x12430];
	_ =	sdelay $0x1  }
0x19a: {  	v0 =	vmul.f32 $8.000000000e+00, v0  }
0x19b: {  	v2 =	vmul.f32 $8.000000000e+00, v2  }
0x19c: {  	s8 =	sadd.s32 s4, s29;
	[tilespmem:s7+$0x12400] =	vst v0;
	v0 =	vmul.f32 $8.000000000e+00, v1  }
0x19d: {  	s8 =	sshll.u32 s8, $0x3;
	[tilespmem:s7+$0x12410] =	vst v2;
	v1 =	vmul.f32 $8.000000000e+00, v3  }
0x19e: {  	s8 =	sand.u32 $0x1FFFF800, s8;
	[tilespmem:s7+$0x12420] =	vst v0  }
0x19f: {  	s10 =	simm.s32 $0x0;
	s8 =	sadd.s32 s2, s8;
	[tilespmem:s7+$0x12430] =	vst v1  }
0x1a0: {  	[hbm4b:s8+s10] =	stream.linear.scatter [tilespmem:s14], [sflag:$0xF], $0x2000, $0x38;
	[tilespmem:$0x16400] =	vst v63  }
0x1a1: {  	_ =	swait.ge [sflag:s31], $0x2000  }
0x1a2: {  	[sflag:s31] =	ssyncset.done $0x0  }
0x1a3: {  	s11 =	sadd.s32 $0x600, s0;
	s29 =	simm.s32 $0xE400;
	[sflag:s31] =	ssyncadd.s32 $0xFFFFE000  }
0x1a4: {  	[tilespmem:s29], [sflag:$0x5] =	stream.indirect.gather [hbm4b:s5+s1], $0x40, s11, s1, $0xb8;
	[tilespmem:$0x16400] =	vst v63  }
0x1a5: {  	_ =	swait.ge [sflag:s3], $0x2000  }
0x1a6: {  	[sflag:s3] =	ssyncset.done $0x0  }
0x1a7: {  	s7 =	simm.s32 $0x0;
	[sflag:s3] =	ssyncadd.s32 $0xFFFFE000  }
0x1a8: {  	v0 =	vld [tilespmem:s7+$0x14400]  }
0x1a9: {  	v2 =	vld [tilespmem:s7+$0x14410]  }
0x1aa: {  	s8 =	simm.s32 $0x100;
	s11 =	simm.s32 $0x6400;
	v1 =	vld [tilespmem:s7+$0x14420]  }
.LBB2_33:
0x1ab: {  	p0 =	sne.s32 s8, $0x7F00;
	v3 =	vld [tilespmem:s7+$0x14430];
	_ =	sdelay $0x1  }
0x1ac: {  	v0 =	vmul.f32 $8.000000000e+00, v0  }
.Ltmp15:
0x1ad: {  	v2 =	vmul.f32 $8.000000000e+00, v2;
	(pc) =	sbr.rel @p0 .LBB2_33-.Ltmp15, $4  }
0x1ae: {  	s10 =	sshra.s32 s8, $0x2;
	[tilespmem:s7+$0x14400] =	vst v0;
	v1 =	vmul.f32 $8.000000000e+00, v1  }
0x1af: {  	v0 =	vld [tilespmem:s10+$0x14400];
	[tilespmem:s7+$0x14410] =	vst v2;
	v3 =	vmul.f32 $8.000000000e+00, v3  }
0x1b0: {  	v2 =	vld [tilespmem:s10+$0x14410];
	[tilespmem:s7+$0x14420] =	vst v1  }
0x1b1: {  	s8 =	sadd.s32 $0x100, s8;
	v1 =	vld [tilespmem:s10+$0x14420];
	[tilespmem:s7+$0x14430] =	vst v3;
	s7 =	smov.u32 s10  }
0x1b2: {  	v3 =	vld [tilespmem:s7+$0x14430];
	_ =	sdelay $0x1  }
0x1b3: {  	v0 =	vmul.f32 $8.000000000e+00, v0  }
0x1b4: {  	v2 =	vmul.f32 $8.000000000e+00, v2  }
0x1b5: {  	s8 =	sadd.s32 s4, s30;
	[tilespmem:s7+$0x14400] =	vst v0;
	v62 =	vmul.f32 $8.000000000e+00, v1  }
0x1b6: {  	s8 =	sshll.u32 s8, $0x3;
	[tilespmem:s7+$0x14410] =	vst v2;
	v63 =	vmul.f32 $8.000000000e+00, v3  }
0x1b7: {  	s28 =	sadd.s32 $0x1, s28;
	s8 =	sand.u32 $0x1FFFFC00, s8;
	[tilespmem:s7+$0x14420] =	vst v62  }
0x1b8: {  	s10 =	simm.s32 $0x0;
	p0 =	sne.s32 s28, $0x18;
	s30 =	sadd.s32 s2, s8;
	[tilespmem:s7+$0x14430] =	vst v63  }
0x1b9: {  	[hbm4b:s30+s10] =	stream.linear.scatter [tilespmem:s17], [sflag:$0x10], $0x2000, $0x38;
	[tilespmem:$0x16400] =	vst v63  }
.Ltmp16:
0x1ba: {  	_ = 	snop;
	(pc) =	sbr.rel @p0 .LBB2_18-.Ltmp16, $4  }
0x1bb: {  	_ =	swait.ge [sflag:s9], $0x2000  }
0x1bc: {  	[sflag:s9] =	ssyncset.done $0x0  }
0x1bd: {  	s0 =	sadd.s32 $0x680, s0;
	[sflag:s9] =	ssyncadd.s32 $0xFFFFE000  }
0x1be: {  	[tilespmem:s12], [sflag:$0x6] =	stream.indirect.gather [hbm4b:s5+s1], $0x40, s0, s1, $0xb8;
	[tilespmem:$0x16400] =	vst v63  }
0x1bf: {  	_ =	swait.ge [sflag:s13], $0x2000  }
0x1c0: {  	[sflag:s13] =	ssyncset.done $0x0  }
0x1c1: {  	s0 =	simm.s32 $0x0;
	[sflag:s13] =	ssyncadd.s32 $0xFFFFE000  }
0x1c2: {  	v0 =	vld [tilespmem:s0+$0x6400]  }
0x1c3: {  	v2 =	vld [tilespmem:s0+$0x6410]  }
0x1c4: {  	s7 =	simm.s32 $0x100;
	v1 =	vld [tilespmem:s0+$0x6420]  }
.LBB2_36:
0x1c5: {  	p0 =	sne.s32 s7, $0x7F00;
	v3 =	vld [tilespmem:s0+$0x6430];
	_ =	sdelay $0x1  }
0x1c6: {  	v0 =	vmul.f32 $8.000000000e+00, v0  }
.Ltmp17:
0x1c7: {  	v2 =	vmul.f32 $8.000000000e+00, v2;
	(pc) =	sbr.rel @p0 .LBB2_36-.Ltmp17, $4  }
0x1c8: {  	s8 =	sshra.s32 s7, $0x2;
	[tilespmem:s0+$0x6400] =	vst v0;
	v1 =	vmul.f32 $8.000000000e+00, v1  }
0x1c9: {  	v0 =	vld [tilespmem:s8+$0x6400];
	[tilespmem:s0+$0x6410] =	vst v2;
	v3 =	vmul.f32 $8.000000000e+00, v3  }
0x1ca: {  	v2 =	vld [tilespmem:s8+$0x6410];
	[tilespmem:s0+$0x6420] =	vst v1  }
0x1cb: {  	s7 =	sadd.s32 $0x100, s7;
	v1 =	vld [tilespmem:s8+$0x6420];
	[tilespmem:s0+$0x6430] =	vst v3;
	s0 =	smov.u32 s8  }
0x1cc: {  	v3 =	vld [tilespmem:s0+$0x6430];
	_ =	sdelay $0x1  }
0x1cd: {  	v0 =	vmul.f32 $8.000000000e+00, v0  }
0x1ce: {  	v2 =	vmul.f32 $8.000000000e+00, v2  }
0x1cf: {  	[tilespmem:s0+$0x6400] =	vst v0;
	v0 =	vmul.f32 $8.000000000e+00, v1  }
0x1d0: {  	[tilespmem:s0+$0x6410] =	vst v2;
	v1 =	vmul.f32 $8.000000000e+00, v3  }
0x1d1: {  	[tilespmem:s0+$0x6420] =	vst v0  }
0x1d2: {  	s29 =	simm.s32 $0x0;
	s7 =	rddreg [dreg:$0xe];
	[tilespmem:s0+$0x6430] =	vst v1  }
0x1d3: {  	[hbm4b:s7+s29] =	stream.linear.scatter [tilespmem:s11], [sflag:$0x9], $0x2000, $0x38;
	[tilespmem:$0x16400] =	vst v63  }
0x1d4: {  	_ =	swait.ge [sflag:s16], $0x2000  }
0x1d5: {  	[sflag:s16] =	ssyncset.done $0x0  }
0x1d6: {  	s30 =	simm.s32 $0x6300;
	[sflag:s16] =	ssyncadd.s32 $0xFFFFE000  }
0x1d7: {  	[tilespmem:s14], [sflag:$0x7] =	stream.indirect.gather [hbm4b:s5+s1], $0x40, s30, s1, $0xb8;
	[tilespmem:$0x16400] =	vst v63  }
0x1d8: {  	_ =	swait.ge [sflag:s15], $0x2000  }
0x1d9: {  	[sflag:s15] =	ssyncset.done $0x0  }
0x1da: {  	s0 =	simm.s32 $0x0;
	[sflag:s15] =	ssyncadd.s32 $0xFFFFE000  }
0x1db: {  	v0 =	vld [tilespmem:s0+$0x8400]  }
0x1dc: {  	v2 =	vld [tilespmem:s0+$0x8410]  }
0x1dd: {  	s7 =	simm.s32 $0x100;
	v1 =	vld [tilespmem:s0+$0x8420]  }
.LBB2_38:
0x1de: {  	p0 =	sne.s32 s7, $0x7F00;
	v3 =	vld [tilespmem:s0+$0x8430];
	_ =	sdelay $0x1  }
0x1df: {  	v0 =	vmul.f32 $8.000000000e+00, v0  }
.Ltmp18:
0x1e0: {  	v2 =	vmul.f32 $8.000000000e+00, v2;
	(pc) =	sbr.rel @p0 .LBB2_38-.Ltmp18, $4  }
0x1e1: {  	s8 =	sshra.s32 s7, $0x2;
	[tilespmem:s0+$0x8400] =	vst v0;
	v1 =	vmul.f32 $8.000000000e+00, v1  }
0x1e2: {  	v0 =	vld [tilespmem:s8+$0x8400];
	[tilespmem:s0+$0x8410] =	vst v2;
	v3 =	vmul.f32 $8.000000000e+00, v3  }
0x1e3: {  	v2 =	vld [tilespmem:s8+$0x8410];
	[tilespmem:s0+$0x8420] =	vst v1  }
0x1e4: {  	s7 =	sadd.s32 $0x100, s7;
	v1 =	vld [tilespmem:s8+$0x8420];
	[tilespmem:s0+$0x8430] =	vst v3;
	s0 =	smov.u32 s8  }
0x1e5: {  	v3 =	vld [tilespmem:s0+$0x8430];
	_ =	sdelay $0x1  }
0x1e6: {  	v0 =	vmul.f32 $8.000000000e+00, v0  }
0x1e7: {  	v2 =	vmul.f32 $8.000000000e+00, v2  }
0x1e8: {  	[tilespmem:s0+$0x8400] =	vst v0;
	v0 =	vmul.f32 $8.000000000e+00, v1  }
0x1e9: {  	[tilespmem:s0+$0x8410] =	vst v2;
	v1 =	vmul.f32 $8.000000000e+00, v3  }
0x1ea: {  	[tilespmem:s0+$0x8420] =	vst v0  }
0x1eb: {  	s29 =	simm.s32 $0x0;
	s7 =	rddreg [dreg:$0xf];
	s8 =	simm.s32 $0x8400;
	[tilespmem:s0+$0x8430] =	vst v1  }
0x1ec: {  	[hbm4b:s7+s29] =	stream.linear.scatter [tilespmem:s8], [sflag:$0xA], $0x2000, $0x38;
	[tilespmem:$0x16400] =	vst v63  }
0x1ed: {  	_ =	swait.ge [sflag:s26], $0x2000  }
0x1ee: {  	[sflag:s26] =	ssyncset.done $0x0  }
0x1ef: {  	s30 =	simm.s32 $0x6380;
	[sflag:s26] =	ssyncadd.s32 $0xFFFFE000  }
0x1f0: {  	[tilespmem:s17], [sflag:$0x8] =	stream.indirect.gather [hbm4b:s5+s1], $0x40, s30, s1, $0xb8;
	[tilespmem:$0x16400] =	vst v63  }
0x1f1: {  	_ =	swait.ge [sflag:s18], $0x2000  }
0x1f2: {  	[sflag:s18] =	ssyncset.done $0x0  }
0x1f3: {  	s0 =	simm.s32 $0x0;
	[sflag:s18] =	ssyncadd.s32 $0xFFFFE000  }
0x1f4: {  	v0 =	vld [tilespmem:s0+$0xA400]  }
0x1f5: {  	v2 =	vld [tilespmem:s0+$0xA410]  }
0x1f6: {  	s7 =	simm.s32 $0x100;
	v1 =	vld [tilespmem:s0+$0xA420]  }
.LBB2_40:
0x1f7: {  	p0 =	sne.s32 s7, $0x7F00;
	v3 =	vld [tilespmem:s0+$0xA430];
	_ =	sdelay $0x1  }
0x1f8: {  	v0 =	vmul.f32 $8.000000000e+00, v0  }
.Ltmp19:
0x1f9: {  	v2 =	vmul.f32 $8.000000000e+00, v2;
	(pc) =	sbr.rel @p0 .LBB2_40-.Ltmp19, $4  }
0x1fa: {  	s8 =	sshra.s32 s7, $0x2;
	[tilespmem:s0+$0xA400] =	vst v0;
	v1 =	vmul.f32 $8.000000000e+00, v1  }
0x1fb: {  	v0 =	vld [tilespmem:s8+$0xA400];
	[tilespmem:s0+$0xA410] =	vst v2;
	v3 =	vmul.f32 $8.000000000e+00, v3  }
0x1fc: {  	v2 =	vld [tilespmem:s8+$0xA410];
	[tilespmem:s0+$0xA420] =	vst v1  }
0x1fd: {  	s7 =	sadd.s32 $0x100, s7;
	v1 =	vld [tilespmem:s8+$0xA420];
	[tilespmem:s0+$0xA430] =	vst v3;
	s0 =	smov.u32 s8  }
0x1fe: {  	v3 =	vld [tilespmem:s0+$0xA430];
	_ =	sdelay $0x1  }
0x1ff: {  	v0 =	vmul.f32 $8.000000000e+00, v0  }
0x200: {  	v2 =	vmul.f32 $8.000000000e+00, v2  }
0x201: {  	[tilespmem:s0+$0xA400] =	vst v0;
	v0 =	vmul.f32 $8.000000000e+00, v1  }
0x202: {  	[tilespmem:s0+$0xA410] =	vst v2;
	v1 =	vmul.f32 $8.000000000e+00, v3  }
0x203: {  	[tilespmem:s0+$0xA420] =	vst v0  }
0x204: {  	s30 =	simm.s32 $0x0;
	s7 =	rddreg [dreg:$0x10];
	s8 =	simm.s32 $0xA400;
	[tilespmem:s0+$0xA430] =	vst v1  }
0x205: {  	[hbm4b:s7+s30] =	stream.linear.scatter [tilespmem:s8], [sflag:$0xB], $0x2000, $0x38;
	[tilespmem:$0x16400] =	vst v63  }
0x206: {  	_ =	swait.ge [sflag:s19], $0x2000  }
0x207: {  	[sflag:s19] =	ssyncset.done $0x0  }
0x208: {  	[sflag:s19] =	ssyncadd.s32 $0xFFFFE000  }
0x209: {  	_ =	swait.ge [sflag:s20], $0x2000  }
0x20a: {  	[sflag:s20] =	ssyncset.done $0x0  }
0x20b: {  	s0 =	simm.s32 $0x0;
	[sflag:s20] =	ssyncadd.s32 $0xFFFFE000  }
0x20c: {  	v0 =	vld [tilespmem:s0+$0xC400]  }
0x20d: {  	v2 =	vld [tilespmem:s0+$0xC410]  }
0x20e: {  	s7 =	simm.s32 $0x100;
	v1 =	vld [tilespmem:s0+$0xC420]  }
.LBB2_42:
0x20f: {  	p0 =	sne.s32 s7, $0x7F00;
	v3 =	vld [tilespmem:s0+$0xC430];
	_ =	sdelay $0x1  }
0x210: {  	v0 =	vmul.f32 $8.000000000e+00, v0  }
.Ltmp20:
0x211: {  	v2 =	vmul.f32 $8.000000000e+00, v2;
	(pc) =	sbr.rel @p0 .LBB2_42-.Ltmp20, $4  }
0x212: {  	s8 =	sshra.s32 s7, $0x2;
	[tilespmem:s0+$0xC400] =	vst v0;
	v1 =	vmul.f32 $8.000000000e+00, v1  }
0x213: {  	v0 =	vld [tilespmem:s8+$0xC400];
	[tilespmem:s0+$0xC410] =	vst v2;
	v3 =	vmul.f32 $8.000000000e+00, v3  }
0x214: {  	v2 =	vld [tilespmem:s8+$0xC410];
	[tilespmem:s0+$0xC420] =	vst v1  }
0x215: {  	s7 =	sadd.s32 $0x100, s7;
	v1 =	vld [tilespmem:s8+$0xC420];
	[tilespmem:s0+$0xC430] =	vst v3;
	s0 =	smov.u32 s8  }
0x216: {  	v3 =	vld [tilespmem:s0+$0xC430];
	_ =	sdelay $0x1  }
0x217: {  	v0 =	vmul.f32 $8.000000000e+00, v0  }
0x218: {  	v2 =	vmul.f32 $8.000000000e+00, v2  }
0x219: {  	[tilespmem:s0+$0xC400] =	vst v0;
	v0 =	vmul.f32 $8.000000000e+00, v1  }
0x21a: {  	[tilespmem:s0+$0xC410] =	vst v2;
	v1 =	vmul.f32 $8.000000000e+00, v3  }
0x21b: {  	[tilespmem:s0+$0xC420] =	vst v0  }
0x21c: {  	s30 =	simm.s32 $0x0;
	s7 =	rddreg [dreg:$0x11];
	s8 =	simm.s32 $0xC400;
	[tilespmem:s0+$0xC430] =	vst v1  }
0x21d: {  	[hbm4b:s7+s30] =	stream.linear.scatter [tilespmem:s8], [sflag:$0xC], $0x2000, $0x38;
	[tilespmem:$0x16400] =	vst v63  }
0x21e: {  	_ =	swait.ge [sflag:s21], $0x2000  }
0x21f: {  	[sflag:s21] =	ssyncset.done $0x0  }
0x220: {  	[sflag:s21] =	ssyncadd.s32 $0xFFFFE000  }
0x221: {  	_ =	swait.ge [sflag:s22], $0x2000  }
0x222: {  	[sflag:s22] =	ssyncset.done $0x0  }
0x223: {  	s0 =	simm.s32 $0x0;
	[sflag:s22] =	ssyncadd.s32 $0xFFFFE000  }
0x224: {  	v0 =	vld [tilespmem:s0+$0xE400]  }
0x225: {  	v2 =	vld [tilespmem:s0+$0xE410]  }
0x226: {  	s7 =	simm.s32 $0x100;
	v1 =	vld [tilespmem:s0+$0xE420]  }
.LBB2_44:
0x227: {  	p0 =	sne.s32 s7, $0x7F00;
	v3 =	vld [tilespmem:s0+$0xE430];
	_ =	sdelay $0x1  }
0x228: {  	v0 =	vmul.f32 $8.000000000e+00, v0  }
.Ltmp21:
0x229: {  	v2 =	vmul.f32 $8.000000000e+00, v2;
	(pc) =	sbr.rel @p0 .LBB2_44-.Ltmp21, $4  }
0x22a: {  	s8 =	sshra.s32 s7, $0x2;
	[tilespmem:s0+$0xE400] =	vst v0;
	v1 =	vmul.f32 $8.000000000e+00, v1  }
0x22b: {  	v0 =	vld [tilespmem:s8+$0xE400];
	[tilespmem:s0+$0xE410] =	vst v2;
	v3 =	vmul.f32 $8.000000000e+00, v3  }
0x22c: {  	v2 =	vld [tilespmem:s8+$0xE410];
	[tilespmem:s0+$0xE420] =	vst v1  }
0x22d: {  	s7 =	sadd.s32 $0x100, s7;
	v1 =	vld [tilespmem:s8+$0xE420];
	[tilespmem:s0+$0xE430] =	vst v3;
	s0 =	smov.u32 s8  }
0x22e: {  	v3 =	vld [tilespmem:s0+$0xE430];
	_ =	sdelay $0x1  }
0x22f: {  	v0 =	vmul.f32 $8.000000000e+00, v0  }
0x230: {  	v2 =	vmul.f32 $8.000000000e+00, v2  }
0x231: {  	[tilespmem:s0+$0xE400] =	vst v0;
	v0 =	vmul.f32 $8.000000000e+00, v1  }
0x232: {  	[tilespmem:s0+$0xE410] =	vst v2;
	v1 =	vmul.f32 $8.000000000e+00, v3  }
0x233: {  	[tilespmem:s0+$0xE420] =	vst v0  }
0x234: {  	s30 =	simm.s32 $0x0;
	s7 =	rddreg [dreg:$0x12];
	s8 =	simm.s32 $0xE400;
	[tilespmem:s0+$0xE430] =	vst v1  }
0x235: {  	[hbm4b:s7+s30] =	stream.linear.scatter [tilespmem:s8], [sflag:$0xD], $0x2000, $0x38;
	[tilespmem:$0x16400] =	vst v63  }
0x236: {  	_ =	swait.ge [sflag:s23], $0x2000  }
0x237: {  	[sflag:s23] =	ssyncset.done $0x0  }
0x238: {  	[sflag:s23] =	ssyncadd.s32 $0xFFFFE000  }
0x239: {  	_ =	swait.ge [sflag:s24], $0x2000  }
0x23a: {  	[sflag:s24] =	ssyncset.done $0x0  }
0x23b: {  	s0 =	simm.s32 $0x0;
	[sflag:s24] =	ssyncadd.s32 $0xFFFFE000  }
0x23c: {  	v0 =	vld [tilespmem:s0+$0x10400]  }
0x23d: {  	v2 =	vld [tilespmem:s0+$0x10410]  }
0x23e: {  	s7 =	simm.s32 $0x100;
	v1 =	vld [tilespmem:s0+$0x10420]  }
.LBB2_46:
0x23f: {  	p0 =	sne.s32 s7, $0x7F00;
	v3 =	vld [tilespmem:s0+$0x10430];
	_ =	sdelay $0x1  }
0x240: {  	v0 =	vmul.f32 $8.000000000e+00, v0  }
.Ltmp22:
0x241: {  	v2 =	vmul.f32 $8.000000000e+00, v2;
	(pc) =	sbr.rel @p0 .LBB2_46-.Ltmp22, $4  }
0x242: {  	s8 =	sshra.s32 s7, $0x2;
	[tilespmem:s0+$0x10400] =	vst v0;
	v1 =	vmul.f32 $8.000000000e+00, v1  }
0x243: {  	v0 =	vld [tilespmem:s8+$0x10400];
	[tilespmem:s0+$0x10410] =	vst v2;
	v3 =	vmul.f32 $8.000000000e+00, v3  }
0x244: {  	v2 =	vld [tilespmem:s8+$0x10410];
	[tilespmem:s0+$0x10420] =	vst v1  }
0x245: {  	s7 =	sadd.s32 $0x100, s7;
	v1 =	vld [tilespmem:s8+$0x10420];
	[tilespmem:s0+$0x10430] =	vst v3;
	s0 =	smov.u32 s8  }
0x246: {  	v3 =	vld [tilespmem:s0+$0x10430];
	_ =	sdelay $0x1  }
0x247: {  	v0 =	vmul.f32 $8.000000000e+00, v0  }
0x248: {  	v2 =	vmul.f32 $8.000000000e+00, v2  }
0x249: {  	[tilespmem:s0+$0x10400] =	vst v0;
	v0 =	vmul.f32 $8.000000000e+00, v1  }
0x24a: {  	[tilespmem:s0+$0x10410] =	vst v2;
	v1 =	vmul.f32 $8.000000000e+00, v3  }
0x24b: {  	[tilespmem:s0+$0x10420] =	vst v0  }
0x24c: {  	s30 =	simm.s32 $0x0;
	s7 =	rddreg [dreg:$0x13];
	[tilespmem:s0+$0x10430] =	vst v1  }
0x24d: {  	[hbm4b:s7+s30] =	stream.linear.scatter [tilespmem:s12], [sflag:$0xE], $0x2000, $0x38;
	[tilespmem:$0x16400] =	vst v63  }
0x24e: {  	_ =	swait.ge [sflag:s25], $0x2000  }
0x24f: {  	[sflag:s25] =	ssyncset.done $0x0  }
0x250: {  	[sflag:s25] =	ssyncadd.s32 $0xFFFFE000  }
0x251: {  	_ =	swait.ge [sflag:s6], $0x2000  }
0x252: {  	[sflag:s6] =	ssyncset.done $0x0  }
0x253: {  	s0 =	simm.s32 $0x0;
	[sflag:s6] =	ssyncadd.s32 $0xFFFFE000  }
0x254: {  	v0 =	vld [tilespmem:s0+$0x12400]  }
0x255: {  	v2 =	vld [tilespmem:s0+$0x12410]  }
0x256: {  	s7 =	simm.s32 $0x100;
	v1 =	vld [tilespmem:s0+$0x12420]  }
.LBB2_48:
0x257: {  	p0 =	sne.s32 s7, $0x7F00;
	v3 =	vld [tilespmem:s0+$0x12430];
	_ =	sdelay $0x1  }
0x258: {  	v0 =	vmul.f32 $8.000000000e+00, v0  }
.Ltmp23:
0x259: {  	v2 =	vmul.f32 $8.000000000e+00, v2;
	(pc) =	sbr.rel @p0 .LBB2_48-.Ltmp23, $4  }
0x25a: {  	s8 =	sshra.s32 s7, $0x2;
	[tilespmem:s0+$0x12400] =	vst v0;
	v1 =	vmul.f32 $8.000000000e+00, v1  }
0x25b: {  	v0 =	vld [tilespmem:s8+$0x12400];
	[tilespmem:s0+$0x12410] =	vst v2;
	v3 =	vmul.f32 $8.000000000e+00, v3  }
0x25c: {  	v2 =	vld [tilespmem:s8+$0x12410];
	[tilespmem:s0+$0x12420] =	vst v1  }
0x25d: {  	s7 =	sadd.s32 $0x100, s7;
	v1 =	vld [tilespmem:s8+$0x12420];
	[tilespmem:s0+$0x12430] =	vst v3;
	s0 =	smov.u32 s8  }
0x25e: {  	v3 =	vld [tilespmem:s0+$0x12430];
	_ =	sdelay $0x1  }
0x25f: {  	v0 =	vmul.f32 $8.000000000e+00, v0  }
0x260: {  	v2 =	vmul.f32 $8.000000000e+00, v2  }
0x261: {  	[tilespmem:s0+$0x12400] =	vst v0;
	v0 =	vmul.f32 $8.000000000e+00, v1  }
0x262: {  	[tilespmem:s0+$0x12410] =	vst v2;
	v1 =	vmul.f32 $8.000000000e+00, v3  }
0x263: {  	[tilespmem:s0+$0x12420] =	vst v0  }
0x264: {  	s30 =	simm.s32 $0x0;
	s7 =	rddreg [dreg:$0x14];
	[tilespmem:s0+$0x12430] =	vst v1  }
0x265: {  	[hbm4b:s7+s30] =	stream.linear.scatter [tilespmem:s14], [sflag:$0xF], $0x2000, $0x38;
	[tilespmem:$0x16400] =	vst v63  }
0x266: {  	_ =	swait.ge [sflag:s31], $0x2000  }
0x267: {  	[sflag:s31] =	ssyncset.done $0x0  }
0x268: {  	[sflag:s31] =	ssyncadd.s32 $0xFFFFE000  }
0x269: {  	_ =	swait.ge [sflag:s3], $0x2000  }
0x26a: {  	[sflag:s3] =	ssyncset.done $0x0  }
0x26b: {  	s0 =	simm.s32 $0x0;
	[sflag:s3] =	ssyncadd.s32 $0xFFFFE000  }
0x26c: {  	v0 =	vld [tilespmem:s0+$0x14400]  }
0x26d: {  	v2 =	vld [tilespmem:s0+$0x14410]  }
0x26e: {  	s7 =	simm.s32 $0x100;
	v1 =	vld [tilespmem:s0+$0x14420]  }
.LBB2_50:
0x26f: {  	p0 =	sne.s32 s7, $0x7F00;
	v3 =	vld [tilespmem:s0+$0x14430];
	_ =	sdelay $0x1  }
0x270: {  	v0 =	vmul.f32 $8.000000000e+00, v0  }
.Ltmp24:
0x271: {  	v2 =	vmul.f32 $8.000000000e+00, v2;
	(pc) =	sbr.rel @p0 .LBB2_50-.Ltmp24, $4  }
0x272: {  	s8 =	sshra.s32 s7, $0x2;
	[tilespmem:s0+$0x14400] =	vst v0;
	v1 =	vmul.f32 $8.000000000e+00, v1  }
0x273: {  	v0 =	vld [tilespmem:s8+$0x14400];
	[tilespmem:s0+$0x14410] =	vst v2;
	v3 =	vmul.f32 $8.000000000e+00, v3  }
0x274: {  	v2 =	vld [tilespmem:s8+$0x14410];
	[tilespmem:s0+$0x14420] =	vst v1  }
0x275: {  	s7 =	sadd.s32 $0x100, s7;
	v1 =	vld [tilespmem:s8+$0x14420];
	[tilespmem:s0+$0x14430] =	vst v3;
	s0 =	smov.u32 s8  }
0x276: {  	v3 =	vld [tilespmem:s0+$0x14430];
	_ =	sdelay $0x1  }
0x277: {  	v0 =	vmul.f32 $8.000000000e+00, v0  }
0x278: {  	v2 =	vmul.f32 $8.000000000e+00, v2  }
0x279: {  	[tilespmem:s0+$0x14400] =	vst v0;
	v62 =	vmul.f32 $8.000000000e+00, v1  }
0x27a: {  	[tilespmem:s0+$0x14410] =	vst v2;
	v63 =	vmul.f32 $8.000000000e+00, v3  }
0x27b: {  	[tilespmem:s0+$0x14420] =	vst v62  }
0x27c: {  	s29 =	rddreg [dreg:$0x15];
	[tilespmem:s0+$0x14430] =	vst v63  }
0x27d: {  	[hbm4b:s29+s10] =	stream.linear.scatter [tilespmem:s17], [sflag:$0x10], $0x2000, $0x38;
	[tilespmem:$0x16400] =	vst v63  }
0x27e: {  	_ =	swait.ge [sflag:s9], $0x2000  }
0x27f: {  	[sflag:s9] =	ssyncset.done $0x0  }
0x280: {  	[sflag:s9] =	ssyncadd.s32 $0xFFFFE000  }
0x281: {  	_ =	swait.ge [sflag:s16], $0x2000  }
0x282: {  	[sflag:s16] =	ssyncset.done $0x0  }
0x283: {  	[sflag:s16] =	ssyncadd.s32 $0xFFFFE000  }
0x284: {  	_ =	swait.ge [sflag:s26], $0x2000  }
0x285: {  	s7 =	rddreg [dreg:$0x1b]  }
0x286: {  	s30 =	rddreg [dreg:$0x16];
	s7 =	sadd.s32 $0x1, s7  }
0x287: {  	p0 =	sne.s32 s7, s30  }
.Ltmp25:
0x288: {  	_ = 	snop;
	(pc) =	sbr.rel @p0 .LBB2_1-.Ltmp25, $3  }
0x289: {  	_ =	sdelay $0x1  }
0x28a: {  	[sflag:s26] =	ssyncset.done $0x0  }
0x28b: {  	[sflag:s26] =	ssyncadd.s32 $0xFFFFE000  }
0x28c: {  	_ =	sfence.sel $0x180000  }
0x28d: {  	[bflag:$0x0] =	sbarrier.arrive $0xFFFF  }
0x28e: {  	_ =	strace $0x90000047  }
0x28f: {  	s0 =	stileid.u32;
	[bflag:$0x2] =	sbarrier.arrive $0xFFFF  }
0x290: {  	p0 =	sne.s32 s0, $0x0;
	s0 =	rddreg [dreg:$0x2]  }
0x291: {  	s0 =	sadd.s32 @!p0 $0x100000, s0  }
0x292: {  	[sflag:s0] =	ssyncadd.tile.s32 @!p0 $0x1;
	_ =	shalt  }
.Lfunc_end2:
_tile_overlayer_lowered:
.L_overlay_start_2:
0x293: {  	(tag) =	ssettag $0x2  }
0x294: {  	s0 =	rddreg [dreg:$0x0];
	s2 =	stileid.u32  }
0x295: {  	s1 =	rddreg [dreg:$0x1];
	p0 =	sne.s32 s2, $0x0  }
0x296: {  	s3 =	rddreg [dreg:$0x2];
	[bflag:$0x3] =	sbarrier.arrive $0xFFFF;
	s2 =	simm.s32 @!p0 $0x1C11  }
0x297: {  	[timem:s3], [sflag:s2] =	dma.local @!p0 [hbm:s0], s1  }
0x298: {  	s0 =	simm.s32 @!p0 $0x11  }
0x299: {  	_ =	swait.ge @!p0 [sflag:s0], s1  }
0x29a: {  	s1 =	ssub.s32 @!p0 $0x0, s1;
	[sflag:s0] =	ssyncset.done @!p0 $0x0  }
0x29b: {  	[sflag:s0] =	ssyncadd.s32 @!p0 s1  }
0x29c: {  	[bflag:$0x3] =	sbarrier.arrive $0xFFFF  }
0x29d: {  	_ =	shalt  }

// kernel: sparse-core-data-format-call.cloned.1.call-start
scs
called_computation_lowered:
.L_overlay_start_0:
0x0: {  	s2 =	sld [smem:$0x3FD9]  }
0x1: {  	s3 =	sld [smem:$0x3FFE];
	_ =	sdelay $0x1  }
0x2: {  	s1 =	srdreg.scid  }
0x3: {  	s0 =	sand.u32 $0x1, s1  }
0x4: {  	s18 =	sshll.u32 s0, $0xA;
	s2 =	sadd.s32 s3, s2  }
0x5: {  	s2 =	sadd.s32 s2, s18  }
0x6: {  	[smem:$0x3FC6] =	sst s2  }
0x7: {  	_ = 	snop  }
0x8: {  	s2 =	sld [smem:$0x3FD0];
	(tm) =	ssettm $0x1  }
0x9: {  	s19 =	sld [smem:$0x3FFB];
	_ =	sdelay $0x3  }
0xa: {  	_ =	strace s19  }
0xb: {  	s3 =	sld [smem:$0x3FFC];
	_ =	sdelay $0x3  }
0xc: {  	_ =	strace s3  }
0xd: {  	s3 =	sld [smem:$0x3FFD];
	_ =	sdelay $0x3  }
0xe: {  	_ =	strace s3  }
0xf: {  	_ =	strace $0x8FFFFFFF  }
0x10: {  	s20 =	sld [smem:$0x3FDB];
	_ =	sdelay $0x1  }
0x11: {  	s4 =	simm.s32 $_scs_section_size  }
0x12: {  	s5 =	simm.s32 $_size__tile_overlayer_lowered;
	s6 =	simm.s32 $_tile_overlayer_lowered  }
0x13: {  	s23 =	simm.s32 $0x1BFF;
	s22 =	sshll.u32 s6, $0x1;
	s3 =	sadd.s32 s4, s20  }
0x14: {  	s7 =	simm.s32 $0x0;
	s21 =	sshll.u32 s5, $0x1;
	s5 =	sadd.s32 s22, s3  }
0x15: {  	[timem:s7], [sflag:s23] =	dma.local [hbm:s5], s21  }
0x16: {  	_ =	swait.ge [sflag:s23], s21  }
0x17: {  	s4 =	ssub.s32 $0x0, s21;
	[sflag:s23] =	ssyncset.done $0x0  }
0x18: {  	[sflag:s23] =	ssyncadd.s32 s4;
	_ =	sdelay $0x1  }
0x19: {  	s24 =	simm.s32 $0x1B8B  }
0x1a: {  	_ =	swait.ge [sflag:s24], $0x1  }
0x1b: {  	[sflag:s24] =	ssyncset.done $0x0  }
0x1c: {  	s26 =	simm.s32 $0x1B8E;
	s25 =	sld [smem:$0x3FFE];
	[sflag:s24] =	ssyncadd.s32 $0xFFFFFFFF  }
0x1d: {  	s27 =	simm.s32 $execute0_lowered;
	[smem:$0x3FD2] =	sst s26  }
0x1e: {  	s5 =	sshll.u32 s27, $0x1;
	_ =	strace $0x80000049;
	[dreg:$0x1] =	wrdreg $0xFFFFFFFF  }
0x1f: {  	s28 =	simm.s32 $_size_execute0_lowered;
	s3 =	sadd.s32 s3, s5;
	[dreg:$0x0] =	wrdreg $0x0  }
0x20: {  	s5 =	sshll.u32 s28, $0x1;
	[dreg:$0x2] =	wrdreg s3  }
0x21: {  	[dreg:$0x3] =	wrdreg s5  }
0x22: {  	[dreg:$0x4] =	wrdreg $0xC0  }
0x23: {  	_ =	task [dreg:s7], $0x5FFFF  }
0x24: {  	[dreg:$0x1] =	wrdreg $0xFFFFFFFF  }
0x25: {  	[dreg:$0x0] =	wrdreg $0x60  }
0x26: {  	[dreg:$0x2] =	wrdreg s25  }
0x27: {  	[dreg:$0x3] =	wrdreg s2  }
0x28: {  	[dreg:$0x4] =	wrdreg $0x9  }
0x29: {  	_ =	task.clear_ibuf [dreg:s7], $0x5FFFF;
	_ =	strace $0x90000049  }
0x2a: {  	s29 =	simm.s32 $0x9;
	_ =	strace $0x8000004B  }
0x2b: {  	_ =	swait.ge [sflag:s29], $0x1  }
0x2c: {  	[sflag:s29] =	ssyncadd.s32 $0xFFFFFFFF  }
0x2d: {  	_ =	strace $0x9000004B  }
0x2e: {  	_ =	sfence  }
0x2f: {  	s30 =	sld [smem:$0x0];
	_ =	sdelay $0x2  }
0x30: {  	s31 =	sshll.u32 s1, $0xD;
	s1 =	sshrl.u32 s1, $0x2  }
0x31: {  	s3 =	sand.u32 $0x4000, s31;
	s1 =	sadd.s32 s1, s30  }
0x32: {  	s0 =	sor.u32 s3, s0;
	s1 =	sshll.u32 s1, $0x11  }
0x33: {  	s0 =	sor.u32 s1, s0  }
0x34: {  	s0 =	sadd.s32 $0x8F2B, s0  }
0x35: {  	[sflag:s0] =	ssyncadd.remote.s32 $0x1  }
0x36: {  	_ =	sfence.sel $0xFFFF  }
0x37: {  	[dreg:$0x0] =	wrdreg $0xFFFFFFFF;
	(pc) =	sbr.abs _section_cstart, $3  }
0x38: {  	[dreg:$0x1] =	wrdreg $0xFFFFFFFF  }
0x39: {  	_ =	task.clear_ibuf [dreg:s7], $0x2FFFF;
	_ =	strace $0x9FFFFFFF  }
0x3a: {  	(tm) =	ssettm $0x7FFFFFFF  }
0x3b: {  	_ =	shalt  }
tec
execute0_lowered:
.L_overlay_start_1:
0x0: {  	(tag) =	ssettag $0x1  }
0x1: {  	s0 =	srdreg.scid  }
0x2: {  	s1 =	sshll.u32 s0, $0x4  }
0x3: {  	s0 =	stileid.u32;
	s1 =	sand.u32 $0x10, s1  }
0x4: {  	s1 =	sor.u32 s0, s1  }
0x5: {  	s6 =	rddreg [dreg:$0x0];
	s4 =	simm.s32 $0x1;
	s2 =	sshll.u32 s1, $0x7  }
0x6: {  	s7 =	simm.s32 $0x2;
	s12 =	simm.s32 $0x0;
	s1 =	ssub.s32 $0x1000, s2  }
0x7: {  	s8 =	simm.s32 $0x8000;
	s13 =	simm.s32 $0x0;
	s3 =	sand.u32 $0xF80, s1  }
0x8: {  	s9 =	simm.s32 $0x0;
	s5 =	sshrl.u32 s1, $0xC;
	p0 =	sne.s32 s3, $0x0  }
.Ltmp0:
0x9: {  	s1 =	rddreg [dreg:$0x2];
	s4 =	simm.s32 @!p0 $0x0;
	(pc) =	sbr.rel .LBB1_1-.Ltmp0, $4  }
0xa: {  	s11 =	simm.s32 $0x0;
	s3 =	rddreg [dreg:$0x1];
	s5 =	sadd.s32 s4, s5  }
0xb: {  	_ =	strace $0x8000004A;
	s4 =	simm.s32 $0x1;
	s5 =	smul.u32 $0xC8, s5  }
0xc: {  	s6 =	sadd.s32 $0xA00, s6;
	s10 =	smov.u32 s2;
	[sflag:s4] =	ssyncpa.u1 $0x0  }
0xd: {  	p0 =	por $0x0, $0x0;
	[sflag:s7] =	ssyncpa.u1 $0x0;
	s7 =	sor.u32 $0x1, s5  }
.LBB1_4:
0xe: {  	s16 =	sshll.u32 s13, $0x3;
	s17 =	sand.u32 $0x78, s13  }
0xf: {  	s30 =	sand.u32 $0x7E00, s13;
	s12 =	sshll.u32 s12, $0xF;
	s16 =	sand.u32 $0xC00, s16  }
0x10: {  	[tilespmem:s15+$0x810 ss:$0x81] =	vst.msk $0xffff, v2;
	s31 =	sand.u32 $0x7, s13;
	s16 =	sor.u32 s17, s16;
	s17 =	sadd.s32 s3, s30  }
0x11: {  	[tilespmem:s15+$0x1020 ss:$0x81] =	vst.msk $0xffff, v0;
	s13 =	sshll.u32 s31, $0x12;
	s12 =	sadd.s32 s12, s17;
	s16 =	sshrl.u32 s16, $0x3  }
0x12: {  	[tilespmem:s15+$0x0 ss:$0x81] =	vst.msk $0xffff, v1;
	s13 =	sor.u32 $0x400, s13;
	s12 =	sadd.s32 s16, s12  }
0x13: {  	[hbm4b:s12+s13] =	stream.strided.scatter [tilespmem:s14], [sflag:$0x2], $0x2000, s8, s13, $0x20;
	[tilespmem:$0x8080] =	vst v63  }
.LBB1_5:
0x14: {  	s14 =	sadd.s32 $0x1, s9  }
0x15: {  	s12 =	sadd.s32 $0x1000, s10;
	s16 =	smov.u32 s10;
	p2 =	sgt.s32 s14, $0xC7  }
0x16: {  	s16 =	smov.u32 @p2 s12  }
0x17: {  	s14 =	simm.s32 @p2 $0x0;
	p2 =	sgt.s32 s16, $0xFFF  }
0x18: {  	s16 =	smov.u32 @p2 s2;
	p2 =	sne.s32 s11, s7  }
.Ltmp1:
0x19: {  	p1 =	slt.u32 s11, $0x2;
	(pc) =	sbr.rel @!p2 .LBB1_6-.Ltmp1, $4  }
0x1a: {  	s15 =	simm.s32 @!p1 $0x2  }
0x1b: {  	s13 =	smov.u32 s10;
	p0 =	por !p0, !p0;
	_ =	swait.ge @!p1 [sflag:s15], $0x2000  }
0x1c: {  	s12 =	smov.u32 s9;
	[sflag:s15] =	ssyncset.done @!p1 $0x0;
	s9 =	smov.u32 s14  }
0x1d: {  	s11 =	sadd.s32 $0x1, s11;
	[sflag:s15] =	ssyncadd.s32 @!p1 $0xFFFFE000;
	s10 =	smov.u32 s16  }
.LBB1_1:
0x1e: {  	p1 =	sge.u32 s11, s5  }
0x1f: {  	s14 =	sand.u32 @!p1 $0x1FFFFFF, s9  }
0x20: {  	s15 =	smulhi.u32 @!p1 $0x147AE15, s14;
	_ =	sdelay $0x1  }
0x21: {  	s15 =	smul.u32 @!p1 $0xC8, s15  }
0x22: {  	s16 =	sxor.u32 @!p1 $0xFFFFFFFF, s11;
	s17 =	smul.u32 @!p1 $0xC80, s10  }
0x23: {  	s31 =	sadd.s32 $0xFFFFFFFF, s11;
	s16 =	sshll.u32 @!p1 s16, $0xD;
	s14 =	ssub.s32 @!p1 s14, s15  }
0x24: {  	s15 =	sand.u32 @!p1 $0x2000, s16;
	s16 =	sadd.s32 @!p1 s6, s17;
	s14 =	sshll.u32 @!p1 s14, $0x4  }
0x25: {  	s17 =	simm.s32 @!p1 $0x6400;
	s14 =	sadd.s32 @!p1 s14, s16;
	s16 =	simm.s32 @!p1 $0x40  }
0x26: {  	[tilespmem:s15], [sflag:$0x1] =	stream.strided.gather @!p1 [hbm4b:s14+s16], $0x2000, s17, s16, $0x38;
	[tilespmem:$0x8080] =	vst v63  }
0x27: {  	p1 =	sge.u32 s31, s5  }
.Ltmp2:
0x28: {  	_ = 	snop;
	(pc) =	sbr.rel @p1 .LBB1_5-.Ltmp2, $1  }
0x29: {  	_ =	sdelay $0x3  }
0x2a: {  	s14 =	simm.s32 $0x1  }
0x2b: {  	_ =	swait.ge [sflag:s4], $0x2000;
	s14 =	simm.s32 @!p0 $0x0  }
0x2c: {  	[sflag:s4] =	ssyncset.done $0x0;
	s15 =	sshll.u32 s14, $0xD  }
0x2d: {  	[sflag:s4] =	ssyncadd.s32 $0xFFFFE000;
	s18 =	sor.u32 $0x20, s15  }
0x2e: {  	s14 =	smul.u32 $0x8100, s14;
	v3 =	vld [tilespmem:s18+$0x10]  }
0x2f: {  	s30 =	sand.u32 $0x1, s11;
	v2 =	vld [tilespmem:s18+$0xFFFFFFF0]  }
0x30: {  	s15 =	smul.u32 $0x8100, s30;
	s14 =	sshrl.u32 s14, $0x2;
	v0 =	vld [tilespmem:s18+$0x0]  }
0x31: {  	v1 =	vld [tilespmem:s18+$0xFFFFFFE0];
	s16 =	sor.u32 $0x4000, s14  }
0x32: {  	s31 =	sshrl.u32 s15, $0x2;
	s15 =	sadd.s32 $0x0, s16  }
0x33: {  	s17 =	simm.s32 $0x4;
	s18 =	sadd.s32 $0x40, s18;
	s14 =	sor.u32 $0x4000, s31;
	[tilespmem:s15+$0x1830 ss:$0x81] =	vst.msk $0xffff, v3  }
.LBB1_3:
0x34: {  	v3 =	vld [tilespmem:s18+$0x10];
	p1 =	sne.s32 s17, $0x1FC;
	[tilespmem:s15+$0x810 ss:$0x81] =	vst.msk $0xffff, v2;
	s19 =	smov.u32 s17;
	s17 =	sadd.s32 $0x4, s17  }
.Ltmp3:
0x35: {  	v2 =	vld [tilespmem:s18+$0xFFFFFFF0];
	[tilespmem:s15+$0x1020 ss:$0x81] =	vst.msk $0xffff, v0;
	(pc) =	sbr.rel @p1 .LBB1_3-.Ltmp3, $4  }
0x36: {  	v0 =	vld [tilespmem:s18+$0x0];
	[tilespmem:s15+$0x0 ss:$0x81] =	vst.msk $0xffff, v1  }
0x37: {  	s15 =	sshra.s32 s19, $0x2;
	v1 =	vld [tilespmem:s18+$0xFFFFFFE0]  }
0x38: {  	s15 =	sadd.s32 s15, s16  }
0x39: {  	s18 =	sadd.s32 $0x40, s18;
	[tilespmem:s15+$0x1830 ss:$0x81] =	vst.msk $0xffff, v3  }
.Ltmp4:
0x3a: {  	_ = 	snop;
	(pc) =	sbr.rel .LBB1_4-.Ltmp4, $1  }
0x3b: {  	_ =	sdelay $0x3  }
.LBB1_6:
0x3c: {  	_ =	sfence.sel $0x180000  }
0x3d: {  	s2 =	simm.s32 $0x1;
	[bflag:$0x0] =	sbarrier.arrive $0xFFFF  }
0x3e: {  	s31 =	simm.s32 $0x2;
	[sflag:s2] =	ssyncpa.u1 $0x1  }
0x3f: {  	[sflag:s31] =	ssyncpa.u1 $0x1  }
0x40: {  	p0 =	sne.s32 s0, $0x0;
	_ =	strace $0x9000004A  }
0x41: {  	s0 =	sadd.s32 @!p0 $0x100000, s1;
	[bflag:$0x2] =	sbarrier.arrive $0xFFFF  }
0x42: {  	[sflag:s0] =	ssyncadd.tile.s32 @!p0 $0x1;
	_ =	shalt  }
.Lfunc_end1:
_tile_overlayer_lowered:
.L_overlay_start_2:
0x43: {  	(tag) =	ssettag $0x2  }
0x44: {  	s0 =	rddreg [dreg:$0x0];
	s2 =	stileid.u32  }
0x45: {  	s1 =	rddreg [dreg:$0x1];
	p0 =	sne.s32 s2, $0x0  }
0x46: {  	s3 =	rddreg [dreg:$0x2];
	[bflag:$0x3] =	sbarrier.arrive $0xFFFF;
	s2 =	simm.s32 @!p0 $0x1C01  }
0x47: {  	[timem:s3], [sflag:s2] =	dma.local @!p0 [hbm:s0], s1  }
0x48: {  	s0 =	simm.s32 @!p0 $0x1  }
0x49: {  	_ =	swait.ge @!p0 [sflag:s0], s1  }
0x4a: {  	s1 =	ssub.s32 @!p0 $0x0, s1;
	[sflag:s0] =	ssyncset.done @!p0 $0x0  }
0x4b: {  	[sflag:s0] =	ssyncadd.s32 @!p0 s1  }
0x4c: {  	[bflag:$0x3] =	sbarrier.arrive $0xFFFF  }
0x4d: {  	_ =	shalt  }

</sc_bundles>
